<compile_context>
chip_gen: v7x
topology: tpu7x:2x2x1
jax: 0.10.2.dev20260603
libtpu: 0.0.44.dev20260713+nightly
codegen_flags: <defaults>
</compile_context>

<pallas_src>
import functools
import jax
import jax.numpy as jnp
from jax import lax
from jax.experimental import pallas as pl
from jax.experimental.pallas import tpu as pltpu
from jax.experimental.pallas import tpu_sc as plsc

_NUM_RANKS = 512
_MAX_TOKENS = 77
_DIM = 768
_C = 16
_K = 4
_NW = 32
_RB = _NUM_RANKS // _NW
_CTX_REP = 16
_NRING = 3


def _sc_body(cbc_hbm, rankt_hbm, sentt_hbm, out_hbm, bufs, bbuf,
             rsems, wsems, csem, cwsem):
    nc = 2
    wid = lax.axis_index("s") * nc + lax.axis_index("c")
    ctx_row = wid % _C
    half = wid // _C
    rb = pl.ds(wid * _RB, _RB)

    cread = pltpu.make_async_copy(cbc_hbm.at[ctx_row], bbuf, csem)
    cread.start()

    chunks = [(0, 1), (1 + _C, 2), (3 + _C, 2)]
    chunks += [(t, min(3, _MAX_TOKENS - t))
               for t in range(1 + _C + _K, _MAX_TOKENS, 3)]

    def src(t, m):
        if t == 0:
            return sentt_hbm.at[pl.ds(0, m), rb]
        if t < 1 + _C + _K:
            return rankt_hbm.at[pl.ds(t - 1 - _C, m), rb]
        return sentt_hbm.at[pl.ds(t, m), rb]

    def read(n):
        t, m = chunks[n]
        return pltpu.make_async_copy(
            src(t, m), bufs.at[n % _NRING, pl.ds(0, m)],
            rsems.at[n % _NRING])

    def write(n):
        t, m = chunks[n]
        return pltpu.make_async_copy(
            bufs.at[n % _NRING, pl.ds(0, m)],
            out_hbm.at[pl.ds(t, m), rb],
            wsems.at[n % _NRING])

    cread.wait()
    n_fan = _NUM_RANKS // 2 // _CTX_REP
    cwrites = [
        pltpu.make_async_copy(
            bbuf,
            out_hbm.at[1 + ctx_row,
                       pl.ds(half * (_NUM_RANKS // 2) + k * _CTX_REP,
                             _CTX_REP)],
            cwsem)
        for k in range(n_fan)
    ]
    for cw in cwrites:
        cw.start()

    n_rows = len(chunks)
    for n in range(n_rows):
        if n >= _NRING:
            write(n - _NRING).wait()
        read(n).start()
        if n >= 1:
            read(n - 1).wait()
            write(n - 1).start()
    read(n_rows - 1).wait()
    write(n_rows - 1).start()
    for n in range(n_rows - _NRING, n_rows):
        write(n).wait()
    for cw in cwrites:
        cw.wait()


def kernel(context_embeds, rank_embeds, sentence_embeds):
    dt = sentence_embeds.dtype
    sent_t = jnp.transpose(sentence_embeds, (1, 0, 2))
    rank_t = jnp.transpose(rank_embeds, (1, 0, 2))
    cbc = jnp.broadcast_to(
        context_embeds[:, None, :], (_C, _CTX_REP, _DIM))
    mesh = plsc.VectorSubcoreMesh(core_axis_name="c", subcore_axis_name="s")
    k = functools.partial(
        pl.kernel,
        mesh=mesh,
        out_type=jax.ShapeDtypeStruct((_MAX_TOKENS, _NUM_RANKS, _DIM), dt),
        scratch_types=[
            pltpu.VMEM((_NRING, 3, _RB, _DIM), dt),
            pltpu.VMEM((_CTX_REP, _DIM), dt),
            pltpu.SemaphoreType.DMA((_NRING,)),
            pltpu.SemaphoreType.DMA((_NRING,)),
            pltpu.SemaphoreType.DMA,
            pltpu.SemaphoreType.DMA,
        ],
    )(_sc_body)
    out_t = k(cbc, rank_t, sent_t)
    return jnp.transpose(out_t, (1, 0, 2))

# --- scband reference (transcript-rebuilt; emitter-appended) ---
"""Pipeline reference for scband-plain-prompt-learner-54202487275942 (READ-ONLY COPY).

The authoritative reference and input builder live on the scoring server;
editing this copy changes nothing except your own understanding.
"""

import jax, jax.numpy as jnp
import numpy as np

NUM_RANKS = 512
NUM_CONTEXT_TOKENS = 16
NUM_TOKENS_PER_RANK = 4
EMBED_DIM = 768
CLIP_MAX_NUM_TOKENS = 77


def setup_inputs(seed: int = 0) -> dict:
    key = jax.random.key(seed)
    k1, k2, k3 = jax.random.split(key, 3)
    # learned shared context embeddings (rank_specific_context=False -> 2D)
    context_embeds = jax.random.normal(k1, (NUM_CONTEXT_TOKENS, EMBED_DIM), dtype=jnp.float32) * 0.02
    # learned rank token embeddings
    rank_embeds = jax.random.normal(k2, (NUM_RANKS, NUM_TOKENS_PER_RANK, EMBED_DIM), dtype=jnp.float32) * 0.02
    # sentence template buffer built from CLIP token embedding (sot/eot/full-stop/null rows);
    # modeled here as a precomputed float buffer
    sentence_embeds = jax.random.normal(k3, (NUM_RANKS, CLIP_MAX_NUM_TOKENS, EMBED_DIM), dtype=jnp.float32) * 0.02
    return {
        "context_embeds": context_embeds,
        "rank_embeds": rank_embeds,
        "sentence_embeds": sentence_embeds,
    }


def reference(context_embeds, rank_embeds, sentence_embeds):
    # PlainPromptLearner.forward with rank_tokens_position='tail' and a uniform
    # num_tokens_per_rank. context_embeds is 2D -> expand over ranks.
    num_ranks = rank_embeds.shape[0]
    if context_embeds.ndim == 2:
        ce = jnp.broadcast_to(
            context_embeds[None], (num_ranks,) + context_embeds.shape
        )
    else:
        ce = context_embeds
    # tail: sentence[i, 1:1+ctx+rank] = cat([context_i, rank_i])
    body = jnp.concatenate([ce, rank_embeds], axis=1)  # [R, ctx+rank, D]
    pure_sentence_length = body.shape[1]
    out = sentence_embeds.at[:, 1 : 1 + pure_sentence_length, :].set(body)
    return out

if __name__ == "__main__":
    import jax
    _d = setup_inputs()
    print(jax.jit(kernel)(*tuple(_d.values())))

</pallas_src>

<mosaic_0001>
#map = affine_map<(d0, d1) -> (0, 0, 0)>
module attributes {stable_mosaic.version = 14 : i64} {
  func.func @_sc_body(%arg0: i32, %arg1: i32, %arg2: memref<16x16x768xf32, #tpu.memory_space<hbm>>, %arg3: memref<4x512x768xf32, #tpu.memory_space<hbm>>, %arg4: memref<77x512x768xf32, #tpu.memory_space<hbm>>, %arg5: memref<77x512x768xf32, #tpu.memory_space<hbm>>, %arg6: memref<3x3x16x768xf32, #tpu.memory_space<vmem>>, %arg7: memref<16x768xf32, #tpu.memory_space<vmem>>, %arg8: memref<3x!tpu.dma_semaphore, #tpu.memory_space<semaphore_mem>>, %arg9: memref<3x!tpu.dma_semaphore, #tpu.memory_space<semaphore_mem>>, %arg10: memref<!tpu.dma_semaphore, #tpu.memory_space<semaphore_mem>>, %arg11: memref<!tpu.dma_semaphore, #tpu.memory_space<semaphore_mem>>) attributes {dimension_semantics = [#tpu.dimension_semantics<core_parallel>, #tpu.dimension_semantics<subcore_parallel>], iteration_bounds = array<i64: 2, 16>, scalar_prefetch = 0 : i64, scratch_operands = 6 : i64, tpu.core_type = #tpu.core_type<sc_vector_subcore>, window_params = [{transform_indices = #map}, {transform_indices = #map}, {transform_indices = #map}, {transform_indices = #map}]} {
    %mul3A = arith.constant 2 : i32
    %mul3A_0 = arith.muli %arg1, %mul3A : i32
    %add3A = arith.addi %mul3A_0, %arg0 : i32
    %jit3A = arith.constant 16 : i32
    %eq3A = arith.constant 0 : i32
    %eq3A_1 = arith.cmpi eq, %jit3A, %eq3A : i32
    %jit3A_2 = arith.constant 1 : i32
    %select_n3A = arith.select %eq3A_1, %jit3A_2, %jit3A : i32
    %rem3A = arith.remsi %add3A, %select_n3A : i32
    %ne3A = arith.constant 0 : i32
    %ne3A_3 = arith.cmpi ne, %rem3A, %ne3A : i32
    %lt3A = arith.constant 0 : i32
    %lt3A_4 = arith.cmpi slt, %rem3A, %lt3A : i32
    %lt3A_5 = arith.constant 0 : i32
    %lt3A_6 = arith.cmpi slt, %select_n3A, %lt3A_5 : i32
    %ne3A_7 = arith.xori %lt3A_4, %lt3A_6 : i1
    %and3A = arith.andi %ne3A_7, %ne3A_3 : i1
    %add3A_8 = arith.addi %rem3A, %select_n3A : i32
    %select_n3A_9 = arith.select %and3A, %add3A_8, %rem3A : i32
    %jit3A_10 = arith.constant 16 : i32
    %div3A = arith.divsi %add3A, %jit3A_10 : i32
    %sign3A = arith.constant 0 : i32
    %sign3A_11 = arith.cmpi sgt, %add3A, %sign3A : i32
    %sign3A_12 = arith.extui %sign3A_11 : i1 to i32
    %sign3A_13 = arith.constant 0 : i32
    %sign3A_14 = arith.cmpi slt, %add3A, %sign3A_13 : i32
    %sign3A_15 = arith.extui %sign3A_14 : i1 to i32
    %sign3A_16 = arith.subi %sign3A_12, %sign3A_15 : i32
    %sign3A_17 = arith.constant 0 : i32
    %sign3A_18 = arith.cmpi sgt, %jit3A_10, %sign3A_17 : i32
    %sign3A_19 = arith.extui %sign3A_18 : i1 to i32
    %sign3A_20 = arith.constant 0 : i32
    %sign3A_21 = arith.cmpi slt, %jit3A_10, %sign3A_20 : i32
    %sign3A_22 = arith.extui %sign3A_21 : i1 to i32
    %sign3A_23 = arith.subi %sign3A_19, %sign3A_22 : i32
    %ne3A_24 = arith.cmpi ne, %sign3A_16, %sign3A_23 : i32
    %rem3A_25 = arith.remsi %add3A, %jit3A_10 : i32
    %ne3A_26 = arith.constant 0 : i32
    %ne3A_27 = arith.cmpi ne, %rem3A_25, %ne3A_26 : i32
    %and3A_28 = arith.andi %ne3A_24, %ne3A_27 : i1
    %sub3A = arith.constant 1 : i32
    %sub3A_29 = arith.subi %div3A, %sub3A : i32
    %select_n3A_30 = arith.select %and3A_28, %sub3A_29, %div3A : i32
    %mul3A_31 = arith.constant 16 : i32
    %mul3A_32 = arith.muli %add3A, %mul3A_31 : i32
    %dma_start3A = arith.constant 0 : i32
    %dma_start3A_33 = arith.constant 0 : i32
    %dma_start3A_34 = tpu.memref_slice %arg2[%select_n3A_9, %dma_start3A, %dma_start3A_33] : memref<16x16x768xf32, #tpu.memory_space<hbm>> -> memref<1x16x768xf32, #tpu.memory_space<hbm>>
    %dma_start3A_35 = tpu.memref_squeeze %dma_start3A_34 : memref<1x16x768xf32, #tpu.memory_space<hbm>> -> memref<16x768xf32, #tpu.memory_space<hbm>>
    %dma_start3A_36 = arith.constant 0 : i32
    %dma_start3A_37 = arith.constant 0 : i32
    %dma_start3A_38 = tpu.memref_slice %arg2[%select_n3A_9, %dma_start3A_36, %dma_start3A_37] : memref<16x16x768xf32, #tpu.memory_space<hbm>> -> memref<1x16x768xf32, #tpu.memory_space<hbm>>
    %dma_start3A_39 = tpu.memref_squeeze %dma_start3A_38 : memref<1x16x768xf32, #tpu.memory_space<hbm>> -> memref<16x768xf32, #tpu.memory_space<hbm>>
    tpu.enqueue_dma source(%dma_start3A_39 : memref<16x768xf32, #tpu.memory_space<hbm>>) target(%arg7 : memref<16x768xf32, #tpu.memory_space<vmem>>) target_semaphore(%arg10 : memref<!tpu.dma_semaphore, #tpu.memory_space<semaphore_mem>>)
    %dma_wait3A = arith.constant 0 : i32
    %dma_wait3A_40 = arith.constant 0 : i32
    %dma_wait3A_41 = tpu.memref_slice %arg2[%select_n3A_9, %dma_wait3A, %dma_wait3A_40] : memref<16x16x768xf32, #tpu.memory_space<hbm>> -> memref<1x16x768xf32, #tpu.memory_space<hbm>>
    %dma_wait3A_42 = tpu.memref_squeeze %dma_wait3A_41 : memref<1x16x768xf32, #tpu.memory_space<hbm>> -> memref<16x768xf32, #tpu.memory_space<hbm>>
    %dma_wait3A_43 = arith.constant 0 : i32
    %dma_wait3A_44 = arith.constant 0 : i32
    %dma_wait3A_45 = tpu.memref_slice %arg2[%select_n3A_9, %dma_wait3A_43, %dma_wait3A_44] : memref<16x16x768xf32, #tpu.memory_space<hbm>> -> memref<1x16x768xf32, #tpu.memory_space<hbm>>
    %dma_wait3A_46 = tpu.memref_squeeze %dma_wait3A_45 : memref<1x16x768xf32, #tpu.memory_space<hbm>> -> memref<16x768xf32, #tpu.memory_space<hbm>>
    tpu.wait_dma2 semaphore(%arg10 : memref<!tpu.dma_semaphore, #tpu.memory_space<semaphore_mem>>) src(%dma_wait3A_46 : memref<16x768xf32, #tpu.memory_space<hbm>>) dst(%arg7 : memref<16x768xf32, #tpu.memory_space<vmem>>)
    %add3A_47 = arith.constant 1 : i32
    %add3A_48 = arith.addi %add3A_47, %select_n3A_9 : i32
    %mul3A_49 = arith.constant 256 : i32
    %mul3A_50 = arith.muli %select_n3A_30, %mul3A_49 : i32
    %add3A_51 = arith.constant 0 : i32
    %add3A_52 = arith.addi %mul3A_50, %add3A_51 : i32
    %add3A_53 = arith.constant 1 : i32
    %add3A_54 = arith.addi %add3A_53, %select_n3A_9 : i32
    %mul3A_55 = arith.constant 256 : i32
    %mul3A_56 = arith.muli %select_n3A_30, %mul3A_55 : i32
    %add3A_57 = arith.constant 16 : i32
    %add3A_58 = arith.addi %mul3A_56, %add3A_57 : i32
    %add3A_59 = arith.constant 1 : i32
    %add3A_60 = arith.addi %add3A_59, %select_n3A_9 : i32
    %mul3A_61 = arith.constant 256 : i32
    %mul3A_62 = arith.muli %select_n3A_30, %mul3A_61 : i32
    %add3A_63 = arith.constant 32 : i32
    %add3A_64 = arith.addi %mul3A_62, %add3A_63 : i32
    %add3A_65 = arith.constant 1 : i32
    %add3A_66 = arith.addi %add3A_65, %select_n3A_9 : i32
    %mul3A_67 = arith.constant 256 : i32
    %mul3A_68 = arith.muli %select_n3A_30, %mul3A_67 : i32
    %add3A_69 = arith.constant 48 : i32
    %add3A_70 = arith.addi %mul3A_68, %add3A_69 : i32
    %add3A_71 = arith.constant 1 : i32
    %add3A_72 = arith.addi %add3A_71, %select_n3A_9 : i32
    %mul3A_73 = arith.constant 256 : i32
    %mul3A_74 = arith.muli %select_n3A_30, %mul3A_73 : i32
    %add3A_75 = arith.constant 64 : i32
    %add3A_76 = arith.addi %mul3A_74, %add3A_75 : i32
    %add3A_77 = arith.constant 1 : i32
    %add3A_78 = arith.addi %add3A_77, %select_n3A_9 : i32
    %mul3A_79 = arith.constant 256 : i32
    %mul3A_80 = arith.muli %select_n3A_30, %mul3A_79 : i32
    %add3A_81 = arith.constant 80 : i32
    %add3A_82 = arith.addi %mul3A_80, %add3A_81 : i32
    %add3A_83 = arith.constant 1 : i32
    %add3A_84 = arith.addi %add3A_83, %select_n3A_9 : i32
    %mul3A_85 = arith.constant 256 : i32
    %mul3A_86 = arith.muli %select_n3A_30, %mul3A_85 : i32
    %add3A_87 = arith.constant 96 : i32
    %add3A_88 = arith.addi %mul3A_86, %add3A_87 : i32
    %add3A_89 = arith.constant 1 : i32
    %add3A_90 = arith.addi %add3A_89, %select_n3A_9 : i32
    %mul3A_91 = arith.constant 256 : i32
    %mul3A_92 = arith.muli %select_n3A_30, %mul3A_91 : i32
    %add3A_93 = arith.constant 112 : i32
    %add3A_94 = arith.addi %mul3A_92, %add3A_93 : i32
    %add3A_95 = arith.constant 1 : i32
    %add3A_96 = arith.addi %add3A_95, %select_n3A_9 : i32
    %mul3A_97 = arith.constant 256 : i32
    %mul3A_98 = arith.muli %select_n3A_30, %mul3A_97 : i32
    %add3A_99 = arith.constant 128 : i32
    %add3A_100 = arith.addi %mul3A_98, %add3A_99 : i32
    %add3A_101 = arith.constant 1 : i32
    %add3A_102 = arith.addi %add3A_101, %select_n3A_9 : i32
    %mul3A_103 = arith.constant 256 : i32
    %mul3A_104 = arith.muli %select_n3A_30, %mul3A_103 : i32
    %add3A_105 = arith.constant 144 : i32
    %add3A_106 = arith.addi %mul3A_104, %add3A_105 : i32
    %add3A_107 = arith.constant 1 : i32
    %add3A_108 = arith.addi %add3A_107, %select_n3A_9 : i32
    %mul3A_109 = arith.constant 256 : i32
    %mul3A_110 = arith.muli %select_n3A_30, %mul3A_109 : i32
    %add3A_111 = arith.constant 160 : i32
    %add3A_112 = arith.addi %mul3A_110, %add3A_111 : i32
    %add3A_113 = arith.constant 1 : i32
    %add3A_114 = arith.addi %add3A_113, %select_n3A_9 : i32
    %mul3A_115 = arith.constant 256 : i32
    %mul3A_116 = arith.muli %select_n3A_30, %mul3A_115 : i32
    %add3A_117 = arith.constant 176 : i32
    %add3A_118 = arith.addi %mul3A_116, %add3A_117 : i32
    %add3A_119 = arith.constant 1 : i32
    %add3A_120 = arith.addi %add3A_119, %select_n3A_9 : i32
    %mul3A_121 = arith.constant 256 : i32
    %mul3A_122 = arith.muli %select_n3A_30, %mul3A_121 : i32
    %add3A_123 = arith.constant 192 : i32
    %add3A_124 = arith.addi %mul3A_122, %add3A_123 : i32
    %add3A_125 = arith.constant 1 : i32
    %add3A_126 = arith.addi %add3A_125, %select_n3A_9 : i32
    %mul3A_127 = arith.constant 256 : i32
    %mul3A_128 = arith.muli %select_n3A_30, %mul3A_127 : i32
    %add3A_129 = arith.constant 208 : i32
    %add3A_130 = arith.addi %mul3A_128, %add3A_129 : i32
    %add3A_131 = arith.constant 1 : i32
    %add3A_132 = arith.addi %add3A_131, %select_n3A_9 : i32
    %mul3A_133 = arith.constant 256 : i32
    %mul3A_134 = arith.muli %select_n3A_30, %mul3A_133 : i32
    %add3A_135 = arith.constant 224 : i32
    %add3A_136 = arith.addi %mul3A_134, %add3A_135 : i32
    %add3A_137 = arith.constant 1 : i32
    %add3A_138 = arith.addi %add3A_137, %select_n3A_9 : i32
    %mul3A_139 = arith.constant 256 : i32
    %mul3A_140 = arith.muli %select_n3A_30, %mul3A_139 : i32
    %add3A_141 = arith.constant 240 : i32
    %add3A_142 = arith.addi %mul3A_140, %add3A_141 : i32
    %dma_start3A_143 = arith.constant 0 : i32
    %dma_start3A_144 = tpu.memref_slice %arg5[%add3A_48, %add3A_52, %dma_start3A_143] : memref<77x512x768xf32, #tpu.memory_space<hbm>> -> memref<1x16x768xf32, #tpu.memory_space<hbm>>
    %dma_start3A_145 = tpu.memref_squeeze %dma_start3A_144 : memref<1x16x768xf32, #tpu.memory_space<hbm>> -> memref<16x768xf32, #tpu.memory_space<hbm>>
    %dma_start3A_146 = arith.constant 0 : i32
    %dma_start3A_147 = tpu.memref_slice %arg5[%add3A_48, %add3A_52, %dma_start3A_146] : memref<77x512x768xf32, #tpu.memory_space<hbm>> -> memref<1x16x768xf32, #tpu.memory_space<hbm>>
    %dma_start3A_148 = tpu.memref_squeeze %dma_start3A_147 : memref<1x16x768xf32, #tpu.memory_space<hbm>> -> memref<16x768xf32, #tpu.memory_space<hbm>>
    tpu.enqueue_dma source(%arg7 : memref<16x768xf32, #tpu.memory_space<vmem>>) target(%dma_start3A_148 : memref<16x768xf32, #tpu.memory_space<hbm>>) target_semaphore(%arg11 : memref<!tpu.dma_semaphore, #tpu.memory_space<semaphore_mem>>)
    %dma_start3A_149 = arith.constant 0 : i32
    %dma_start3A_150 = tpu.memref_slice %arg5[%add3A_54, %add3A_58, %dma_start3A_149] : memref<77x512x768xf32, #tpu.memory_space<hbm>> -> memref<1x16x768xf32, #tpu.memory_space<hbm>>
    %dma_start3A_151 = tpu.memref_squeeze %dma_start3A_150 : memref<1x16x768xf32, #tpu.memory_space<hbm>> -> memref<16x768xf32, #tpu.memory_space<hbm>>
    %dma_start3A_152 = arith.constant 0 : i32
    %dma_start3A_153 = tpu.memref_slice %arg5[%add3A_54, %add3A_58, %dma_start3A_152] : memref<77x512x768xf32, #tpu.memory_space<hbm>> -> memref<1x16x768xf32, #tpu.memory_space<hbm>>
    %dma_start3A_154 = tpu.memref_squeeze %dma_start3A_153 : memref<1x16x768xf32, #tpu.memory_space<hbm>> -> memref<16x768xf32, #tpu.memory_space<hbm>>
    tpu.enqueue_dma source(%arg7 : memref<16x768xf32, #tpu.memory_space<vmem>>) target(%dma_start3A_154 : memref<16x768xf32, #tpu.memory_space<hbm>>) target_semaphore(%arg11 : memref<!tpu.dma_semaphore, #tpu.memory_space<semaphore_mem>>)
    %dma_start3A_155 = arith.constant 0 : i32
    %dma_start3A_156 = tpu.memref_slice %arg5[%add3A_60, %add3A_64, %dma_start3A_155] : memref<77x512x768xf32, #tpu.memory_space<hbm>> -> memref<1x16x768xf32, #tpu.memory_space<hbm>>
    %dma_start3A_157 = tpu.memref_squeeze %dma_start3A_156 : memref<1x16x768xf32, #tpu.memory_space<hbm>> -> memref<16x768xf32, #tpu.memory_space<hbm>>
    %dma_start3A_158 = arith.constant 0 : i32
    %dma_start3A_159 = tpu.memref_slice %arg5[%add3A_60, %add3A_64, %dma_start3A_158] : memref<77x512x768xf32, #tpu.memory_space<hbm>> -> memref<1x16x768xf32, #tpu.memory_space<hbm>>
    %dma_start3A_160 = tpu.memref_squeeze %dma_start3A_159 : memref<1x16x768xf32, #tpu.memory_space<hbm>> -> memref<16x768xf32, #tpu.memory_space<hbm>>
    tpu.enqueue_dma source(%arg7 : memref<16x768xf32, #tpu.memory_space<vmem>>) target(%dma_start3A_160 : memref<16x768xf32, #tpu.memory_space<hbm>>) target_semaphore(%arg11 : memref<!tpu.dma_semaphore, #tpu.memory_space<semaphore_mem>>)
    %dma_start3A_161 = arith.constant 0 : i32
    %dma_start3A_162 = tpu.memref_slice %arg5[%add3A_66, %add3A_70, %dma_start3A_161] : memref<77x512x768xf32, #tpu.memory_space<hbm>> -> memref<1x16x768xf32, #tpu.memory_space<hbm>>
    %dma_start3A_163 = tpu.memref_squeeze %dma_start3A_162 : memref<1x16x768xf32, #tpu.memory_space<hbm>> -> memref<16x768xf32, #tpu.memory_space<hbm>>
    %dma_start3A_164 = arith.constant 0 : i32
    %dma_start3A_165 = tpu.memref_slice %arg5[%add3A_66, %add3A_70, %dma_start3A_164] : memref<77x512x768xf32, #tpu.memory_space<hbm>> -> memref<1x16x768xf32, #tpu.memory_space<hbm>>
    %dma_start3A_166 = tpu.memref_squeeze %dma_start3A_165 : memref<1x16x768xf32, #tpu.memory_space<hbm>> -> memref<16x768xf32, #tpu.memory_space<hbm>>
    tpu.enqueue_dma source(%arg7 : memref<16x768xf32, #tpu.memory_space<vmem>>) target(%dma_start3A_166 : memref<16x768xf32, #tpu.memory_space<hbm>>) target_semaphore(%arg11 : memref<!tpu.dma_semaphore, #tpu.memory_space<semaphore_mem>>)
    %dma_start3A_167 = arith.constant 0 : i32
    %dma_start3A_168 = tpu.memref_slice %arg5[%add3A_72, %add3A_76, %dma_start3A_167] : memref<77x512x768xf32, #tpu.memory_space<hbm>> -> memref<1x16x768xf32, #tpu.memory_space<hbm>>
    %dma_start3A_169 = tpu.memref_squeeze %dma_start3A_168 : memref<1x16x768xf32, #tpu.memory_space<hbm>> -> memref<16x768xf32, #tpu.memory_space<hbm>>
    %dma_start3A_170 = arith.constant 0 : i32
    %dma_start3A_171 = tpu.memref_slice %arg5[%add3A_72, %add3A_76, %dma_start3A_170] : memref<77x512x768xf32, #tpu.memory_space<hbm>> -> memref<1x16x768xf32, #tpu.memory_space<hbm>>
    %dma_start3A_172 = tpu.memref_squeeze %dma_start3A_171 : memref<1x16x768xf32, #tpu.memory_space<hbm>> -> memref<16x768xf32, #tpu.memory_space<hbm>>
    tpu.enqueue_dma source(%arg7 : memref<16x768xf32, #tpu.memory_space<vmem>>) target(%dma_start3A_172 : memref<16x768xf32, #tpu.memory_space<hbm>>) target_semaphore(%arg11 : memref<!tpu.dma_semaphore, #tpu.memory_space<semaphore_mem>>)
    %dma_start3A_173 = arith.constant 0 : i32
    %dma_start3A_174 = tpu.memref_slice %arg5[%add3A_78, %add3A_82, %dma_start3A_173] : memref<77x512x768xf32, #tpu.memory_space<hbm>> -> memref<1x16x768xf32, #tpu.memory_space<hbm>>
    %dma_start3A_175 = tpu.memref_squeeze %dma_start3A_174 : memref<1x16x768xf32, #tpu.memory_space<hbm>> -> memref<16x768xf32, #tpu.memory_space<hbm>>
    %dma_start3A_176 = arith.constant 0 : i32
    %dma_start3A_177 = tpu.memref_slice %arg5[%add3A_78, %add3A_82, %dma_start3A_176] : memref<77x512x768xf32, #tpu.memory_space<hbm>> -> memref<1x16x768xf32, #tpu.memory_space<hbm>>
    %dma_start3A_178 = tpu.memref_squeeze %dma_start3A_177 : memref<1x16x768xf32, #tpu.memory_space<hbm>> -> memref<16x768xf32, #tpu.memory_space<hbm>>
    tpu.enqueue_dma source(%arg7 : memref<16x768xf32, #tpu.memory_space<vmem>>) target(%dma_start3A_178 : memref<16x768xf32, #tpu.memory_space<hbm>>) target_semaphore(%arg11 : memref<!tpu.dma_semaphore, #tpu.memory_space<semaphore_mem>>)
    %dma_start3A_179 = arith.constant 0 : i32
    %dma_start3A_180 = tpu.memref_slice %arg5[%add3A_84, %add3A_88, %dma_start3A_179] : memref<77x512x768xf32, #tpu.memory_space<hbm>> -> memref<1x16x768xf32, #tpu.memory_space<hbm>>
    %dma_start3A_181 = tpu.memref_squeeze %dma_start3A_180 : memref<1x16x768xf32, #tpu.memory_space<hbm>> -> memref<16x768xf32, #tpu.memory_space<hbm>>
    %dma_start3A_182 = arith.constant 0 : i32
    %dma_start3A_183 = tpu.memref_slice %arg5[%add3A_84, %add3A_88, %dma_start3A_182] : memref<77x512x768xf32, #tpu.memory_space<hbm>> -> memref<1x16x768xf32, #tpu.memory_space<hbm>>
    %dma_start3A_184 = tpu.memref_squeeze %dma_start3A_183 : memref<1x16x768xf32, #tpu.memory_space<hbm>> -> memref<16x768xf32, #tpu.memory_space<hbm>>
    tpu.enqueue_dma source(%arg7 : memref<16x768xf32, #tpu.memory_space<vmem>>) target(%dma_start3A_184 : memref<16x768xf32, #tpu.memory_space<hbm>>) target_semaphore(%arg11 : memref<!tpu.dma_semaphore, #tpu.memory_space<semaphore_mem>>)
    %dma_start3A_185 = arith.constant 0 : i32
    %dma_start3A_186 = tpu.memref_slice %arg5[%add3A_90, %add3A_94, %dma_start3A_185] : memref<77x512x768xf32, #tpu.memory_space<hbm>> -> memref<1x16x768xf32, #tpu.memory_space<hbm>>
    %dma_start3A_187 = tpu.memref_squeeze %dma_start3A_186 : memref<1x16x768xf32, #tpu.memory_space<hbm>> -> memref<16x768xf32, #tpu.memory_space<hbm>>
    %dma_start3A_188 = arith.constant 0 : i32
    %dma_start3A_189 = tpu.memref_slice %arg5[%add3A_90, %add3A_94, %dma_start3A_188] : memref<77x512x768xf32, #tpu.memory_space<hbm>> -> memref<1x16x768xf32, #tpu.memory_space<hbm>>
    %dma_start3A_190 = tpu.memref_squeeze %dma_start3A_189 : memref<1x16x768xf32, #tpu.memory_space<hbm>> -> memref<16x768xf32, #tpu.memory_space<hbm>>
    tpu.enqueue_dma source(%arg7 : memref<16x768xf32, #tpu.memory_space<vmem>>) target(%dma_start3A_190 : memref<16x768xf32, #tpu.memory_space<hbm>>) target_semaphore(%arg11 : memref<!tpu.dma_semaphore, #tpu.memory_space<semaphore_mem>>)
    %dma_start3A_191 = arith.constant 0 : i32
    %dma_start3A_192 = tpu.memref_slice %arg5[%add3A_96, %add3A_100, %dma_start3A_191] : memref<77x512x768xf32, #tpu.memory_space<hbm>> -> memref<1x16x768xf32, #tpu.memory_space<hbm>>
    %dma_start3A_193 = tpu.memref_squeeze %dma_start3A_192 : memref<1x16x768xf32, #tpu.memory_space<hbm>> -> memref<16x768xf32, #tpu.memory_space<hbm>>
    %dma_start3A_194 = arith.constant 0 : i32
    %dma_start3A_195 = tpu.memref_slice %arg5[%add3A_96, %add3A_100, %dma_start3A_194] : memref<77x512x768xf32, #tpu.memory_space<hbm>> -> memref<1x16x768xf32, #tpu.memory_space<hbm>>
    %dma_start3A_196 = tpu.memref_squeeze %dma_start3A_195 : memref<1x16x768xf32, #tpu.memory_space<hbm>> -> memref<16x768xf32, #tpu.memory_space<hbm>>
    tpu.enqueue_dma source(%arg7 : memref<16x768xf32, #tpu.memory_space<vmem>>) target(%dma_start3A_196 : memref<16x768xf32, #tpu.memory_space<hbm>>) target_semaphore(%arg11 : memref<!tpu.dma_semaphore, #tpu.memory_space<semaphore_mem>>)
    %dma_start3A_197 = arith.constant 0 : i32
    %dma_start3A_198 = tpu.memref_slice %arg5[%add3A_102, %add3A_106, %dma_start3A_197] : memref<77x512x768xf32, #tpu.memory_space<hbm>> -> memref<1x16x768xf32, #tpu.memory_space<hbm>>
    %dma_start3A_199 = tpu.memref_squeeze %dma_start3A_198 : memref<1x16x768xf32, #tpu.memory_space<hbm>> -> memref<16x768xf32, #tpu.memory_space<hbm>>
    %dma_start3A_200 = arith.constant 0 : i32
    %dma_start3A_201 = tpu.memref_slice %arg5[%add3A_102, %add3A_106, %dma_start3A_200] : memref<77x512x768xf32, #tpu.memory_space<hbm>> -> memref<1x16x768xf32, #tpu.memory_space<hbm>>
    %dma_start3A_202 = tpu.memref_squeeze %dma_start3A_201 : memref<1x16x768xf32, #tpu.memory_space<hbm>> -> memref<16x768xf32, #tpu.memory_space<hbm>>
    tpu.enqueue_dma source(%arg7 : memref<16x768xf32, #tpu.memory_space<vmem>>) target(%dma_start3A_202 : memref<16x768xf32, #tpu.memory_space<hbm>>) target_semaphore(%arg11 : memref<!tpu.dma_semaphore, #tpu.memory_space<semaphore_mem>>)
    %dma_start3A_203 = arith.constant 0 : i32
    %dma_start3A_204 = tpu.memref_slice %arg5[%add3A_108, %add3A_112, %dma_start3A_203] : memref<77x512x768xf32, #tpu.memory_space<hbm>> -> memref<1x16x768xf32, #tpu.memory_space<hbm>>
    %dma_start3A_205 = tpu.memref_squeeze %dma_start3A_204 : memref<1x16x768xf32, #tpu.memory_space<hbm>> -> memref<16x768xf32, #tpu.memory_space<hbm>>
    %dma_start3A_206 = arith.constant 0 : i32
    %dma_start3A_207 = tpu.memref_slice %arg5[%add3A_108, %add3A_112, %dma_start3A_206] : memref<77x512x768xf32, #tpu.memory_space<hbm>> -> memref<1x16x768xf32, #tpu.memory_space<hbm>>
    %dma_start3A_208 = tpu.memref_squeeze %dma_start3A_207 : memref<1x16x768xf32, #tpu.memory_space<hbm>> -> memref<16x768xf32, #tpu.memory_space<hbm>>
    tpu.enqueue_dma source(%arg7 : memref<16x768xf32, #tpu.memory_space<vmem>>) target(%dma_start3A_208 : memref<16x768xf32, #tpu.memory_space<hbm>>) target_semaphore(%arg11 : memref<!tpu.dma_semaphore, #tpu.memory_space<semaphore_mem>>)
    %dma_start3A_209 = arith.constant 0 : i32
    %dma_start3A_210 = tpu.memref_slice %arg5[%add3A_114, %add3A_118, %dma_start3A_209] : memref<77x512x768xf32, #tpu.memory_space<hbm>> -> memref<1x16x768xf32, #tpu.memory_space<hbm>>
    %dma_start3A_211 = tpu.memref_squeeze %dma_start3A_210 : memref<1x16x768xf32, #tpu.memory_space<hbm>> -> memref<16x768xf32, #tpu.memory_space<hbm>>
    %dma_start3A_212 = arith.constant 0 : i32
    %dma_start3A_213 = tpu.memref_slice %arg5[%add3A_114, %add3A_118, %dma_start3A_212] : memref<77x512x768xf32, #tpu.memory_space<hbm>> -> memref<1x16x768xf32, #tpu.memory_space<hbm>>
    %dma_start3A_214 = tpu.memref_squeeze %dma_start3A_213 : memref<1x16x768xf32, #tpu.memory_space<hbm>> -> memref<16x768xf32, #tpu.memory_space<hbm>>
    tpu.enqueue_dma source(%arg7 : memref<16x768xf32, #tpu.memory_space<vmem>>) target(%dma_start3A_214 : memref<16x768xf32, #tpu.memory_space<hbm>>) target_semaphore(%arg11 : memref<!tpu.dma_semaphore, #tpu.memory_space<semaphore_mem>>)
    %dma_start3A_215 = arith.constant 0 : i32
    %dma_start3A_216 = tpu.memref_slice %arg5[%add3A_120, %add3A_124, %dma_start3A_215] : memref<77x512x768xf32, #tpu.memory_space<hbm>> -> memref<1x16x768xf32, #tpu.memory_space<hbm>>
    %dma_start3A_217 = tpu.memref_squeeze %dma_start3A_216 : memref<1x16x768xf32, #tpu.memory_space<hbm>> -> memref<16x768xf32, #tpu.memory_space<hbm>>
    %dma_start3A_218 = arith.constant 0 : i32
    %dma_start3A_219 = tpu.memref_slice %arg5[%add3A_120, %add3A_124, %dma_start3A_218] : memref<77x512x768xf32, #tpu.memory_space<hbm>> -> memref<1x16x768xf32, #tpu.memory_space<hbm>>
    %dma_start3A_220 = tpu.memref_squeeze %dma_start3A_219 : memref<1x16x768xf32, #tpu.memory_space<hbm>> -> memref<16x768xf32, #tpu.memory_space<hbm>>
    tpu.enqueue_dma source(%arg7 : memref<16x768xf32, #tpu.memory_space<vmem>>) target(%dma_start3A_220 : memref<16x768xf32, #tpu.memory_space<hbm>>) target_semaphore(%arg11 : memref<!tpu.dma_semaphore, #tpu.memory_space<semaphore_mem>>)
    %dma_start3A_221 = arith.constant 0 : i32
    %dma_start3A_222 = tpu.memref_slice %arg5[%add3A_126, %add3A_130, %dma_start3A_221] : memref<77x512x768xf32, #tpu.memory_space<hbm>> -> memref<1x16x768xf32, #tpu.memory_space<hbm>>
    %dma_start3A_223 = tpu.memref_squeeze %dma_start3A_222 : memref<1x16x768xf32, #tpu.memory_space<hbm>> -> memref<16x768xf32, #tpu.memory_space<hbm>>
    %dma_start3A_224 = arith.constant 0 : i32
    %dma_start3A_225 = tpu.memref_slice %arg5[%add3A_126, %add3A_130, %dma_start3A_224] : memref<77x512x768xf32, #tpu.memory_space<hbm>> -> memref<1x16x768xf32, #tpu.memory_space<hbm>>
    %dma_start3A_226 = tpu.memref_squeeze %dma_start3A_225 : memref<1x16x768xf32, #tpu.memory_space<hbm>> -> memref<16x768xf32, #tpu.memory_space<hbm>>
    tpu.enqueue_dma source(%arg7 : memref<16x768xf32, #tpu.memory_space<vmem>>) target(%dma_start3A_226 : memref<16x768xf32, #tpu.memory_space<hbm>>) target_semaphore(%arg11 : memref<!tpu.dma_semaphore, #tpu.memory_space<semaphore_mem>>)
    %dma_start3A_227 = arith.constant 0 : i32
    %dma_start3A_228 = tpu.memref_slice %arg5[%add3A_132, %add3A_136, %dma_start3A_227] : memref<77x512x768xf32, #tpu.memory_space<hbm>> -> memref<1x16x768xf32, #tpu.memory_space<hbm>>
    %dma_start3A_229 = tpu.memref_squeeze %dma_start3A_228 : memref<1x16x768xf32, #tpu.memory_space<hbm>> -> memref<16x768xf32, #tpu.memory_space<hbm>>
    %dma_start3A_230 = arith.constant 0 : i32
    %dma_start3A_231 = tpu.memref_slice %arg5[%add3A_132, %add3A_136, %dma_start3A_230] : memref<77x512x768xf32, #tpu.memory_space<hbm>> -> memref<1x16x768xf32, #tpu.memory_space<hbm>>
    %dma_start3A_232 = tpu.memref_squeeze %dma_start3A_231 : memref<1x16x768xf32, #tpu.memory_space<hbm>> -> memref<16x768xf32, #tpu.memory_space<hbm>>
    tpu.enqueue_dma source(%arg7 : memref<16x768xf32, #tpu.memory_space<vmem>>) target(%dma_start3A_232 : memref<16x768xf32, #tpu.memory_space<hbm>>) target_semaphore(%arg11 : memref<!tpu.dma_semaphore, #tpu.memory_space<semaphore_mem>>)
    %dma_start3A_233 = arith.constant 0 : i32
    %dma_start3A_234 = tpu.memref_slice %arg5[%add3A_138, %add3A_142, %dma_start3A_233] : memref<77x512x768xf32, #tpu.memory_space<hbm>> -> memref<1x16x768xf32, #tpu.memory_space<hbm>>
    %dma_start3A_235 = tpu.memref_squeeze %dma_start3A_234 : memref<1x16x768xf32, #tpu.memory_space<hbm>> -> memref<16x768xf32, #tpu.memory_space<hbm>>
    %dma_start3A_236 = arith.constant 0 : i32
    %dma_start3A_237 = tpu.memref_slice %arg5[%add3A_138, %add3A_142, %dma_start3A_236] : memref<77x512x768xf32, #tpu.memory_space<hbm>> -> memref<1x16x768xf32, #tpu.memory_space<hbm>>
    %dma_start3A_238 = tpu.memref_squeeze %dma_start3A_237 : memref<1x16x768xf32, #tpu.memory_space<hbm>> -> memref<16x768xf32, #tpu.memory_space<hbm>>
    tpu.enqueue_dma source(%arg7 : memref<16x768xf32, #tpu.memory_space<vmem>>) target(%dma_start3A_238 : memref<16x768xf32, #tpu.memory_space<hbm>>) target_semaphore(%arg11 : memref<!tpu.dma_semaphore, #tpu.memory_space<semaphore_mem>>)
    %dma_start3A_239 = arith.constant 0 : i32
    %dma_start3A_240 = arith.constant 0 : i32
    %dma_start3A_241 = arith.constant 0 : i32
    %dma_start3A_242 = arith.constant 0 : i32
    %dma_start3A_243 = arith.constant 0 : i32
    %dma_start3A_244 = tpu.memref_slice %arg6[%dma_start3A_239, %dma_start3A_241, %dma_start3A_242, %dma_start3A_243] : memref<3x3x16x768xf32, #tpu.memory_space<vmem>> -> memref<1x1x16x768xf32, #tpu.memory_space<vmem>>
    %dma_start3A_245 = tpu.memref_squeeze %dma_start3A_244 : memref<1x1x16x768xf32, #tpu.memory_space<vmem>> -> memref<1x16x768xf32, #tpu.memory_space<vmem>>
    %dma_start3A_246 = arith.constant 0 : i32
    %dma_start3A_247 = arith.constant 0 : i32
    %dma_start3A_248 = tpu.memref_slice %arg4[%dma_start3A_246, %mul3A_32, %dma_start3A_247] : memref<77x512x768xf32, #tpu.memory_space<hbm>> -> memref<1x16x768xf32, #tpu.memory_space<hbm>>
    %dma_start3A_249 = tpu.memref_slice %arg8[%dma_start3A_240] : memref<3x!tpu.dma_semaphore, #tpu.memory_space<semaphore_mem>> -> memref<1x!tpu.dma_semaphore, #tpu.memory_space<semaphore_mem>>
    %dma_start3A_250 = tpu.memref_squeeze %dma_start3A_249 : memref<1x!tpu.dma_semaphore, #tpu.memory_space<semaphore_mem>> -> memref<!tpu.dma_semaphore, #tpu.memory_space<semaphore_mem>>
    %dma_start3A_251 = arith.constant 0 : i32
    %dma_start3A_252 = arith.constant 0 : i32
    %dma_start3A_253 = arith.constant 0 : i32
    %dma_start3A_254 = tpu.memref_slice %arg6[%dma_start3A_239, %dma_start3A_251, %dma_start3A_252, %dma_start3A_253] : memref<3x3x16x768xf32, #tpu.memory_space<vmem>> -> memref<1x1x16x768xf32, #tpu.memory_space<vmem>>
    %dma_start3A_255 = tpu.memref_squeeze %dma_start3A_254 : memref<1x1x16x768xf32, #tpu.memory_space<vmem>> -> memref<1x16x768xf32, #tpu.memory_space<vmem>>
    %dma_start3A_256 = arith.constant 0 : i32
    %dma_start3A_257 = arith.constant 0 : i32
    %dma_start3A_258 = tpu.memref_slice %arg4[%dma_start3A_256, %mul3A_32, %dma_start3A_257] : memref<77x512x768xf32, #tpu.memory_space<hbm>> -> memref<1x16x768xf32, #tpu.memory_space<hbm>>
    tpu.enqueue_dma source(%dma_start3A_258 : memref<1x16x768xf32, #tpu.memory_space<hbm>>) target(%dma_start3A_255 : memref<1x16x768xf32, #tpu.memory_space<vmem>>) target_semaphore(%dma_start3A_250 : memref<!tpu.dma_semaphore, #tpu.memory_space<semaphore_mem>>)
    %dma_start3A_259 = arith.constant 1 : i32
    %dma_start3A_260 = arith.constant 1 : i32
    %dma_start3A_261 = arith.constant 0 : i32
    %dma_start3A_262 = arith.constant 0 : i32
    %dma_start3A_263 = arith.constant 0 : i32
    %dma_start3A_264 = tpu.memref_slice %arg6[%dma_start3A_259, %dma_start3A_261, %dma_start3A_262, %dma_start3A_263] : memref<3x3x16x768xf32, #tpu.memory_space<vmem>> -> memref<1x2x16x768xf32, #tpu.memory_space<vmem>>
    %dma_start3A_265 = tpu.memref_squeeze %dma_start3A_264 : memref<1x2x16x768xf32, #tpu.memory_space<vmem>> -> memref<2x16x768xf32, #tpu.memory_space<vmem>>
    %dma_start3A_266 = arith.constant 0 : i32
    %dma_start3A_267 = arith.constant 0 : i32
    %dma_start3A_268 = tpu.memref_slice %arg3[%dma_start3A_266, %mul3A_32, %dma_start3A_267] : memref<4x512x768xf32, #tpu.memory_space<hbm>> -> memref<2x16x768xf32, #tpu.memory_space<hbm>>
    %dma_start3A_269 = tpu.memref_slice %arg8[%dma_start3A_260] : memref<3x!tpu.dma_semaphore, #tpu.memory_space<semaphore_mem>> -> memref<1x!tpu.dma_semaphore, #tpu.memory_space<semaphore_mem>>
    %dma_start3A_270 = tpu.memref_squeeze %dma_start3A_269 : memref<1x!tpu.dma_semaphore, #tpu.memory_space<semaphore_mem>> -> memref<!tpu.dma_semaphore, #tpu.memory_space<semaphore_mem>>
    %dma_start3A_271 = arith.constant 0 : i32
    %dma_start3A_272 = arith.constant 0 : i32
    %dma_start3A_273 = arith.constant 0 : i32
    %dma_start3A_274 = tpu.memref_slice %arg6[%dma_start3A_259, %dma_start3A_271, %dma_start3A_272, %dma_start3A_273] : memref<3x3x16x768xf32, #tpu.memory_space<vmem>> -> memref<1x2x16x768xf32, #tpu.memory_space<vmem>>
    %dma_start3A_275 = tpu.memref_squeeze %dma_start3A_274 : memref<1x2x16x768xf32, #tpu.memory_space<vmem>> -> memref<2x16x768xf32, #tpu.memory_space<vmem>>
    %dma_start3A_276 = arith.constant 0 : i32
    %dma_start3A_277 = arith.constant 0 : i32
    %dma_start3A_278 = tpu.memref_slice %arg3[%dma_start3A_276, %mul3A_32, %dma_start3A_277] : memref<4x512x768xf32, #tpu.memory_space<hbm>> -> memref<2x16x768xf32, #tpu.memory_space<hbm>>
    tpu.enqueue_dma source(%dma_start3A_278 : memref<2x16x768xf32, #tpu.memory_space<hbm>>) target(%dma_start3A_275 : memref<2x16x768xf32, #tpu.memory_space<vmem>>) target_semaphore(%dma_start3A_270 : memref<!tpu.dma_semaphore, #tpu.memory_space<semaphore_mem>>)
    %dma_wait3A_279 = arith.constant 0 : i32
    %dma_wait3A_280 = arith.constant 0 : i32
    %dma_wait3A_281 = arith.constant 0 : i32
    %dma_wait3A_282 = arith.constant 0 : i32
    %dma_wait3A_283 = arith.constant 0 : i32
    %dma_wait3A_284 = tpu.memref_slice %arg6[%dma_wait3A_279, %dma_wait3A_281, %dma_wait3A_282, %dma_wait3A_283] : memref<3x3x16x768xf32, #tpu.memory_space<vmem>> -> memref<1x1x16x768xf32, #tpu.memory_space<vmem>>
    %dma_wait3A_285 = tpu.memref_squeeze %dma_wait3A_284 : memref<1x1x16x768xf32, #tpu.memory_space<vmem>> -> memref<1x16x768xf32, #tpu.memory_space<vmem>>
    %dma_wait3A_286 = arith.constant 0 : i32
    %dma_wait3A_287 = arith.constant 0 : i32
    %dma_wait3A_288 = tpu.memref_slice %arg4[%dma_wait3A_286, %mul3A_32, %dma_wait3A_287] : memref<77x512x768xf32, #tpu.memory_space<hbm>> -> memref<1x16x768xf32, #tpu.memory_space<hbm>>
    %dma_wait3A_289 = tpu.memref_slice %arg8[%dma_wait3A_280] : memref<3x!tpu.dma_semaphore, #tpu.memory_space<semaphore_mem>> -> memref<1x!tpu.dma_semaphore, #tpu.memory_space<semaphore_mem>>
    %dma_wait3A_290 = tpu.memref_squeeze %dma_wait3A_289 : memref<1x!tpu.dma_semaphore, #tpu.memory_space<semaphore_mem>> -> memref<!tpu.dma_semaphore, #tpu.memory_space<semaphore_mem>>
    %dma_wait3A_291 = arith.constant 0 : i32
    %dma_wait3A_292 = arith.constant 0 : i32
    %dma_wait3A_293 = arith.constant 0 : i32
    %dma_wait3A_294 = tpu.memref_slice %arg6[%dma_wait3A_279, %dma_wait3A_291, %dma_wait3A_292, %dma_wait3A_293] : memref<3x3x16x768xf32, #tpu.memory_space<vmem>> -> memref<1x1x16x768xf32, #tpu.memory_space<vmem>>
    %dma_wait3A_295 = tpu.memref_squeeze %dma_wait3A_294 : memref<1x1x16x768xf32, #tpu.memory_space<vmem>> -> memref<1x16x768xf32, #tpu.memory_space<vmem>>
    %dma_wait3A_296 = arith.constant 0 : i32
    %dma_wait3A_297 = arith.constant 0 : i32
    %dma_wait3A_298 = tpu.memref_slice %arg4[%dma_wait3A_296, %mul3A_32, %dma_wait3A_297] : memref<77x512x768xf32, #tpu.memory_space<hbm>> -> memref<1x16x768xf32, #tpu.memory_space<hbm>>
    tpu.wait_dma2 semaphore(%dma_wait3A_290 : memref<!tpu.dma_semaphore, #tpu.memory_space<semaphore_mem>>) src(%dma_wait3A_298 : memref<1x16x768xf32, #tpu.memory_space<hbm>>) dst(%dma_wait3A_295 : memref<1x16x768xf32, #tpu.memory_space<vmem>>)
    %dma_start3A_299 = arith.constant 0 : i32
    %dma_start3A_300 = arith.constant 0 : i32
    %dma_start3A_301 = arith.constant 0 : i32
    %dma_start3A_302 = arith.constant 0 : i32
    %dma_start3A_303 = arith.constant 0 : i32
    %dma_start3A_304 = tpu.memref_slice %arg6[%dma_start3A_299, %dma_start3A_301, %dma_start3A_302, %dma_start3A_303] : memref<3x3x16x768xf32, #tpu.memory_space<vmem>> -> memref<1x1x16x768xf32, #tpu.memory_space<vmem>>
    %dma_start3A_305 = tpu.memref_squeeze %dma_start3A_304 : memref<1x1x16x768xf32, #tpu.memory_space<vmem>> -> memref<1x16x768xf32, #tpu.memory_space<vmem>>
    %dma_start3A_306 = arith.constant 0 : i32
    %dma_start3A_307 = arith.constant 0 : i32
    %dma_start3A_308 = tpu.memref_slice %arg5[%dma_start3A_306, %mul3A_32, %dma_start3A_307] : memref<77x512x768xf32, #tpu.memory_space<hbm>> -> memref<1x16x768xf32, #tpu.memory_space<hbm>>
    %dma_start3A_309 = tpu.memref_slice %arg9[%dma_start3A_300] : memref<3x!tpu.dma_semaphore, #tpu.memory_space<semaphore_mem>> -> memref<1x!tpu.dma_semaphore, #tpu.memory_space<semaphore_mem>>
    %dma_start3A_310 = tpu.memref_squeeze %dma_start3A_309 : memref<1x!tpu.dma_semaphore, #tpu.memory_space<semaphore_mem>> -> memref<!tpu.dma_semaphore, #tpu.memory_space<semaphore_mem>>
    %dma_start3A_311 = arith.constant 0 : i32
    %dma_start3A_312 = arith.constant 0 : i32
    %dma_start3A_313 = tpu.memref_slice %arg5[%dma_start3A_311, %mul3A_32, %dma_start3A_312] : memref<77x512x768xf32, #tpu.memory_space<hbm>> -> memref<1x16x768xf32, #tpu.memory_space<hbm>>
    %dma_start3A_314 = arith.constant 0 : i32
    %dma_start3A_315 = arith.constant 0 : i32
    %dma_start3A_316 = arith.constant 0 : i32
    %dma_start3A_317 = tpu.memref_slice %arg6[%dma_start3A_299, %dma_start3A_314, %dma_start3A_315, %dma_start3A_316] : memref<3x3x16x768xf32, #tpu.memory_space<vmem>> -> memref<1x1x16x768xf32, #tpu.memory_space<vmem>>
    %dma_start3A_318 = tpu.memref_squeeze %dma_start3A_317 : memref<1x1x16x768xf32, #tpu.memory_space<vmem>> -> memref<1x16x768xf32, #tpu.memory_space<vmem>>
    tpu.enqueue_dma source(%dma_start3A_318 : memref<1x16x768xf32, #tpu.memory_space<vmem>>) target(%dma_start3A_313 : memref<1x16x768xf32, #tpu.memory_space<hbm>>) target_semaphore(%dma_start3A_310 : memref<!tpu.dma_semaphore, #tpu.memory_space<semaphore_mem>>)
    %dma_start3A_319 = arith.constant 2 : i32
    %dma_start3A_320 = arith.constant 2 : i32
    %dma_start3A_321 = arith.constant 0 : i32
    %dma_start3A_322 = arith.constant 0 : i32
    %dma_start3A_323 = arith.constant 0 : i32
    %dma_start3A_324 = tpu.memref_slice %arg6[%dma_start3A_319, %dma_start3A_321, %dma_start3A_322, %dma_start3A_323] : memref<3x3x16x768xf32, #tpu.memory_space<vmem>> -> memref<1x2x16x768xf32, #tpu.memory_space<vmem>>
    %dma_start3A_325 = tpu.memref_squeeze %dma_start3A_324 : memref<1x2x16x768xf32, #tpu.memory_space<vmem>> -> memref<2x16x768xf32, #tpu.memory_space<vmem>>
    %dma_start3A_326 = arith.constant 2 : i32
    %dma_start3A_327 = arith.constant 0 : i32
    %dma_start3A_328 = tpu.memref_slice %arg3[%dma_start3A_326, %mul3A_32, %dma_start3A_327] : memref<4x512x768xf32, #tpu.memory_space<hbm>> -> memref<2x16x768xf32, #tpu.memory_space<hbm>>
    %dma_start3A_329 = tpu.memref_slice %arg8[%dma_start3A_320] : memref<3x!tpu.dma_semaphore, #tpu.memory_space<semaphore_mem>> -> memref<1x!tpu.dma_semaphore, #tpu.memory_space<semaphore_mem>>
    %dma_start3A_330 = tpu.memref_squeeze %dma_start3A_329 : memref<1x!tpu.dma_semaphore, #tpu.memory_space<semaphore_mem>> -> memref<!tpu.dma_semaphore, #tpu.memory_space<semaphore_mem>>
    %dma_start3A_331 = arith.constant 0 : i32
    %dma_start3A_332 = arith.constant 0 : i32
    %dma_start3A_333 = arith.constant 0 : i32
    %dma_start3A_334 = tpu.memref_slice %arg6[%dma_start3A_319, %dma_start3A_331, %dma_start3A_332, %dma_start3A_333] : memref<3x3x16x768xf32, #tpu.memory_space<vmem>> -> memref<1x2x16x768xf32, #tpu.memory_space<vmem>>
    %dma_start3A_335 = tpu.memref_squeeze %dma_start3A_334 : memref<1x2x16x768xf32, #tpu.memory_space<vmem>> -> memref<2x16x768xf32, #tpu.memory_space<vmem>>
    %dma_start3A_336 = arith.constant 2 : i32
    %dma_start3A_337 = arith.constant 0 : i32
    %dma_start3A_338 = tpu.memref_slice %arg3[%dma_start3A_336, %mul3A_32, %dma_start3A_337] : memref<4x512x768xf32, #tpu.memory_space<hbm>> -> memref<2x16x768xf32, #tpu.memory_space<hbm>>
    tpu.enqueue_dma source(%dma_start3A_338 : memref<2x16x768xf32, #tpu.memory_space<hbm>>) target(%dma_start3A_335 : memref<2x16x768xf32, #tpu.memory_space<vmem>>) target_semaphore(%dma_start3A_330 : memref<!tpu.dma_semaphore, #tpu.memory_space<semaphore_mem>>)
    %dma_wait3A_339 = arith.constant 1 : i32
    %dma_wait3A_340 = arith.constant 1 : i32
    %dma_wait3A_341 = arith.constant 0 : i32
    %dma_wait3A_342 = arith.constant 0 : i32
    %dma_wait3A_343 = arith.constant 0 : i32
    %dma_wait3A_344 = tpu.memref_slice %arg6[%dma_wait3A_339, %dma_wait3A_341, %dma_wait3A_342, %dma_wait3A_343] : memref<3x3x16x768xf32, #tpu.memory_space<vmem>> -> memref<1x2x16x768xf32, #tpu.memory_space<vmem>>
    %dma_wait3A_345 = tpu.memref_squeeze %dma_wait3A_344 : memref<1x2x16x768xf32, #tpu.memory_space<vmem>> -> memref<2x16x768xf32, #tpu.memory_space<vmem>>
    %dma_wait3A_346 = arith.constant 0 : i32
    %dma_wait3A_347 = arith.constant 0 : i32
    %dma_wait3A_348 = tpu.memref_slice %arg3[%dma_wait3A_346, %mul3A_32, %dma_wait3A_347] : memref<4x512x768xf32, #tpu.memory_space<hbm>> -> memref<2x16x768xf32, #tpu.memory_space<hbm>>
    %dma_wait3A_349 = tpu.memref_slice %arg8[%dma_wait3A_340] : memref<3x!tpu.dma_semaphore, #tpu.memory_space<semaphore_mem>> -> memref<1x!tpu.dma_semaphore, #tpu.memory_space<semaphore_mem>>
    %dma_wait3A_350 = tpu.memref_squeeze %dma_wait3A_349 : memref<1x!tpu.dma_semaphore, #tpu.memory_space<semaphore_mem>> -> memref<!tpu.dma_semaphore, #tpu.memory_space<semaphore_mem>>
    %dma_wait3A_351 = arith.constant 0 : i32
    %dma_wait3A_352 = arith.constant 0 : i32
    %dma_wait3A_353 = arith.constant 0 : i32
    %dma_wait3A_354 = tpu.memref_slice %arg6[%dma_wait3A_339, %dma_wait3A_351, %dma_wait3A_352, %dma_wait3A_353] : memref<3x3x16x768xf32, #tpu.memory_space<vmem>> -> memref<1x2x16x768xf32, #tpu.memory_space<vmem>>
    %dma_wait3A_355 = tpu.memref_squeeze %dma_wait3A_354 : memref<1x2x16x768xf32, #tpu.memory_space<vmem>> -> memref<2x16x768xf32, #tpu.memory_space<vmem>>
    %dma_wait3A_356 = arith.constant 0 : i32
    %dma_wait3A_357 = arith.constant 0 : i32
    %dma_wait3A_358 = tpu.memref_slice %arg3[%dma_wait3A_356, %mul3A_32, %dma_wait3A_357] : memref<4x512x768xf32, #tpu.memory_space<hbm>> -> memref<2x16x768xf32, #tpu.memory_space<hbm>>
    tpu.wait_dma2 semaphore(%dma_wait3A_350 : memref<!tpu.dma_semaphore, #tpu.memory_space<semaphore_mem>>) src(%dma_wait3A_358 : memref<2x16x768xf32, #tpu.memory_space<hbm>>) dst(%dma_wait3A_355 : memref<2x16x768xf32, #tpu.memory_space<vmem>>)
    %dma_start3A_359 = arith.constant 1 : i32
    %dma_start3A_360 = arith.constant 1 : i32
    %dma_start3A_361 = arith.constant 0 : i32
    %dma_start3A_362 = arith.constant 0 : i32
    %dma_start3A_363 = arith.constant 0 : i32
    %dma_start3A_364 = tpu.memref_slice %arg6[%dma_start3A_359, %dma_start3A_361, %dma_start3A_362, %dma_start3A_363] : memref<3x3x16x768xf32, #tpu.memory_space<vmem>> -> memref<1x2x16x768xf32, #tpu.memory_space<vmem>>
    %dma_start3A_365 = tpu.memref_squeeze %dma_start3A_364 : memref<1x2x16x768xf32, #tpu.memory_space<vmem>> -> memref<2x16x768xf32, #tpu.memory_space<vmem>>
    %dma_start3A_366 = arith.constant 17 : i32
    %dma_start3A_367 = arith.constant 0 : i32
    %dma_start3A_368 = tpu.memref_slice %arg5[%dma_start3A_366, %mul3A_32, %dma_start3A_367] : memref<77x512x768xf32, #tpu.memory_space<hbm>> -> memref<2x16x768xf32, #tpu.memory_space<hbm>>
    %dma_start3A_369 = tpu.memref_slice %arg9[%dma_start3A_360] : memref<3x!tpu.dma_semaphore, #tpu.memory_space<semaphore_mem>> -> memref<1x!tpu.dma_semaphore, #tpu.memory_space<semaphore_mem>>
    %dma_start3A_370 = tpu.memref_squeeze %dma_start3A_369 : memref<1x!tpu.dma_semaphore, #tpu.memory_space<semaphore_mem>> -> memref<!tpu.dma_semaphore, #tpu.memory_space<semaphore_mem>>
    %dma_start3A_371 = arith.constant 17 : i32
    %dma_start3A_372 = arith.constant 0 : i32
    %dma_start3A_373 = tpu.memref_slice %arg5[%dma_start3A_371, %mul3A_32, %dma_start3A_372] : memref<77x512x768xf32, #tpu.memory_space<hbm>> -> memref<2x16x768xf32, #tpu.memory_space<hbm>>
    %dma_start3A_374 = arith.constant 0 : i32
    %dma_start3A_375 = arith.constant 0 : i32
    %dma_start3A_376 = arith.constant 0 : i32
    %dma_start3A_377 = tpu.memref_slice %arg6[%dma_start3A_359, %dma_start3A_374, %dma_start3A_375, %dma_start3A_376] : memref<3x3x16x768xf32, #tpu.memory_space<vmem>> -> memref<1x2x16x768xf32, #tpu.memory_space<vmem>>
    %dma_start3A_378 = tpu.memref_squeeze %dma_start3A_377 : memref<1x2x16x768xf32, #tpu.memory_space<vmem>> -> memref<2x16x768xf32, #tpu.memory_space<vmem>>
    tpu.enqueue_dma source(%dma_start3A_378 : memref<2x16x768xf32, #tpu.memory_space<vmem>>) target(%dma_start3A_373 : memref<2x16x768xf32, #tpu.memory_space<hbm>>) target_semaphore(%dma_start3A_370 : memref<!tpu.dma_semaphore, #tpu.memory_space<semaphore_mem>>)
    %dma_wait3A_379 = arith.constant 0 : i32
    %dma_wait3A_380 = arith.constant 0 : i32
    %dma_wait3A_381 = arith.constant 0 : i32
    %dma_wait3A_382 = arith.constant 0 : i32
    %dma_wait3A_383 = arith.constant 0 : i32
    %dma_wait3A_384 = tpu.memref_slice %arg6[%dma_wait3A_379, %dma_wait3A_381, %dma_wait3A_382, %dma_wait3A_383] : memref<3x3x16x768xf32, #tpu.memory_space<vmem>> -> memref<1x1x16x768xf32, #tpu.memory_space<vmem>>
    %dma_wait3A_385 = tpu.memref_squeeze %dma_wait3A_384 : memref<1x1x16x768xf32, #tpu.memory_space<vmem>> -> memref<1x16x768xf32, #tpu.memory_space<vmem>>
    %dma_wait3A_386 = arith.constant 0 : i32
    %dma_wait3A_387 = arith.constant 0 : i32
    %dma_wait3A_388 = tpu.memref_slice %arg5[%dma_wait3A_386, %mul3A_32, %dma_wait3A_387] : memref<77x512x768xf32, #tpu.memory_space<hbm>> -> memref<1x16x768xf32, #tpu.memory_space<hbm>>
    %dma_wait3A_389 = tpu.memref_slice %arg9[%dma_wait3A_380] : memref<3x!tpu.dma_semaphore, #tpu.memory_space<semaphore_mem>> -> memref<1x!tpu.dma_semaphore, #tpu.memory_space<semaphore_mem>>
    %dma_wait3A_390 = tpu.memref_squeeze %dma_wait3A_389 : memref<1x!tpu.dma_semaphore, #tpu.memory_space<semaphore_mem>> -> memref<!tpu.dma_semaphore, #tpu.memory_space<semaphore_mem>>
    %dma_wait3A_391 = arith.constant 0 : i32
    %dma_wait3A_392 = arith.constant 0 : i32
    %dma_wait3A_393 = tpu.memref_slice %arg5[%dma_wait3A_391, %mul3A_32, %dma_wait3A_392] : memref<77x512x768xf32, #tpu.memory_space<hbm>> -> memref<1x16x768xf32, #tpu.memory_space<hbm>>
    %dma_wait3A_394 = arith.constant 0 : i32
    %dma_wait3A_395 = arith.constant 0 : i32
    %dma_wait3A_396 = arith.constant 0 : i32
    %dma_wait3A_397 = tpu.memref_slice %arg6[%dma_wait3A_379, %dma_wait3A_394, %dma_wait3A_395, %dma_wait3A_396] : memref<3x3x16x768xf32, #tpu.memory_space<vmem>> -> memref<1x1x16x768xf32, #tpu.memory_space<vmem>>
    %dma_wait3A_398 = tpu.memref_squeeze %dma_wait3A_397 : memref<1x1x16x768xf32, #tpu.memory_space<vmem>> -> memref<1x16x768xf32, #tpu.memory_space<vmem>>
    tpu.wait_dma2 semaphore(%dma_wait3A_390 : memref<!tpu.dma_semaphore, #tpu.memory_space<semaphore_mem>>) src(%dma_wait3A_398 : memref<1x16x768xf32, #tpu.memory_space<vmem>>) dst(%dma_wait3A_393 : memref<1x16x768xf32, #tpu.memory_space<hbm>>)
    %dma_start3A_399 = arith.constant 0 : i32
    %dma_start3A_400 = arith.constant 0 : i32
    %dma_start3A_401 = arith.constant 0 : i32
    %dma_start3A_402 = arith.constant 0 : i32
    %dma_start3A_403 = arith.constant 0 : i32
    %dma_start3A_404 = tpu.memref_slice %arg6[%dma_start3A_399, %dma_start3A_401, %dma_start3A_402, %dma_start3A_403] : memref<3x3x16x768xf32, #tpu.memory_space<vmem>> -> memref<1x3x16x768xf32, #tpu.memory_space<vmem>>
    %dma_start3A_405 = tpu.memref_squeeze %dma_start3A_404 : memref<1x3x16x768xf32, #tpu.memory_space<vmem>> -> memref<3x16x768xf32, #tpu.memory_space<vmem>>
    %dma_start3A_406 = arith.constant 21 : i32
    %dma_start3A_407 = arith.constant 0 : i32
    %dma_start3A_408 = tpu.memref_slice %arg4[%dma_start3A_406, %mul3A_32, %dma_start3A_407] : memref<77x512x768xf32, #tpu.memory_space<hbm>> -> memref<3x16x768xf32, #tpu.memory_space<hbm>>
    %dma_start3A_409 = tpu.memref_slice %arg8[%dma_start3A_400] : memref<3x!tpu.dma_semaphore, #tpu.memory_space<semaphore_mem>> -> memref<1x!tpu.dma_semaphore, #tpu.memory_space<semaphore_mem>>
    %dma_start3A_410 = tpu.memref_squeeze %dma_start3A_409 : memref<1x!tpu.dma_semaphore, #tpu.memory_space<semaphore_mem>> -> memref<!tpu.dma_semaphore, #tpu.memory_space<semaphore_mem>>
    %dma_start3A_411 = arith.constant 0 : i32
    %dma_start3A_412 = arith.constant 0 : i32
    %dma_start3A_413 = arith.constant 0 : i32
    %dma_start3A_414 = tpu.memref_slice %arg6[%dma_start3A_399, %dma_start3A_411, %dma_start3A_412, %dma_start3A_413] : memref<3x3x16x768xf32, #tpu.memory_space<vmem>> -> memref<1x3x16x768xf32, #tpu.memory_space<vmem>>
    %dma_start3A_415 = tpu.memref_squeeze %dma_start3A_414 : memref<1x3x16x768xf32, #tpu.memory_space<vmem>> -> memref<3x16x768xf32, #tpu.memory_space<vmem>>
    %dma_start3A_416 = arith.constant 21 : i32
    %dma_start3A_417 = arith.constant 0 : i32
    %dma_start3A_418 = tpu.memref_slice %arg4[%dma_start3A_416, %mul3A_32, %dma_start3A_417] : memref<77x512x768xf32, #tpu.memory_space<hbm>> -> memref<3x16x768xf32, #tpu.memory_space<hbm>>
    tpu.enqueue_dma source(%dma_start3A_418 : memref<3x16x768xf32, #tpu.memory_space<hbm>>) target(%dma_start3A_415 : memref<3x16x768xf32, #tpu.memory_space<vmem>>) target_semaphore(%dma_start3A_410 : memref<!tpu.dma_semaphore, #tpu.memory_space<semaphore_mem>>)
    %dma_wait3A_419 = arith.constant 2 : i32
    %dma_wait3A_420 = arith.constant 2 : i32
    %dma_wait3A_421 = arith.constant 0 : i32
    %dma_wait3A_422 = arith.constant 0 : i32
    %dma_wait3A_423 = arith.constant 0 : i32
    %dma_wait3A_424 = tpu.memref_slice %arg6[%dma_wait3A_419, %dma_wait3A_421, %dma_wait3A_422, %dma_wait3A_423] : memref<3x3x16x768xf32, #tpu.memory_space<vmem>> -> memref<1x2x16x768xf32, #tpu.memory_space<vmem>>
    %dma_wait3A_425 = tpu.memref_squeeze %dma_wait3A_424 : memref<1x2x16x768xf32, #tpu.memory_space<vmem>> -> memref<2x16x768xf32, #tpu.memory_space<vmem>>
    %dma_wait3A_426 = arith.constant 2 : i32
    %dma_wait3A_427 = arith.constant 0 : i32
    %dma_wait3A_428 = tpu.memref_slice %arg3[%dma_wait3A_426, %mul3A_32, %dma_wait3A_427] : memref<4x512x768xf32, #tpu.memory_space<hbm>> -> memref<2x16x768xf32, #tpu.memory_space<hbm>>
    %dma_wait3A_429 = tpu.memref_slice %arg8[%dma_wait3A_420] : memref<3x!tpu.dma_semaphore, #tpu.memory_space<semaphore_mem>> -> memref<1x!tpu.dma_semaphore, #tpu.memory_space<semaphore_mem>>
    %dma_wait3A_430 = tpu.memref_squeeze %dma_wait3A_429 : memref<1x!tpu.dma_semaphore, #tpu.memory_space<semaphore_mem>> -> memref<!tpu.dma_semaphore, #tpu.memory_space<semaphore_mem>>
    %dma_wait3A_431 = arith.constant 0 : i32
    %dma_wait3A_432 = arith.constant 0 : i32
    %dma_wait3A_433 = arith.constant 0 : i32
    %dma_wait3A_434 = tpu.memref_slice %arg6[%dma_wait3A_419, %dma_wait3A_431, %dma_wait3A_432, %dma_wait3A_433] : memref<3x3x16x768xf32, #tpu.memory_space<vmem>> -> memref<1x2x16x768xf32, #tpu.memory_space<vmem>>
    %dma_wait3A_435 = tpu.memref_squeeze %dma_wait3A_434 : memref<1x2x16x768xf32, #tpu.memory_space<vmem>> -> memref<2x16x768xf32, #tpu.memory_space<vmem>>
    %dma_wait3A_436 = arith.constant 2 : i32
    %dma_wait3A_437 = arith.constant 0 : i32
    %dma_wait3A_438 = tpu.memref_slice %arg3[%dma_wait3A_436, %mul3A_32, %dma_wait3A_437] : memref<4x512x768xf32, #tpu.memory_space<hbm>> -> memref<2x16x768xf32, #tpu.memory_space<hbm>>
    tpu.wait_dma2 semaphore(%dma_wait3A_430 : memref<!tpu.dma_semaphore, #tpu.memory_space<semaphore_mem>>) src(%dma_wait3A_438 : memref<2x16x768xf32, #tpu.memory_space<hbm>>) dst(%dma_wait3A_435 : memref<2x16x768xf32, #tpu.memory_space<vmem>>)
    %dma_start3A_439 = arith.constant 2 : i32
    %dma_start3A_440 = arith.constant 2 : i32
    %dma_start3A_441 = arith.constant 0 : i32
    %dma_start3A_442 = arith.constant 0 : i32
    %dma_start3A_443 = arith.constant 0 : i32
    %dma_start3A_444 = tpu.memref_slice %arg6[%dma_start3A_439, %dma_start3A_441, %dma_start3A_442, %dma_start3A_443] : memref<3x3x16x768xf32, #tpu.memory_space<vmem>> -> memref<1x2x16x768xf32, #tpu.memory_space<vmem>>
    %dma_start3A_445 = tpu.memref_squeeze %dma_start3A_444 : memref<1x2x16x768xf32, #tpu.memory_space<vmem>> -> memref<2x16x768xf32, #tpu.memory_space<vmem>>
    %dma_start3A_446 = arith.constant 19 : i32
    %dma_start3A_447 = arith.constant 0 : i32
    %dma_start3A_448 = tpu.memref_slice %arg5[%dma_start3A_446, %mul3A_32, %dma_start3A_447] : memref<77x512x768xf32, #tpu.memory_space<hbm>> -> memref<2x16x768xf32, #tpu.memory_space<hbm>>
    %dma_start3A_449 = tpu.memref_slice %arg9[%dma_start3A_440] : memref<3x!tpu.dma_semaphore, #tpu.memory_space<semaphore_mem>> -> memref<1x!tpu.dma_semaphore, #tpu.memory_space<semaphore_mem>>
    %dma_start3A_450 = tpu.memref_squeeze %dma_start3A_449 : memref<1x!tpu.dma_semaphore, #tpu.memory_space<semaphore_mem>> -> memref<!tpu.dma_semaphore, #tpu.memory_space<semaphore_mem>>
    %dma_start3A_451 = arith.constant 19 : i32
    %dma_start3A_452 = arith.constant 0 : i32
    %dma_start3A_453 = tpu.memref_slice %arg5[%dma_start3A_451, %mul3A_32, %dma_start3A_452] : memref<77x512x768xf32, #tpu.memory_space<hbm>> -> memref<2x16x768xf32, #tpu.memory_space<hbm>>
    %dma_start3A_454 = arith.constant 0 : i32
    %dma_start3A_455 = arith.constant 0 : i32
    %dma_start3A_456 = arith.constant 0 : i32
    %dma_start3A_457 = tpu.memref_slice %arg6[%dma_start3A_439, %dma_start3A_454, %dma_start3A_455, %dma_start3A_456] : memref<3x3x16x768xf32, #tpu.memory_space<vmem>> -> memref<1x2x16x768xf32, #tpu.memory_space<vmem>>
    %dma_start3A_458 = tpu.memref_squeeze %dma_start3A_457 : memref<1x2x16x768xf32, #tpu.memory_space<vmem>> -> memref<2x16x768xf32, #tpu.memory_space<vmem>>
    tpu.enqueue_dma source(%dma_start3A_458 : memref<2x16x768xf32, #tpu.memory_space<vmem>>) target(%dma_start3A_453 : memref<2x16x768xf32, #tpu.memory_space<hbm>>) target_semaphore(%dma_start3A_450 : memref<!tpu.dma_semaphore, #tpu.memory_space<semaphore_mem>>)
    %dma_wait3A_459 = arith.constant 1 : i32
    %dma_wait3A_460 = arith.constant 1 : i32
    %dma_wait3A_461 = arith.constant 0 : i32
    %dma_wait3A_462 = arith.constant 0 : i32
    %dma_wait3A_463 = arith.constant 0 : i32
    %dma_wait3A_464 = tpu.memref_slice %arg6[%dma_wait3A_459, %dma_wait3A_461, %dma_wait3A_462, %dma_wait3A_463] : memref<3x3x16x768xf32, #tpu.memory_space<vmem>> -> memref<1x2x16x768xf32, #tpu.memory_space<vmem>>
    %dma_wait3A_465 = tpu.memref_squeeze %dma_wait3A_464 : memref<1x2x16x768xf32, #tpu.memory_space<vmem>> -> memref<2x16x768xf32, #tpu.memory_space<vmem>>
    %dma_wait3A_466 = arith.constant 17 : i32
    %dma_wait3A_467 = arith.constant 0 : i32
    %dma_wait3A_468 = tpu.memref_slice %arg5[%dma_wait3A_466, %mul3A_32, %dma_wait3A_467] : memref<77x512x768xf32, #tpu.memory_space<hbm>> -> memref<2x16x768xf32, #tpu.memory_space<hbm>>
    %dma_wait3A_469 = tpu.memref_slice %arg9[%dma_wait3A_460] : memref<3x!tpu.dma_semaphore, #tpu.memory_space<semaphore_mem>> -> memref<1x!tpu.dma_semaphore, #tpu.memory_space<semaphore_mem>>
    %dma_wait3A_470 = tpu.memref_squeeze %dma_wait3A_469 : memref<1x!tpu.dma_semaphore, #tpu.memory_space<semaphore_mem>> -> memref<!tpu.dma_semaphore, #tpu.memory_space<semaphore_mem>>
    %dma_wait3A_471 = arith.constant 17 : i32
    %dma_wait3A_472 = arith.constant 0 : i32
    %dma_wait3A_473 = tpu.memref_slice %arg5[%dma_wait3A_471, %mul3A_32, %dma_wait3A_472] : memref<77x512x768xf32, #tpu.memory_space<hbm>> -> memref<2x16x768xf32, #tpu.memory_space<hbm>>
    %dma_wait3A_474 = arith.constant 0 : i32
    %dma_wait3A_475 = arith.constant 0 : i32
    %dma_wait3A_476 = arith.constant 0 : i32
    %dma_wait3A_477 = tpu.memref_slice %arg6[%dma_wait3A_459, %dma_wait3A_474, %dma_wait3A_475, %dma_wait3A_476] : memref<3x3x16x768xf32, #tpu.memory_space<vmem>> -> memref<1x2x16x768xf32, #tpu.memory_space<vmem>>
    %dma_wait3A_478 = tpu.memref_squeeze %dma_wait3A_477 : memref<1x2x16x768xf32, #tpu.memory_space<vmem>> -> memref<2x16x768xf32, #tpu.memory_space<vmem>>
    tpu.wait_dma2 semaphore(%dma_wait3A_470 : memref<!tpu.dma_semaphore, #tpu.memory_space<semaphore_mem>>) src(%dma_wait3A_478 : memref<2x16x768xf32, #tpu.memory_space<vmem>>) dst(%dma_wait3A_473 : memref<2x16x768xf32, #tpu.memory_space<hbm>>)
    %dma_start3A_479 = arith.constant 1 : i32
    %dma_start3A_480 = arith.constant 1 : i32
    %dma_start3A_481 = arith.constant 0 : i32
    %dma_start3A_482 = arith.constant 0 : i32
    %dma_start3A_483 = arith.constant 0 : i32
    %dma_start3A_484 = tpu.memref_slice %arg6[%dma_start3A_479, %dma_start3A_481, %dma_start3A_482, %dma_start3A_483] : memref<3x3x16x768xf32, #tpu.memory_space<vmem>> -> memref<1x3x16x768xf32, #tpu.memory_space<vmem>>
    %dma_start3A_485 = tpu.memref_squeeze %dma_start3A_484 : memref<1x3x16x768xf32, #tpu.memory_space<vmem>> -> memref<3x16x768xf32, #tpu.memory_space<vmem>>
    %dma_start3A_486 = arith.constant 24 : i32
    %dma_start3A_487 = arith.constant 0 : i32
    %dma_start3A_488 = tpu.memref_slice %arg4[%dma_start3A_486, %mul3A_32, %dma_start3A_487] : memref<77x512x768xf32, #tpu.memory_space<hbm>> -> memref<3x16x768xf32, #tpu.memory_space<hbm>>
    %dma_start3A_489 = tpu.memref_slice %arg8[%dma_start3A_480] : memref<3x!tpu.dma_semaphore, #tpu.memory_space<semaphore_mem>> -> memref<1x!tpu.dma_semaphore, #tpu.memory_space<semaphore_mem>>
    %dma_start3A_490 = tpu.memref_squeeze %dma_start3A_489 : memref<1x!tpu.dma_semaphore, #tpu.memory_space<semaphore_mem>> -> memref<!tpu.dma_semaphore, #tpu.memory_space<semaphore_mem>>
    %dma_start3A_491 = arith.constant 0 : i32
    %dma_start3A_492 = arith.constant 0 : i32
    %dma_start3A_493 = arith.constant 0 : i32
    %dma_start3A_494 = tpu.memref_slice %arg6[%dma_start3A_479, %dma_start3A_491, %dma_start3A_492, %dma_start3A_493] : memref<3x3x16x768xf32, #tpu.memory_space<vmem>> -> memref<1x3x16x768xf32, #tpu.memory_space<vmem>>
    %dma_start3A_495 = tpu.memref_squeeze %dma_start3A_494 : memref<1x3x16x768xf32, #tpu.memory_space<vmem>> -> memref<3x16x768xf32, #tpu.memory_space<vmem>>
    %dma_start3A_496 = arith.constant 24 : i32
    %dma_start3A_497 = arith.constant 0 : i32
    %dma_start3A_498 = tpu.memref_slice %arg4[%dma_start3A_496, %mul3A_32, %dma_start3A_497] : memref<77x512x768xf32, #tpu.memory_space<hbm>> -> memref<3x16x768xf32, #tpu.memory_space<hbm>>
    tpu.enqueue_dma source(%dma_start3A_498 : memref<3x16x768xf32, #tpu.memory_space<hbm>>) target(%dma_start3A_495 : memref<3x16x768xf32, #tpu.memory_space<vmem>>) target_semaphore(%dma_start3A_490 : memref<!tpu.dma_semaphore, #tpu.memory_space<semaphore_mem>>)
    %dma_wait3A_499 = arith.constant 0 : i32
    %dma_wait3A_500 = arith.constant 0 : i32
    %dma_wait3A_501 = arith.constant 0 : i32
    %dma_wait3A_502 = arith.constant 0 : i32
    %dma_wait3A_503 = arith.constant 0 : i32
    %dma_wait3A_504 = tpu.memref_slice %arg6[%dma_wait3A_499, %dma_wait3A_501, %dma_wait3A_502, %dma_wait3A_503] : memref<3x3x16x768xf32, #tpu.memory_space<vmem>> -> memref<1x3x16x768xf32, #tpu.memory_space<vmem>>
    %dma_wait3A_505 = tpu.memref_squeeze %dma_wait3A_504 : memref<1x3x16x768xf32, #tpu.memory_space<vmem>> -> memref<3x16x768xf32, #tpu.memory_space<vmem>>
    %dma_wait3A_506 = arith.constant 21 : i32
    %dma_wait3A_507 = arith.constant 0 : i32
    %dma_wait3A_508 = tpu.memref_slice %arg4[%dma_wait3A_506, %mul3A_32, %dma_wait3A_507] : memref<77x512x768xf32, #tpu.memory_space<hbm>> -> memref<3x16x768xf32, #tpu.memory_space<hbm>>
    %dma_wait3A_509 = tpu.memref_slice %arg8[%dma_wait3A_500] : memref<3x!tpu.dma_semaphore, #tpu.memory_space<semaphore_mem>> -> memref<1x!tpu.dma_semaphore, #tpu.memory_space<semaphore_mem>>
    %dma_wait3A_510 = tpu.memref_squeeze %dma_wait3A_509 : memref<1x!tpu.dma_semaphore, #tpu.memory_space<semaphore_mem>> -> memref<!tpu.dma_semaphore, #tpu.memory_space<semaphore_mem>>
    %dma_wait3A_511 = arith.constant 0 : i32
    %dma_wait3A_512 = arith.constant 0 : i32
    %dma_wait3A_513 = arith.constant 0 : i32
    %dma_wait3A_514 = tpu.memref_slice %arg6[%dma_wait3A_499, %dma_wait3A_511, %dma_wait3A_512, %dma_wait3A_513] : memref<3x3x16x768xf32, #tpu.memory_space<vmem>> -> memref<1x3x16x768xf32, #tpu.memory_space<vmem>>
    %dma_wait3A_515 = tpu.memref_squeeze %dma_wait3A_514 : memref<1x3x16x768xf32, #tpu.memory_space<vmem>> -> memref<3x16x768xf32, #tpu.memory_space<vmem>>
    %dma_wait3A_516 = arith.constant 21 : i32
    %dma_wait3A_517 = arith.constant 0 : i32
    %dma_wait3A_518 = tpu.memref_slice %arg4[%dma_wait3A_516, %mul3A_32, %dma_wait3A_517] : memref<77x512x768xf32, #tpu.memory_space<hbm>> -> memref<3x16x768xf32, #tpu.memory_space<hbm>>
    tpu.wait_dma2 semaphore(%dma_wait3A_510 : memref<!tpu.dma_semaphore, #tpu.memory_space<semaphore_mem>>) src(%dma_wait3A_518 : memref<3x16x768xf32, #tpu.memory_space<hbm>>) dst(%dma_wait3A_515 : memref<3x16x768xf32, #tpu.memory_space<vmem>>)
    %dma_start3A_519 = arith.constant 0 : i32
    %dma_start3A_520 = arith.constant 0 : i32
    %dma_start3A_521 = arith.constant 0 : i32
    %dma_start3A_522 = arith.constant 0 : i32
    %dma_start3A_523 = arith.constant 0 : i32
    %dma_start3A_524 = tpu.memref_slice %arg6[%dma_start3A_519, %dma_start3A_521, %dma_start3A_522, %dma_start3A_523] : memref<3x3x16x768xf32, #tpu.memory_space<vmem>> -> memref<1x3x16x768xf32, #tpu.memory_space<vmem>>
    %dma_start3A_525 = tpu.memref_squeeze %dma_start3A_524 : memref<1x3x16x768xf32, #tpu.memory_space<vmem>> -> memref<3x16x768xf32, #tpu.memory_space<vmem>>
    %dma_start3A_526 = arith.constant 21 : i32
    %dma_start3A_527 = arith.constant 0 : i32
    %dma_start3A_528 = tpu.memref_slice %arg5[%dma_start3A_526, %mul3A_32, %dma_start3A_527] : memref<77x512x768xf32, #tpu.memory_space<hbm>> -> memref<3x16x768xf32, #tpu.memory_space<hbm>>
    %dma_start3A_529 = tpu.memref_slice %arg9[%dma_start3A_520] : memref<3x!tpu.dma_semaphore, #tpu.memory_space<semaphore_mem>> -> memref<1x!tpu.dma_semaphore, #tpu.memory_space<semaphore_mem>>
    %dma_start3A_530 = tpu.memref_squeeze %dma_start3A_529 : memref<1x!tpu.dma_semaphore, #tpu.memory_space<semaphore_mem>> -> memref<!tpu.dma_semaphore, #tpu.memory_space<semaphore_mem>>
    %dma_start3A_531 = arith.constant 21 : i32
    %dma_start3A_532 = arith.constant 0 : i32
    %dma_start3A_533 = tpu.memref_slice %arg5[%dma_start3A_531, %mul3A_32, %dma_start3A_532] : memref<77x512x768xf32, #tpu.memory_space<hbm>> -> memref<3x16x768xf32, #tpu.memory_space<hbm>>
    %dma_start3A_534 = arith.constant 0 : i32
    %dma_start3A_535 = arith.constant 0 : i32
    %dma_start3A_536 = arith.constant 0 : i32
    %dma_start3A_537 = tpu.memref_slice %arg6[%dma_start3A_519, %dma_start3A_534, %dma_start3A_535, %dma_start3A_536] : memref<3x3x16x768xf32, #tpu.memory_space<vmem>> -> memref<1x3x16x768xf32, #tpu.memory_space<vmem>>
    %dma_start3A_538 = tpu.memref_squeeze %dma_start3A_537 : memref<1x3x16x768xf32, #tpu.memory_space<vmem>> -> memref<3x16x768xf32, #tpu.memory_space<vmem>>
    tpu.enqueue_dma source(%dma_start3A_538 : memref<3x16x768xf32, #tpu.memory_space<vmem>>) target(%dma_start3A_533 : memref<3x16x768xf32, #tpu.memory_space<hbm>>) target_semaphore(%dma_start3A_530 : memref<!tpu.dma_semaphore, #tpu.memory_space<semaphore_mem>>)
    %dma_wait3A_539 = arith.constant 2 : i32
    %dma_wait3A_540 = arith.constant 2 : i32
    %dma_wait3A_541 = arith.constant 0 : i32
    %dma_wait3A_542 = arith.constant 0 : i32
    %dma_wait3A_543 = arith.constant 0 : i32
    %dma_wait3A_544 = tpu.memref_slice %arg6[%dma_wait3A_539, %dma_wait3A_541, %dma_wait3A_542, %dma_wait3A_543] : memref<3x3x16x768xf32, #tpu.memory_space<vmem>> -> memref<1x2x16x768xf32, #tpu.memory_space<vmem>>
    %dma_wait3A_545 = tpu.memref_squeeze %dma_wait3A_544 : memref<1x2x16x768xf32, #tpu.memory_space<vmem>> -> memref<2x16x768xf32, #tpu.memory_space<vmem>>
    %dma_wait3A_546 = arith.constant 19 : i32
    %dma_wait3A_547 = arith.constant 0 : i32
    %dma_wait3A_548 = tpu.memref_slice %arg5[%dma_wait3A_546, %mul3A_32, %dma_wait3A_547] : memref<77x512x768xf32, #tpu.memory_space<hbm>> -> memref<2x16x768xf32, #tpu.memory_space<hbm>>
    %dma_wait3A_549 = tpu.memref_slice %arg9[%dma_wait3A_540] : memref<3x!tpu.dma_semaphore, #tpu.memory_space<semaphore_mem>> -> memref<1x!tpu.dma_semaphore, #tpu.memory_space<semaphore_mem>>
    %dma_wait3A_550 = tpu.memref_squeeze %dma_wait3A_549 : memref<1x!tpu.dma_semaphore, #tpu.memory_space<semaphore_mem>> -> memref<!tpu.dma_semaphore, #tpu.memory_space<semaphore_mem>>
    %dma_wait3A_551 = arith.constant 19 : i32
    %dma_wait3A_552 = arith.constant 0 : i32
    %dma_wait3A_553 = tpu.memref_slice %arg5[%dma_wait3A_551, %mul3A_32, %dma_wait3A_552] : memref<77x512x768xf32, #tpu.memory_space<hbm>> -> memref<2x16x768xf32, #tpu.memory_space<hbm>>
    %dma_wait3A_554 = arith.constant 0 : i32
    %dma_wait3A_555 = arith.constant 0 : i32
    %dma_wait3A_556 = arith.constant 0 : i32
    %dma_wait3A_557 = tpu.memref_slice %arg6[%dma_wait3A_539, %dma_wait3A_554, %dma_wait3A_555, %dma_wait3A_556] : memref<3x3x16x768xf32, #tpu.memory_space<vmem>> -> memref<1x2x16x768xf32, #tpu.memory_space<vmem>>
    %dma_wait3A_558 = tpu.memref_squeeze %dma_wait3A_557 : memref<1x2x16x768xf32, #tpu.memory_space<vmem>> -> memref<2x16x768xf32, #tpu.memory_space<vmem>>
    tpu.wait_dma2 semaphore(%dma_wait3A_550 : memref<!tpu.dma_semaphore, #tpu.memory_space<semaphore_mem>>) src(%dma_wait3A_558 : memref<2x16x768xf32, #tpu.memory_space<vmem>>) dst(%dma_wait3A_553 : memref<2x16x768xf32, #tpu.memory_space<hbm>>)
    %dma_start3A_559 = arith.constant 2 : i32
    %dma_start3A_560 = arith.constant 2 : i32
    %dma_start3A_561 = arith.constant 0 : i32
    %dma_start3A_562 = arith.constant 0 : i32
    %dma_start3A_563 = arith.constant 0 : i32
    %dma_start3A_564 = tpu.memref_slice %arg6[%dma_start3A_559, %dma_start3A_561, %dma_start3A_562, %dma_start3A_563] : memref<3x3x16x768xf32, #tpu.memory_space<vmem>> -> memref<1x3x16x768xf32, #tpu.memory_space<vmem>>
    %dma_start3A_565 = tpu.memref_squeeze %dma_start3A_564 : memref<1x3x16x768xf32, #tpu.memory_space<vmem>> -> memref<3x16x768xf32, #tpu.memory_space<vmem>>
    %dma_start3A_566 = arith.constant 27 : i32
    %dma_start3A_567 = arith.constant 0 : i32
    %dma_start3A_568 = tpu.memref_slice %arg4[%dma_start3A_566, %mul3A_32, %dma_start3A_567] : memref<77x512x768xf32, #tpu.memory_space<hbm>> -> memref<3x16x768xf32, #tpu.memory_space<hbm>>
    %dma_start3A_569 = tpu.memref_slice %arg8[%dma_start3A_560] : memref<3x!tpu.dma_semaphore, #tpu.memory_space<semaphore_mem>> -> memref<1x!tpu.dma_semaphore, #tpu.memory_space<semaphore_mem>>
    %dma_start3A_570 = tpu.memref_squeeze %dma_start3A_569 : memref<1x!tpu.dma_semaphore, #tpu.memory_space<semaphore_mem>> -> memref<!tpu.dma_semaphore, #tpu.memory_space<semaphore_mem>>
    %dma_start3A_571 = arith.constant 0 : i32
    %dma_start3A_572 = arith.constant 0 : i32
    %dma_start3A_573 = arith.constant 0 : i32
    %dma_start3A_574 = tpu.memref_slice %arg6[%dma_start3A_559, %dma_start3A_571, %dma_start3A_572, %dma_start3A_573] : memref<3x3x16x768xf32, #tpu.memory_space<vmem>> -> memref<1x3x16x768xf32, #tpu.memory_space<vmem>>
    %dma_start3A_575 = tpu.memref_squeeze %dma_start3A_574 : memref<1x3x16x768xf32, #tpu.memory_space<vmem>> -> memref<3x16x768xf32, #tpu.memory_space<vmem>>
    %dma_start3A_576 = arith.constant 27 : i32
    %dma_start3A_577 = arith.constant 0 : i32
    %dma_start3A_578 = tpu.memref_slice %arg4[%dma_start3A_576, %mul3A_32, %dma_start3A_577] : memref<77x512x768xf32, #tpu.memory_space<hbm>> -> memref<3x16x768xf32, #tpu.memory_space<hbm>>
    tpu.enqueue_dma source(%dma_start3A_578 : memref<3x16x768xf32, #tpu.memory_space<hbm>>) target(%dma_start3A_575 : memref<3x16x768xf32, #tpu.memory_space<vmem>>) target_semaphore(%dma_start3A_570 : memref<!tpu.dma_semaphore, #tpu.memory_space<semaphore_mem>>)
    %dma_wait3A_579 = arith.constant 1 : i32
    %dma_wait3A_580 = arith.constant 1 : i32
    %dma_wait3A_581 = arith.constant 0 : i32
    %dma_wait3A_582 = arith.constant 0 : i32
    %dma_wait3A_583 = arith.constant 0 : i32
    %dma_wait3A_584 = tpu.memref_slice %arg6[%dma_wait3A_579, %dma_wait3A_581, %dma_wait3A_582, %dma_wait3A_583] : memref<3x3x16x768xf32, #tpu.memory_space<vmem>> -> memref<1x3x16x768xf32, #tpu.memory_space<vmem>>
    %dma_wait3A_585 = tpu.memref_squeeze %dma_wait3A_584 : memref<1x3x16x768xf32, #tpu.memory_space<vmem>> -> memref<3x16x768xf32, #tpu.memory_space<vmem>>
    %dma_wait3A_586 = arith.constant 24 : i32
    %dma_wait3A_587 = arith.constant 0 : i32
    %dma_wait3A_588 = tpu.memref_slice %arg4[%dma_wait3A_586, %mul3A_32, %dma_wait3A_587] : memref<77x512x768xf32, #tpu.memory_space<hbm>> -> memref<3x16x768xf32, #tpu.memory_space<hbm>>
    %dma_wait3A_589 = tpu.memref_slice %arg8[%dma_wait3A_580] : memref<3x!tpu.dma_semaphore, #tpu.memory_space<semaphore_mem>> -> memref<1x!tpu.dma_semaphore, #tpu.memory_space<semaphore_mem>>
    %dma_wait3A_590 = tpu.memref_squeeze %dma_wait3A_589 : memref<1x!tpu.dma_semaphore, #tpu.memory_space<semaphore_mem>> -> memref<!tpu.dma_semaphore, #tpu.memory_space<semaphore_mem>>
    %dma_wait3A_591 = arith.constant 0 : i32
    %dma_wait3A_592 = arith.constant 0 : i32
    %dma_wait3A_593 = arith.constant 0 : i32
    %dma_wait3A_594 = tpu.memref_slice %arg6[%dma_wait3A_579, %dma_wait3A_591, %dma_wait3A_592, %dma_wait3A_593] : memref<3x3x16x768xf32, #tpu.memory_space<vmem>> -> memref<1x3x16x768xf32, #tpu.memory_space<vmem>>
    %dma_wait3A_595 = tpu.memref_squeeze %dma_wait3A_594 : memref<1x3x16x768xf32, #tpu.memory_space<vmem>> -> memref<3x16x768xf32, #tpu.memory_space<vmem>>
    %dma_wait3A_596 = arith.constant 24 : i32
    %dma_wait3A_597 = arith.constant 0 : i32
    %dma_wait3A_598 = tpu.memref_slice %arg4[%dma_wait3A_596, %mul3A_32, %dma_wait3A_597] : memref<77x512x768xf32, #tpu.memory_space<hbm>> -> memref<3x16x768xf32, #tpu.memory_space<hbm>>
    tpu.wait_dma2 semaphore(%dma_wait3A_590 : memref<!tpu.dma_semaphore, #tpu.memory_space<semaphore_mem>>) src(%dma_wait3A_598 : memref<3x16x768xf32, #tpu.memory_space<hbm>>) dst(%dma_wait3A_595 : memref<3x16x768xf32, #tpu.memory_space<vmem>>)
    %dma_start3A_599 = arith.constant 1 : i32
    %dma_start3A_600 = arith.constant 1 : i32
    %dma_start3A_601 = arith.constant 0 : i32
    %dma_start3A_602 = arith.constant 0 : i32
    %dma_start3A_603 = arith.constant 0 : i32
    %dma_start3A_604 = tpu.memref_slice %arg6[%dma_start3A_599, %dma_start3A_601, %dma_start3A_602, %dma_start3A_603] : memref<3x3x16x768xf32, #tpu.memory_space<vmem>> -> memref<1x3x16x768xf32, #tpu.memory_space<vmem>>
    %dma_start3A_605 = tpu.memref_squeeze %dma_start3A_604 : memref<1x3x16x768xf32, #tpu.memory_space<vmem>> -> memref<3x16x768xf32, #tpu.memory_space<vmem>>
    %dma_start3A_606 = arith.constant 24 : i32
    %dma_start3A_607 = arith.constant 0 : i32
    %dma_start3A_608 = tpu.memref_slice %arg5[%dma_start3A_606, %mul3A_32, %dma_start3A_607] : memref<77x512x768xf32, #tpu.memory_space<hbm>> -> memref<3x16x768xf32, #tpu.memory_space<hbm>>
    %dma_start3A_609 = tpu.memref_slice %arg9[%dma_start3A_600] : memref<3x!tpu.dma_semaphore, #tpu.memory_space<semaphore_mem>> -> memref<1x!tpu.dma_semaphore, #tpu.memory_space<semaphore_mem>>
    %dma_start3A_610 = tpu.memref_squeeze %dma_start3A_609 : memref<1x!tpu.dma_semaphore, #tpu.memory_space<semaphore_mem>> -> memref<!tpu.dma_semaphore, #tpu.memory_space<semaphore_mem>>
    %dma_start3A_611 = arith.constant 24 : i32
    %dma_start3A_612 = arith.constant 0 : i32
    %dma_start3A_613 = tpu.memref_slice %arg5[%dma_start3A_611, %mul3A_32, %dma_start3A_612] : memref<77x512x768xf32, #tpu.memory_space<hbm>> -> memref<3x16x768xf32, #tpu.memory_space<hbm>>
    %dma_start3A_614 = arith.constant 0 : i32
    %dma_start3A_615 = arith.constant 0 : i32
    %dma_start3A_616 = arith.constant 0 : i32
    %dma_start3A_617 = tpu.memref_slice %arg6[%dma_start3A_599, %dma_start3A_614, %dma_start3A_615, %dma_start3A_616] : memref<3x3x16x768xf32, #tpu.memory_space<vmem>> -> memref<1x3x16x768xf32, #tpu.memory_space<vmem>>
    %dma_start3A_618 = tpu.memref_squeeze %dma_start3A_617 : memref<1x3x16x768xf32, #tpu.memory_space<vmem>> -> memref<3x16x768xf32, #tpu.memory_space<vmem>>
    tpu.enqueue_dma source(%dma_start3A_618 : memref<3x16x768xf32, #tpu.memory_space<vmem>>) target(%dma_start3A_613 : memref<3x16x768xf32, #tpu.memory_space<hbm>>) target_semaphore(%dma_start3A_610 : memref<!tpu.dma_semaphore, #tpu.memory_space<semaphore_mem>>)
    %dma_wait3A_619 = arith.constant 0 : i32
    %dma_wait3A_620 = arith.constant 0 : i32
    %dma_wait3A_621 = arith.constant 0 : i32
    %dma_wait3A_622 = arith.constant 0 : i32
    %dma_wait3A_623 = arith.constant 0 : i32
    %dma_wait3A_624 = tpu.memref_slice %arg6[%dma_wait3A_619, %dma_wait3A_621, %dma_wait3A_622, %dma_wait3A_623] : memref<3x3x16x768xf32, #tpu.memory_space<vmem>> -> memref<1x3x16x768xf32, #tpu.memory_space<vmem>>
    %dma_wait3A_625 = tpu.memref_squeeze %dma_wait3A_624 : memref<1x3x16x768xf32, #tpu.memory_space<vmem>> -> memref<3x16x768xf32, #tpu.memory_space<vmem>>
    %dma_wait3A_626 = arith.constant 21 : i32
    %dma_wait3A_627 = arith.constant 0 : i32
    %dma_wait3A_628 = tpu.memref_slice %arg5[%dma_wait3A_626, %mul3A_32, %dma_wait3A_627] : memref<77x512x768xf32, #tpu.memory_space<hbm>> -> memref<3x16x768xf32, #tpu.memory_space<hbm>>
    %dma_wait3A_629 = tpu.memref_slice %arg9[%dma_wait3A_620] : memref<3x!tpu.dma_semaphore, #tpu.memory_space<semaphore_mem>> -> memref<1x!tpu.dma_semaphore, #tpu.memory_space<semaphore_mem>>
    %dma_wait3A_630 = tpu.memref_squeeze %dma_wait3A_629 : memref<1x!tpu.dma_semaphore, #tpu.memory_space<semaphore_mem>> -> memref<!tpu.dma_semaphore, #tpu.memory_space<semaphore_mem>>
    %dma_wait3A_631 = arith.constant 21 : i32
    %dma_wait3A_632 = arith.constant 0 : i32
    %dma_wait3A_633 = tpu.memref_slice %arg5[%dma_wait3A_631, %mul3A_32, %dma_wait3A_632] : memref<77x512x768xf32, #tpu.memory_space<hbm>> -> memref<3x16x768xf32, #tpu.memory_space<hbm>>
    %dma_wait3A_634 = arith.constant 0 : i32
    %dma_wait3A_635 = arith.constant 0 : i32
    %dma_wait3A_636 = arith.constant 0 : i32
    %dma_wait3A_637 = tpu.memref_slice %arg6[%dma_wait3A_619, %dma_wait3A_634, %dma_wait3A_635, %dma_wait3A_636] : memref<3x3x16x768xf32, #tpu.memory_space<vmem>> -> memref<1x3x16x768xf32, #tpu.memory_space<vmem>>
    %dma_wait3A_638 = tpu.memref_squeeze %dma_wait3A_637 : memref<1x3x16x768xf32, #tpu.memory_space<vmem>> -> memref<3x16x768xf32, #tpu.memory_space<vmem>>
    tpu.wait_dma2 semaphore(%dma_wait3A_630 : memref<!tpu.dma_semaphore, #tpu.memory_space<semaphore_mem>>) src(%dma_wait3A_638 : memref<3x16x768xf32, #tpu.memory_space<vmem>>) dst(%dma_wait3A_633 : memref<3x16x768xf32, #tpu.memory_space<hbm>>)
    %dma_start3A_639 = arith.constant 0 : i32
    %dma_start3A_640 = arith.constant 0 : i32
    %dma_start3A_641 = arith.constant 0 : i32
    %dma_start3A_642 = arith.constant 0 : i32
    %dma_start3A_643 = arith.constant 0 : i32
    %dma_start3A_644 = tpu.memref_slice %arg6[%dma_start3A_639, %dma_start3A_641, %dma_start3A_642, %dma_start3A_643] : memref<3x3x16x768xf32, #tpu.memory_space<vmem>> -> memref<1x3x16x768xf32, #tpu.memory_space<vmem>>
    %dma_start3A_645 = tpu.memref_squeeze %dma_start3A_644 : memref<1x3x16x768xf32, #tpu.memory_space<vmem>> -> memref<3x16x768xf32, #tpu.memory_space<vmem>>
    %dma_start3A_646 = arith.constant 30 : i32
    %dma_start3A_647 = arith.constant 0 : i32
    %dma_start3A_648 = tpu.memref_slice %arg4[%dma_start3A_646, %mul3A_32, %dma_start3A_647] : memref<77x512x768xf32, #tpu.memory_space<hbm>> -> memref<3x16x768xf32, #tpu.memory_space<hbm>>
    %dma_start3A_649 = tpu.memref_slice %arg8[%dma_start3A_640] : memref<3x!tpu.dma_semaphore, #tpu.memory_space<semaphore_mem>> -> memref<1x!tpu.dma_semaphore, #tpu.memory_space<semaphore_mem>>
    %dma_start3A_650 = tpu.memref_squeeze %dma_start3A_649 : memref<1x!tpu.dma_semaphore, #tpu.memory_space<semaphore_mem>> -> memref<!tpu.dma_semaphore, #tpu.memory_space<semaphore_mem>>
    %dma_start3A_651 = arith.constant 0 : i32
    %dma_start3A_652 = arith.constant 0 : i32
    %dma_start3A_653 = arith.constant 0 : i32
    %dma_start3A_654 = tpu.memref_slice %arg6[%dma_start3A_639, %dma_start3A_651, %dma_start3A_652, %dma_start3A_653] : memref<3x3x16x768xf32, #tpu.memory_space<vmem>> -> memref<1x3x16x768xf32, #tpu.memory_space<vmem>>
    %dma_start3A_655 = tpu.memref_squeeze %dma_start3A_654 : memref<1x3x16x768xf32, #tpu.memory_space<vmem>> -> memref<3x16x768xf32, #tpu.memory_space<vmem>>
    %dma_start3A_656 = arith.constant 30 : i32
    %dma_start3A_657 = arith.constant 0 : i32
    %dma_start3A_658 = tpu.memref_slice %arg4[%dma_start3A_656, %mul3A_32, %dma_start3A_657] : memref<77x512x768xf32, #tpu.memory_space<hbm>> -> memref<3x16x768xf32, #tpu.memory_space<hbm>>
    tpu.enqueue_dma source(%dma_start3A_658 : memref<3x16x768xf32, #tpu.memory_space<hbm>>) target(%dma_start3A_655 : memref<3x16x768xf32, #tpu.memory_space<vmem>>) target_semaphore(%dma_start3A_650 : memref<!tpu.dma_semaphore, #tpu.memory_space<semaphore_mem>>)
    %dma_wait3A_659 = arith.constant 2 : i32
    %dma_wait3A_660 = arith.constant 2 : i32
    %dma_wait3A_661 = arith.constant 0 : i32
    %dma_wait3A_662 = arith.constant 0 : i32
    %dma_wait3A_663 = arith.constant 0 : i32
    %dma_wait3A_664 = tpu.memref_slice %arg6[%dma_wait3A_659, %dma_wait3A_661, %dma_wait3A_662, %dma_wait3A_663] : memref<3x3x16x768xf32, #tpu.memory_space<vmem>> -> memref<1x3x16x768xf32, #tpu.memory_space<vmem>>
    %dma_wait3A_665 = tpu.memref_squeeze %dma_wait3A_664 : memref<1x3x16x768xf32, #tpu.memory_space<vmem>> -> memref<3x16x768xf32, #tpu.memory_space<vmem>>
    %dma_wait3A_666 = arith.constant 27 : i32
    %dma_wait3A_667 = arith.constant 0 : i32
    %dma_wait3A_668 = tpu.memref_slice %arg4[%dma_wait3A_666, %mul3A_32, %dma_wait3A_667] : memref<77x512x768xf32, #tpu.memory_space<hbm>> -> memref<3x16x768xf32, #tpu.memory_space<hbm>>
    %dma_wait3A_669 = tpu.memref_slice %arg8[%dma_wait3A_660] : memref<3x!tpu.dma_semaphore, #tpu.memory_space<semaphore_mem>> -> memref<1x!tpu.dma_semaphore, #tpu.memory_space<semaphore_mem>>
    %dma_wait3A_670 = tpu.memref_squeeze %dma_wait3A_669 : memref<1x!tpu.dma_semaphore, #tpu.memory_space<semaphore_mem>> -> memref<!tpu.dma_semaphore, #tpu.memory_space<semaphore_mem>>
    %dma_wait3A_671 = arith.constant 0 : i32
    %dma_wait3A_672 = arith.constant 0 : i32
    %dma_wait3A_673 = arith.constant 0 : i32
    %dma_wait3A_674 = tpu.memref_slice %arg6[%dma_wait3A_659, %dma_wait3A_671, %dma_wait3A_672, %dma_wait3A_673] : memref<3x3x16x768xf32, #tpu.memory_space<vmem>> -> memref<1x3x16x768xf32, #tpu.memory_space<vmem>>
    %dma_wait3A_675 = tpu.memref_squeeze %dma_wait3A_674 : memref<1x3x16x768xf32, #tpu.memory_space<vmem>> -> memref<3x16x768xf32, #tpu.memory_space<vmem>>
    %dma_wait3A_676 = arith.constant 27 : i32
    %dma_wait3A_677 = arith.constant 0 : i32
    %dma_wait3A_678 = tpu.memref_slice %arg4[%dma_wait3A_676, %mul3A_32, %dma_wait3A_677] : memref<77x512x768xf32, #tpu.memory_space<hbm>> -> memref<3x16x768xf32, #tpu.memory_space<hbm>>
    tpu.wait_dma2 semaphore(%dma_wait3A_670 : memref<!tpu.dma_semaphore, #tpu.memory_space<semaphore_mem>>) src(%dma_wait3A_678 : memref<3x16x768xf32, #tpu.memory_space<hbm>>) dst(%dma_wait3A_675 : memref<3x16x768xf32, #tpu.memory_space<vmem>>)
    %dma_start3A_679 = arith.constant 2 : i32
    %dma_start3A_680 = arith.constant 2 : i32
    %dma_start3A_681 = arith.constant 0 : i32
    %dma_start3A_682 = arith.constant 0 : i32
    %dma_start3A_683 = arith.constant 0 : i32
    %dma_start3A_684 = tpu.memref_slice %arg6[%dma_start3A_679, %dma_start3A_681, %dma_start3A_682, %dma_start3A_683] : memref<3x3x16x768xf32, #tpu.memory_space<vmem>> -> memref<1x3x16x768xf32, #tpu.memory_space<vmem>>
    %dma_start3A_685 = tpu.memref_squeeze %dma_start3A_684 : memref<1x3x16x768xf32, #tpu.memory_space<vmem>> -> memref<3x16x768xf32, #tpu.memory_space<vmem>>
    %dma_start3A_686 = arith.constant 27 : i32
    %dma_start3A_687 = arith.constant 0 : i32
    %dma_start3A_688 = tpu.memref_slice %arg5[%dma_start3A_686, %mul3A_32, %dma_start3A_687] : memref<77x512x768xf32, #tpu.memory_space<hbm>> -> memref<3x16x768xf32, #tpu.memory_space<hbm>>
    %dma_start3A_689 = tpu.memref_slice %arg9[%dma_start3A_680] : memref<3x!tpu.dma_semaphore, #tpu.memory_space<semaphore_mem>> -> memref<1x!tpu.dma_semaphore, #tpu.memory_space<semaphore_mem>>
    %dma_start3A_690 = tpu.memref_squeeze %dma_start3A_689 : memref<1x!tpu.dma_semaphore, #tpu.memory_space<semaphore_mem>> -> memref<!tpu.dma_semaphore, #tpu.memory_space<semaphore_mem>>
    %dma_start3A_691 = arith.constant 27 : i32
    %dma_start3A_692 = arith.constant 0 : i32
    %dma_start3A_693 = tpu.memref_slice %arg5[%dma_start3A_691, %mul3A_32, %dma_start3A_692] : memref<77x512x768xf32, #tpu.memory_space<hbm>> -> memref<3x16x768xf32, #tpu.memory_space<hbm>>
    %dma_start3A_694 = arith.constant 0 : i32
    %dma_start3A_695 = arith.constant 0 : i32
    %dma_start3A_696 = arith.constant 0 : i32
    %dma_start3A_697 = tpu.memref_slice %arg6[%dma_start3A_679, %dma_start3A_694, %dma_start3A_695, %dma_start3A_696] : memref<3x3x16x768xf32, #tpu.memory_space<vmem>> -> memref<1x3x16x768xf32, #tpu.memory_space<vmem>>
    %dma_start3A_698 = tpu.memref_squeeze %dma_start3A_697 : memref<1x3x16x768xf32, #tpu.memory_space<vmem>> -> memref<3x16x768xf32, #tpu.memory_space<vmem>>
    tpu.enqueue_dma source(%dma_start3A_698 : memref<3x16x768xf32, #tpu.memory_space<vmem>>) target(%dma_start3A_693 : memref<3x16x768xf32, #tpu.memory_space<hbm>>) target_semaphore(%dma_start3A_690 : memref<!tpu.dma_semaphore, #tpu.memory_space<semaphore_mem>>)
    %dma_wait3A_699 = arith.constant 1 : i32
    %dma_wait3A_700 = arith.constant 1 : i32
    %dma_wait3A_701 = arith.constant 0 : i32
    %dma_wait3A_702 = arith.constant 0 : i32
    %dma_wait3A_703 = arith.constant 0 : i32
    %dma_wait3A_704 = tpu.memref_slice %arg6[%dma_wait3A_699, %dma_wait3A_701, %dma_wait3A_702, %dma_wait3A_703] : memref<3x3x16x768xf32, #tpu.memory_space<vmem>> -> memref<1x3x16x768xf32, #tpu.memory_space<vmem>>
    %dma_wait3A_705 = tpu.memref_squeeze %dma_wait3A_704 : memref<1x3x16x768xf32, #tpu.memory_space<vmem>> -> memref<3x16x768xf32, #tpu.memory_space<vmem>>
    %dma_wait3A_706 = arith.constant 24 : i32
    %dma_wait3A_707 = arith.constant 0 : i32
    %dma_wait3A_708 = tpu.memref_slice %arg5[%dma_wait3A_706, %mul3A_32, %dma_wait3A_707] : memref<77x512x768xf32, #tpu.memory_space<hbm>> -> memref<3x16x768xf32, #tpu.memory_space<hbm>>
    %dma_wait3A_709 = tpu.memref_slice %arg9[%dma_wait3A_700] : memref<3x!tpu.dma_semaphore, #tpu.memory_space<semaphore_mem>> -> memref<1x!tpu.dma_semaphore, #tpu.memory_space<semaphore_mem>>
    %dma_wait3A_710 = tpu.memref_squeeze %dma_wait3A_709 : memref<1x!tpu.dma_semaphore, #tpu.memory_space<semaphore_mem>> -> memref<!tpu.dma_semaphore, #tpu.memory_space<semaphore_mem>>
    %dma_wait3A_711 = arith.constant 24 : i32
    %dma_wait3A_712 = arith.constant 0 : i32
    %dma_wait3A_713 = tpu.memref_slice %arg5[%dma_wait3A_711, %mul3A_32, %dma_wait3A_712] : memref<77x512x768xf32, #tpu.memory_space<hbm>> -> memref<3x16x768xf32, #tpu.memory_space<hbm>>
    %dma_wait3A_714 = arith.constant 0 : i32
    %dma_wait3A_715 = arith.constant 0 : i32
    %dma_wait3A_716 = arith.constant 0 : i32
    %dma_wait3A_717 = tpu.memref_slice %arg6[%dma_wait3A_699, %dma_wait3A_714, %dma_wait3A_715, %dma_wait3A_716] : memref<3x3x16x768xf32, #tpu.memory_space<vmem>> -> memref<1x3x16x768xf32, #tpu.memory_space<vmem>>
    %dma_wait3A_718 = tpu.memref_squeeze %dma_wait3A_717 : memref<1x3x16x768xf32, #tpu.memory_space<vmem>> -> memref<3x16x768xf32, #tpu.memory_space<vmem>>
    tpu.wait_dma2 semaphore(%dma_wait3A_710 : memref<!tpu.dma_semaphore, #tpu.memory_space<semaphore_mem>>) src(%dma_wait3A_718 : memref<3x16x768xf32, #tpu.memory_space<vmem>>) dst(%dma_wait3A_713 : memref<3x16x768xf32, #tpu.memory_space<hbm>>)
    %dma_start3A_719 = arith.constant 1 : i32
    %dma_start3A_720 = arith.constant 1 : i32
    %dma_start3A_721 = arith.constant 0 : i32
    %dma_start3A_722 = arith.constant 0 : i32
    %dma_start3A_723 = arith.constant 0 : i32
    %dma_start3A_724 = tpu.memref_slice %arg6[%dma_start3A_719, %dma_start3A_721, %dma_start3A_722, %dma_start3A_723] : memref<3x3x16x768xf32, #tpu.memory_space<vmem>> -> memref<1x3x16x768xf32, #tpu.memory_space<vmem>>
    %dma_start3A_725 = tpu.memref_squeeze %dma_start3A_724 : memref<1x3x16x768xf32, #tpu.memory_space<vmem>> -> memref<3x16x768xf32, #tpu.memory_space<vmem>>
    %dma_start3A_726 = arith.constant 33 : i32
    %dma_start3A_727 = arith.constant 0 : i32
    %dma_start3A_728 = tpu.memref_slice %arg4[%dma_start3A_726, %mul3A_32, %dma_start3A_727] : memref<77x512x768xf32, #tpu.memory_space<hbm>> -> memref<3x16x768xf32, #tpu.memory_space<hbm>>
    %dma_start3A_729 = tpu.memref_slice %arg8[%dma_start3A_720] : memref<3x!tpu.dma_semaphore, #tpu.memory_space<semaphore_mem>> -> memref<1x!tpu.dma_semaphore, #tpu.memory_space<semaphore_mem>>
    %dma_start3A_730 = tpu.memref_squeeze %dma_start3A_729 : memref<1x!tpu.dma_semaphore, #tpu.memory_space<semaphore_mem>> -> memref<!tpu.dma_semaphore, #tpu.memory_space<semaphore_mem>>
    %dma_start3A_731 = arith.constant 0 : i32
    %dma_start3A_732 = arith.constant 0 : i32
    %dma_start3A_733 = arith.constant 0 : i32
    %dma_start3A_734 = tpu.memref_slice %arg6[%dma_start3A_719, %dma_start3A_731, %dma_start3A_732, %dma_start3A_733] : memref<3x3x16x768xf32, #tpu.memory_space<vmem>> -> memref<1x3x16x768xf32, #tpu.memory_space<vmem>>
    %dma_start3A_735 = tpu.memref_squeeze %dma_start3A_734 : memref<1x3x16x768xf32, #tpu.memory_space<vmem>> -> memref<3x16x768xf32, #tpu.memory_space<vmem>>
    %dma_start3A_736 = arith.constant 33 : i32
    %dma_start3A_737 = arith.constant 0 : i32
    %dma_start3A_738 = tpu.memref_slice %arg4[%dma_start3A_736, %mul3A_32, %dma_start3A_737] : memref<77x512x768xf32, #tpu.memory_space<hbm>> -> memref<3x16x768xf32, #tpu.memory_space<hbm>>
    tpu.enqueue_dma source(%dma_start3A_738 : memref<3x16x768xf32, #tpu.memory_space<hbm>>) target(%dma_start3A_735 : memref<3x16x768xf32, #tpu.memory_space<vmem>>) target_semaphore(%dma_start3A_730 : memref<!tpu.dma_semaphore, #tpu.memory_space<semaphore_mem>>)
    %dma_wait3A_739 = arith.constant 0 : i32
    %dma_wait3A_740 = arith.constant 0 : i32
    %dma_wait3A_741 = arith.constant 0 : i32
    %dma_wait3A_742 = arith.constant 0 : i32
    %dma_wait3A_743 = arith.constant 0 : i32
    %dma_wait3A_744 = tpu.memref_slice %arg6[%dma_wait3A_739, %dma_wait3A_741, %dma_wait3A_742, %dma_wait3A_743] : memref<3x3x16x768xf32, #tpu.memory_space<vmem>> -> memref<1x3x16x768xf32, #tpu.memory_space<vmem>>
    %dma_wait3A_745 = tpu.memref_squeeze %dma_wait3A_744 : memref<1x3x16x768xf32, #tpu.memory_space<vmem>> -> memref<3x16x768xf32, #tpu.memory_space<vmem>>
    %dma_wait3A_746 = arith.constant 30 : i32
    %dma_wait3A_747 = arith.constant 0 : i32
    %dma_wait3A_748 = tpu.memref_slice %arg4[%dma_wait3A_746, %mul3A_32, %dma_wait3A_747] : memref<77x512x768xf32, #tpu.memory_space<hbm>> -> memref<3x16x768xf32, #tpu.memory_space<hbm>>
    %dma_wait3A_749 = tpu.memref_slice %arg8[%dma_wait3A_740] : memref<3x!tpu.dma_semaphore, #tpu.memory_space<semaphore_mem>> -> memref<1x!tpu.dma_semaphore, #tpu.memory_space<semaphore_mem>>
    %dma_wait3A_750 = tpu.memref_squeeze %dma_wait3A_749 : memref<1x!tpu.dma_semaphore, #tpu.memory_space<semaphore_mem>> -> memref<!tpu.dma_semaphore, #tpu.memory_space<semaphore_mem>>
    %dma_wait3A_751 = arith.constant 0 : i32
    %dma_wait3A_752 = arith.constant 0 : i32
    %dma_wait3A_753 = arith.constant 0 : i32
    %dma_wait3A_754 = tpu.memref_slice %arg6[%dma_wait3A_739, %dma_wait3A_751, %dma_wait3A_752, %dma_wait3A_753] : memref<3x3x16x768xf32, #tpu.memory_space<vmem>> -> memref<1x3x16x768xf32, #tpu.memory_space<vmem>>
    %dma_wait3A_755 = tpu.memref_squeeze %dma_wait3A_754 : memref<1x3x16x768xf32, #tpu.memory_space<vmem>> -> memref<3x16x768xf32, #tpu.memory_space<vmem>>
    %dma_wait3A_756 = arith.constant 30 : i32
    %dma_wait3A_757 = arith.constant 0 : i32
    %dma_wait3A_758 = tpu.memref_slice %arg4[%dma_wait3A_756, %mul3A_32, %dma_wait3A_757] : memref<77x512x768xf32, #tpu.memory_space<hbm>> -> memref<3x16x768xf32, #tpu.memory_space<hbm>>
    tpu.wait_dma2 semaphore(%dma_wait3A_750 : memref<!tpu.dma_semaphore, #tpu.memory_space<semaphore_mem>>) src(%dma_wait3A_758 : memref<3x16x768xf32, #tpu.memory_space<hbm>>) dst(%dma_wait3A_755 : memref<3x16x768xf32, #tpu.memory_space<vmem>>)
    %dma_start3A_759 = arith.constant 0 : i32
    %dma_start3A_760 = arith.constant 0 : i32
    %dma_start3A_761 = arith.constant 0 : i32
    %dma_start3A_762 = arith.constant 0 : i32
    %dma_start3A_763 = arith.constant 0 : i32
    %dma_start3A_764 = tpu.memref_slice %arg6[%dma_start3A_759, %dma_start3A_761, %dma_start3A_762, %dma_start3A_763] : memref<3x3x16x768xf32, #tpu.memory_space<vmem>> -> memref<1x3x16x768xf32, #tpu.memory_space<vmem>>
    %dma_start3A_765 = tpu.memref_squeeze %dma_start3A_764 : memref<1x3x16x768xf32, #tpu.memory_space<vmem>> -> memref<3x16x768xf32, #tpu.memory_space<vmem>>
    %dma_start3A_766 = arith.constant 30 : i32
    %dma_start3A_767 = arith.constant 0 : i32
    %dma_start3A_768 = tpu.memref_slice %arg5[%dma_start3A_766, %mul3A_32, %dma_start3A_767] : memref<77x512x768xf32, #tpu.memory_space<hbm>> -> memref<3x16x768xf32, #tpu.memory_space<hbm>>
    %dma_start3A_769 = tpu.memref_slice %arg9[%dma_start3A_760] : memref<3x!tpu.dma_semaphore, #tpu.memory_space<semaphore_mem>> -> memref<1x!tpu.dma_semaphore, #tpu.memory_space<semaphore_mem>>
    %dma_start3A_770 = tpu.memref_squeeze %dma_start3A_769 : memref<1x!tpu.dma_semaphore, #tpu.memory_space<semaphore_mem>> -> memref<!tpu.dma_semaphore, #tpu.memory_space<semaphore_mem>>
    %dma_start3A_771 = arith.constant 30 : i32
    %dma_start3A_772 = arith.constant 0 : i32
    %dma_start3A_773 = tpu.memref_slice %arg5[%dma_start3A_771, %mul3A_32, %dma_start3A_772] : memref<77x512x768xf32, #tpu.memory_space<hbm>> -> memref<3x16x768xf32, #tpu.memory_space<hbm>>
    %dma_start3A_774 = arith.constant 0 : i32
    %dma_start3A_775 = arith.constant 0 : i32
    %dma_start3A_776 = arith.constant 0 : i32
    %dma_start3A_777 = tpu.memref_slice %arg6[%dma_start3A_759, %dma_start3A_774, %dma_start3A_775, %dma_start3A_776] : memref<3x3x16x768xf32, #tpu.memory_space<vmem>> -> memref<1x3x16x768xf32, #tpu.memory_space<vmem>>
    %dma_start3A_778 = tpu.memref_squeeze %dma_start3A_777 : memref<1x3x16x768xf32, #tpu.memory_space<vmem>> -> memref<3x16x768xf32, #tpu.memory_space<vmem>>
    tpu.enqueue_dma source(%dma_start3A_778 : memref<3x16x768xf32, #tpu.memory_space<vmem>>) target(%dma_start3A_773 : memref<3x16x768xf32, #tpu.memory_space<hbm>>) target_semaphore(%dma_start3A_770 : memref<!tpu.dma_semaphore, #tpu.memory_space<semaphore_mem>>)
    %dma_wait3A_779 = arith.constant 2 : i32
    %dma_wait3A_780 = arith.constant 2 : i32
    %dma_wait3A_781 = arith.constant 0 : i32
    %dma_wait3A_782 = arith.constant 0 : i32
    %dma_wait3A_783 = arith.constant 0 : i32
    %dma_wait3A_784 = tpu.memref_slice %arg6[%dma_wait3A_779, %dma_wait3A_781, %dma_wait3A_782, %dma_wait3A_783] : memref<3x3x16x768xf32, #tpu.memory_space<vmem>> -> memref<1x3x16x768xf32, #tpu.memory_space<vmem>>
    %dma_wait3A_785 = tpu.memref_squeeze %dma_wait3A_784 : memref<1x3x16x768xf32, #tpu.memory_space<vmem>> -> memref<3x16x768xf32, #tpu.memory_space<vmem>>
    %dma_wait3A_786 = arith.constant 27 : i32
    %dma_wait3A_787 = arith.constant 0 : i32
    %dma_wait3A_788 = tpu.memref_slice %arg5[%dma_wait3A_786, %mul3A_32, %dma_wait3A_787] : memref<77x512x768xf32, #tpu.memory_space<hbm>> -> memref<3x16x768xf32, #tpu.memory_space<hbm>>
    %dma_wait3A_789 = tpu.memref_slice %arg9[%dma_wait3A_780] : memref<3x!tpu.dma_semaphore, #tpu.memory_space<semaphore_mem>> -> memref<1x!tpu.dma_semaphore, #tpu.memory_space<semaphore_mem>>
    %dma_wait3A_790 = tpu.memref_squeeze %dma_wait3A_789 : memref<1x!tpu.dma_semaphore, #tpu.memory_space<semaphore_mem>> -> memref<!tpu.dma_semaphore, #tpu.memory_space<semaphore_mem>>
    %dma_wait3A_791 = arith.constant 27 : i32
    %dma_wait3A_792 = arith.constant 0 : i32
    %dma_wait3A_793 = tpu.memref_slice %arg5[%dma_wait3A_791, %mul3A_32, %dma_wait3A_792] : memref<77x512x768xf32, #tpu.memory_space<hbm>> -> memref<3x16x768xf32, #tpu.memory_space<hbm>>
    %dma_wait3A_794 = arith.constant 0 : i32
    %dma_wait3A_795 = arith.constant 0 : i32
    %dma_wait3A_796 = arith.constant 0 : i32
    %dma_wait3A_797 = tpu.memref_slice %arg6[%dma_wait3A_779, %dma_wait3A_794, %dma_wait3A_795, %dma_wait3A_796] : memref<3x3x16x768xf32, #tpu.memory_space<vmem>> -> memref<1x3x16x768xf32, #tpu.memory_space<vmem>>
    %dma_wait3A_798 = tpu.memref_squeeze %dma_wait3A_797 : memref<1x3x16x768xf32, #tpu.memory_space<vmem>> -> memref<3x16x768xf32, #tpu.memory_space<vmem>>
    tpu.wait_dma2 semaphore(%dma_wait3A_790 : memref<!tpu.dma_semaphore, #tpu.memory_space<semaphore_mem>>) src(%dma_wait3A_798 : memref<3x16x768xf32, #tpu.memory_space<vmem>>) dst(%dma_wait3A_793 : memref<3x16x768xf32, #tpu.memory_space<hbm>>)
    %dma_start3A_799 = arith.constant 2 : i32
    %dma_start3A_800 = arith.constant 2 : i32
    %dma_start3A_801 = arith.constant 0 : i32
    %dma_start3A_802 = arith.constant 0 : i32
    %dma_start3A_803 = arith.constant 0 : i32
    %dma_start3A_804 = tpu.memref_slice %arg6[%dma_start3A_799, %dma_start3A_801, %dma_start3A_802, %dma_start3A_803] : memref<3x3x16x768xf32, #tpu.memory_space<vmem>> -> memref<1x3x16x768xf32, #tpu.memory_space<vmem>>
    %dma_start3A_805 = tpu.memref_squeeze %dma_start3A_804 : memref<1x3x16x768xf32, #tpu.memory_space<vmem>> -> memref<3x16x768xf32, #tpu.memory_space<vmem>>
    %dma_start3A_806 = arith.constant 36 : i32
    %dma_start3A_807 = arith.constant 0 : i32
    %dma_start3A_808 = tpu.memref_slice %arg4[%dma_start3A_806, %mul3A_32, %dma_start3A_807] : memref<77x512x768xf32, #tpu.memory_space<hbm>> -> memref<3x16x768xf32, #tpu.memory_space<hbm>>
    %dma_start3A_809 = tpu.memref_slice %arg8[%dma_start3A_800] : memref<3x!tpu.dma_semaphore, #tpu.memory_space<semaphore_mem>> -> memref<1x!tpu.dma_semaphore, #tpu.memory_space<semaphore_mem>>
    %dma_start3A_810 = tpu.memref_squeeze %dma_start3A_809 : memref<1x!tpu.dma_semaphore, #tpu.memory_space<semaphore_mem>> -> memref<!tpu.dma_semaphore, #tpu.memory_space<semaphore_mem>>
    %dma_start3A_811 = arith.constant 0 : i32
    %dma_start3A_812 = arith.constant 0 : i32
    %dma_start3A_813 = arith.constant 0 : i32
    %dma_start3A_814 = tpu.memref_slice %arg6[%dma_start3A_799, %dma_start3A_811, %dma_start3A_812, %dma_start3A_813] : memref<3x3x16x768xf32, #tpu.memory_space<vmem>> -> memref<1x3x16x768xf32, #tpu.memory_space<vmem>>
    %dma_start3A_815 = tpu.memref_squeeze %dma_start3A_814 : memref<1x3x16x768xf32, #tpu.memory_space<vmem>> -> memref<3x16x768xf32, #tpu.memory_space<vmem>>
    %dma_start3A_816 = arith.constant 36 : i32
    %dma_start3A_817 = arith.constant 0 : i32
    %dma_start3A_818 = tpu.memref_slice %arg4[%dma_start3A_816, %mul3A_32, %dma_start3A_817] : memref<77x512x768xf32, #tpu.memory_space<hbm>> -> memref<3x16x768xf32, #tpu.memory_space<hbm>>
    tpu.enqueue_dma source(%dma_start3A_818 : memref<3x16x768xf32, #tpu.memory_space<hbm>>) target(%dma_start3A_815 : memref<3x16x768xf32, #tpu.memory_space<vmem>>) target_semaphore(%dma_start3A_810 : memref<!tpu.dma_semaphore, #tpu.memory_space<semaphore_mem>>)
    %dma_wait3A_819 = arith.constant 1 : i32
    %dma_wait3A_820 = arith.constant 1 : i32
    %dma_wait3A_821 = arith.constant 0 : i32
    %dma_wait3A_822 = arith.constant 0 : i32
    %dma_wait3A_823 = arith.constant 0 : i32
    %dma_wait3A_824 = tpu.memref_slice %arg6[%dma_wait3A_819, %dma_wait3A_821, %dma_wait3A_822, %dma_wait3A_823] : memref<3x3x16x768xf32, #tpu.memory_space<vmem>> -> memref<1x3x16x768xf32, #tpu.memory_space<vmem>>
    %dma_wait3A_825 = tpu.memref_squeeze %dma_wait3A_824 : memref<1x3x16x768xf32, #tpu.memory_space<vmem>> -> memref<3x16x768xf32, #tpu.memory_space<vmem>>
    %dma_wait3A_826 = arith.constant 33 : i32
    %dma_wait3A_827 = arith.constant 0 : i32
    %dma_wait3A_828 = tpu.memref_slice %arg4[%dma_wait3A_826, %mul3A_32, %dma_wait3A_827] : memref<77x512x768xf32, #tpu.memory_space<hbm>> -> memref<3x16x768xf32, #tpu.memory_space<hbm>>
    %dma_wait3A_829 = tpu.memref_slice %arg8[%dma_wait3A_820] : memref<3x!tpu.dma_semaphore, #tpu.memory_space<semaphore_mem>> -> memref<1x!tpu.dma_semaphore, #tpu.memory_space<semaphore_mem>>
    %dma_wait3A_830 = tpu.memref_squeeze %dma_wait3A_829 : memref<1x!tpu.dma_semaphore, #tpu.memory_space<semaphore_mem>> -> memref<!tpu.dma_semaphore, #tpu.memory_space<semaphore_mem>>
    %dma_wait3A_831 = arith.constant 0 : i32
    %dma_wait3A_832 = arith.constant 0 : i32
    %dma_wait3A_833 = arith.constant 0 : i32
    %dma_wait3A_834 = tpu.memref_slice %arg6[%dma_wait3A_819, %dma_wait3A_831, %dma_wait3A_832, %dma_wait3A_833] : memref<3x3x16x768xf32, #tpu.memory_space<vmem>> -> memref<1x3x16x768xf32, #tpu.memory_space<vmem>>
    %dma_wait3A_835 = tpu.memref_squeeze %dma_wait3A_834 : memref<1x3x16x768xf32, #tpu.memory_space<vmem>> -> memref<3x16x768xf32, #tpu.memory_space<vmem>>
    %dma_wait3A_836 = arith.constant 33 : i32
    %dma_wait3A_837 = arith.constant 0 : i32
    %dma_wait3A_838 = tpu.memref_slice %arg4[%dma_wait3A_836, %mul3A_32, %dma_wait3A_837] : memref<77x512x768xf32, #tpu.memory_space<hbm>> -> memref<3x16x768xf32, #tpu.memory_space<hbm>>
    tpu.wait_dma2 semaphore(%dma_wait3A_830 : memref<!tpu.dma_semaphore, #tpu.memory_space<semaphore_mem>>) src(%dma_wait3A_838 : memref<3x16x768xf32, #tpu.memory_space<hbm>>) dst(%dma_wait3A_835 : memref<3x16x768xf32, #tpu.memory_space<vmem>>)
    %dma_start3A_839 = arith.constant 1 : i32
    %dma_start3A_840 = arith.constant 1 : i32
    %dma_start3A_841 = arith.constant 0 : i32
    %dma_start3A_842 = arith.constant 0 : i32
    %dma_start3A_843 = arith.constant 0 : i32
    %dma_start3A_844 = tpu.memref_slice %arg6[%dma_start3A_839, %dma_start3A_841, %dma_start3A_842, %dma_start3A_843] : memref<3x3x16x768xf32, #tpu.memory_space<vmem>> -> memref<1x3x16x768xf32, #tpu.memory_space<vmem>>
    %dma_start3A_845 = tpu.memref_squeeze %dma_start3A_844 : memref<1x3x16x768xf32, #tpu.memory_space<vmem>> -> memref<3x16x768xf32, #tpu.memory_space<vmem>>
    %dma_start3A_846 = arith.constant 33 : i32
    %dma_start3A_847 = arith.constant 0 : i32
    %dma_start3A_848 = tpu.memref_slice %arg5[%dma_start3A_846, %mul3A_32, %dma_start3A_847] : memref<77x512x768xf32, #tpu.memory_space<hbm>> -> memref<3x16x768xf32, #tpu.memory_space<hbm>>
    %dma_start3A_849 = tpu.memref_slice %arg9[%dma_start3A_840] : memref<3x!tpu.dma_semaphore, #tpu.memory_space<semaphore_mem>> -> memref<1x!tpu.dma_semaphore, #tpu.memory_space<semaphore_mem>>
    %dma_start3A_850 = tpu.memref_squeeze %dma_start3A_849 : memref<1x!tpu.dma_semaphore, #tpu.memory_space<semaphore_mem>> -> memref<!tpu.dma_semaphore, #tpu.memory_space<semaphore_mem>>
    %dma_start3A_851 = arith.constant 33 : i32
    %dma_start3A_852 = arith.constant 0 : i32
    %dma_start3A_853 = tpu.memref_slice %arg5[%dma_start3A_851, %mul3A_32, %dma_start3A_852] : memref<77x512x768xf32, #tpu.memory_space<hbm>> -> memref<3x16x768xf32, #tpu.memory_space<hbm>>
    %dma_start3A_854 = arith.constant 0 : i32
    %dma_start3A_855 = arith.constant 0 : i32
    %dma_start3A_856 = arith.constant 0 : i32
    %dma_start3A_857 = tpu.memref_slice %arg6[%dma_start3A_839, %dma_start3A_854, %dma_start3A_855, %dma_start3A_856] : memref<3x3x16x768xf32, #tpu.memory_space<vmem>> -> memref<1x3x16x768xf32, #tpu.memory_space<vmem>>
    %dma_start3A_858 = tpu.memref_squeeze %dma_start3A_857 : memref<1x3x16x768xf32, #tpu.memory_space<vmem>> -> memref<3x16x768xf32, #tpu.memory_space<vmem>>
    tpu.enqueue_dma source(%dma_start3A_858 : memref<3x16x768xf32, #tpu.memory_space<vmem>>) target(%dma_start3A_853 : memref<3x16x768xf32, #tpu.memory_space<hbm>>) target_semaphore(%dma_start3A_850 : memref<!tpu.dma_semaphore, #tpu.memory_space<semaphore_mem>>)
    %dma_wait3A_859 = arith.constant 0 : i32
    %dma_wait3A_860 = arith.constant 0 : i32
    %dma_wait3A_861 = arith.constant 0 : i32
    %dma_wait3A_862 = arith.constant 0 : i32
    %dma_wait3A_863 = arith.constant 0 : i32
    %dma_wait3A_864 = tpu.memref_slice %arg6[%dma_wait3A_859, %dma_wait3A_861, %dma_wait3A_862, %dma_wait3A_863] : memref<3x3x16x768xf32, #tpu.memory_space<vmem>> -> memref<1x3x16x768xf32, #tpu.memory_space<vmem>>
    %dma_wait3A_865 = tpu.memref_squeeze %dma_wait3A_864 : memref<1x3x16x768xf32, #tpu.memory_space<vmem>> -> memref<3x16x768xf32, #tpu.memory_space<vmem>>
    %dma_wait3A_866 = arith.constant 30 : i32
    %dma_wait3A_867 = arith.constant 0 : i32
    %dma_wait3A_868 = tpu.memref_slice %arg5[%dma_wait3A_866, %mul3A_32, %dma_wait3A_867] : memref<77x512x768xf32, #tpu.memory_space<hbm>> -> memref<3x16x768xf32, #tpu.memory_space<hbm>>
    %dma_wait3A_869 = tpu.memref_slice %arg9[%dma_wait3A_860] : memref<3x!tpu.dma_semaphore, #tpu.memory_space<semaphore_mem>> -> memref<1x!tpu.dma_semaphore, #tpu.memory_space<semaphore_mem>>
    %dma_wait3A_870 = tpu.memref_squeeze %dma_wait3A_869 : memref<1x!tpu.dma_semaphore, #tpu.memory_space<semaphore_mem>> -> memref<!tpu.dma_semaphore, #tpu.memory_space<semaphore_mem>>
    %dma_wait3A_871 = arith.constant 30 : i32
    %dma_wait3A_872 = arith.constant 0 : i32
    %dma_wait3A_873 = tpu.memref_slice %arg5[%dma_wait3A_871, %mul3A_32, %dma_wait3A_872] : memref<77x512x768xf32, #tpu.memory_space<hbm>> -> memref<3x16x768xf32, #tpu.memory_space<hbm>>
    %dma_wait3A_874 = arith.constant 0 : i32
    %dma_wait3A_875 = arith.constant 0 : i32
    %dma_wait3A_876 = arith.constant 0 : i32
    %dma_wait3A_877 = tpu.memref_slice %arg6[%dma_wait3A_859, %dma_wait3A_874, %dma_wait3A_875, %dma_wait3A_876] : memref<3x3x16x768xf32, #tpu.memory_space<vmem>> -> memref<1x3x16x768xf32, #tpu.memory_space<vmem>>
    %dma_wait3A_878 = tpu.memref_squeeze %dma_wait3A_877 : memref<1x3x16x768xf32, #tpu.memory_space<vmem>> -> memref<3x16x768xf32, #tpu.memory_space<vmem>>
    tpu.wait_dma2 semaphore(%dma_wait3A_870 : memref<!tpu.dma_semaphore, #tpu.memory_space<semaphore_mem>>) src(%dma_wait3A_878 : memref<3x16x768xf32, #tpu.memory_space<vmem>>) dst(%dma_wait3A_873 : memref<3x16x768xf32, #tpu.memory_space<hbm>>)
    %dma_start3A_879 = arith.constant 0 : i32
    %dma_start3A_880 = arith.constant 0 : i32
    %dma_start3A_881 = arith.constant 0 : i32
    %dma_start3A_882 = arith.constant 0 : i32
    %dma_start3A_883 = arith.constant 0 : i32
    %dma_start3A_884 = tpu.memref_slice %arg6[%dma_start3A_879, %dma_start3A_881, %dma_start3A_882, %dma_start3A_883] : memref<3x3x16x768xf32, #tpu.memory_space<vmem>> -> memref<1x3x16x768xf32, #tpu.memory_space<vmem>>
    %dma_start3A_885 = tpu.memref_squeeze %dma_start3A_884 : memref<1x3x16x768xf32, #tpu.memory_space<vmem>> -> memref<3x16x768xf32, #tpu.memory_space<vmem>>
    %dma_start3A_886 = arith.constant 39 : i32
    %dma_start3A_887 = arith.constant 0 : i32
    %dma_start3A_888 = tpu.memref_slice %arg4[%dma_start3A_886, %mul3A_32, %dma_start3A_887] : memref<77x512x768xf32, #tpu.memory_space<hbm>> -> memref<3x16x768xf32, #tpu.memory_space<hbm>>
    %dma_start3A_889 = tpu.memref_slice %arg8[%dma_start3A_880] : memref<3x!tpu.dma_semaphore, #tpu.memory_space<semaphore_mem>> -> memref<1x!tpu.dma_semaphore, #tpu.memory_space<semaphore_mem>>
    %dma_start3A_890 = tpu.memref_squeeze %dma_start3A_889 : memref<1x!tpu.dma_semaphore, #tpu.memory_space<semaphore_mem>> -> memref<!tpu.dma_semaphore, #tpu.memory_space<semaphore_mem>>
    %dma_start3A_891 = arith.constant 0 : i32
    %dma_start3A_892 = arith.constant 0 : i32
    %dma_start3A_893 = arith.constant 0 : i32
    %dma_start3A_894 = tpu.memref_slice %arg6[%dma_start3A_879, %dma_start3A_891, %dma_start3A_892, %dma_start3A_893] : memref<3x3x16x768xf32, #tpu.memory_space<vmem>> -> memref<1x3x16x768xf32, #tpu.memory_space<vmem>>
    %dma_start3A_895 = tpu.memref_squeeze %dma_start3A_894 : memref<1x3x16x768xf32, #tpu.memory_space<vmem>> -> memref<3x16x768xf32, #tpu.memory_space<vmem>>
    %dma_start3A_896 = arith.constant 39 : i32
    %dma_start3A_897 = arith.constant 0 : i32
    %dma_start3A_898 = tpu.memref_slice %arg4[%dma_start3A_896, %mul3A_32, %dma_start3A_897] : memref<77x512x768xf32, #tpu.memory_space<hbm>> -> memref<3x16x768xf32, #tpu.memory_space<hbm>>
    tpu.enqueue_dma source(%dma_start3A_898 : memref<3x16x768xf32, #tpu.memory_space<hbm>>) target(%dma_start3A_895 : memref<3x16x768xf32, #tpu.memory_space<vmem>>) target_semaphore(%dma_start3A_890 : memref<!tpu.dma_semaphore, #tpu.memory_space<semaphore_mem>>)
    %dma_wait3A_899 = arith.constant 2 : i32
    %dma_wait3A_900 = arith.constant 2 : i32
    %dma_wait3A_901 = arith.constant 0 : i32
    %dma_wait3A_902 = arith.constant 0 : i32
    %dma_wait3A_903 = arith.constant 0 : i32
    %dma_wait3A_904 = tpu.memref_slice %arg6[%dma_wait3A_899, %dma_wait3A_901, %dma_wait3A_902, %dma_wait3A_903] : memref<3x3x16x768xf32, #tpu.memory_space<vmem>> -> memref<1x3x16x768xf32, #tpu.memory_space<vmem>>
    %dma_wait3A_905 = tpu.memref_squeeze %dma_wait3A_904 : memref<1x3x16x768xf32, #tpu.memory_space<vmem>> -> memref<3x16x768xf32, #tpu.memory_space<vmem>>
    %dma_wait3A_906 = arith.constant 36 : i32
    %dma_wait3A_907 = arith.constant 0 : i32
    %dma_wait3A_908 = tpu.memref_slice %arg4[%dma_wait3A_906, %mul3A_32, %dma_wait3A_907] : memref<77x512x768xf32, #tpu.memory_space<hbm>> -> memref<3x16x768xf32, #tpu.memory_space<hbm>>
    %dma_wait3A_909 = tpu.memref_slice %arg8[%dma_wait3A_900] : memref<3x!tpu.dma_semaphore, #tpu.memory_space<semaphore_mem>> -> memref<1x!tpu.dma_semaphore, #tpu.memory_space<semaphore_mem>>
    %dma_wait3A_910 = tpu.memref_squeeze %dma_wait3A_909 : memref<1x!tpu.dma_semaphore, #tpu.memory_space<semaphore_mem>> -> memref<!tpu.dma_semaphore, #tpu.memory_space<semaphore_mem>>
    %dma_wait3A_911 = arith.constant 0 : i32
    %dma_wait3A_912 = arith.constant 0 : i32
    %dma_wait3A_913 = arith.constant 0 : i32
    %dma_wait3A_914 = tpu.memref_slice %arg6[%dma_wait3A_899, %dma_wait3A_911, %dma_wait3A_912, %dma_wait3A_913] : memref<3x3x16x768xf32, #tpu.memory_space<vmem>> -> memref<1x3x16x768xf32, #tpu.memory_space<vmem>>
    %dma_wait3A_915 = tpu.memref_squeeze %dma_wait3A_914 : memref<1x3x16x768xf32, #tpu.memory_space<vmem>> -> memref<3x16x768xf32, #tpu.memory_space<vmem>>
    %dma_wait3A_916 = arith.constant 36 : i32
    %dma_wait3A_917 = arith.constant 0 : i32
    %dma_wait3A_918 = tpu.memref_slice %arg4[%dma_wait3A_916, %mul3A_32, %dma_wait3A_917] : memref<77x512x768xf32, #tpu.memory_space<hbm>> -> memref<3x16x768xf32, #tpu.memory_space<hbm>>
    tpu.wait_dma2 semaphore(%dma_wait3A_910 : memref<!tpu.dma_semaphore, #tpu.memory_space<semaphore_mem>>) src(%dma_wait3A_918 : memref<3x16x768xf32, #tpu.memory_space<hbm>>) dst(%dma_wait3A_915 : memref<3x16x768xf32, #tpu.memory_space<vmem>>)
    %dma_start3A_919 = arith.constant 2 : i32
    %dma_start3A_920 = arith.constant 2 : i32
    %dma_start3A_921 = arith.constant 0 : i32
    %dma_start3A_922 = arith.constant 0 : i32
    %dma_start3A_923 = arith.constant 0 : i32
    %dma_start3A_924 = tpu.memref_slice %arg6[%dma_start3A_919, %dma_start3A_921, %dma_start3A_922, %dma_start3A_923] : memref<3x3x16x768xf32, #tpu.memory_space<vmem>> -> memref<1x3x16x768xf32, #tpu.memory_space<vmem>>
    %dma_start3A_925 = tpu.memref_squeeze %dma_start3A_924 : memref<1x3x16x768xf32, #tpu.memory_space<vmem>> -> memref<3x16x768xf32, #tpu.memory_space<vmem>>
    %dma_start3A_926 = arith.constant 36 : i32
    %dma_start3A_927 = arith.constant 0 : i32
    %dma_start3A_928 = tpu.memref_slice %arg5[%dma_start3A_926, %mul3A_32, %dma_start3A_927] : memref<77x512x768xf32, #tpu.memory_space<hbm>> -> memref<3x16x768xf32, #tpu.memory_space<hbm>>
    %dma_start3A_929 = tpu.memref_slice %arg9[%dma_start3A_920] : memref<3x!tpu.dma_semaphore, #tpu.memory_space<semaphore_mem>> -> memref<1x!tpu.dma_semaphore, #tpu.memory_space<semaphore_mem>>
    %dma_start3A_930 = tpu.memref_squeeze %dma_start3A_929 : memref<1x!tpu.dma_semaphore, #tpu.memory_space<semaphore_mem>> -> memref<!tpu.dma_semaphore, #tpu.memory_space<semaphore_mem>>
    %dma_start3A_931 = arith.constant 36 : i32
    %dma_start3A_932 = arith.constant 0 : i32
    %dma_start3A_933 = tpu.memref_slice %arg5[%dma_start3A_931, %mul3A_32, %dma_start3A_932] : memref<77x512x768xf32, #tpu.memory_space<hbm>> -> memref<3x16x768xf32, #tpu.memory_space<hbm>>
    %dma_start3A_934 = arith.constant 0 : i32
    %dma_start3A_935 = arith.constant 0 : i32
    %dma_start3A_936 = arith.constant 0 : i32
    %dma_start3A_937 = tpu.memref_slice %arg6[%dma_start3A_919, %dma_start3A_934, %dma_start3A_935, %dma_start3A_936] : memref<3x3x16x768xf32, #tpu.memory_space<vmem>> -> memref<1x3x16x768xf32, #tpu.memory_space<vmem>>
    %dma_start3A_938 = tpu.memref_squeeze %dma_start3A_937 : memref<1x3x16x768xf32, #tpu.memory_space<vmem>> -> memref<3x16x768xf32, #tpu.memory_space<vmem>>
    tpu.enqueue_dma source(%dma_start3A_938 : memref<3x16x768xf32, #tpu.memory_space<vmem>>) target(%dma_start3A_933 : memref<3x16x768xf32, #tpu.memory_space<hbm>>) target_semaphore(%dma_start3A_930 : memref<!tpu.dma_semaphore, #tpu.memory_space<semaphore_mem>>)
    %dma_wait3A_939 = arith.constant 1 : i32
    %dma_wait3A_940 = arith.constant 1 : i32
    %dma_wait3A_941 = arith.constant 0 : i32
    %dma_wait3A_942 = arith.constant 0 : i32
    %dma_wait3A_943 = arith.constant 0 : i32
    %dma_wait3A_944 = tpu.memref_slice %arg6[%dma_wait3A_939, %dma_wait3A_941, %dma_wait3A_942, %dma_wait3A_943] : memref<3x3x16x768xf32, #tpu.memory_space<vmem>> -> memref<1x3x16x768xf32, #tpu.memory_space<vmem>>
    %dma_wait3A_945 = tpu.memref_squeeze %dma_wait3A_944 : memref<1x3x16x768xf32, #tpu.memory_space<vmem>> -> memref<3x16x768xf32, #tpu.memory_space<vmem>>
    %dma_wait3A_946 = arith.constant 33 : i32
    %dma_wait3A_947 = arith.constant 0 : i32
    %dma_wait3A_948 = tpu.memref_slice %arg5[%dma_wait3A_946, %mul3A_32, %dma_wait3A_947] : memref<77x512x768xf32, #tpu.memory_space<hbm>> -> memref<3x16x768xf32, #tpu.memory_space<hbm>>
    %dma_wait3A_949 = tpu.memref_slice %arg9[%dma_wait3A_940] : memref<3x!tpu.dma_semaphore, #tpu.memory_space<semaphore_mem>> -> memref<1x!tpu.dma_semaphore, #tpu.memory_space<semaphore_mem>>
    %dma_wait3A_950 = tpu.memref_squeeze %dma_wait3A_949 : memref<1x!tpu.dma_semaphore, #tpu.memory_space<semaphore_mem>> -> memref<!tpu.dma_semaphore, #tpu.memory_space<semaphore_mem>>
    %dma_wait3A_951 = arith.constant 33 : i32
    %dma_wait3A_952 = arith.constant 0 : i32
    %dma_wait3A_953 = tpu.memref_slice %arg5[%dma_wait3A_951, %mul3A_32, %dma_wait3A_952] : memref<77x512x768xf32, #tpu.memory_space<hbm>> -> memref<3x16x768xf32, #tpu.memory_space<hbm>>
    %dma_wait3A_954 = arith.constant 0 : i32
    %dma_wait3A_955 = arith.constant 0 : i32
    %dma_wait3A_956 = arith.constant 0 : i32
    %dma_wait3A_957 = tpu.memref_slice %arg6[%dma_wait3A_939, %dma_wait3A_954, %dma_wait3A_955, %dma_wait3A_956] : memref<3x3x16x768xf32, #tpu.memory_space<vmem>> -> memref<1x3x16x768xf32, #tpu.memory_space<vmem>>
    %dma_wait3A_958 = tpu.memref_squeeze %dma_wait3A_957 : memref<1x3x16x768xf32, #tpu.memory_space<vmem>> -> memref<3x16x768xf32, #tpu.memory_space<vmem>>
    tpu.wait_dma2 semaphore(%dma_wait3A_950 : memref<!tpu.dma_semaphore, #tpu.memory_space<semaphore_mem>>) src(%dma_wait3A_958 : memref<3x16x768xf32, #tpu.memory_space<vmem>>) dst(%dma_wait3A_953 : memref<3x16x768xf32, #tpu.memory_space<hbm>>)
    %dma_start3A_959 = arith.constant 1 : i32
    %dma_start3A_960 = arith.constant 1 : i32
    %dma_start3A_961 = arith.constant 0 : i32
    %dma_start3A_962 = arith.constant 0 : i32
    %dma_start3A_963 = arith.constant 0 : i32
    %dma_start3A_964 = tpu.memref_slice %arg6[%dma_start3A_959, %dma_start3A_961, %dma_start3A_962, %dma_start3A_963] : memref<3x3x16x768xf32, #tpu.memory_space<vmem>> -> memref<1x3x16x768xf32, #tpu.memory_space<vmem>>
    %dma_start3A_965 = tpu.memref_squeeze %dma_start3A_964 : memref<1x3x16x768xf32, #tpu.memory_space<vmem>> -> memref<3x16x768xf32, #tpu.memory_space<vmem>>
    %dma_start3A_966 = arith.constant 42 : i32
    %dma_start3A_967 = arith.constant 0 : i32
    %dma_start3A_968 = tpu.memref_slice %arg4[%dma_start3A_966, %mul3A_32, %dma_start3A_967] : memref<77x512x768xf32, #tpu.memory_space<hbm>> -> memref<3x16x768xf32, #tpu.memory_space<hbm>>
    %dma_start3A_969 = tpu.memref_slice %arg8[%dma_start3A_960] : memref<3x!tpu.dma_semaphore, #tpu.memory_space<semaphore_mem>> -> memref<1x!tpu.dma_semaphore, #tpu.memory_space<semaphore_mem>>
    %dma_start3A_970 = tpu.memref_squeeze %dma_start3A_969 : memref<1x!tpu.dma_semaphore, #tpu.memory_space<semaphore_mem>> -> memref<!tpu.dma_semaphore, #tpu.memory_space<semaphore_mem>>
    %dma_start3A_971 = arith.constant 0 : i32
    %dma_start3A_972 = arith.constant 0 : i32
    %dma_start3A_973 = arith.constant 0 : i32
    %dma_start3A_974 = tpu.memref_slice %arg6[%dma_start3A_959, %dma_start3A_971, %dma_start3A_972, %dma_start3A_973] : memref<3x3x16x768xf32, #tpu.memory_space<vmem>> -> memref<1x3x16x768xf32, #tpu.memory_space<vmem>>
    %dma_start3A_975 = tpu.memref_squeeze %dma_start3A_974 : memref<1x3x16x768xf32, #tpu.memory_space<vmem>> -> memref<3x16x768xf32, #tpu.memory_space<vmem>>
    %dma_start3A_976 = arith.constant 42 : i32
    %dma_start3A_977 = arith.constant 0 : i32
    %dma_start3A_978 = tpu.memref_slice %arg4[%dma_start3A_976, %mul3A_32, %dma_start3A_977] : memref<77x512x768xf32, #tpu.memory_space<hbm>> -> memref<3x16x768xf32, #tpu.memory_space<hbm>>
    tpu.enqueue_dma source(%dma_start3A_978 : memref<3x16x768xf32, #tpu.memory_space<hbm>>) target(%dma_start3A_975 : memref<3x16x768xf32, #tpu.memory_space<vmem>>) target_semaphore(%dma_start3A_970 : memref<!tpu.dma_semaphore, #tpu.memory_space<semaphore_mem>>)
    %dma_wait3A_979 = arith.constant 0 : i32
    %dma_wait3A_980 = arith.constant 0 : i32
    %dma_wait3A_981 = arith.constant 0 : i32
    %dma_wait3A_982 = arith.constant 0 : i32
    %dma_wait3A_983 = arith.constant 0 : i32
    %dma_wait3A_984 = tpu.memref_slice %arg6[%dma_wait3A_979, %dma_wait3A_981, %dma_wait3A_982, %dma_wait3A_983] : memref<3x3x16x768xf32, #tpu.memory_space<vmem>> -> memref<1x3x16x768xf32, #tpu.memory_space<vmem>>
    %dma_wait3A_985 = tpu.memref_squeeze %dma_wait3A_984 : memref<1x3x16x768xf32, #tpu.memory_space<vmem>> -> memref<3x16x768xf32, #tpu.memory_space<vmem>>
    %dma_wait3A_986 = arith.constant 39 : i32
    %dma_wait3A_987 = arith.constant 0 : i32
    %dma_wait3A_988 = tpu.memref_slice %arg4[%dma_wait3A_986, %mul3A_32, %dma_wait3A_987] : memref<77x512x768xf32, #tpu.memory_space<hbm>> -> memref<3x16x768xf32, #tpu.memory_space<hbm>>
    %dma_wait3A_989 = tpu.memref_slice %arg8[%dma_wait3A_980] : memref<3x!tpu.dma_semaphore, #tpu.memory_space<semaphore_mem>> -> memref<1x!tpu.dma_semaphore, #tpu.memory_space<semaphore_mem>>
    %dma_wait3A_990 = tpu.memref_squeeze %dma_wait3A_989 : memref<1x!tpu.dma_semaphore, #tpu.memory_space<semaphore_mem>> -> memref<!tpu.dma_semaphore, #tpu.memory_space<semaphore_mem>>
    %dma_wait3A_991 = arith.constant 0 : i32
    %dma_wait3A_992 = arith.constant 0 : i32
    %dma_wait3A_993 = arith.constant 0 : i32
    %dma_wait3A_994 = tpu.memref_slice %arg6[%dma_wait3A_979, %dma_wait3A_991, %dma_wait3A_992, %dma_wait3A_993] : memref<3x3x16x768xf32, #tpu.memory_space<vmem>> -> memref<1x3x16x768xf32, #tpu.memory_space<vmem>>
    %dma_wait3A_995 = tpu.memref_squeeze %dma_wait3A_994 : memref<1x3x16x768xf32, #tpu.memory_space<vmem>> -> memref<3x16x768xf32, #tpu.memory_space<vmem>>
    %dma_wait3A_996 = arith.constant 39 : i32
    %dma_wait3A_997 = arith.constant 0 : i32
    %dma_wait3A_998 = tpu.memref_slice %arg4[%dma_wait3A_996, %mul3A_32, %dma_wait3A_997] : memref<77x512x768xf32, #tpu.memory_space<hbm>> -> memref<3x16x768xf32, #tpu.memory_space<hbm>>
    tpu.wait_dma2 semaphore(%dma_wait3A_990 : memref<!tpu.dma_semaphore, #tpu.memory_space<semaphore_mem>>) src(%dma_wait3A_998 : memref<3x16x768xf32, #tpu.memory_space<hbm>>) dst(%dma_wait3A_995 : memref<3x16x768xf32, #tpu.memory_space<vmem>>)
    %dma_start3A_999 = arith.constant 0 : i32
    %dma_start3A_1000 = arith.constant 0 : i32
    %dma_start3A_1001 = arith.constant 0 : i32
    %dma_start3A_1002 = arith.constant 0 : i32
    %dma_start3A_1003 = arith.constant 0 : i32
    %dma_start3A_1004 = tpu.memref_slice %arg6[%dma_start3A_999, %dma_start3A_1001, %dma_start3A_1002, %dma_start3A_1003] : memref<3x3x16x768xf32, #tpu.memory_space<vmem>> -> memref<1x3x16x768xf32, #tpu.memory_space<vmem>>
    %dma_start3A_1005 = tpu.memref_squeeze %dma_start3A_1004 : memref<1x3x16x768xf32, #tpu.memory_space<vmem>> -> memref<3x16x768xf32, #tpu.memory_space<vmem>>
    %dma_start3A_1006 = arith.constant 39 : i32
    %dma_start3A_1007 = arith.constant 0 : i32
    %dma_start3A_1008 = tpu.memref_slice %arg5[%dma_start3A_1006, %mul3A_32, %dma_start3A_1007] : memref<77x512x768xf32, #tpu.memory_space<hbm>> -> memref<3x16x768xf32, #tpu.memory_space<hbm>>
    %dma_start3A_1009 = tpu.memref_slice %arg9[%dma_start3A_1000] : memref<3x!tpu.dma_semaphore, #tpu.memory_space<semaphore_mem>> -> memref<1x!tpu.dma_semaphore, #tpu.memory_space<semaphore_mem>>
    %dma_start3A_1010 = tpu.memref_squeeze %dma_start3A_1009 : memref<1x!tpu.dma_semaphore, #tpu.memory_space<semaphore_mem>> -> memref<!tpu.dma_semaphore, #tpu.memory_space<semaphore_mem>>
    %dma_start3A_1011 = arith.constant 39 : i32
    %dma_start3A_1012 = arith.constant 0 : i32
    %dma_start3A_1013 = tpu.memref_slice %arg5[%dma_start3A_1011, %mul3A_32, %dma_start3A_1012] : memref<77x512x768xf32, #tpu.memory_space<hbm>> -> memref<3x16x768xf32, #tpu.memory_space<hbm>>
    %dma_start3A_1014 = arith.constant 0 : i32
    %dma_start3A_1015 = arith.constant 0 : i32
    %dma_start3A_1016 = arith.constant 0 : i32
    %dma_start3A_1017 = tpu.memref_slice %arg6[%dma_start3A_999, %dma_start3A_1014, %dma_start3A_1015, %dma_start3A_1016] : memref<3x3x16x768xf32, #tpu.memory_space<vmem>> -> memref<1x3x16x768xf32, #tpu.memory_space<vmem>>
    %dma_start3A_1018 = tpu.memref_squeeze %dma_start3A_1017 : memref<1x3x16x768xf32, #tpu.memory_space<vmem>> -> memref<3x16x768xf32, #tpu.memory_space<vmem>>
    tpu.enqueue_dma source(%dma_start3A_1018 : memref<3x16x768xf32, #tpu.memory_space<vmem>>) target(%dma_start3A_1013 : memref<3x16x768xf32, #tpu.memory_space<hbm>>) target_semaphore(%dma_start3A_1010 : memref<!tpu.dma_semaphore, #tpu.memory_space<semaphore_mem>>)
    %dma_wait3A_1019 = arith.constant 2 : i32
    %dma_wait3A_1020 = arith.constant 2 : i32
    %dma_wait3A_1021 = arith.constant 0 : i32
    %dma_wait3A_1022 = arith.constant 0 : i32
    %dma_wait3A_1023 = arith.constant 0 : i32
    %dma_wait3A_1024 = tpu.memref_slice %arg6[%dma_wait3A_1019, %dma_wait3A_1021, %dma_wait3A_1022, %dma_wait3A_1023] : memref<3x3x16x768xf32, #tpu.memory_space<vmem>> -> memref<1x3x16x768xf32, #tpu.memory_space<vmem>>
    %dma_wait3A_1025 = tpu.memref_squeeze %dma_wait3A_1024 : memref<1x3x16x768xf32, #tpu.memory_space<vmem>> -> memref<3x16x768xf32, #tpu.memory_space<vmem>>
    %dma_wait3A_1026 = arith.constant 36 : i32
    %dma_wait3A_1027 = arith.constant 0 : i32
    %dma_wait3A_1028 = tpu.memref_slice %arg5[%dma_wait3A_1026, %mul3A_32, %dma_wait3A_1027] : memref<77x512x768xf32, #tpu.memory_space<hbm>> -> memref<3x16x768xf32, #tpu.memory_space<hbm>>
    %dma_wait3A_1029 = tpu.memref_slice %arg9[%dma_wait3A_1020] : memref<3x!tpu.dma_semaphore, #tpu.memory_space<semaphore_mem>> -> memref<1x!tpu.dma_semaphore, #tpu.memory_space<semaphore_mem>>
    %dma_wait3A_1030 = tpu.memref_squeeze %dma_wait3A_1029 : memref<1x!tpu.dma_semaphore, #tpu.memory_space<semaphore_mem>> -> memref<!tpu.dma_semaphore, #tpu.memory_space<semaphore_mem>>
    %dma_wait3A_1031 = arith.constant 36 : i32
    %dma_wait3A_1032 = arith.constant 0 : i32
    %dma_wait3A_1033 = tpu.memref_slice %arg5[%dma_wait3A_1031, %mul3A_32, %dma_wait3A_1032] : memref<77x512x768xf32, #tpu.memory_space<hbm>> -> memref<3x16x768xf32, #tpu.memory_space<hbm>>
    %dma_wait3A_1034 = arith.constant 0 : i32
    %dma_wait3A_1035 = arith.constant 0 : i32
    %dma_wait3A_1036 = arith.constant 0 : i32
    %dma_wait3A_1037 = tpu.memref_slice %arg6[%dma_wait3A_1019, %dma_wait3A_1034, %dma_wait3A_1035, %dma_wait3A_1036] : memref<3x3x16x768xf32, #tpu.memory_space<vmem>> -> memref<1x3x16x768xf32, #tpu.memory_space<vmem>>
    %dma_wait3A_1038 = tpu.memref_squeeze %dma_wait3A_1037 : memref<1x3x16x768xf32, #tpu.memory_space<vmem>> -> memref<3x16x768xf32, #tpu.memory_space<vmem>>
    tpu.wait_dma2 semaphore(%dma_wait3A_1030 : memref<!tpu.dma_semaphore, #tpu.memory_space<semaphore_mem>>) src(%dma_wait3A_1038 : memref<3x16x768xf32, #tpu.memory_space<vmem>>) dst(%dma_wait3A_1033 : memref<3x16x768xf32, #tpu.memory_space<hbm>>)
    %dma_start3A_1039 = arith.constant 2 : i32
    %dma_start3A_1040 = arith.constant 2 : i32
    %dma_start3A_1041 = arith.constant 0 : i32
    %dma_start3A_1042 = arith.constant 0 : i32
    %dma_start3A_1043 = arith.constant 0 : i32
    %dma_start3A_1044 = tpu.memref_slice %arg6[%dma_start3A_1039, %dma_start3A_1041, %dma_start3A_1042, %dma_start3A_1043] : memref<3x3x16x768xf32, #tpu.memory_space<vmem>> -> memref<1x3x16x768xf32, #tpu.memory_space<vmem>>
    %dma_start3A_1045 = tpu.memref_squeeze %dma_start3A_1044 : memref<1x3x16x768xf32, #tpu.memory_space<vmem>> -> memref<3x16x768xf32, #tpu.memory_space<vmem>>
    %dma_start3A_1046 = arith.constant 45 : i32
    %dma_start3A_1047 = arith.constant 0 : i32
    %dma_start3A_1048 = tpu.memref_slice %arg4[%dma_start3A_1046, %mul3A_32, %dma_start3A_1047] : memref<77x512x768xf32, #tpu.memory_space<hbm>> -> memref<3x16x768xf32, #tpu.memory_space<hbm>>
    %dma_start3A_1049 = tpu.memref_slice %arg8[%dma_start3A_1040] : memref<3x!tpu.dma_semaphore, #tpu.memory_space<semaphore_mem>> -> memref<1x!tpu.dma_semaphore, #tpu.memory_space<semaphore_mem>>
    %dma_start3A_1050 = tpu.memref_squeeze %dma_start3A_1049 : memref<1x!tpu.dma_semaphore, #tpu.memory_space<semaphore_mem>> -> memref<!tpu.dma_semaphore, #tpu.memory_space<semaphore_mem>>
    %dma_start3A_1051 = arith.constant 0 : i32
    %dma_start3A_1052 = arith.constant 0 : i32
    %dma_start3A_1053 = arith.constant 0 : i32
    %dma_start3A_1054 = tpu.memref_slice %arg6[%dma_start3A_1039, %dma_start3A_1051, %dma_start3A_1052, %dma_start3A_1053] : memref<3x3x16x768xf32, #tpu.memory_space<vmem>> -> memref<1x3x16x768xf32, #tpu.memory_space<vmem>>
    %dma_start3A_1055 = tpu.memref_squeeze %dma_start3A_1054 : memref<1x3x16x768xf32, #tpu.memory_space<vmem>> -> memref<3x16x768xf32, #tpu.memory_space<vmem>>
    %dma_start3A_1056 = arith.constant 45 : i32
    %dma_start3A_1057 = arith.constant 0 : i32
    %dma_start3A_1058 = tpu.memref_slice %arg4[%dma_start3A_1056, %mul3A_32, %dma_start3A_1057] : memref<77x512x768xf32, #tpu.memory_space<hbm>> -> memref<3x16x768xf32, #tpu.memory_space<hbm>>
    tpu.enqueue_dma source(%dma_start3A_1058 : memref<3x16x768xf32, #tpu.memory_space<hbm>>) target(%dma_start3A_1055 : memref<3x16x768xf32, #tpu.memory_space<vmem>>) target_semaphore(%dma_start3A_1050 : memref<!tpu.dma_semaphore, #tpu.memory_space<semaphore_mem>>)
    %dma_wait3A_1059 = arith.constant 1 : i32
    %dma_wait3A_1060 = arith.constant 1 : i32
    %dma_wait3A_1061 = arith.constant 0 : i32
    %dma_wait3A_1062 = arith.constant 0 : i32
    %dma_wait3A_1063 = arith.constant 0 : i32
    %dma_wait3A_1064 = tpu.memref_slice %arg6[%dma_wait3A_1059, %dma_wait3A_1061, %dma_wait3A_1062, %dma_wait3A_1063] : memref<3x3x16x768xf32, #tpu.memory_space<vmem>> -> memref<1x3x16x768xf32, #tpu.memory_space<vmem>>
    %dma_wait3A_1065 = tpu.memref_squeeze %dma_wait3A_1064 : memref<1x3x16x768xf32, #tpu.memory_space<vmem>> -> memref<3x16x768xf32, #tpu.memory_space<vmem>>
    %dma_wait3A_1066 = arith.constant 42 : i32
    %dma_wait3A_1067 = arith.constant 0 : i32
    %dma_wait3A_1068 = tpu.memref_slice %arg4[%dma_wait3A_1066, %mul3A_32, %dma_wait3A_1067] : memref<77x512x768xf32, #tpu.memory_space<hbm>> -> memref<3x16x768xf32, #tpu.memory_space<hbm>>
    %dma_wait3A_1069 = tpu.memref_slice %arg8[%dma_wait3A_1060] : memref<3x!tpu.dma_semaphore, #tpu.memory_space<semaphore_mem>> -> memref<1x!tpu.dma_semaphore, #tpu.memory_space<semaphore_mem>>
    %dma_wait3A_1070 = tpu.memref_squeeze %dma_wait3A_1069 : memref<1x!tpu.dma_semaphore, #tpu.memory_space<semaphore_mem>> -> memref<!tpu.dma_semaphore, #tpu.memory_space<semaphore_mem>>
    %dma_wait3A_1071 = arith.constant 0 : i32
    %dma_wait3A_1072 = arith.constant 0 : i32
    %dma_wait3A_1073 = arith.constant 0 : i32
    %dma_wait3A_1074 = tpu.memref_slice %arg6[%dma_wait3A_1059, %dma_wait3A_1071, %dma_wait3A_1072, %dma_wait3A_1073] : memref<3x3x16x768xf32, #tpu.memory_space<vmem>> -> memref<1x3x16x768xf32, #tpu.memory_space<vmem>>
    %dma_wait3A_1075 = tpu.memref_squeeze %dma_wait3A_1074 : memref<1x3x16x768xf32, #tpu.memory_space<vmem>> -> memref<3x16x768xf32, #tpu.memory_space<vmem>>
    %dma_wait3A_1076 = arith.constant 42 : i32
    %dma_wait3A_1077 = arith.constant 0 : i32
    %dma_wait3A_1078 = tpu.memref_slice %arg4[%dma_wait3A_1076, %mul3A_32, %dma_wait3A_1077] : memref<77x512x768xf32, #tpu.memory_space<hbm>> -> memref<3x16x768xf32, #tpu.memory_space<hbm>>
    tpu.wait_dma2 semaphore(%dma_wait3A_1070 : memref<!tpu.dma_semaphore, #tpu.memory_space<semaphore_mem>>) src(%dma_wait3A_1078 : memref<3x16x768xf32, #tpu.memory_space<hbm>>) dst(%dma_wait3A_1075 : memref<3x16x768xf32, #tpu.memory_space<vmem>>)
    %dma_start3A_1079 = arith.constant 1 : i32
    %dma_start3A_1080 = arith.constant 1 : i32
    %dma_start3A_1081 = arith.constant 0 : i32
    %dma_start3A_1082 = arith.constant 0 : i32
    %dma_start3A_1083 = arith.constant 0 : i32
    %dma_start3A_1084 = tpu.memref_slice %arg6[%dma_start3A_1079, %dma_start3A_1081, %dma_start3A_1082, %dma_start3A_1083] : memref<3x3x16x768xf32, #tpu.memory_space<vmem>> -> memref<1x3x16x768xf32, #tpu.memory_space<vmem>>
    %dma_start3A_1085 = tpu.memref_squeeze %dma_start3A_1084 : memref<1x3x16x768xf32, #tpu.memory_space<vmem>> -> memref<3x16x768xf32, #tpu.memory_space<vmem>>
    %dma_start3A_1086 = arith.constant 42 : i32
    %dma_start3A_1087 = arith.constant 0 : i32
    %dma_start3A_1088 = tpu.memref_slice %arg5[%dma_start3A_1086, %mul3A_32, %dma_start3A_1087] : memref<77x512x768xf32, #tpu.memory_space<hbm>> -> memref<3x16x768xf32, #tpu.memory_space<hbm>>
    %dma_start3A_1089 = tpu.memref_slice %arg9[%dma_start3A_1080] : memref<3x!tpu.dma_semaphore, #tpu.memory_space<semaphore_mem>> -> memref<1x!tpu.dma_semaphore, #tpu.memory_space<semaphore_mem>>
    %dma_start3A_1090 = tpu.memref_squeeze %dma_start3A_1089 : memref<1x!tpu.dma_semaphore, #tpu.memory_space<semaphore_mem>> -> memref<!tpu.dma_semaphore, #tpu.memory_space<semaphore_mem>>
    %dma_start3A_1091 = arith.constant 42 : i32
    %dma_start3A_1092 = arith.constant 0 : i32
    %dma_start3A_1093 = tpu.memref_slice %arg5[%dma_start3A_1091, %mul3A_32, %dma_start3A_1092] : memref<77x512x768xf32, #tpu.memory_space<hbm>> -> memref<3x16x768xf32, #tpu.memory_space<hbm>>
    %dma_start3A_1094 = arith.constant 0 : i32
    %dma_start3A_1095 = arith.constant 0 : i32
    %dma_start3A_1096 = arith.constant 0 : i32
    %dma_start3A_1097 = tpu.memref_slice %arg6[%dma_start3A_1079, %dma_start3A_1094, %dma_start3A_1095, %dma_start3A_1096] : memref<3x3x16x768xf32, #tpu.memory_space<vmem>> -> memref<1x3x16x768xf32, #tpu.memory_space<vmem>>
    %dma_start3A_1098 = tpu.memref_squeeze %dma_start3A_1097 : memref<1x3x16x768xf32, #tpu.memory_space<vmem>> -> memref<3x16x768xf32, #tpu.memory_space<vmem>>
    tpu.enqueue_dma source(%dma_start3A_1098 : memref<3x16x768xf32, #tpu.memory_space<vmem>>) target(%dma_start3A_1093 : memref<3x16x768xf32, #tpu.memory_space<hbm>>) target_semaphore(%dma_start3A_1090 : memref<!tpu.dma_semaphore, #tpu.memory_space<semaphore_mem>>)
    %dma_wait3A_1099 = arith.constant 0 : i32
    %dma_wait3A_1100 = arith.constant 0 : i32
    %dma_wait3A_1101 = arith.constant 0 : i32
    %dma_wait3A_1102 = arith.constant 0 : i32
    %dma_wait3A_1103 = arith.constant 0 : i32
    %dma_wait3A_1104 = tpu.memref_slice %arg6[%dma_wait3A_1099, %dma_wait3A_1101, %dma_wait3A_1102, %dma_wait3A_1103] : memref<3x3x16x768xf32, #tpu.memory_space<vmem>> -> memref<1x3x16x768xf32, #tpu.memory_space<vmem>>
    %dma_wait3A_1105 = tpu.memref_squeeze %dma_wait3A_1104 : memref<1x3x16x768xf32, #tpu.memory_space<vmem>> -> memref<3x16x768xf32, #tpu.memory_space<vmem>>
    %dma_wait3A_1106 = arith.constant 39 : i32
    %dma_wait3A_1107 = arith.constant 0 : i32
    %dma_wait3A_1108 = tpu.memref_slice %arg5[%dma_wait3A_1106, %mul3A_32, %dma_wait3A_1107] : memref<77x512x768xf32, #tpu.memory_space<hbm>> -> memref<3x16x768xf32, #tpu.memory_space<hbm>>
    %dma_wait3A_1109 = tpu.memref_slice %arg9[%dma_wait3A_1100] : memref<3x!tpu.dma_semaphore, #tpu.memory_space<semaphore_mem>> -> memref<1x!tpu.dma_semaphore, #tpu.memory_space<semaphore_mem>>
    %dma_wait3A_1110 = tpu.memref_squeeze %dma_wait3A_1109 : memref<1x!tpu.dma_semaphore, #tpu.memory_space<semaphore_mem>> -> memref<!tpu.dma_semaphore, #tpu.memory_space<semaphore_mem>>
    %dma_wait3A_1111 = arith.constant 39 : i32
    %dma_wait3A_1112 = arith.constant 0 : i32
    %dma_wait3A_1113 = tpu.memref_slice %arg5[%dma_wait3A_1111, %mul3A_32, %dma_wait3A_1112] : memref<77x512x768xf32, #tpu.memory_space<hbm>> -> memref<3x16x768xf32, #tpu.memory_space<hbm>>
    %dma_wait3A_1114 = arith.constant 0 : i32
    %dma_wait3A_1115 = arith.constant 0 : i32
    %dma_wait3A_1116 = arith.constant 0 : i32
    %dma_wait3A_1117 = tpu.memref_slice %arg6[%dma_wait3A_1099, %dma_wait3A_1114, %dma_wait3A_1115, %dma_wait3A_1116] : memref<3x3x16x768xf32, #tpu.memory_space<vmem>> -> memref<1x3x16x768xf32, #tpu.memory_space<vmem>>
    %dma_wait3A_1118 = tpu.memref_squeeze %dma_wait3A_1117 : memref<1x3x16x768xf32, #tpu.memory_space<vmem>> -> memref<3x16x768xf32, #tpu.memory_space<vmem>>
    tpu.wait_dma2 semaphore(%dma_wait3A_1110 : memref<!tpu.dma_semaphore, #tpu.memory_space<semaphore_mem>>) src(%dma_wait3A_1118 : memref<3x16x768xf32, #tpu.memory_space<vmem>>) dst(%dma_wait3A_1113 : memref<3x16x768xf32, #tpu.memory_space<hbm>>)
    %dma_start3A_1119 = arith.constant 0 : i32
    %dma_start3A_1120 = arith.constant 0 : i32
    %dma_start3A_1121 = arith.constant 0 : i32
    %dma_start3A_1122 = arith.constant 0 : i32
    %dma_start3A_1123 = arith.constant 0 : i32
    %dma_start3A_1124 = tpu.memref_slice %arg6[%dma_start3A_1119, %dma_start3A_1121, %dma_start3A_1122, %dma_start3A_1123] : memref<3x3x16x768xf32, #tpu.memory_space<vmem>> -> memref<1x3x16x768xf32, #tpu.memory_space<vmem>>
    %dma_start3A_1125 = tpu.memref_squeeze %dma_start3A_1124 : memref<1x3x16x768xf32, #tpu.memory_space<vmem>> -> memref<3x16x768xf32, #tpu.memory_space<vmem>>
    %dma_start3A_1126 = arith.constant 48 : i32
    %dma_start3A_1127 = arith.constant 0 : i32
    %dma_start3A_1128 = tpu.memref_slice %arg4[%dma_start3A_1126, %mul3A_32, %dma_start3A_1127] : memref<77x512x768xf32, #tpu.memory_space<hbm>> -> memref<3x16x768xf32, #tpu.memory_space<hbm>>
    %dma_start3A_1129 = tpu.memref_slice %arg8[%dma_start3A_1120] : memref<3x!tpu.dma_semaphore, #tpu.memory_space<semaphore_mem>> -> memref<1x!tpu.dma_semaphore, #tpu.memory_space<semaphore_mem>>
    %dma_start3A_1130 = tpu.memref_squeeze %dma_start3A_1129 : memref<1x!tpu.dma_semaphore, #tpu.memory_space<semaphore_mem>> -> memref<!tpu.dma_semaphore, #tpu.memory_space<semaphore_mem>>
    %dma_start3A_1131 = arith.constant 0 : i32
    %dma_start3A_1132 = arith.constant 0 : i32
    %dma_start3A_1133 = arith.constant 0 : i32
    %dma_start3A_1134 = tpu.memref_slice %arg6[%dma_start3A_1119, %dma_start3A_1131, %dma_start3A_1132, %dma_start3A_1133] : memref<3x3x16x768xf32, #tpu.memory_space<vmem>> -> memref<1x3x16x768xf32, #tpu.memory_space<vmem>>
    %dma_start3A_1135 = tpu.memref_squeeze %dma_start3A_1134 : memref<1x3x16x768xf32, #tpu.memory_space<vmem>> -> memref<3x16x768xf32, #tpu.memory_space<vmem>>
    %dma_start3A_1136 = arith.constant 48 : i32
    %dma_start3A_1137 = arith.constant 0 : i32
    %dma_start3A_1138 = tpu.memref_slice %arg4[%dma_start3A_1136, %mul3A_32, %dma_start3A_1137] : memref<77x512x768xf32, #tpu.memory_space<hbm>> -> memref<3x16x768xf32, #tpu.memory_space<hbm>>
    tpu.enqueue_dma source(%dma_start3A_1138 : memref<3x16x768xf32, #tpu.memory_space<hbm>>) target(%dma_start3A_1135 : memref<3x16x768xf32, #tpu.memory_space<vmem>>) target_semaphore(%dma_start3A_1130 : memref<!tpu.dma_semaphore, #tpu.memory_space<semaphore_mem>>)
    %dma_wait3A_1139 = arith.constant 2 : i32
    %dma_wait3A_1140 = arith.constant 2 : i32
    %dma_wait3A_1141 = arith.constant 0 : i32
    %dma_wait3A_1142 = arith.constant 0 : i32
    %dma_wait3A_1143 = arith.constant 0 : i32
    %dma_wait3A_1144 = tpu.memref_slice %arg6[%dma_wait3A_1139, %dma_wait3A_1141, %dma_wait3A_1142, %dma_wait3A_1143] : memref<3x3x16x768xf32, #tpu.memory_space<vmem>> -> memref<1x3x16x768xf32, #tpu.memory_space<vmem>>
    %dma_wait3A_1145 = tpu.memref_squeeze %dma_wait3A_1144 : memref<1x3x16x768xf32, #tpu.memory_space<vmem>> -> memref<3x16x768xf32, #tpu.memory_space<vmem>>
    %dma_wait3A_1146 = arith.constant 45 : i32
    %dma_wait3A_1147 = arith.constant 0 : i32
    %dma_wait3A_1148 = tpu.memref_slice %arg4[%dma_wait3A_1146, %mul3A_32, %dma_wait3A_1147] : memref<77x512x768xf32, #tpu.memory_space<hbm>> -> memref<3x16x768xf32, #tpu.memory_space<hbm>>
    %dma_wait3A_1149 = tpu.memref_slice %arg8[%dma_wait3A_1140] : memref<3x!tpu.dma_semaphore, #tpu.memory_space<semaphore_mem>> -> memref<1x!tpu.dma_semaphore, #tpu.memory_space<semaphore_mem>>
    %dma_wait3A_1150 = tpu.memref_squeeze %dma_wait3A_1149 : memref<1x!tpu.dma_semaphore, #tpu.memory_space<semaphore_mem>> -> memref<!tpu.dma_semaphore, #tpu.memory_space<semaphore_mem>>
    %dma_wait3A_1151 = arith.constant 0 : i32
    %dma_wait3A_1152 = arith.constant 0 : i32
    %dma_wait3A_1153 = arith.constant 0 : i32
    %dma_wait3A_1154 = tpu.memref_slice %arg6[%dma_wait3A_1139, %dma_wait3A_1151, %dma_wait3A_1152, %dma_wait3A_1153] : memref<3x3x16x768xf32, #tpu.memory_space<vmem>> -> memref<1x3x16x768xf32, #tpu.memory_space<vmem>>
    %dma_wait3A_1155 = tpu.memref_squeeze %dma_wait3A_1154 : memref<1x3x16x768xf32, #tpu.memory_space<vmem>> -> memref<3x16x768xf32, #tpu.memory_space<vmem>>
    %dma_wait3A_1156 = arith.constant 45 : i32
    %dma_wait3A_1157 = arith.constant 0 : i32
    %dma_wait3A_1158 = tpu.memref_slice %arg4[%dma_wait3A_1156, %mul3A_32, %dma_wait3A_1157] : memref<77x512x768xf32, #tpu.memory_space<hbm>> -> memref<3x16x768xf32, #tpu.memory_space<hbm>>
    tpu.wait_dma2 semaphore(%dma_wait3A_1150 : memref<!tpu.dma_semaphore, #tpu.memory_space<semaphore_mem>>) src(%dma_wait3A_1158 : memref<3x16x768xf32, #tpu.memory_space<hbm>>) dst(%dma_wait3A_1155 : memref<3x16x768xf32, #tpu.memory_space<vmem>>)
    %dma_start3A_1159 = arith.constant 2 : i32
    %dma_start3A_1160 = arith.constant 2 : i32
    %dma_start3A_1161 = arith.constant 0 : i32
    %dma_start3A_1162 = arith.constant 0 : i32
    %dma_start3A_1163 = arith.constant 0 : i32
    %dma_start3A_1164 = tpu.memref_slice %arg6[%dma_start3A_1159, %dma_start3A_1161, %dma_start3A_1162, %dma_start3A_1163] : memref<3x3x16x768xf32, #tpu.memory_space<vmem>> -> memref<1x3x16x768xf32, #tpu.memory_space<vmem>>
    %dma_start3A_1165 = tpu.memref_squeeze %dma_start3A_1164 : memref<1x3x16x768xf32, #tpu.memory_space<vmem>> -> memref<3x16x768xf32, #tpu.memory_space<vmem>>
    %dma_start3A_1166 = arith.constant 45 : i32
    %dma_start3A_1167 = arith.constant 0 : i32
    %dma_start3A_1168 = tpu.memref_slice %arg5[%dma_start3A_1166, %mul3A_32, %dma_start3A_1167] : memref<77x512x768xf32, #tpu.memory_space<hbm>> -> memref<3x16x768xf32, #tpu.memory_space<hbm>>
    %dma_start3A_1169 = tpu.memref_slice %arg9[%dma_start3A_1160] : memref<3x!tpu.dma_semaphore, #tpu.memory_space<semaphore_mem>> -> memref<1x!tpu.dma_semaphore, #tpu.memory_space<semaphore_mem>>
    %dma_start3A_1170 = tpu.memref_squeeze %dma_start3A_1169 : memref<1x!tpu.dma_semaphore, #tpu.memory_space<semaphore_mem>> -> memref<!tpu.dma_semaphore, #tpu.memory_space<semaphore_mem>>
    %dma_start3A_1171 = arith.constant 45 : i32
    %dma_start3A_1172 = arith.constant 0 : i32
    %dma_start3A_1173 = tpu.memref_slice %arg5[%dma_start3A_1171, %mul3A_32, %dma_start3A_1172] : memref<77x512x768xf32, #tpu.memory_space<hbm>> -> memref<3x16x768xf32, #tpu.memory_space<hbm>>
    %dma_start3A_1174 = arith.constant 0 : i32
    %dma_start3A_1175 = arith.constant 0 : i32
    %dma_start3A_1176 = arith.constant 0 : i32
    %dma_start3A_1177 = tpu.memref_slice %arg6[%dma_start3A_1159, %dma_start3A_1174, %dma_start3A_1175, %dma_start3A_1176] : memref<3x3x16x768xf32, #tpu.memory_space<vmem>> -> memref<1x3x16x768xf32, #tpu.memory_space<vmem>>
    %dma_start3A_1178 = tpu.memref_squeeze %dma_start3A_1177 : memref<1x3x16x768xf32, #tpu.memory_space<vmem>> -> memref<3x16x768xf32, #tpu.memory_space<vmem>>
    tpu.enqueue_dma source(%dma_start3A_1178 : memref<3x16x768xf32, #tpu.memory_space<vmem>>) target(%dma_start3A_1173 : memref<3x16x768xf32, #tpu.memory_space<hbm>>) target_semaphore(%dma_start3A_1170 : memref<!tpu.dma_semaphore, #tpu.memory_space<semaphore_mem>>)
    %dma_wait3A_1179 = arith.constant 1 : i32
    %dma_wait3A_1180 = arith.constant 1 : i32
    %dma_wait3A_1181 = arith.constant 0 : i32
    %dma_wait3A_1182 = arith.constant 0 : i32
    %dma_wait3A_1183 = arith.constant 0 : i32
    %dma_wait3A_1184 = tpu.memref_slice %arg6[%dma_wait3A_1179, %dma_wait3A_1181, %dma_wait3A_1182, %dma_wait3A_1183] : memref<3x3x16x768xf32, #tpu.memory_space<vmem>> -> memref<1x3x16x768xf32, #tpu.memory_space<vmem>>
    %dma_wait3A_1185 = tpu.memref_squeeze %dma_wait3A_1184 : memref<1x3x16x768xf32, #tpu.memory_space<vmem>> -> memref<3x16x768xf32, #tpu.memory_space<vmem>>
    %dma_wait3A_1186 = arith.constant 42 : i32
    %dma_wait3A_1187 = arith.constant 0 : i32
    %dma_wait3A_1188 = tpu.memref_slice %arg5[%dma_wait3A_1186, %mul3A_32, %dma_wait3A_1187] : memref<77x512x768xf32, #tpu.memory_space<hbm>> -> memref<3x16x768xf32, #tpu.memory_space<hbm>>
    %dma_wait3A_1189 = tpu.memref_slice %arg9[%dma_wait3A_1180] : memref<3x!tpu.dma_semaphore, #tpu.memory_space<semaphore_mem>> -> memref<1x!tpu.dma_semaphore, #tpu.memory_space<semaphore_mem>>
    %dma_wait3A_1190 = tpu.memref_squeeze %dma_wait3A_1189 : memref<1x!tpu.dma_semaphore, #tpu.memory_space<semaphore_mem>> -> memref<!tpu.dma_semaphore, #tpu.memory_space<semaphore_mem>>
    %dma_wait3A_1191 = arith.constant 42 : i32
    %dma_wait3A_1192 = arith.constant 0 : i32
    %dma_wait3A_1193 = tpu.memref_slice %arg5[%dma_wait3A_1191, %mul3A_32, %dma_wait3A_1192] : memref<77x512x768xf32, #tpu.memory_space<hbm>> -> memref<3x16x768xf32, #tpu.memory_space<hbm>>
    %dma_wait3A_1194 = arith.constant 0 : i32
    %dma_wait3A_1195 = arith.constant 0 : i32
    %dma_wait3A_1196 = arith.constant 0 : i32
    %dma_wait3A_1197 = tpu.memref_slice %arg6[%dma_wait3A_1179, %dma_wait3A_1194, %dma_wait3A_1195, %dma_wait3A_1196] : memref<3x3x16x768xf32, #tpu.memory_space<vmem>> -> memref<1x3x16x768xf32, #tpu.memory_space<vmem>>
    %dma_wait3A_1198 = tpu.memref_squeeze %dma_wait3A_1197 : memref<1x3x16x768xf32, #tpu.memory_space<vmem>> -> memref<3x16x768xf32, #tpu.memory_space<vmem>>
    tpu.wait_dma2 semaphore(%dma_wait3A_1190 : memref<!tpu.dma_semaphore, #tpu.memory_space<semaphore_mem>>) src(%dma_wait3A_1198 : memref<3x16x768xf32, #tpu.memory_space<vmem>>) dst(%dma_wait3A_1193 : memref<3x16x768xf32, #tpu.memory_space<hbm>>)
    %dma_start3A_1199 = arith.constant 1 : i32
    %dma_start3A_1200 = arith.constant 1 : i32
    %dma_start3A_1201 = arith.constant 0 : i32
    %dma_start3A_1202 = arith.constant 0 : i32
    %dma_start3A_1203 = arith.constant 0 : i32
    %dma_start3A_1204 = tpu.memref_slice %arg6[%dma_start3A_1199, %dma_start3A_1201, %dma_start3A_1202, %dma_start3A_1203] : memref<3x3x16x768xf32, #tpu.memory_space<vmem>> -> memref<1x3x16x768xf32, #tpu.memory_space<vmem>>
    %dma_start3A_1205 = tpu.memref_squeeze %dma_start3A_1204 : memref<1x3x16x768xf32, #tpu.memory_space<vmem>> -> memref<3x16x768xf32, #tpu.memory_space<vmem>>
    %dma_start3A_1206 = arith.constant 51 : i32
    %dma_start3A_1207 = arith.constant 0 : i32
    %dma_start3A_1208 = tpu.memref_slice %arg4[%dma_start3A_1206, %mul3A_32, %dma_start3A_1207] : memref<77x512x768xf32, #tpu.memory_space<hbm>> -> memref<3x16x768xf32, #tpu.memory_space<hbm>>
    %dma_start3A_1209 = tpu.memref_slice %arg8[%dma_start3A_1200] : memref<3x!tpu.dma_semaphore, #tpu.memory_space<semaphore_mem>> -> memref<1x!tpu.dma_semaphore, #tpu.memory_space<semaphore_mem>>
    %dma_start3A_1210 = tpu.memref_squeeze %dma_start3A_1209 : memref<1x!tpu.dma_semaphore, #tpu.memory_space<semaphore_mem>> -> memref<!tpu.dma_semaphore, #tpu.memory_space<semaphore_mem>>
    %dma_start3A_1211 = arith.constant 0 : i32
    %dma_start3A_1212 = arith.constant 0 : i32
    %dma_start3A_1213 = arith.constant 0 : i32
    %dma_start3A_1214 = tpu.memref_slice %arg6[%dma_start3A_1199, %dma_start3A_1211, %dma_start3A_1212, %dma_start3A_1213] : memref<3x3x16x768xf32, #tpu.memory_space<vmem>> -> memref<1x3x16x768xf32, #tpu.memory_space<vmem>>
    %dma_start3A_1215 = tpu.memref_squeeze %dma_start3A_1214 : memref<1x3x16x768xf32, #tpu.memory_space<vmem>> -> memref<3x16x768xf32, #tpu.memory_space<vmem>>
    %dma_start3A_1216 = arith.constant 51 : i32
    %dma_start3A_1217 = arith.constant 0 : i32
    %dma_start3A_1218 = tpu.memref_slice %arg4[%dma_start3A_1216, %mul3A_32, %dma_start3A_1217] : memref<77x512x768xf32, #tpu.memory_space<hbm>> -> memref<3x16x768xf32, #tpu.memory_space<hbm>>
    tpu.enqueue_dma source(%dma_start3A_1218 : memref<3x16x768xf32, #tpu.memory_space<hbm>>) target(%dma_start3A_1215 : memref<3x16x768xf32, #tpu.memory_space<vmem>>) target_semaphore(%dma_start3A_1210 : memref<!tpu.dma_semaphore, #tpu.memory_space<semaphore_mem>>)
    %dma_wait3A_1219 = arith.constant 0 : i32
    %dma_wait3A_1220 = arith.constant 0 : i32
    %dma_wait3A_1221 = arith.constant 0 : i32
    %dma_wait3A_1222 = arith.constant 0 : i32
    %dma_wait3A_1223 = arith.constant 0 : i32
    %dma_wait3A_1224 = tpu.memref_slice %arg6[%dma_wait3A_1219, %dma_wait3A_1221, %dma_wait3A_1222, %dma_wait3A_1223] : memref<3x3x16x768xf32, #tpu.memory_space<vmem>> -> memref<1x3x16x768xf32, #tpu.memory_space<vmem>>
    %dma_wait3A_1225 = tpu.memref_squeeze %dma_wait3A_1224 : memref<1x3x16x768xf32, #tpu.memory_space<vmem>> -> memref<3x16x768xf32, #tpu.memory_space<vmem>>
    %dma_wait3A_1226 = arith.constant 48 : i32
    %dma_wait3A_1227 = arith.constant 0 : i32
    %dma_wait3A_1228 = tpu.memref_slice %arg4[%dma_wait3A_1226, %mul3A_32, %dma_wait3A_1227] : memref<77x512x768xf32, #tpu.memory_space<hbm>> -> memref<3x16x768xf32, #tpu.memory_space<hbm>>
    %dma_wait3A_1229 = tpu.memref_slice %arg8[%dma_wait3A_1220] : memref<3x!tpu.dma_semaphore, #tpu.memory_space<semaphore_mem>> -> memref<1x!tpu.dma_semaphore, #tpu.memory_space<semaphore_mem>>
    %dma_wait3A_1230 = tpu.memref_squeeze %dma_wait3A_1229 : memref<1x!tpu.dma_semaphore, #tpu.memory_space<semaphore_mem>> -> memref<!tpu.dma_semaphore, #tpu.memory_space<semaphore_mem>>
    %dma_wait3A_1231 = arith.constant 0 : i32
    %dma_wait3A_1232 = arith.constant 0 : i32
    %dma_wait3A_1233 = arith.constant 0 : i32
    %dma_wait3A_1234 = tpu.memref_slice %arg6[%dma_wait3A_1219, %dma_wait3A_1231, %dma_wait3A_1232, %dma_wait3A_1233] : memref<3x3x16x768xf32, #tpu.memory_space<vmem>> -> memref<1x3x16x768xf32, #tpu.memory_space<vmem>>
    %dma_wait3A_1235 = tpu.memref_squeeze %dma_wait3A_1234 : memref<1x3x16x768xf32, #tpu.memory_space<vmem>> -> memref<3x16x768xf32, #tpu.memory_space<vmem>>
    %dma_wait3A_1236 = arith.constant 48 : i32
    %dma_wait3A_1237 = arith.constant 0 : i32
    %dma_wait3A_1238 = tpu.memref_slice %arg4[%dma_wait3A_1236, %mul3A_32, %dma_wait3A_1237] : memref<77x512x768xf32, #tpu.memory_space<hbm>> -> memref<3x16x768xf32, #tpu.memory_space<hbm>>
    tpu.wait_dma2 semaphore(%dma_wait3A_1230 : memref<!tpu.dma_semaphore, #tpu.memory_space<semaphore_mem>>) src(%dma_wait3A_1238 : memref<3x16x768xf32, #tpu.memory_space<hbm>>) dst(%dma_wait3A_1235 : memref<3x16x768xf32, #tpu.memory_space<vmem>>)
    %dma_start3A_1239 = arith.constant 0 : i32
    %dma_start3A_1240 = arith.constant 0 : i32
    %dma_start3A_1241 = arith.constant 0 : i32
    %dma_start3A_1242 = arith.constant 0 : i32
    %dma_start3A_1243 = arith.constant 0 : i32
    %dma_start3A_1244 = tpu.memref_slice %arg6[%dma_start3A_1239, %dma_start3A_1241, %dma_start3A_1242, %dma_start3A_1243] : memref<3x3x16x768xf32, #tpu.memory_space<vmem>> -> memref<1x3x16x768xf32, #tpu.memory_space<vmem>>
    %dma_start3A_1245 = tpu.memref_squeeze %dma_start3A_1244 : memref<1x3x16x768xf32, #tpu.memory_space<vmem>> -> memref<3x16x768xf32, #tpu.memory_space<vmem>>
    %dma_start3A_1246 = arith.constant 48 : i32
    %dma_start3A_1247 = arith.constant 0 : i32
    %dma_start3A_1248 = tpu.memref_slice %arg5[%dma_start3A_1246, %mul3A_32, %dma_start3A_1247] : memref<77x512x768xf32, #tpu.memory_space<hbm>> -> memref<3x16x768xf32, #tpu.memory_space<hbm>>
    %dma_start3A_1249 = tpu.memref_slice %arg9[%dma_start3A_1240] : memref<3x!tpu.dma_semaphore, #tpu.memory_space<semaphore_mem>> -> memref<1x!tpu.dma_semaphore, #tpu.memory_space<semaphore_mem>>
    %dma_start3A_1250 = tpu.memref_squeeze %dma_start3A_1249 : memref<1x!tpu.dma_semaphore, #tpu.memory_space<semaphore_mem>> -> memref<!tpu.dma_semaphore, #tpu.memory_space<semaphore_mem>>
    %dma_start3A_1251 = arith.constant 48 : i32
    %dma_start3A_1252 = arith.constant 0 : i32
    %dma_start3A_1253 = tpu.memref_slice %arg5[%dma_start3A_1251, %mul3A_32, %dma_start3A_1252] : memref<77x512x768xf32, #tpu.memory_space<hbm>> -> memref<3x16x768xf32, #tpu.memory_space<hbm>>
    %dma_start3A_1254 = arith.constant 0 : i32
    %dma_start3A_1255 = arith.constant 0 : i32
    %dma_start3A_1256 = arith.constant 0 : i32
    %dma_start3A_1257 = tpu.memref_slice %arg6[%dma_start3A_1239, %dma_start3A_1254, %dma_start3A_1255, %dma_start3A_1256] : memref<3x3x16x768xf32, #tpu.memory_space<vmem>> -> memref<1x3x16x768xf32, #tpu.memory_space<vmem>>
    %dma_start3A_1258 = tpu.memref_squeeze %dma_start3A_1257 : memref<1x3x16x768xf32, #tpu.memory_space<vmem>> -> memref<3x16x768xf32, #tpu.memory_space<vmem>>
    tpu.enqueue_dma source(%dma_start3A_1258 : memref<3x16x768xf32, #tpu.memory_space<vmem>>) target(%dma_start3A_1253 : memref<3x16x768xf32, #tpu.memory_space<hbm>>) target_semaphore(%dma_start3A_1250 : memref<!tpu.dma_semaphore, #tpu.memory_space<semaphore_mem>>)
    %dma_wait3A_1259 = arith.constant 2 : i32
    %dma_wait3A_1260 = arith.constant 2 : i32
    %dma_wait3A_1261 = arith.constant 0 : i32
    %dma_wait3A_1262 = arith.constant 0 : i32
    %dma_wait3A_1263 = arith.constant 0 : i32
    %dma_wait3A_1264 = tpu.memref_slice %arg6[%dma_wait3A_1259, %dma_wait3A_1261, %dma_wait3A_1262, %dma_wait3A_1263] : memref<3x3x16x768xf32, #tpu.memory_space<vmem>> -> memref<1x3x16x768xf32, #tpu.memory_space<vmem>>
    %dma_wait3A_1265 = tpu.memref_squeeze %dma_wait3A_1264 : memref<1x3x16x768xf32, #tpu.memory_space<vmem>> -> memref<3x16x768xf32, #tpu.memory_space<vmem>>
    %dma_wait3A_1266 = arith.constant 45 : i32
    %dma_wait3A_1267 = arith.constant 0 : i32
    %dma_wait3A_1268 = tpu.memref_slice %arg5[%dma_wait3A_1266, %mul3A_32, %dma_wait3A_1267] : memref<77x512x768xf32, #tpu.memory_space<hbm>> -> memref<3x16x768xf32, #tpu.memory_space<hbm>>
    %dma_wait3A_1269 = tpu.memref_slice %arg9[%dma_wait3A_1260] : memref<3x!tpu.dma_semaphore, #tpu.memory_space<semaphore_mem>> -> memref<1x!tpu.dma_semaphore, #tpu.memory_space<semaphore_mem>>
    %dma_wait3A_1270 = tpu.memref_squeeze %dma_wait3A_1269 : memref<1x!tpu.dma_semaphore, #tpu.memory_space<semaphore_mem>> -> memref<!tpu.dma_semaphore, #tpu.memory_space<semaphore_mem>>
    %dma_wait3A_1271 = arith.constant 45 : i32
    %dma_wait3A_1272 = arith.constant 0 : i32
    %dma_wait3A_1273 = tpu.memref_slice %arg5[%dma_wait3A_1271, %mul3A_32, %dma_wait3A_1272] : memref<77x512x768xf32, #tpu.memory_space<hbm>> -> memref<3x16x768xf32, #tpu.memory_space<hbm>>
    %dma_wait3A_1274 = arith.constant 0 : i32
    %dma_wait3A_1275 = arith.constant 0 : i32
    %dma_wait3A_1276 = arith.constant 0 : i32
    %dma_wait3A_1277 = tpu.memref_slice %arg6[%dma_wait3A_1259, %dma_wait3A_1274, %dma_wait3A_1275, %dma_wait3A_1276] : memref<3x3x16x768xf32, #tpu.memory_space<vmem>> -> memref<1x3x16x768xf32, #tpu.memory_space<vmem>>
    %dma_wait3A_1278 = tpu.memref_squeeze %dma_wait3A_1277 : memref<1x3x16x768xf32, #tpu.memory_space<vmem>> -> memref<3x16x768xf32, #tpu.memory_space<vmem>>
    tpu.wait_dma2 semaphore(%dma_wait3A_1270 : memref<!tpu.dma_semaphore, #tpu.memory_space<semaphore_mem>>) src(%dma_wait3A_1278 : memref<3x16x768xf32, #tpu.memory_space<vmem>>) dst(%dma_wait3A_1273 : memref<3x16x768xf32, #tpu.memory_space<hbm>>)
    %dma_start3A_1279 = arith.constant 2 : i32
    %dma_start3A_1280 = arith.constant 2 : i32
    %dma_start3A_1281 = arith.constant 0 : i32
    %dma_start3A_1282 = arith.constant 0 : i32
    %dma_start3A_1283 = arith.constant 0 : i32
    %dma_start3A_1284 = tpu.memref_slice %arg6[%dma_start3A_1279, %dma_start3A_1281, %dma_start3A_1282, %dma_start3A_1283] : memref<3x3x16x768xf32, #tpu.memory_space<vmem>> -> memref<1x3x16x768xf32, #tpu.memory_space<vmem>>
    %dma_start3A_1285 = tpu.memref_squeeze %dma_start3A_1284 : memref<1x3x16x768xf32, #tpu.memory_space<vmem>> -> memref<3x16x768xf32, #tpu.memory_space<vmem>>
    %dma_start3A_1286 = arith.constant 54 : i32
    %dma_start3A_1287 = arith.constant 0 : i32
    %dma_start3A_1288 = tpu.memref_slice %arg4[%dma_start3A_1286, %mul3A_32, %dma_start3A_1287] : memref<77x512x768xf32, #tpu.memory_space<hbm>> -> memref<3x16x768xf32, #tpu.memory_space<hbm>>
    %dma_start3A_1289 = tpu.memref_slice %arg8[%dma_start3A_1280] : memref<3x!tpu.dma_semaphore, #tpu.memory_space<semaphore_mem>> -> memref<1x!tpu.dma_semaphore, #tpu.memory_space<semaphore_mem>>
    %dma_start3A_1290 = tpu.memref_squeeze %dma_start3A_1289 : memref<1x!tpu.dma_semaphore, #tpu.memory_space<semaphore_mem>> -> memref<!tpu.dma_semaphore, #tpu.memory_space<semaphore_mem>>
    %dma_start3A_1291 = arith.constant 0 : i32
    %dma_start3A_1292 = arith.constant 0 : i32
    %dma_start3A_1293 = arith.constant 0 : i32
    %dma_start3A_1294 = tpu.memref_slice %arg6[%dma_start3A_1279, %dma_start3A_1291, %dma_start3A_1292, %dma_start3A_1293] : memref<3x3x16x768xf32, #tpu.memory_space<vmem>> -> memref<1x3x16x768xf32, #tpu.memory_space<vmem>>
    %dma_start3A_1295 = tpu.memref_squeeze %dma_start3A_1294 : memref<1x3x16x768xf32, #tpu.memory_space<vmem>> -> memref<3x16x768xf32, #tpu.memory_space<vmem>>
    %dma_start3A_1296 = arith.constant 54 : i32
    %dma_start3A_1297 = arith.constant 0 : i32
    %dma_start3A_1298 = tpu.memref_slice %arg4[%dma_start3A_1296, %mul3A_32, %dma_start3A_1297] : memref<77x512x768xf32, #tpu.memory_space<hbm>> -> memref<3x16x768xf32, #tpu.memory_space<hbm>>
    tpu.enqueue_dma source(%dma_start3A_1298 : memref<3x16x768xf32, #tpu.memory_space<hbm>>) target(%dma_start3A_1295 : memref<3x16x768xf32, #tpu.memory_space<vmem>>) target_semaphore(%dma_start3A_1290 : memref<!tpu.dma_semaphore, #tpu.memory_space<semaphore_mem>>)
    %dma_wait3A_1299 = arith.constant 1 : i32
    %dma_wait3A_1300 = arith.constant 1 : i32
    %dma_wait3A_1301 = arith.constant 0 : i32
    %dma_wait3A_1302 = arith.constant 0 : i32
    %dma_wait3A_1303 = arith.constant 0 : i32
    %dma_wait3A_1304 = tpu.memref_slice %arg6[%dma_wait3A_1299, %dma_wait3A_1301, %dma_wait3A_1302, %dma_wait3A_1303] : memref<3x3x16x768xf32, #tpu.memory_space<vmem>> -> memref<1x3x16x768xf32, #tpu.memory_space<vmem>>
    %dma_wait3A_1305 = tpu.memref_squeeze %dma_wait3A_1304 : memref<1x3x16x768xf32, #tpu.memory_space<vmem>> -> memref<3x16x768xf32, #tpu.memory_space<vmem>>
    %dma_wait3A_1306 = arith.constant 51 : i32
    %dma_wait3A_1307 = arith.constant 0 : i32
    %dma_wait3A_1308 = tpu.memref_slice %arg4[%dma_wait3A_1306, %mul3A_32, %dma_wait3A_1307] : memref<77x512x768xf32, #tpu.memory_space<hbm>> -> memref<3x16x768xf32, #tpu.memory_space<hbm>>
    %dma_wait3A_1309 = tpu.memref_slice %arg8[%dma_wait3A_1300] : memref<3x!tpu.dma_semaphore, #tpu.memory_space<semaphore_mem>> -> memref<1x!tpu.dma_semaphore, #tpu.memory_space<semaphore_mem>>
    %dma_wait3A_1310 = tpu.memref_squeeze %dma_wait3A_1309 : memref<1x!tpu.dma_semaphore, #tpu.memory_space<semaphore_mem>> -> memref<!tpu.dma_semaphore, #tpu.memory_space<semaphore_mem>>
    %dma_wait3A_1311 = arith.constant 0 : i32
    %dma_wait3A_1312 = arith.constant 0 : i32
    %dma_wait3A_1313 = arith.constant 0 : i32
    %dma_wait3A_1314 = tpu.memref_slice %arg6[%dma_wait3A_1299, %dma_wait3A_1311, %dma_wait3A_1312, %dma_wait3A_1313] : memref<3x3x16x768xf32, #tpu.memory_space<vmem>> -> memref<1x3x16x768xf32, #tpu.memory_space<vmem>>
    %dma_wait3A_1315 = tpu.memref_squeeze %dma_wait3A_1314 : memref<1x3x16x768xf32, #tpu.memory_space<vmem>> -> memref<3x16x768xf32, #tpu.memory_space<vmem>>
    %dma_wait3A_1316 = arith.constant 51 : i32
    %dma_wait3A_1317 = arith.constant 0 : i32
    %dma_wait3A_1318 = tpu.memref_slice %arg4[%dma_wait3A_1316, %mul3A_32, %dma_wait3A_1317] : memref<77x512x768xf32, #tpu.memory_space<hbm>> -> memref<3x16x768xf32, #tpu.memory_space<hbm>>
    tpu.wait_dma2 semaphore(%dma_wait3A_1310 : memref<!tpu.dma_semaphore, #tpu.memory_space<semaphore_mem>>) src(%dma_wait3A_1318 : memref<3x16x768xf32, #tpu.memory_space<hbm>>) dst(%dma_wait3A_1315 : memref<3x16x768xf32, #tpu.memory_space<vmem>>)
    %dma_start3A_1319 = arith.constant 1 : i32
    %dma_start3A_1320 = arith.constant 1 : i32
    %dma_start3A_1321 = arith.constant 0 : i32
    %dma_start3A_1322 = arith.constant 0 : i32
    %dma_start3A_1323 = arith.constant 0 : i32
    %dma_start3A_1324 = tpu.memref_slice %arg6[%dma_start3A_1319, %dma_start3A_1321, %dma_start3A_1322, %dma_start3A_1323] : memref<3x3x16x768xf32, #tpu.memory_space<vmem>> -> memref<1x3x16x768xf32, #tpu.memory_space<vmem>>
    %dma_start3A_1325 = tpu.memref_squeeze %dma_start3A_1324 : memref<1x3x16x768xf32, #tpu.memory_space<vmem>> -> memref<3x16x768xf32, #tpu.memory_space<vmem>>
    %dma_start3A_1326 = arith.constant 51 : i32
    %dma_start3A_1327 = arith.constant 0 : i32
    %dma_start3A_1328 = tpu.memref_slice %arg5[%dma_start3A_1326, %mul3A_32, %dma_start3A_1327] : memref<77x512x768xf32, #tpu.memory_space<hbm>> -> memref<3x16x768xf32, #tpu.memory_space<hbm>>
    %dma_start3A_1329 = tpu.memref_slice %arg9[%dma_start3A_1320] : memref<3x!tpu.dma_semaphore, #tpu.memory_space<semaphore_mem>> -> memref<1x!tpu.dma_semaphore, #tpu.memory_space<semaphore_mem>>
    %dma_start3A_1330 = tpu.memref_squeeze %dma_start3A_1329 : memref<1x!tpu.dma_semaphore, #tpu.memory_space<semaphore_mem>> -> memref<!tpu.dma_semaphore, #tpu.memory_space<semaphore_mem>>
    %dma_start3A_1331 = arith.constant 51 : i32
    %dma_start3A_1332 = arith.constant 0 : i32
    %dma_start3A_1333 = tpu.memref_slice %arg5[%dma_start3A_1331, %mul3A_32, %dma_start3A_1332] : memref<77x512x768xf32, #tpu.memory_space<hbm>> -> memref<3x16x768xf32, #tpu.memory_space<hbm>>
    %dma_start3A_1334 = arith.constant 0 : i32
    %dma_start3A_1335 = arith.constant 0 : i32
    %dma_start3A_1336 = arith.constant 0 : i32
    %dma_start3A_1337 = tpu.memref_slice %arg6[%dma_start3A_1319, %dma_start3A_1334, %dma_start3A_1335, %dma_start3A_1336] : memref<3x3x16x768xf32, #tpu.memory_space<vmem>> -> memref<1x3x16x768xf32, #tpu.memory_space<vmem>>
    %dma_start3A_1338 = tpu.memref_squeeze %dma_start3A_1337 : memref<1x3x16x768xf32, #tpu.memory_space<vmem>> -> memref<3x16x768xf32, #tpu.memory_space<vmem>>
    tpu.enqueue_dma source(%dma_start3A_1338 : memref<3x16x768xf32, #tpu.memory_space<vmem>>) target(%dma_start3A_1333 : memref<3x16x768xf32, #tpu.memory_space<hbm>>) target_semaphore(%dma_start3A_1330 : memref<!tpu.dma_semaphore, #tpu.memory_space<semaphore_mem>>)
    %dma_wait3A_1339 = arith.constant 0 : i32
    %dma_wait3A_1340 = arith.constant 0 : i32
    %dma_wait3A_1341 = arith.constant 0 : i32
    %dma_wait3A_1342 = arith.constant 0 : i32
    %dma_wait3A_1343 = arith.constant 0 : i32
    %dma_wait3A_1344 = tpu.memref_slice %arg6[%dma_wait3A_1339, %dma_wait3A_1341, %dma_wait3A_1342, %dma_wait3A_1343] : memref<3x3x16x768xf32, #tpu.memory_space<vmem>> -> memref<1x3x16x768xf32, #tpu.memory_space<vmem>>
    %dma_wait3A_1345 = tpu.memref_squeeze %dma_wait3A_1344 : memref<1x3x16x768xf32, #tpu.memory_space<vmem>> -> memref<3x16x768xf32, #tpu.memory_space<vmem>>
    %dma_wait3A_1346 = arith.constant 48 : i32
    %dma_wait3A_1347 = arith.constant 0 : i32
    %dma_wait3A_1348 = tpu.memref_slice %arg5[%dma_wait3A_1346, %mul3A_32, %dma_wait3A_1347] : memref<77x512x768xf32, #tpu.memory_space<hbm>> -> memref<3x16x768xf32, #tpu.memory_space<hbm>>
    %dma_wait3A_1349 = tpu.memref_slice %arg9[%dma_wait3A_1340] : memref<3x!tpu.dma_semaphore, #tpu.memory_space<semaphore_mem>> -> memref<1x!tpu.dma_semaphore, #tpu.memory_space<semaphore_mem>>
    %dma_wait3A_1350 = tpu.memref_squeeze %dma_wait3A_1349 : memref<1x!tpu.dma_semaphore, #tpu.memory_space<semaphore_mem>> -> memref<!tpu.dma_semaphore, #tpu.memory_space<semaphore_mem>>
    %dma_wait3A_1351 = arith.constant 48 : i32
    %dma_wait3A_1352 = arith.constant 0 : i32
    %dma_wait3A_1353 = tpu.memref_slice %arg5[%dma_wait3A_1351, %mul3A_32, %dma_wait3A_1352] : memref<77x512x768xf32, #tpu.memory_space<hbm>> -> memref<3x16x768xf32, #tpu.memory_space<hbm>>
    %dma_wait3A_1354 = arith.constant 0 : i32
    %dma_wait3A_1355 = arith.constant 0 : i32
    %dma_wait3A_1356 = arith.constant 0 : i32
    %dma_wait3A_1357 = tpu.memref_slice %arg6[%dma_wait3A_1339, %dma_wait3A_1354, %dma_wait3A_1355, %dma_wait3A_1356] : memref<3x3x16x768xf32, #tpu.memory_space<vmem>> -> memref<1x3x16x768xf32, #tpu.memory_space<vmem>>
    %dma_wait3A_1358 = tpu.memref_squeeze %dma_wait3A_1357 : memref<1x3x16x768xf32, #tpu.memory_space<vmem>> -> memref<3x16x768xf32, #tpu.memory_space<vmem>>
    tpu.wait_dma2 semaphore(%dma_wait3A_1350 : memref<!tpu.dma_semaphore, #tpu.memory_space<semaphore_mem>>) src(%dma_wait3A_1358 : memref<3x16x768xf32, #tpu.memory_space<vmem>>) dst(%dma_wait3A_1353 : memref<3x16x768xf32, #tpu.memory_space<hbm>>)
    %dma_start3A_1359 = arith.constant 0 : i32
    %dma_start3A_1360 = arith.constant 0 : i32
    %dma_start3A_1361 = arith.constant 0 : i32
    %dma_start3A_1362 = arith.constant 0 : i32
    %dma_start3A_1363 = arith.constant 0 : i32
    %dma_start3A_1364 = tpu.memref_slice %arg6[%dma_start3A_1359, %dma_start3A_1361, %dma_start3A_1362, %dma_start3A_1363] : memref<3x3x16x768xf32, #tpu.memory_space<vmem>> -> memref<1x3x16x768xf32, #tpu.memory_space<vmem>>
    %dma_start3A_1365 = tpu.memref_squeeze %dma_start3A_1364 : memref<1x3x16x768xf32, #tpu.memory_space<vmem>> -> memref<3x16x768xf32, #tpu.memory_space<vmem>>
    %dma_start3A_1366 = arith.constant 57 : i32
    %dma_start3A_1367 = arith.constant 0 : i32
    %dma_start3A_1368 = tpu.memref_slice %arg4[%dma_start3A_1366, %mul3A_32, %dma_start3A_1367] : memref<77x512x768xf32, #tpu.memory_space<hbm>> -> memref<3x16x768xf32, #tpu.memory_space<hbm>>
    %dma_start3A_1369 = tpu.memref_slice %arg8[%dma_start3A_1360] : memref<3x!tpu.dma_semaphore, #tpu.memory_space<semaphore_mem>> -> memref<1x!tpu.dma_semaphore, #tpu.memory_space<semaphore_mem>>
    %dma_start3A_1370 = tpu.memref_squeeze %dma_start3A_1369 : memref<1x!tpu.dma_semaphore, #tpu.memory_space<semaphore_mem>> -> memref<!tpu.dma_semaphore, #tpu.memory_space<semaphore_mem>>
    %dma_start3A_1371 = arith.constant 0 : i32
    %dma_start3A_1372 = arith.constant 0 : i32
    %dma_start3A_1373 = arith.constant 0 : i32
    %dma_start3A_1374 = tpu.memref_slice %arg6[%dma_start3A_1359, %dma_start3A_1371, %dma_start3A_1372, %dma_start3A_1373] : memref<3x3x16x768xf32, #tpu.memory_space<vmem>> -> memref<1x3x16x768xf32, #tpu.memory_space<vmem>>
    %dma_start3A_1375 = tpu.memref_squeeze %dma_start3A_1374 : memref<1x3x16x768xf32, #tpu.memory_space<vmem>> -> memref<3x16x768xf32, #tpu.memory_space<vmem>>
    %dma_start3A_1376 = arith.constant 57 : i32
    %dma_start3A_1377 = arith.constant 0 : i32
    %dma_start3A_1378 = tpu.memref_slice %arg4[%dma_start3A_1376, %mul3A_32, %dma_start3A_1377] : memref<77x512x768xf32, #tpu.memory_space<hbm>> -> memref<3x16x768xf32, #tpu.memory_space<hbm>>
    tpu.enqueue_dma source(%dma_start3A_1378 : memref<3x16x768xf32, #tpu.memory_space<hbm>>) target(%dma_start3A_1375 : memref<3x16x768xf32, #tpu.memory_space<vmem>>) target_semaphore(%dma_start3A_1370 : memref<!tpu.dma_semaphore, #tpu.memory_space<semaphore_mem>>)
    %dma_wait3A_1379 = arith.constant 2 : i32
    %dma_wait3A_1380 = arith.constant 2 : i32
    %dma_wait3A_1381 = arith.constant 0 : i32
    %dma_wait3A_1382 = arith.constant 0 : i32
    %dma_wait3A_1383 = arith.constant 0 : i32
    %dma_wait3A_1384 = tpu.memref_slice %arg6[%dma_wait3A_1379, %dma_wait3A_1381, %dma_wait3A_1382, %dma_wait3A_1383] : memref<3x3x16x768xf32, #tpu.memory_space<vmem>> -> memref<1x3x16x768xf32, #tpu.memory_space<vmem>>
    %dma_wait3A_1385 = tpu.memref_squeeze %dma_wait3A_1384 : memref<1x3x16x768xf32, #tpu.memory_space<vmem>> -> memref<3x16x768xf32, #tpu.memory_space<vmem>>
    %dma_wait3A_1386 = arith.constant 54 : i32
    %dma_wait3A_1387 = arith.constant 0 : i32
    %dma_wait3A_1388 = tpu.memref_slice %arg4[%dma_wait3A_1386, %mul3A_32, %dma_wait3A_1387] : memref<77x512x768xf32, #tpu.memory_space<hbm>> -> memref<3x16x768xf32, #tpu.memory_space<hbm>>
    %dma_wait3A_1389 = tpu.memref_slice %arg8[%dma_wait3A_1380] : memref<3x!tpu.dma_semaphore, #tpu.memory_space<semaphore_mem>> -> memref<1x!tpu.dma_semaphore, #tpu.memory_space<semaphore_mem>>
    %dma_wait3A_1390 = tpu.memref_squeeze %dma_wait3A_1389 : memref<1x!tpu.dma_semaphore, #tpu.memory_space<semaphore_mem>> -> memref<!tpu.dma_semaphore, #tpu.memory_space<semaphore_mem>>
    %dma_wait3A_1391 = arith.constant 0 : i32
    %dma_wait3A_1392 = arith.constant 0 : i32
    %dma_wait3A_1393 = arith.constant 0 : i32
    %dma_wait3A_1394 = tpu.memref_slice %arg6[%dma_wait3A_1379, %dma_wait3A_1391, %dma_wait3A_1392, %dma_wait3A_1393] : memref<3x3x16x768xf32, #tpu.memory_space<vmem>> -> memref<1x3x16x768xf32, #tpu.memory_space<vmem>>
    %dma_wait3A_1395 = tpu.memref_squeeze %dma_wait3A_1394 : memref<1x3x16x768xf32, #tpu.memory_space<vmem>> -> memref<3x16x768xf32, #tpu.memory_space<vmem>>
    %dma_wait3A_1396 = arith.constant 54 : i32
    %dma_wait3A_1397 = arith.constant 0 : i32
    %dma_wait3A_1398 = tpu.memref_slice %arg4[%dma_wait3A_1396, %mul3A_32, %dma_wait3A_1397] : memref<77x512x768xf32, #tpu.memory_space<hbm>> -> memref<3x16x768xf32, #tpu.memory_space<hbm>>
    tpu.wait_dma2 semaphore(%dma_wait3A_1390 : memref<!tpu.dma_semaphore, #tpu.memory_space<semaphore_mem>>) src(%dma_wait3A_1398 : memref<3x16x768xf32, #tpu.memory_space<hbm>>) dst(%dma_wait3A_1395 : memref<3x16x768xf32, #tpu.memory_space<vmem>>)
    %dma_start3A_1399 = arith.constant 2 : i32
    %dma_start3A_1400 = arith.constant 2 : i32
    %dma_start3A_1401 = arith.constant 0 : i32
    %dma_start3A_1402 = arith.constant 0 : i32
    %dma_start3A_1403 = arith.constant 0 : i32
    %dma_start3A_1404 = tpu.memref_slice %arg6[%dma_start3A_1399, %dma_start3A_1401, %dma_start3A_1402, %dma_start3A_1403] : memref<3x3x16x768xf32, #tpu.memory_space<vmem>> -> memref<1x3x16x768xf32, #tpu.memory_space<vmem>>
    %dma_start3A_1405 = tpu.memref_squeeze %dma_start3A_1404 : memref<1x3x16x768xf32, #tpu.memory_space<vmem>> -> memref<3x16x768xf32, #tpu.memory_space<vmem>>
    %dma_start3A_1406 = arith.constant 54 : i32
    %dma_start3A_1407 = arith.constant 0 : i32
    %dma_start3A_1408 = tpu.memref_slice %arg5[%dma_start3A_1406, %mul3A_32, %dma_start3A_1407] : memref<77x512x768xf32, #tpu.memory_space<hbm>> -> memref<3x16x768xf32, #tpu.memory_space<hbm>>
    %dma_start3A_1409 = tpu.memref_slice %arg9[%dma_start3A_1400] : memref<3x!tpu.dma_semaphore, #tpu.memory_space<semaphore_mem>> -> memref<1x!tpu.dma_semaphore, #tpu.memory_space<semaphore_mem>>
    %dma_start3A_1410 = tpu.memref_squeeze %dma_start3A_1409 : memref<1x!tpu.dma_semaphore, #tpu.memory_space<semaphore_mem>> -> memref<!tpu.dma_semaphore, #tpu.memory_space<semaphore_mem>>
    %dma_start3A_1411 = arith.constant 54 : i32
    %dma_start3A_1412 = arith.constant 0 : i32
    %dma_start3A_1413 = tpu.memref_slice %arg5[%dma_start3A_1411, %mul3A_32, %dma_start3A_1412] : memref<77x512x768xf32, #tpu.memory_space<hbm>> -> memref<3x16x768xf32, #tpu.memory_space<hbm>>
    %dma_start3A_1414 = arith.constant 0 : i32
    %dma_start3A_1415 = arith.constant 0 : i32
    %dma_start3A_1416 = arith.constant 0 : i32
    %dma_start3A_1417 = tpu.memref_slice %arg6[%dma_start3A_1399, %dma_start3A_1414, %dma_start3A_1415, %dma_start3A_1416] : memref<3x3x16x768xf32, #tpu.memory_space<vmem>> -> memref<1x3x16x768xf32, #tpu.memory_space<vmem>>
    %dma_start3A_1418 = tpu.memref_squeeze %dma_start3A_1417 : memref<1x3x16x768xf32, #tpu.memory_space<vmem>> -> memref<3x16x768xf32, #tpu.memory_space<vmem>>
    tpu.enqueue_dma source(%dma_start3A_1418 : memref<3x16x768xf32, #tpu.memory_space<vmem>>) target(%dma_start3A_1413 : memref<3x16x768xf32, #tpu.memory_space<hbm>>) target_semaphore(%dma_start3A_1410 : memref<!tpu.dma_semaphore, #tpu.memory_space<semaphore_mem>>)
    %dma_wait3A_1419 = arith.constant 1 : i32
    %dma_wait3A_1420 = arith.constant 1 : i32
    %dma_wait3A_1421 = arith.constant 0 : i32
    %dma_wait3A_1422 = arith.constant 0 : i32
    %dma_wait3A_1423 = arith.constant 0 : i32
    %dma_wait3A_1424 = tpu.memref_slice %arg6[%dma_wait3A_1419, %dma_wait3A_1421, %dma_wait3A_1422, %dma_wait3A_1423] : memref<3x3x16x768xf32, #tpu.memory_space<vmem>> -> memref<1x3x16x768xf32, #tpu.memory_space<vmem>>
    %dma_wait3A_1425 = tpu.memref_squeeze %dma_wait3A_1424 : memref<1x3x16x768xf32, #tpu.memory_space<vmem>> -> memref<3x16x768xf32, #tpu.memory_space<vmem>>
    %dma_wait3A_1426 = arith.constant 51 : i32
    %dma_wait3A_1427 = arith.constant 0 : i32
    %dma_wait3A_1428 = tpu.memref_slice %arg5[%dma_wait3A_1426, %mul3A_32, %dma_wait3A_1427] : memref<77x512x768xf32, #tpu.memory_space<hbm>> -> memref<3x16x768xf32, #tpu.memory_space<hbm>>
    %dma_wait3A_1429 = tpu.memref_slice %arg9[%dma_wait3A_1420] : memref<3x!tpu.dma_semaphore, #tpu.memory_space<semaphore_mem>> -> memref<1x!tpu.dma_semaphore, #tpu.memory_space<semaphore_mem>>
    %dma_wait3A_1430 = tpu.memref_squeeze %dma_wait3A_1429 : memref<1x!tpu.dma_semaphore, #tpu.memory_space<semaphore_mem>> -> memref<!tpu.dma_semaphore, #tpu.memory_space<semaphore_mem>>
    %dma_wait3A_1431 = arith.constant 51 : i32
    %dma_wait3A_1432 = arith.constant 0 : i32
    %dma_wait3A_1433 = tpu.memref_slice %arg5[%dma_wait3A_1431, %mul3A_32, %dma_wait3A_1432] : memref<77x512x768xf32, #tpu.memory_space<hbm>> -> memref<3x16x768xf32, #tpu.memory_space<hbm>>
    %dma_wait3A_1434 = arith.constant 0 : i32
    %dma_wait3A_1435 = arith.constant 0 : i32
    %dma_wait3A_1436 = arith.constant 0 : i32
    %dma_wait3A_1437 = tpu.memref_slice %arg6[%dma_wait3A_1419, %dma_wait3A_1434, %dma_wait3A_1435, %dma_wait3A_1436] : memref<3x3x16x768xf32, #tpu.memory_space<vmem>> -> memref<1x3x16x768xf32, #tpu.memory_space<vmem>>
    %dma_wait3A_1438 = tpu.memref_squeeze %dma_wait3A_1437 : memref<1x3x16x768xf32, #tpu.memory_space<vmem>> -> memref<3x16x768xf32, #tpu.memory_space<vmem>>
    tpu.wait_dma2 semaphore(%dma_wait3A_1430 : memref<!tpu.dma_semaphore, #tpu.memory_space<semaphore_mem>>) src(%dma_wait3A_1438 : memref<3x16x768xf32, #tpu.memory_space<vmem>>) dst(%dma_wait3A_1433 : memref<3x16x768xf32, #tpu.memory_space<hbm>>)
    %dma_start3A_1439 = arith.constant 1 : i32
    %dma_start3A_1440 = arith.constant 1 : i32
    %dma_start3A_1441 = arith.constant 0 : i32
    %dma_start3A_1442 = arith.constant 0 : i32
    %dma_start3A_1443 = arith.constant 0 : i32
    %dma_start3A_1444 = tpu.memref_slice %arg6[%dma_start3A_1439, %dma_start3A_1441, %dma_start3A_1442, %dma_start3A_1443] : memref<3x3x16x768xf32, #tpu.memory_space<vmem>> -> memref<1x3x16x768xf32, #tpu.memory_space<vmem>>
    %dma_start3A_1445 = tpu.memref_squeeze %dma_start3A_1444 : memref<1x3x16x768xf32, #tpu.memory_space<vmem>> -> memref<3x16x768xf32, #tpu.memory_space<vmem>>
    %dma_start3A_1446 = arith.constant 60 : i32
    %dma_start3A_1447 = arith.constant 0 : i32
    %dma_start3A_1448 = tpu.memref_slice %arg4[%dma_start3A_1446, %mul3A_32, %dma_start3A_1447] : memref<77x512x768xf32, #tpu.memory_space<hbm>> -> memref<3x16x768xf32, #tpu.memory_space<hbm>>
    %dma_start3A_1449 = tpu.memref_slice %arg8[%dma_start3A_1440] : memref<3x!tpu.dma_semaphore, #tpu.memory_space<semaphore_mem>> -> memref<1x!tpu.dma_semaphore, #tpu.memory_space<semaphore_mem>>
    %dma_start3A_1450 = tpu.memref_squeeze %dma_start3A_1449 : memref<1x!tpu.dma_semaphore, #tpu.memory_space<semaphore_mem>> -> memref<!tpu.dma_semaphore, #tpu.memory_space<semaphore_mem>>
    %dma_start3A_1451 = arith.constant 0 : i32
    %dma_start3A_1452 = arith.constant 0 : i32
    %dma_start3A_1453 = arith.constant 0 : i32
    %dma_start3A_1454 = tpu.memref_slice %arg6[%dma_start3A_1439, %dma_start3A_1451, %dma_start3A_1452, %dma_start3A_1453] : memref<3x3x16x768xf32, #tpu.memory_space<vmem>> -> memref<1x3x16x768xf32, #tpu.memory_space<vmem>>
    %dma_start3A_1455 = tpu.memref_squeeze %dma_start3A_1454 : memref<1x3x16x768xf32, #tpu.memory_space<vmem>> -> memref<3x16x768xf32, #tpu.memory_space<vmem>>
    %dma_start3A_1456 = arith.constant 60 : i32
    %dma_start3A_1457 = arith.constant 0 : i32
    %dma_start3A_1458 = tpu.memref_slice %arg4[%dma_start3A_1456, %mul3A_32, %dma_start3A_1457] : memref<77x512x768xf32, #tpu.memory_space<hbm>> -> memref<3x16x768xf32, #tpu.memory_space<hbm>>
    tpu.enqueue_dma source(%dma_start3A_1458 : memref<3x16x768xf32, #tpu.memory_space<hbm>>) target(%dma_start3A_1455 : memref<3x16x768xf32, #tpu.memory_space<vmem>>) target_semaphore(%dma_start3A_1450 : memref<!tpu.dma_semaphore, #tpu.memory_space<semaphore_mem>>)
    %dma_wait3A_1459 = arith.constant 0 : i32
    %dma_wait3A_1460 = arith.constant 0 : i32
    %dma_wait3A_1461 = arith.constant 0 : i32
    %dma_wait3A_1462 = arith.constant 0 : i32
    %dma_wait3A_1463 = arith.constant 0 : i32
    %dma_wait3A_1464 = tpu.memref_slice %arg6[%dma_wait3A_1459, %dma_wait3A_1461, %dma_wait3A_1462, %dma_wait3A_1463] : memref<3x3x16x768xf32, #tpu.memory_space<vmem>> -> memref<1x3x16x768xf32, #tpu.memory_space<vmem>>
    %dma_wait3A_1465 = tpu.memref_squeeze %dma_wait3A_1464 : memref<1x3x16x768xf32, #tpu.memory_space<vmem>> -> memref<3x16x768xf32, #tpu.memory_space<vmem>>
    %dma_wait3A_1466 = arith.constant 57 : i32
    %dma_wait3A_1467 = arith.constant 0 : i32
    %dma_wait3A_1468 = tpu.memref_slice %arg4[%dma_wait3A_1466, %mul3A_32, %dma_wait3A_1467] : memref<77x512x768xf32, #tpu.memory_space<hbm>> -> memref<3x16x768xf32, #tpu.memory_space<hbm>>
    %dma_wait3A_1469 = tpu.memref_slice %arg8[%dma_wait3A_1460] : memref<3x!tpu.dma_semaphore, #tpu.memory_space<semaphore_mem>> -> memref<1x!tpu.dma_semaphore, #tpu.memory_space<semaphore_mem>>
    %dma_wait3A_1470 = tpu.memref_squeeze %dma_wait3A_1469 : memref<1x!tpu.dma_semaphore, #tpu.memory_space<semaphore_mem>> -> memref<!tpu.dma_semaphore, #tpu.memory_space<semaphore_mem>>
    %dma_wait3A_1471 = arith.constant 0 : i32
    %dma_wait3A_1472 = arith.constant 0 : i32
    %dma_wait3A_1473 = arith.constant 0 : i32
    %dma_wait3A_1474 = tpu.memref_slice %arg6[%dma_wait3A_1459, %dma_wait3A_1471, %dma_wait3A_1472, %dma_wait3A_1473] : memref<3x3x16x768xf32, #tpu.memory_space<vmem>> -> memref<1x3x16x768xf32, #tpu.memory_space<vmem>>
    %dma_wait3A_1475 = tpu.memref_squeeze %dma_wait3A_1474 : memref<1x3x16x768xf32, #tpu.memory_space<vmem>> -> memref<3x16x768xf32, #tpu.memory_space<vmem>>
    %dma_wait3A_1476 = arith.constant 57 : i32
    %dma_wait3A_1477 = arith.constant 0 : i32
    %dma_wait3A_1478 = tpu.memref_slice %arg4[%dma_wait3A_1476, %mul3A_32, %dma_wait3A_1477] : memref<77x512x768xf32, #tpu.memory_space<hbm>> -> memref<3x16x768xf32, #tpu.memory_space<hbm>>
    tpu.wait_dma2 semaphore(%dma_wait3A_1470 : memref<!tpu.dma_semaphore, #tpu.memory_space<semaphore_mem>>) src(%dma_wait3A_1478 : memref<3x16x768xf32, #tpu.memory_space<hbm>>) dst(%dma_wait3A_1475 : memref<3x16x768xf32, #tpu.memory_space<vmem>>)
    %dma_start3A_1479 = arith.constant 0 : i32
    %dma_start3A_1480 = arith.constant 0 : i32
    %dma_start3A_1481 = arith.constant 0 : i32
    %dma_start3A_1482 = arith.constant 0 : i32
    %dma_start3A_1483 = arith.constant 0 : i32
    %dma_start3A_1484 = tpu.memref_slice %arg6[%dma_start3A_1479, %dma_start3A_1481, %dma_start3A_1482, %dma_start3A_1483] : memref<3x3x16x768xf32, #tpu.memory_space<vmem>> -> memref<1x3x16x768xf32, #tpu.memory_space<vmem>>
    %dma_start3A_1485 = tpu.memref_squeeze %dma_start3A_1484 : memref<1x3x16x768xf32, #tpu.memory_space<vmem>> -> memref<3x16x768xf32, #tpu.memory_space<vmem>>
    %dma_start3A_1486 = arith.constant 57 : i32
    %dma_start3A_1487 = arith.constant 0 : i32
    %dma_start3A_1488 = tpu.memref_slice %arg5[%dma_start3A_1486, %mul3A_32, %dma_start3A_1487] : memref<77x512x768xf32, #tpu.memory_space<hbm>> -> memref<3x16x768xf32, #tpu.memory_space<hbm>>
    %dma_start3A_1489 = tpu.memref_slice %arg9[%dma_start3A_1480] : memref<3x!tpu.dma_semaphore, #tpu.memory_space<semaphore_mem>> -> memref<1x!tpu.dma_semaphore, #tpu.memory_space<semaphore_mem>>
    %dma_start3A_1490 = tpu.memref_squeeze %dma_start3A_1489 : memref<1x!tpu.dma_semaphore, #tpu.memory_space<semaphore_mem>> -> memref<!tpu.dma_semaphore, #tpu.memory_space<semaphore_mem>>
    %dma_start3A_1491 = arith.constant 57 : i32
    %dma_start3A_1492 = arith.constant 0 : i32
    %dma_start3A_1493 = tpu.memref_slice %arg5[%dma_start3A_1491, %mul3A_32, %dma_start3A_1492] : memref<77x512x768xf32, #tpu.memory_space<hbm>> -> memref<3x16x768xf32, #tpu.memory_space<hbm>>
    %dma_start3A_1494 = arith.constant 0 : i32
    %dma_start3A_1495 = arith.constant 0 : i32
    %dma_start3A_1496 = arith.constant 0 : i32
    %dma_start3A_1497 = tpu.memref_slice %arg6[%dma_start3A_1479, %dma_start3A_1494, %dma_start3A_1495, %dma_start3A_1496] : memref<3x3x16x768xf32, #tpu.memory_space<vmem>> -> memref<1x3x16x768xf32, #tpu.memory_space<vmem>>
    %dma_start3A_1498 = tpu.memref_squeeze %dma_start3A_1497 : memref<1x3x16x768xf32, #tpu.memory_space<vmem>> -> memref<3x16x768xf32, #tpu.memory_space<vmem>>
    tpu.enqueue_dma source(%dma_start3A_1498 : memref<3x16x768xf32, #tpu.memory_space<vmem>>) target(%dma_start3A_1493 : memref<3x16x768xf32, #tpu.memory_space<hbm>>) target_semaphore(%dma_start3A_1490 : memref<!tpu.dma_semaphore, #tpu.memory_space<semaphore_mem>>)
    %dma_wait3A_1499 = arith.constant 2 : i32
    %dma_wait3A_1500 = arith.constant 2 : i32
    %dma_wait3A_1501 = arith.constant 0 : i32
    %dma_wait3A_1502 = arith.constant 0 : i32
    %dma_wait3A_1503 = arith.constant 0 : i32
    %dma_wait3A_1504 = tpu.memref_slice %arg6[%dma_wait3A_1499, %dma_wait3A_1501, %dma_wait3A_1502, %dma_wait3A_1503] : memref<3x3x16x768xf32, #tpu.memory_space<vmem>> -> memref<1x3x16x768xf32, #tpu.memory_space<vmem>>
    %dma_wait3A_1505 = tpu.memref_squeeze %dma_wait3A_1504 : memref<1x3x16x768xf32, #tpu.memory_space<vmem>> -> memref<3x16x768xf32, #tpu.memory_space<vmem>>
    %dma_wait3A_1506 = arith.constant 54 : i32
    %dma_wait3A_1507 = arith.constant 0 : i32
    %dma_wait3A_1508 = tpu.memref_slice %arg5[%dma_wait3A_1506, %mul3A_32, %dma_wait3A_1507] : memref<77x512x768xf32, #tpu.memory_space<hbm>> -> memref<3x16x768xf32, #tpu.memory_space<hbm>>
    %dma_wait3A_1509 = tpu.memref_slice %arg9[%dma_wait3A_1500] : memref<3x!tpu.dma_semaphore, #tpu.memory_space<semaphore_mem>> -> memref<1x!tpu.dma_semaphore, #tpu.memory_space<semaphore_mem>>
    %dma_wait3A_1510 = tpu.memref_squeeze %dma_wait3A_1509 : memref<1x!tpu.dma_semaphore, #tpu.memory_space<semaphore_mem>> -> memref<!tpu.dma_semaphore, #tpu.memory_space<semaphore_mem>>
    %dma_wait3A_1511 = arith.constant 54 : i32
    %dma_wait3A_1512 = arith.constant 0 : i32
    %dma_wait3A_1513 = tpu.memref_slice %arg5[%dma_wait3A_1511, %mul3A_32, %dma_wait3A_1512] : memref<77x512x768xf32, #tpu.memory_space<hbm>> -> memref<3x16x768xf32, #tpu.memory_space<hbm>>
    %dma_wait3A_1514 = arith.constant 0 : i32
    %dma_wait3A_1515 = arith.constant 0 : i32
    %dma_wait3A_1516 = arith.constant 0 : i32
    %dma_wait3A_1517 = tpu.memref_slice %arg6[%dma_wait3A_1499, %dma_wait3A_1514, %dma_wait3A_1515, %dma_wait3A_1516] : memref<3x3x16x768xf32, #tpu.memory_space<vmem>> -> memref<1x3x16x768xf32, #tpu.memory_space<vmem>>
    %dma_wait3A_1518 = tpu.memref_squeeze %dma_wait3A_1517 : memref<1x3x16x768xf32, #tpu.memory_space<vmem>> -> memref<3x16x768xf32, #tpu.memory_space<vmem>>
    tpu.wait_dma2 semaphore(%dma_wait3A_1510 : memref<!tpu.dma_semaphore, #tpu.memory_space<semaphore_mem>>) src(%dma_wait3A_1518 : memref<3x16x768xf32, #tpu.memory_space<vmem>>) dst(%dma_wait3A_1513 : memref<3x16x768xf32, #tpu.memory_space<hbm>>)
    %dma_start3A_1519 = arith.constant 2 : i32
    %dma_start3A_1520 = arith.constant 2 : i32
    %dma_start3A_1521 = arith.constant 0 : i32
    %dma_start3A_1522 = arith.constant 0 : i32
    %dma_start3A_1523 = arith.constant 0 : i32
    %dma_start3A_1524 = tpu.memref_slice %arg6[%dma_start3A_1519, %dma_start3A_1521, %dma_start3A_1522, %dma_start3A_1523] : memref<3x3x16x768xf32, #tpu.memory_space<vmem>> -> memref<1x3x16x768xf32, #tpu.memory_space<vmem>>
    %dma_start3A_1525 = tpu.memref_squeeze %dma_start3A_1524 : memref<1x3x16x768xf32, #tpu.memory_space<vmem>> -> memref<3x16x768xf32, #tpu.memory_space<vmem>>
    %dma_start3A_1526 = arith.constant 63 : i32
    %dma_start3A_1527 = arith.constant 0 : i32
    %dma_start3A_1528 = tpu.memref_slice %arg4[%dma_start3A_1526, %mul3A_32, %dma_start3A_1527] : memref<77x512x768xf32, #tpu.memory_space<hbm>> -> memref<3x16x768xf32, #tpu.memory_space<hbm>>
    %dma_start3A_1529 = tpu.memref_slice %arg8[%dma_start3A_1520] : memref<3x!tpu.dma_semaphore, #tpu.memory_space<semaphore_mem>> -> memref<1x!tpu.dma_semaphore, #tpu.memory_space<semaphore_mem>>
    %dma_start3A_1530 = tpu.memref_squeeze %dma_start3A_1529 : memref<1x!tpu.dma_semaphore, #tpu.memory_space<semaphore_mem>> -> memref<!tpu.dma_semaphore, #tpu.memory_space<semaphore_mem>>
    %dma_start3A_1531 = arith.constant 0 : i32
    %dma_start3A_1532 = arith.constant 0 : i32
    %dma_start3A_1533 = arith.constant 0 : i32
    %dma_start3A_1534 = tpu.memref_slice %arg6[%dma_start3A_1519, %dma_start3A_1531, %dma_start3A_1532, %dma_start3A_1533] : memref<3x3x16x768xf32, #tpu.memory_space<vmem>> -> memref<1x3x16x768xf32, #tpu.memory_space<vmem>>
    %dma_start3A_1535 = tpu.memref_squeeze %dma_start3A_1534 : memref<1x3x16x768xf32, #tpu.memory_space<vmem>> -> memref<3x16x768xf32, #tpu.memory_space<vmem>>
    %dma_start3A_1536 = arith.constant 63 : i32
    %dma_start3A_1537 = arith.constant 0 : i32
    %dma_start3A_1538 = tpu.memref_slice %arg4[%dma_start3A_1536, %mul3A_32, %dma_start3A_1537] : memref<77x512x768xf32, #tpu.memory_space<hbm>> -> memref<3x16x768xf32, #tpu.memory_space<hbm>>
    tpu.enqueue_dma source(%dma_start3A_1538 : memref<3x16x768xf32, #tpu.memory_space<hbm>>) target(%dma_start3A_1535 : memref<3x16x768xf32, #tpu.memory_space<vmem>>) target_semaphore(%dma_start3A_1530 : memref<!tpu.dma_semaphore, #tpu.memory_space<semaphore_mem>>)
    %dma_wait3A_1539 = arith.constant 1 : i32
    %dma_wait3A_1540 = arith.constant 1 : i32
    %dma_wait3A_1541 = arith.constant 0 : i32
    %dma_wait3A_1542 = arith.constant 0 : i32
    %dma_wait3A_1543 = arith.constant 0 : i32
    %dma_wait3A_1544 = tpu.memref_slice %arg6[%dma_wait3A_1539, %dma_wait3A_1541, %dma_wait3A_1542, %dma_wait3A_1543] : memref<3x3x16x768xf32, #tpu.memory_space<vmem>> -> memref<1x3x16x768xf32, #tpu.memory_space<vmem>>
    %dma_wait3A_1545 = tpu.memref_squeeze %dma_wait3A_1544 : memref<1x3x16x768xf32, #tpu.memory_space<vmem>> -> memref<3x16x768xf32, #tpu.memory_space<vmem>>
    %dma_wait3A_1546 = arith.constant 60 : i32
    %dma_wait3A_1547 = arith.constant 0 : i32
    %dma_wait3A_1548 = tpu.memref_slice %arg4[%dma_wait3A_1546, %mul3A_32, %dma_wait3A_1547] : memref<77x512x768xf32, #tpu.memory_space<hbm>> -> memref<3x16x768xf32, #tpu.memory_space<hbm>>
    %dma_wait3A_1549 = tpu.memref_slice %arg8[%dma_wait3A_1540] : memref<3x!tpu.dma_semaphore, #tpu.memory_space<semaphore_mem>> -> memref<1x!tpu.dma_semaphore, #tpu.memory_space<semaphore_mem>>
    %dma_wait3A_1550 = tpu.memref_squeeze %dma_wait3A_1549 : memref<1x!tpu.dma_semaphore, #tpu.memory_space<semaphore_mem>> -> memref<!tpu.dma_semaphore, #tpu.memory_space<semaphore_mem>>
    %dma_wait3A_1551 = arith.constant 0 : i32
    %dma_wait3A_1552 = arith.constant 0 : i32
    %dma_wait3A_1553 = arith.constant 0 : i32
    %dma_wait3A_1554 = tpu.memref_slice %arg6[%dma_wait3A_1539, %dma_wait3A_1551, %dma_wait3A_1552, %dma_wait3A_1553] : memref<3x3x16x768xf32, #tpu.memory_space<vmem>> -> memref<1x3x16x768xf32, #tpu.memory_space<vmem>>
    %dma_wait3A_1555 = tpu.memref_squeeze %dma_wait3A_1554 : memref<1x3x16x768xf32, #tpu.memory_space<vmem>> -> memref<3x16x768xf32, #tpu.memory_space<vmem>>
    %dma_wait3A_1556 = arith.constant 60 : i32
    %dma_wait3A_1557 = arith.constant 0 : i32
    %dma_wait3A_1558 = tpu.memref_slice %arg4[%dma_wait3A_1556, %mul3A_32, %dma_wait3A_1557] : memref<77x512x768xf32, #tpu.memory_space<hbm>> -> memref<3x16x768xf32, #tpu.memory_space<hbm>>
    tpu.wait_dma2 semaphore(%dma_wait3A_1550 : memref<!tpu.dma_semaphore, #tpu.memory_space<semaphore_mem>>) src(%dma_wait3A_1558 : memref<3x16x768xf32, #tpu.memory_space<hbm>>) dst(%dma_wait3A_1555 : memref<3x16x768xf32, #tpu.memory_space<vmem>>)
    %dma_start3A_1559 = arith.constant 1 : i32
    %dma_start3A_1560 = arith.constant 1 : i32
    %dma_start3A_1561 = arith.constant 0 : i32
    %dma_start3A_1562 = arith.constant 0 : i32
    %dma_start3A_1563 = arith.constant 0 : i32
    %dma_start3A_1564 = tpu.memref_slice %arg6[%dma_start3A_1559, %dma_start3A_1561, %dma_start3A_1562, %dma_start3A_1563] : memref<3x3x16x768xf32, #tpu.memory_space<vmem>> -> memref<1x3x16x768xf32, #tpu.memory_space<vmem>>
    %dma_start3A_1565 = tpu.memref_squeeze %dma_start3A_1564 : memref<1x3x16x768xf32, #tpu.memory_space<vmem>> -> memref<3x16x768xf32, #tpu.memory_space<vmem>>
    %dma_start3A_1566 = arith.constant 60 : i32
    %dma_start3A_1567 = arith.constant 0 : i32
    %dma_start3A_1568 = tpu.memref_slice %arg5[%dma_start3A_1566, %mul3A_32, %dma_start3A_1567] : memref<77x512x768xf32, #tpu.memory_space<hbm>> -> memref<3x16x768xf32, #tpu.memory_space<hbm>>
    %dma_start3A_1569 = tpu.memref_slice %arg9[%dma_start3A_1560] : memref<3x!tpu.dma_semaphore, #tpu.memory_space<semaphore_mem>> -> memref<1x!tpu.dma_semaphore, #tpu.memory_space<semaphore_mem>>
    %dma_start3A_1570 = tpu.memref_squeeze %dma_start3A_1569 : memref<1x!tpu.dma_semaphore, #tpu.memory_space<semaphore_mem>> -> memref<!tpu.dma_semaphore, #tpu.memory_space<semaphore_mem>>
    %dma_start3A_1571 = arith.constant 60 : i32
    %dma_start3A_1572 = arith.constant 0 : i32
    %dma_start3A_1573 = tpu.memref_slice %arg5[%dma_start3A_1571, %mul3A_32, %dma_start3A_1572] : memref<77x512x768xf32, #tpu.memory_space<hbm>> -> memref<3x16x768xf32, #tpu.memory_space<hbm>>
    %dma_start3A_1574 = arith.constant 0 : i32
    %dma_start3A_1575 = arith.constant 0 : i32
    %dma_start3A_1576 = arith.constant 0 : i32
    %dma_start3A_1577 = tpu.memref_slice %arg6[%dma_start3A_1559, %dma_start3A_1574, %dma_start3A_1575, %dma_start3A_1576] : memref<3x3x16x768xf32, #tpu.memory_space<vmem>> -> memref<1x3x16x768xf32, #tpu.memory_space<vmem>>
    %dma_start3A_1578 = tpu.memref_squeeze %dma_start3A_1577 : memref<1x3x16x768xf32, #tpu.memory_space<vmem>> -> memref<3x16x768xf32, #tpu.memory_space<vmem>>
    tpu.enqueue_dma source(%dma_start3A_1578 : memref<3x16x768xf32, #tpu.memory_space<vmem>>) target(%dma_start3A_1573 : memref<3x16x768xf32, #tpu.memory_space<hbm>>) target_semaphore(%dma_start3A_1570 : memref<!tpu.dma_semaphore, #tpu.memory_space<semaphore_mem>>)
    %dma_wait3A_1579 = arith.constant 0 : i32
    %dma_wait3A_1580 = arith.constant 0 : i32
    %dma_wait3A_1581 = arith.constant 0 : i32
    %dma_wait3A_1582 = arith.constant 0 : i32
    %dma_wait3A_1583 = arith.constant 0 : i32
    %dma_wait3A_1584 = tpu.memref_slice %arg6[%dma_wait3A_1579, %dma_wait3A_1581, %dma_wait3A_1582, %dma_wait3A_1583] : memref<3x3x16x768xf32, #tpu.memory_space<vmem>> -> memref<1x3x16x768xf32, #tpu.memory_space<vmem>>
    %dma_wait3A_1585 = tpu.memref_squeeze %dma_wait3A_1584 : memref<1x3x16x768xf32, #tpu.memory_space<vmem>> -> memref<3x16x768xf32, #tpu.memory_space<vmem>>
    %dma_wait3A_1586 = arith.constant 57 : i32
    %dma_wait3A_1587 = arith.constant 0 : i32
    %dma_wait3A_1588 = tpu.memref_slice %arg5[%dma_wait3A_1586, %mul3A_32, %dma_wait3A_1587] : memref<77x512x768xf32, #tpu.memory_space<hbm>> -> memref<3x16x768xf32, #tpu.memory_space<hbm>>
    %dma_wait3A_1589 = tpu.memref_slice %arg9[%dma_wait3A_1580] : memref<3x!tpu.dma_semaphore, #tpu.memory_space<semaphore_mem>> -> memref<1x!tpu.dma_semaphore, #tpu.memory_space<semaphore_mem>>
    %dma_wait3A_1590 = tpu.memref_squeeze %dma_wait3A_1589 : memref<1x!tpu.dma_semaphore, #tpu.memory_space<semaphore_mem>> -> memref<!tpu.dma_semaphore, #tpu.memory_space<semaphore_mem>>
    %dma_wait3A_1591 = arith.constant 57 : i32
    %dma_wait3A_1592 = arith.constant 0 : i32
    %dma_wait3A_1593 = tpu.memref_slice %arg5[%dma_wait3A_1591, %mul3A_32, %dma_wait3A_1592] : memref<77x512x768xf32, #tpu.memory_space<hbm>> -> memref<3x16x768xf32, #tpu.memory_space<hbm>>
    %dma_wait3A_1594 = arith.constant 0 : i32
    %dma_wait3A_1595 = arith.constant 0 : i32
    %dma_wait3A_1596 = arith.constant 0 : i32
    %dma_wait3A_1597 = tpu.memref_slice %arg6[%dma_wait3A_1579, %dma_wait3A_1594, %dma_wait3A_1595, %dma_wait3A_1596] : memref<3x3x16x768xf32, #tpu.memory_space<vmem>> -> memref<1x3x16x768xf32, #tpu.memory_space<vmem>>
    %dma_wait3A_1598 = tpu.memref_squeeze %dma_wait3A_1597 : memref<1x3x16x768xf32, #tpu.memory_space<vmem>> -> memref<3x16x768xf32, #tpu.memory_space<vmem>>
    tpu.wait_dma2 semaphore(%dma_wait3A_1590 : memref<!tpu.dma_semaphore, #tpu.memory_space<semaphore_mem>>) src(%dma_wait3A_1598 : memref<3x16x768xf32, #tpu.memory_space<vmem>>) dst(%dma_wait3A_1593 : memref<3x16x768xf32, #tpu.memory_space<hbm>>)
    %dma_start3A_1599 = arith.constant 0 : i32
    %dma_start3A_1600 = arith.constant 0 : i32
    %dma_start3A_1601 = arith.constant 0 : i32
    %dma_start3A_1602 = arith.constant 0 : i32
    %dma_start3A_1603 = arith.constant 0 : i32
    %dma_start3A_1604 = tpu.memref_slice %arg6[%dma_start3A_1599, %dma_start3A_1601, %dma_start3A_1602, %dma_start3A_1603] : memref<3x3x16x768xf32, #tpu.memory_space<vmem>> -> memref<1x3x16x768xf32, #tpu.memory_space<vmem>>
    %dma_start3A_1605 = tpu.memref_squeeze %dma_start3A_1604 : memref<1x3x16x768xf32, #tpu.memory_space<vmem>> -> memref<3x16x768xf32, #tpu.memory_space<vmem>>
    %dma_start3A_1606 = arith.constant 66 : i32
    %dma_start3A_1607 = arith.constant 0 : i32
    %dma_start3A_1608 = tpu.memref_slice %arg4[%dma_start3A_1606, %mul3A_32, %dma_start3A_1607] : memref<77x512x768xf32, #tpu.memory_space<hbm>> -> memref<3x16x768xf32, #tpu.memory_space<hbm>>
    %dma_start3A_1609 = tpu.memref_slice %arg8[%dma_start3A_1600] : memref<3x!tpu.dma_semaphore, #tpu.memory_space<semaphore_mem>> -> memref<1x!tpu.dma_semaphore, #tpu.memory_space<semaphore_mem>>
    %dma_start3A_1610 = tpu.memref_squeeze %dma_start3A_1609 : memref<1x!tpu.dma_semaphore, #tpu.memory_space<semaphore_mem>> -> memref<!tpu.dma_semaphore, #tpu.memory_space<semaphore_mem>>
    %dma_start3A_1611 = arith.constant 0 : i32
    %dma_start3A_1612 = arith.constant 0 : i32
    %dma_start3A_1613 = arith.constant 0 : i32
    %dma_start3A_1614 = tpu.memref_slice %arg6[%dma_start3A_1599, %dma_start3A_1611, %dma_start3A_1612, %dma_start3A_1613] : memref<3x3x16x768xf32, #tpu.memory_space<vmem>> -> memref<1x3x16x768xf32, #tpu.memory_space<vmem>>
    %dma_start3A_1615 = tpu.memref_squeeze %dma_start3A_1614 : memref<1x3x16x768xf32, #tpu.memory_space<vmem>> -> memref<3x16x768xf32, #tpu.memory_space<vmem>>
    %dma_start3A_1616 = arith.constant 66 : i32
    %dma_start3A_1617 = arith.constant 0 : i32
    %dma_start3A_1618 = tpu.memref_slice %arg4[%dma_start3A_1616, %mul3A_32, %dma_start3A_1617] : memref<77x512x768xf32, #tpu.memory_space<hbm>> -> memref<3x16x768xf32, #tpu.memory_space<hbm>>
    tpu.enqueue_dma source(%dma_start3A_1618 : memref<3x16x768xf32, #tpu.memory_space<hbm>>) target(%dma_start3A_1615 : memref<3x16x768xf32, #tpu.memory_space<vmem>>) target_semaphore(%dma_start3A_1610 : memref<!tpu.dma_semaphore, #tpu.memory_space<semaphore_mem>>)
    %dma_wait3A_1619 = arith.constant 2 : i32
    %dma_wait3A_1620 = arith.constant 2 : i32
    %dma_wait3A_1621 = arith.constant 0 : i32
    %dma_wait3A_1622 = arith.constant 0 : i32
    %dma_wait3A_1623 = arith.constant 0 : i32
    %dma_wait3A_1624 = tpu.memref_slice %arg6[%dma_wait3A_1619, %dma_wait3A_1621, %dma_wait3A_1622, %dma_wait3A_1623] : memref<3x3x16x768xf32, #tpu.memory_space<vmem>> -> memref<1x3x16x768xf32, #tpu.memory_space<vmem>>
    %dma_wait3A_1625 = tpu.memref_squeeze %dma_wait3A_1624 : memref<1x3x16x768xf32, #tpu.memory_space<vmem>> -> memref<3x16x768xf32, #tpu.memory_space<vmem>>
    %dma_wait3A_1626 = arith.constant 63 : i32
    %dma_wait3A_1627 = arith.constant 0 : i32
    %dma_wait3A_1628 = tpu.memref_slice %arg4[%dma_wait3A_1626, %mul3A_32, %dma_wait3A_1627] : memref<77x512x768xf32, #tpu.memory_space<hbm>> -> memref<3x16x768xf32, #tpu.memory_space<hbm>>
    %dma_wait3A_1629 = tpu.memref_slice %arg8[%dma_wait3A_1620] : memref<3x!tpu.dma_semaphore, #tpu.memory_space<semaphore_mem>> -> memref<1x!tpu.dma_semaphore, #tpu.memory_space<semaphore_mem>>
    %dma_wait3A_1630 = tpu.memref_squeeze %dma_wait3A_1629 : memref<1x!tpu.dma_semaphore, #tpu.memory_space<semaphore_mem>> -> memref<!tpu.dma_semaphore, #tpu.memory_space<semaphore_mem>>
    %dma_wait3A_1631 = arith.constant 0 : i32
    %dma_wait3A_1632 = arith.constant 0 : i32
    %dma_wait3A_1633 = arith.constant 0 : i32
    %dma_wait3A_1634 = tpu.memref_slice %arg6[%dma_wait3A_1619, %dma_wait3A_1631, %dma_wait3A_1632, %dma_wait3A_1633] : memref<3x3x16x768xf32, #tpu.memory_space<vmem>> -> memref<1x3x16x768xf32, #tpu.memory_space<vmem>>
    %dma_wait3A_1635 = tpu.memref_squeeze %dma_wait3A_1634 : memref<1x3x16x768xf32, #tpu.memory_space<vmem>> -> memref<3x16x768xf32, #tpu.memory_space<vmem>>
    %dma_wait3A_1636 = arith.constant 63 : i32
    %dma_wait3A_1637 = arith.constant 0 : i32
    %dma_wait3A_1638 = tpu.memref_slice %arg4[%dma_wait3A_1636, %mul3A_32, %dma_wait3A_1637] : memref<77x512x768xf32, #tpu.memory_space<hbm>> -> memref<3x16x768xf32, #tpu.memory_space<hbm>>
    tpu.wait_dma2 semaphore(%dma_wait3A_1630 : memref<!tpu.dma_semaphore, #tpu.memory_space<semaphore_mem>>) src(%dma_wait3A_1638 : memref<3x16x768xf32, #tpu.memory_space<hbm>>) dst(%dma_wait3A_1635 : memref<3x16x768xf32, #tpu.memory_space<vmem>>)
    %dma_start3A_1639 = arith.constant 2 : i32
    %dma_start3A_1640 = arith.constant 2 : i32
    %dma_start3A_1641 = arith.constant 0 : i32
    %dma_start3A_1642 = arith.constant 0 : i32
    %dma_start3A_1643 = arith.constant 0 : i32
    %dma_start3A_1644 = tpu.memref_slice %arg6[%dma_start3A_1639, %dma_start3A_1641, %dma_start3A_1642, %dma_start3A_1643] : memref<3x3x16x768xf32, #tpu.memory_space<vmem>> -> memref<1x3x16x768xf32, #tpu.memory_space<vmem>>
    %dma_start3A_1645 = tpu.memref_squeeze %dma_start3A_1644 : memref<1x3x16x768xf32, #tpu.memory_space<vmem>> -> memref<3x16x768xf32, #tpu.memory_space<vmem>>
    %dma_start3A_1646 = arith.constant 63 : i32
    %dma_start3A_1647 = arith.constant 0 : i32
    %dma_start3A_1648 = tpu.memref_slice %arg5[%dma_start3A_1646, %mul3A_32, %dma_start3A_1647] : memref<77x512x768xf32, #tpu.memory_space<hbm>> -> memref<3x16x768xf32, #tpu.memory_space<hbm>>
    %dma_start3A_1649 = tpu.memref_slice %arg9[%dma_start3A_1640] : memref<3x!tpu.dma_semaphore, #tpu.memory_space<semaphore_mem>> -> memref<1x!tpu.dma_semaphore, #tpu.memory_space<semaphore_mem>>
    %dma_start3A_1650 = tpu.memref_squeeze %dma_start3A_1649 : memref<1x!tpu.dma_semaphore, #tpu.memory_space<semaphore_mem>> -> memref<!tpu.dma_semaphore, #tpu.memory_space<semaphore_mem>>
    %dma_start3A_1651 = arith.constant 63 : i32
    %dma_start3A_1652 = arith.constant 0 : i32
    %dma_start3A_1653 = tpu.memref_slice %arg5[%dma_start3A_1651, %mul3A_32, %dma_start3A_1652] : memref<77x512x768xf32, #tpu.memory_space<hbm>> -> memref<3x16x768xf32, #tpu.memory_space<hbm>>
    %dma_start3A_1654 = arith.constant 0 : i32
    %dma_start3A_1655 = arith.constant 0 : i32
    %dma_start3A_1656 = arith.constant 0 : i32
    %dma_start3A_1657 = tpu.memref_slice %arg6[%dma_start3A_1639, %dma_start3A_1654, %dma_start3A_1655, %dma_start3A_1656] : memref<3x3x16x768xf32, #tpu.memory_space<vmem>> -> memref<1x3x16x768xf32, #tpu.memory_space<vmem>>
    %dma_start3A_1658 = tpu.memref_squeeze %dma_start3A_1657 : memref<1x3x16x768xf32, #tpu.memory_space<vmem>> -> memref<3x16x768xf32, #tpu.memory_space<vmem>>
    tpu.enqueue_dma source(%dma_start3A_1658 : memref<3x16x768xf32, #tpu.memory_space<vmem>>) target(%dma_start3A_1653 : memref<3x16x768xf32, #tpu.memory_space<hbm>>) target_semaphore(%dma_start3A_1650 : memref<!tpu.dma_semaphore, #tpu.memory_space<semaphore_mem>>)
    %dma_wait3A_1659 = arith.constant 1 : i32
    %dma_wait3A_1660 = arith.constant 1 : i32
    %dma_wait3A_1661 = arith.constant 0 : i32
    %dma_wait3A_1662 = arith.constant 0 : i32
    %dma_wait3A_1663 = arith.constant 0 : i32
    %dma_wait3A_1664 = tpu.memref_slice %arg6[%dma_wait3A_1659, %dma_wait3A_1661, %dma_wait3A_1662, %dma_wait3A_1663] : memref<3x3x16x768xf32, #tpu.memory_space<vmem>> -> memref<1x3x16x768xf32, #tpu.memory_space<vmem>>
    %dma_wait3A_1665 = tpu.memref_squeeze %dma_wait3A_1664 : memref<1x3x16x768xf32, #tpu.memory_space<vmem>> -> memref<3x16x768xf32, #tpu.memory_space<vmem>>
    %dma_wait3A_1666 = arith.constant 60 : i32
    %dma_wait3A_1667 = arith.constant 0 : i32
    %dma_wait3A_1668 = tpu.memref_slice %arg5[%dma_wait3A_1666, %mul3A_32, %dma_wait3A_1667] : memref<77x512x768xf32, #tpu.memory_space<hbm>> -> memref<3x16x768xf32, #tpu.memory_space<hbm>>
    %dma_wait3A_1669 = tpu.memref_slice %arg9[%dma_wait3A_1660] : memref<3x!tpu.dma_semaphore, #tpu.memory_space<semaphore_mem>> -> memref<1x!tpu.dma_semaphore, #tpu.memory_space<semaphore_mem>>
    %dma_wait3A_1670 = tpu.memref_squeeze %dma_wait3A_1669 : memref<1x!tpu.dma_semaphore, #tpu.memory_space<semaphore_mem>> -> memref<!tpu.dma_semaphore, #tpu.memory_space<semaphore_mem>>
    %dma_wait3A_1671 = arith.constant 60 : i32
    %dma_wait3A_1672 = arith.constant 0 : i32
    %dma_wait3A_1673 = tpu.memref_slice %arg5[%dma_wait3A_1671, %mul3A_32, %dma_wait3A_1672] : memref<77x512x768xf32, #tpu.memory_space<hbm>> -> memref<3x16x768xf32, #tpu.memory_space<hbm>>
    %dma_wait3A_1674 = arith.constant 0 : i32
    %dma_wait3A_1675 = arith.constant 0 : i32
    %dma_wait3A_1676 = arith.constant 0 : i32
    %dma_wait3A_1677 = tpu.memref_slice %arg6[%dma_wait3A_1659, %dma_wait3A_1674, %dma_wait3A_1675, %dma_wait3A_1676] : memref<3x3x16x768xf32, #tpu.memory_space<vmem>> -> memref<1x3x16x768xf32, #tpu.memory_space<vmem>>
    %dma_wait3A_1678 = tpu.memref_squeeze %dma_wait3A_1677 : memref<1x3x16x768xf32, #tpu.memory_space<vmem>> -> memref<3x16x768xf32, #tpu.memory_space<vmem>>
    tpu.wait_dma2 semaphore(%dma_wait3A_1670 : memref<!tpu.dma_semaphore, #tpu.memory_space<semaphore_mem>>) src(%dma_wait3A_1678 : memref<3x16x768xf32, #tpu.memory_space<vmem>>) dst(%dma_wait3A_1673 : memref<3x16x768xf32, #tpu.memory_space<hbm>>)
    %dma_start3A_1679 = arith.constant 1 : i32
    %dma_start3A_1680 = arith.constant 1 : i32
    %dma_start3A_1681 = arith.constant 0 : i32
    %dma_start3A_1682 = arith.constant 0 : i32
    %dma_start3A_1683 = arith.constant 0 : i32
    %dma_start3A_1684 = tpu.memref_slice %arg6[%dma_start3A_1679, %dma_start3A_1681, %dma_start3A_1682, %dma_start3A_1683] : memref<3x3x16x768xf32, #tpu.memory_space<vmem>> -> memref<1x3x16x768xf32, #tpu.memory_space<vmem>>
    %dma_start3A_1685 = tpu.memref_squeeze %dma_start3A_1684 : memref<1x3x16x768xf32, #tpu.memory_space<vmem>> -> memref<3x16x768xf32, #tpu.memory_space<vmem>>
    %dma_start3A_1686 = arith.constant 69 : i32
    %dma_start3A_1687 = arith.constant 0 : i32
    %dma_start3A_1688 = tpu.memref_slice %arg4[%dma_start3A_1686, %mul3A_32, %dma_start3A_1687] : memref<77x512x768xf32, #tpu.memory_space<hbm>> -> memref<3x16x768xf32, #tpu.memory_space<hbm>>
    %dma_start3A_1689 = tpu.memref_slice %arg8[%dma_start3A_1680] : memref<3x!tpu.dma_semaphore, #tpu.memory_space<semaphore_mem>> -> memref<1x!tpu.dma_semaphore, #tpu.memory_space<semaphore_mem>>
    %dma_start3A_1690 = tpu.memref_squeeze %dma_start3A_1689 : memref<1x!tpu.dma_semaphore, #tpu.memory_space<semaphore_mem>> -> memref<!tpu.dma_semaphore, #tpu.memory_space<semaphore_mem>>
    %dma_start3A_1691 = arith.constant 0 : i32
    %dma_start3A_1692 = arith.constant 0 : i32
    %dma_start3A_1693 = arith.constant 0 : i32
    %dma_start3A_1694 = tpu.memref_slice %arg6[%dma_start3A_1679, %dma_start3A_1691, %dma_start3A_1692, %dma_start3A_1693] : memref<3x3x16x768xf32, #tpu.memory_space<vmem>> -> memref<1x3x16x768xf32, #tpu.memory_space<vmem>>
    %dma_start3A_1695 = tpu.memref_squeeze %dma_start3A_1694 : memref<1x3x16x768xf32, #tpu.memory_space<vmem>> -> memref<3x16x768xf32, #tpu.memory_space<vmem>>
    %dma_start3A_1696 = arith.constant 69 : i32
    %dma_start3A_1697 = arith.constant 0 : i32
    %dma_start3A_1698 = tpu.memref_slice %arg4[%dma_start3A_1696, %mul3A_32, %dma_start3A_1697] : memref<77x512x768xf32, #tpu.memory_space<hbm>> -> memref<3x16x768xf32, #tpu.memory_space<hbm>>
    tpu.enqueue_dma source(%dma_start3A_1698 : memref<3x16x768xf32, #tpu.memory_space<hbm>>) target(%dma_start3A_1695 : memref<3x16x768xf32, #tpu.memory_space<vmem>>) target_semaphore(%dma_start3A_1690 : memref<!tpu.dma_semaphore, #tpu.memory_space<semaphore_mem>>)
    %dma_wait3A_1699 = arith.constant 0 : i32
    %dma_wait3A_1700 = arith.constant 0 : i32
    %dma_wait3A_1701 = arith.constant 0 : i32
    %dma_wait3A_1702 = arith.constant 0 : i32
    %dma_wait3A_1703 = arith.constant 0 : i32
    %dma_wait3A_1704 = tpu.memref_slice %arg6[%dma_wait3A_1699, %dma_wait3A_1701, %dma_wait3A_1702, %dma_wait3A_1703] : memref<3x3x16x768xf32, #tpu.memory_space<vmem>> -> memref<1x3x16x768xf32, #tpu.memory_space<vmem>>
    %dma_wait3A_1705 = tpu.memref_squeeze %dma_wait3A_1704 : memref<1x3x16x768xf32, #tpu.memory_space<vmem>> -> memref<3x16x768xf32, #tpu.memory_space<vmem>>
    %dma_wait3A_1706 = arith.constant 66 : i32
    %dma_wait3A_1707 = arith.constant 0 : i32
    %dma_wait3A_1708 = tpu.memref_slice %arg4[%dma_wait3A_1706, %mul3A_32, %dma_wait3A_1707] : memref<77x512x768xf32, #tpu.memory_space<hbm>> -> memref<3x16x768xf32, #tpu.memory_space<hbm>>
    %dma_wait3A_1709 = tpu.memref_slice %arg8[%dma_wait3A_1700] : memref<3x!tpu.dma_semaphore, #tpu.memory_space<semaphore_mem>> -> memref<1x!tpu.dma_semaphore, #tpu.memory_space<semaphore_mem>>
    %dma_wait3A_1710 = tpu.memref_squeeze %dma_wait3A_1709 : memref<1x!tpu.dma_semaphore, #tpu.memory_space<semaphore_mem>> -> memref<!tpu.dma_semaphore, #tpu.memory_space<semaphore_mem>>
    %dma_wait3A_1711 = arith.constant 0 : i32
    %dma_wait3A_1712 = arith.constant 0 : i32
    %dma_wait3A_1713 = arith.constant 0 : i32
    %dma_wait3A_1714 = tpu.memref_slice %arg6[%dma_wait3A_1699, %dma_wait3A_1711, %dma_wait3A_1712, %dma_wait3A_1713] : memref<3x3x16x768xf32, #tpu.memory_space<vmem>> -> memref<1x3x16x768xf32, #tpu.memory_space<vmem>>
    %dma_wait3A_1715 = tpu.memref_squeeze %dma_wait3A_1714 : memref<1x3x16x768xf32, #tpu.memory_space<vmem>> -> memref<3x16x768xf32, #tpu.memory_space<vmem>>
    %dma_wait3A_1716 = arith.constant 66 : i32
    %dma_wait3A_1717 = arith.constant 0 : i32
    %dma_wait3A_1718 = tpu.memref_slice %arg4[%dma_wait3A_1716, %mul3A_32, %dma_wait3A_1717] : memref<77x512x768xf32, #tpu.memory_space<hbm>> -> memref<3x16x768xf32, #tpu.memory_space<hbm>>
    tpu.wait_dma2 semaphore(%dma_wait3A_1710 : memref<!tpu.dma_semaphore, #tpu.memory_space<semaphore_mem>>) src(%dma_wait3A_1718 : memref<3x16x768xf32, #tpu.memory_space<hbm>>) dst(%dma_wait3A_1715 : memref<3x16x768xf32, #tpu.memory_space<vmem>>)
    %dma_start3A_1719 = arith.constant 0 : i32
    %dma_start3A_1720 = arith.constant 0 : i32
    %dma_start3A_1721 = arith.constant 0 : i32
    %dma_start3A_1722 = arith.constant 0 : i32
    %dma_start3A_1723 = arith.constant 0 : i32
    %dma_start3A_1724 = tpu.memref_slice %arg6[%dma_start3A_1719, %dma_start3A_1721, %dma_start3A_1722, %dma_start3A_1723] : memref<3x3x16x768xf32, #tpu.memory_space<vmem>> -> memref<1x3x16x768xf32, #tpu.memory_space<vmem>>
    %dma_start3A_1725 = tpu.memref_squeeze %dma_start3A_1724 : memref<1x3x16x768xf32, #tpu.memory_space<vmem>> -> memref<3x16x768xf32, #tpu.memory_space<vmem>>
    %dma_start3A_1726 = arith.constant 66 : i32
    %dma_start3A_1727 = arith.constant 0 : i32
    %dma_start3A_1728 = tpu.memref_slice %arg5[%dma_start3A_1726, %mul3A_32, %dma_start3A_1727] : memref<77x512x768xf32, #tpu.memory_space<hbm>> -> memref<3x16x768xf32, #tpu.memory_space<hbm>>
    %dma_start3A_1729 = tpu.memref_slice %arg9[%dma_start3A_1720] : memref<3x!tpu.dma_semaphore, #tpu.memory_space<semaphore_mem>> -> memref<1x!tpu.dma_semaphore, #tpu.memory_space<semaphore_mem>>
    %dma_start3A_1730 = tpu.memref_squeeze %dma_start3A_1729 : memref<1x!tpu.dma_semaphore, #tpu.memory_space<semaphore_mem>> -> memref<!tpu.dma_semaphore, #tpu.memory_space<semaphore_mem>>
    %dma_start3A_1731 = arith.constant 66 : i32
    %dma_start3A_1732 = arith.constant 0 : i32
    %dma_start3A_1733 = tpu.memref_slice %arg5[%dma_start3A_1731, %mul3A_32, %dma_start3A_1732] : memref<77x512x768xf32, #tpu.memory_space<hbm>> -> memref<3x16x768xf32, #tpu.memory_space<hbm>>
    %dma_start3A_1734 = arith.constant 0 : i32
    %dma_start3A_1735 = arith.constant 0 : i32
    %dma_start3A_1736 = arith.constant 0 : i32
    %dma_start3A_1737 = tpu.memref_slice %arg6[%dma_start3A_1719, %dma_start3A_1734, %dma_start3A_1735, %dma_start3A_1736] : memref<3x3x16x768xf32, #tpu.memory_space<vmem>> -> memref<1x3x16x768xf32, #tpu.memory_space<vmem>>
    %dma_start3A_1738 = tpu.memref_squeeze %dma_start3A_1737 : memref<1x3x16x768xf32, #tpu.memory_space<vmem>> -> memref<3x16x768xf32, #tpu.memory_space<vmem>>
    tpu.enqueue_dma source(%dma_start3A_1738 : memref<3x16x768xf32, #tpu.memory_space<vmem>>) target(%dma_start3A_1733 : memref<3x16x768xf32, #tpu.memory_space<hbm>>) target_semaphore(%dma_start3A_1730 : memref<!tpu.dma_semaphore, #tpu.memory_space<semaphore_mem>>)
    %dma_wait3A_1739 = arith.constant 2 : i32
    %dma_wait3A_1740 = arith.constant 2 : i32
    %dma_wait3A_1741 = arith.constant 0 : i32
    %dma_wait3A_1742 = arith.constant 0 : i32
    %dma_wait3A_1743 = arith.constant 0 : i32
    %dma_wait3A_1744 = tpu.memref_slice %arg6[%dma_wait3A_1739, %dma_wait3A_1741, %dma_wait3A_1742, %dma_wait3A_1743] : memref<3x3x16x768xf32, #tpu.memory_space<vmem>> -> memref<1x3x16x768xf32, #tpu.memory_space<vmem>>
    %dma_wait3A_1745 = tpu.memref_squeeze %dma_wait3A_1744 : memref<1x3x16x768xf32, #tpu.memory_space<vmem>> -> memref<3x16x768xf32, #tpu.memory_space<vmem>>
    %dma_wait3A_1746 = arith.constant 63 : i32
    %dma_wait3A_1747 = arith.constant 0 : i32
    %dma_wait3A_1748 = tpu.memref_slice %arg5[%dma_wait3A_1746, %mul3A_32, %dma_wait3A_1747] : memref<77x512x768xf32, #tpu.memory_space<hbm>> -> memref<3x16x768xf32, #tpu.memory_space<hbm>>
    %dma_wait3A_1749 = tpu.memref_slice %arg9[%dma_wait3A_1740] : memref<3x!tpu.dma_semaphore, #tpu.memory_space<semaphore_mem>> -> memref<1x!tpu.dma_semaphore, #tpu.memory_space<semaphore_mem>>
    %dma_wait3A_1750 = tpu.memref_squeeze %dma_wait3A_1749 : memref<1x!tpu.dma_semaphore, #tpu.memory_space<semaphore_mem>> -> memref<!tpu.dma_semaphore, #tpu.memory_space<semaphore_mem>>
    %dma_wait3A_1751 = arith.constant 63 : i32
    %dma_wait3A_1752 = arith.constant 0 : i32
    %dma_wait3A_1753 = tpu.memref_slice %arg5[%dma_wait3A_1751, %mul3A_32, %dma_wait3A_1752] : memref<77x512x768xf32, #tpu.memory_space<hbm>> -> memref<3x16x768xf32, #tpu.memory_space<hbm>>
    %dma_wait3A_1754 = arith.constant 0 : i32
    %dma_wait3A_1755 = arith.constant 0 : i32
    %dma_wait3A_1756 = arith.constant 0 : i32
    %dma_wait3A_1757 = tpu.memref_slice %arg6[%dma_wait3A_1739, %dma_wait3A_1754, %dma_wait3A_1755, %dma_wait3A_1756] : memref<3x3x16x768xf32, #tpu.memory_space<vmem>> -> memref<1x3x16x768xf32, #tpu.memory_space<vmem>>
    %dma_wait3A_1758 = tpu.memref_squeeze %dma_wait3A_1757 : memref<1x3x16x768xf32, #tpu.memory_space<vmem>> -> memref<3x16x768xf32, #tpu.memory_space<vmem>>
    tpu.wait_dma2 semaphore(%dma_wait3A_1750 : memref<!tpu.dma_semaphore, #tpu.memory_space<semaphore_mem>>) src(%dma_wait3A_1758 : memref<3x16x768xf32, #tpu.memory_space<vmem>>) dst(%dma_wait3A_1753 : memref<3x16x768xf32, #tpu.memory_space<hbm>>)
    %dma_start3A_1759 = arith.constant 2 : i32
    %dma_start3A_1760 = arith.constant 2 : i32
    %dma_start3A_1761 = arith.constant 0 : i32
    %dma_start3A_1762 = arith.constant 0 : i32
    %dma_start3A_1763 = arith.constant 0 : i32
    %dma_start3A_1764 = tpu.memref_slice %arg6[%dma_start3A_1759, %dma_start3A_1761, %dma_start3A_1762, %dma_start3A_1763] : memref<3x3x16x768xf32, #tpu.memory_space<vmem>> -> memref<1x3x16x768xf32, #tpu.memory_space<vmem>>
    %dma_start3A_1765 = tpu.memref_squeeze %dma_start3A_1764 : memref<1x3x16x768xf32, #tpu.memory_space<vmem>> -> memref<3x16x768xf32, #tpu.memory_space<vmem>>
    %dma_start3A_1766 = arith.constant 72 : i32
    %dma_start3A_1767 = arith.constant 0 : i32
    %dma_start3A_1768 = tpu.memref_slice %arg4[%dma_start3A_1766, %mul3A_32, %dma_start3A_1767] : memref<77x512x768xf32, #tpu.memory_space<hbm>> -> memref<3x16x768xf32, #tpu.memory_space<hbm>>
    %dma_start3A_1769 = tpu.memref_slice %arg8[%dma_start3A_1760] : memref<3x!tpu.dma_semaphore, #tpu.memory_space<semaphore_mem>> -> memref<1x!tpu.dma_semaphore, #tpu.memory_space<semaphore_mem>>
    %dma_start3A_1770 = tpu.memref_squeeze %dma_start3A_1769 : memref<1x!tpu.dma_semaphore, #tpu.memory_space<semaphore_mem>> -> memref<!tpu.dma_semaphore, #tpu.memory_space<semaphore_mem>>
    %dma_start3A_1771 = arith.constant 0 : i32
    %dma_start3A_1772 = arith.constant 0 : i32
    %dma_start3A_1773 = arith.constant 0 : i32
    %dma_start3A_1774 = tpu.memref_slice %arg6[%dma_start3A_1759, %dma_start3A_1771, %dma_start3A_1772, %dma_start3A_1773] : memref<3x3x16x768xf32, #tpu.memory_space<vmem>> -> memref<1x3x16x768xf32, #tpu.memory_space<vmem>>
    %dma_start3A_1775 = tpu.memref_squeeze %dma_start3A_1774 : memref<1x3x16x768xf32, #tpu.memory_space<vmem>> -> memref<3x16x768xf32, #tpu.memory_space<vmem>>
    %dma_start3A_1776 = arith.constant 72 : i32
    %dma_start3A_1777 = arith.constant 0 : i32
    %dma_start3A_1778 = tpu.memref_slice %arg4[%dma_start3A_1776, %mul3A_32, %dma_start3A_1777] : memref<77x512x768xf32, #tpu.memory_space<hbm>> -> memref<3x16x768xf32, #tpu.memory_space<hbm>>
    tpu.enqueue_dma source(%dma_start3A_1778 : memref<3x16x768xf32, #tpu.memory_space<hbm>>) target(%dma_start3A_1775 : memref<3x16x768xf32, #tpu.memory_space<vmem>>) target_semaphore(%dma_start3A_1770 : memref<!tpu.dma_semaphore, #tpu.memory_space<semaphore_mem>>)
    %dma_wait3A_1779 = arith.constant 1 : i32
    %dma_wait3A_1780 = arith.constant 1 : i32
    %dma_wait3A_1781 = arith.constant 0 : i32
    %dma_wait3A_1782 = arith.constant 0 : i32
    %dma_wait3A_1783 = arith.constant 0 : i32
    %dma_wait3A_1784 = tpu.memref_slice %arg6[%dma_wait3A_1779, %dma_wait3A_1781, %dma_wait3A_1782, %dma_wait3A_1783] : memref<3x3x16x768xf32, #tpu.memory_space<vmem>> -> memref<1x3x16x768xf32, #tpu.memory_space<vmem>>
    %dma_wait3A_1785 = tpu.memref_squeeze %dma_wait3A_1784 : memref<1x3x16x768xf32, #tpu.memory_space<vmem>> -> memref<3x16x768xf32, #tpu.memory_space<vmem>>
    %dma_wait3A_1786 = arith.constant 69 : i32
    %dma_wait3A_1787 = arith.constant 0 : i32
    %dma_wait3A_1788 = tpu.memref_slice %arg4[%dma_wait3A_1786, %mul3A_32, %dma_wait3A_1787] : memref<77x512x768xf32, #tpu.memory_space<hbm>> -> memref<3x16x768xf32, #tpu.memory_space<hbm>>
    %dma_wait3A_1789 = tpu.memref_slice %arg8[%dma_wait3A_1780] : memref<3x!tpu.dma_semaphore, #tpu.memory_space<semaphore_mem>> -> memref<1x!tpu.dma_semaphore, #tpu.memory_space<semaphore_mem>>
    %dma_wait3A_1790 = tpu.memref_squeeze %dma_wait3A_1789 : memref<1x!tpu.dma_semaphore, #tpu.memory_space<semaphore_mem>> -> memref<!tpu.dma_semaphore, #tpu.memory_space<semaphore_mem>>
    %dma_wait3A_1791 = arith.constant 0 : i32
    %dma_wait3A_1792 = arith.constant 0 : i32
    %dma_wait3A_1793 = arith.constant 0 : i32
    %dma_wait3A_1794 = tpu.memref_slice %arg6[%dma_wait3A_1779, %dma_wait3A_1791, %dma_wait3A_1792, %dma_wait3A_1793] : memref<3x3x16x768xf32, #tpu.memory_space<vmem>> -> memref<1x3x16x768xf32, #tpu.memory_space<vmem>>
    %dma_wait3A_1795 = tpu.memref_squeeze %dma_wait3A_1794 : memref<1x3x16x768xf32, #tpu.memory_space<vmem>> -> memref<3x16x768xf32, #tpu.memory_space<vmem>>
    %dma_wait3A_1796 = arith.constant 69 : i32
    %dma_wait3A_1797 = arith.constant 0 : i32
    %dma_wait3A_1798 = tpu.memref_slice %arg4[%dma_wait3A_1796, %mul3A_32, %dma_wait3A_1797] : memref<77x512x768xf32, #tpu.memory_space<hbm>> -> memref<3x16x768xf32, #tpu.memory_space<hbm>>
    tpu.wait_dma2 semaphore(%dma_wait3A_1790 : memref<!tpu.dma_semaphore, #tpu.memory_space<semaphore_mem>>) src(%dma_wait3A_1798 : memref<3x16x768xf32, #tpu.memory_space<hbm>>) dst(%dma_wait3A_1795 : memref<3x16x768xf32, #tpu.memory_space<vmem>>)
    %dma_start3A_1799 = arith.constant 1 : i32
    %dma_start3A_1800 = arith.constant 1 : i32
    %dma_start3A_1801 = arith.constant 0 : i32
    %dma_start3A_1802 = arith.constant 0 : i32
    %dma_start3A_1803 = arith.constant 0 : i32
    %dma_start3A_1804 = tpu.memref_slice %arg6[%dma_start3A_1799, %dma_start3A_1801, %dma_start3A_1802, %dma_start3A_1803] : memref<3x3x16x768xf32, #tpu.memory_space<vmem>> -> memref<1x3x16x768xf32, #tpu.memory_space<vmem>>
    %dma_start3A_1805 = tpu.memref_squeeze %dma_start3A_1804 : memref<1x3x16x768xf32, #tpu.memory_space<vmem>> -> memref<3x16x768xf32, #tpu.memory_space<vmem>>
    %dma_start3A_1806 = arith.constant 69 : i32
    %dma_start3A_1807 = arith.constant 0 : i32
    %dma_start3A_1808 = tpu.memref_slice %arg5[%dma_start3A_1806, %mul3A_32, %dma_start3A_1807] : memref<77x512x768xf32, #tpu.memory_space<hbm>> -> memref<3x16x768xf32, #tpu.memory_space<hbm>>
    %dma_start3A_1809 = tpu.memref_slice %arg9[%dma_start3A_1800] : memref<3x!tpu.dma_semaphore, #tpu.memory_space<semaphore_mem>> -> memref<1x!tpu.dma_semaphore, #tpu.memory_space<semaphore_mem>>
    %dma_start3A_1810 = tpu.memref_squeeze %dma_start3A_1809 : memref<1x!tpu.dma_semaphore, #tpu.memory_space<semaphore_mem>> -> memref<!tpu.dma_semaphore, #tpu.memory_space<semaphore_mem>>
    %dma_start3A_1811 = arith.constant 69 : i32
    %dma_start3A_1812 = arith.constant 0 : i32
    %dma_start3A_1813 = tpu.memref_slice %arg5[%dma_start3A_1811, %mul3A_32, %dma_start3A_1812] : memref<77x512x768xf32, #tpu.memory_space<hbm>> -> memref<3x16x768xf32, #tpu.memory_space<hbm>>
    %dma_start3A_1814 = arith.constant 0 : i32
    %dma_start3A_1815 = arith.constant 0 : i32
    %dma_start3A_1816 = arith.constant 0 : i32
    %dma_start3A_1817 = tpu.memref_slice %arg6[%dma_start3A_1799, %dma_start3A_1814, %dma_start3A_1815, %dma_start3A_1816] : memref<3x3x16x768xf32, #tpu.memory_space<vmem>> -> memref<1x3x16x768xf32, #tpu.memory_space<vmem>>
    %dma_start3A_1818 = tpu.memref_squeeze %dma_start3A_1817 : memref<1x3x16x768xf32, #tpu.memory_space<vmem>> -> memref<3x16x768xf32, #tpu.memory_space<vmem>>
    tpu.enqueue_dma source(%dma_start3A_1818 : memref<3x16x768xf32, #tpu.memory_space<vmem>>) target(%dma_start3A_1813 : memref<3x16x768xf32, #tpu.memory_space<hbm>>) target_semaphore(%dma_start3A_1810 : memref<!tpu.dma_semaphore, #tpu.memory_space<semaphore_mem>>)
    %dma_wait3A_1819 = arith.constant 0 : i32
    %dma_wait3A_1820 = arith.constant 0 : i32
    %dma_wait3A_1821 = arith.constant 0 : i32
    %dma_wait3A_1822 = arith.constant 0 : i32
    %dma_wait3A_1823 = arith.constant 0 : i32
    %dma_wait3A_1824 = tpu.memref_slice %arg6[%dma_wait3A_1819, %dma_wait3A_1821, %dma_wait3A_1822, %dma_wait3A_1823] : memref<3x3x16x768xf32, #tpu.memory_space<vmem>> -> memref<1x3x16x768xf32, #tpu.memory_space<vmem>>
    %dma_wait3A_1825 = tpu.memref_squeeze %dma_wait3A_1824 : memref<1x3x16x768xf32, #tpu.memory_space<vmem>> -> memref<3x16x768xf32, #tpu.memory_space<vmem>>
    %dma_wait3A_1826 = arith.constant 66 : i32
    %dma_wait3A_1827 = arith.constant 0 : i32
    %dma_wait3A_1828 = tpu.memref_slice %arg5[%dma_wait3A_1826, %mul3A_32, %dma_wait3A_1827] : memref<77x512x768xf32, #tpu.memory_space<hbm>> -> memref<3x16x768xf32, #tpu.memory_space<hbm>>
    %dma_wait3A_1829 = tpu.memref_slice %arg9[%dma_wait3A_1820] : memref<3x!tpu.dma_semaphore, #tpu.memory_space<semaphore_mem>> -> memref<1x!tpu.dma_semaphore, #tpu.memory_space<semaphore_mem>>
    %dma_wait3A_1830 = tpu.memref_squeeze %dma_wait3A_1829 : memref<1x!tpu.dma_semaphore, #tpu.memory_space<semaphore_mem>> -> memref<!tpu.dma_semaphore, #tpu.memory_space<semaphore_mem>>
    %dma_wait3A_1831 = arith.constant 66 : i32
    %dma_wait3A_1832 = arith.constant 0 : i32
    %dma_wait3A_1833 = tpu.memref_slice %arg5[%dma_wait3A_1831, %mul3A_32, %dma_wait3A_1832] : memref<77x512x768xf32, #tpu.memory_space<hbm>> -> memref<3x16x768xf32, #tpu.memory_space<hbm>>
    %dma_wait3A_1834 = arith.constant 0 : i32
    %dma_wait3A_1835 = arith.constant 0 : i32
    %dma_wait3A_1836 = arith.constant 0 : i32
    %dma_wait3A_1837 = tpu.memref_slice %arg6[%dma_wait3A_1819, %dma_wait3A_1834, %dma_wait3A_1835, %dma_wait3A_1836] : memref<3x3x16x768xf32, #tpu.memory_space<vmem>> -> memref<1x3x16x768xf32, #tpu.memory_space<vmem>>
    %dma_wait3A_1838 = tpu.memref_squeeze %dma_wait3A_1837 : memref<1x3x16x768xf32, #tpu.memory_space<vmem>> -> memref<3x16x768xf32, #tpu.memory_space<vmem>>
    tpu.wait_dma2 semaphore(%dma_wait3A_1830 : memref<!tpu.dma_semaphore, #tpu.memory_space<semaphore_mem>>) src(%dma_wait3A_1838 : memref<3x16x768xf32, #tpu.memory_space<vmem>>) dst(%dma_wait3A_1833 : memref<3x16x768xf32, #tpu.memory_space<hbm>>)
    %dma_start3A_1839 = arith.constant 0 : i32
    %dma_start3A_1840 = arith.constant 0 : i32
    %dma_start3A_1841 = arith.constant 0 : i32
    %dma_start3A_1842 = arith.constant 0 : i32
    %dma_start3A_1843 = arith.constant 0 : i32
    %dma_start3A_1844 = tpu.memref_slice %arg6[%dma_start3A_1839, %dma_start3A_1841, %dma_start3A_1842, %dma_start3A_1843] : memref<3x3x16x768xf32, #tpu.memory_space<vmem>> -> memref<1x2x16x768xf32, #tpu.memory_space<vmem>>
    %dma_start3A_1845 = tpu.memref_squeeze %dma_start3A_1844 : memref<1x2x16x768xf32, #tpu.memory_space<vmem>> -> memref<2x16x768xf32, #tpu.memory_space<vmem>>
    %dma_start3A_1846 = arith.constant 75 : i32
    %dma_start3A_1847 = arith.constant 0 : i32
    %dma_start3A_1848 = tpu.memref_slice %arg4[%dma_start3A_1846, %mul3A_32, %dma_start3A_1847] : memref<77x512x768xf32, #tpu.memory_space<hbm>> -> memref<2x16x768xf32, #tpu.memory_space<hbm>>
    %dma_start3A_1849 = tpu.memref_slice %arg8[%dma_start3A_1840] : memref<3x!tpu.dma_semaphore, #tpu.memory_space<semaphore_mem>> -> memref<1x!tpu.dma_semaphore, #tpu.memory_space<semaphore_mem>>
    %dma_start3A_1850 = tpu.memref_squeeze %dma_start3A_1849 : memref<1x!tpu.dma_semaphore, #tpu.memory_space<semaphore_mem>> -> memref<!tpu.dma_semaphore, #tpu.memory_space<semaphore_mem>>
    %dma_start3A_1851 = arith.constant 0 : i32
    %dma_start3A_1852 = arith.constant 0 : i32
    %dma_start3A_1853 = arith.constant 0 : i32
    %dma_start3A_1854 = tpu.memref_slice %arg6[%dma_start3A_1839, %dma_start3A_1851, %dma_start3A_1852, %dma_start3A_1853] : memref<3x3x16x768xf32, #tpu.memory_space<vmem>> -> memref<1x2x16x768xf32, #tpu.memory_space<vmem>>
    %dma_start3A_1855 = tpu.memref_squeeze %dma_start3A_1854 : memref<1x2x16x768xf32, #tpu.memory_space<vmem>> -> memref<2x16x768xf32, #tpu.memory_space<vmem>>
    %dma_start3A_1856 = arith.constant 75 : i32
    %dma_start3A_1857 = arith.constant 0 : i32
    %dma_start3A_1858 = tpu.memref_slice %arg4[%dma_start3A_1856, %mul3A_32, %dma_start3A_1857] : memref<77x512x768xf32, #tpu.memory_space<hbm>> -> memref<2x16x768xf32, #tpu.memory_space<hbm>>
    tpu.enqueue_dma source(%dma_start3A_1858 : memref<2x16x768xf32, #tpu.memory_space<hbm>>) target(%dma_start3A_1855 : memref<2x16x768xf32, #tpu.memory_space<vmem>>) target_semaphore(%dma_start3A_1850 : memref<!tpu.dma_semaphore, #tpu.memory_space<semaphore_mem>>)
    %dma_wait3A_1859 = arith.constant 2 : i32
    %dma_wait3A_1860 = arith.constant 2 : i32
    %dma_wait3A_1861 = arith.constant 0 : i32
    %dma_wait3A_1862 = arith.constant 0 : i32
    %dma_wait3A_1863 = arith.constant 0 : i32
    %dma_wait3A_1864 = tpu.memref_slice %arg6[%dma_wait3A_1859, %dma_wait3A_1861, %dma_wait3A_1862, %dma_wait3A_1863] : memref<3x3x16x768xf32, #tpu.memory_space<vmem>> -> memref<1x3x16x768xf32, #tpu.memory_space<vmem>>
    %dma_wait3A_1865 = tpu.memref_squeeze %dma_wait3A_1864 : memref<1x3x16x768xf32, #tpu.memory_space<vmem>> -> memref<3x16x768xf32, #tpu.memory_space<vmem>>
    %dma_wait3A_1866 = arith.constant 72 : i32
    %dma_wait3A_1867 = arith.constant 0 : i32
    %dma_wait3A_1868 = tpu.memref_slice %arg4[%dma_wait3A_1866, %mul3A_32, %dma_wait3A_1867] : memref<77x512x768xf32, #tpu.memory_space<hbm>> -> memref<3x16x768xf32, #tpu.memory_space<hbm>>
    %dma_wait3A_1869 = tpu.memref_slice %arg8[%dma_wait3A_1860] : memref<3x!tpu.dma_semaphore, #tpu.memory_space<semaphore_mem>> -> memref<1x!tpu.dma_semaphore, #tpu.memory_space<semaphore_mem>>
    %dma_wait3A_1870 = tpu.memref_squeeze %dma_wait3A_1869 : memref<1x!tpu.dma_semaphore, #tpu.memory_space<semaphore_mem>> -> memref<!tpu.dma_semaphore, #tpu.memory_space<semaphore_mem>>
    %dma_wait3A_1871 = arith.constant 0 : i32
    %dma_wait3A_1872 = arith.constant 0 : i32
    %dma_wait3A_1873 = arith.constant 0 : i32
    %dma_wait3A_1874 = tpu.memref_slice %arg6[%dma_wait3A_1859, %dma_wait3A_1871, %dma_wait3A_1872, %dma_wait3A_1873] : memref<3x3x16x768xf32, #tpu.memory_space<vmem>> -> memref<1x3x16x768xf32, #tpu.memory_space<vmem>>
    %dma_wait3A_1875 = tpu.memref_squeeze %dma_wait3A_1874 : memref<1x3x16x768xf32, #tpu.memory_space<vmem>> -> memref<3x16x768xf32, #tpu.memory_space<vmem>>
    %dma_wait3A_1876 = arith.constant 72 : i32
    %dma_wait3A_1877 = arith.constant 0 : i32
    %dma_wait3A_1878 = tpu.memref_slice %arg4[%dma_wait3A_1876, %mul3A_32, %dma_wait3A_1877] : memref<77x512x768xf32, #tpu.memory_space<hbm>> -> memref<3x16x768xf32, #tpu.memory_space<hbm>>
    tpu.wait_dma2 semaphore(%dma_wait3A_1870 : memref<!tpu.dma_semaphore, #tpu.memory_space<semaphore_mem>>) src(%dma_wait3A_1878 : memref<3x16x768xf32, #tpu.memory_space<hbm>>) dst(%dma_wait3A_1875 : memref<3x16x768xf32, #tpu.memory_space<vmem>>)
    %dma_start3A_1879 = arith.constant 2 : i32
    %dma_start3A_1880 = arith.constant 2 : i32
    %dma_start3A_1881 = arith.constant 0 : i32
    %dma_start3A_1882 = arith.constant 0 : i32
    %dma_start3A_1883 = arith.constant 0 : i32
    %dma_start3A_1884 = tpu.memref_slice %arg6[%dma_start3A_1879, %dma_start3A_1881, %dma_start3A_1882, %dma_start3A_1883] : memref<3x3x16x768xf32, #tpu.memory_space<vmem>> -> memref<1x3x16x768xf32, #tpu.memory_space<vmem>>
    %dma_start3A_1885 = tpu.memref_squeeze %dma_start3A_1884 : memref<1x3x16x768xf32, #tpu.memory_space<vmem>> -> memref<3x16x768xf32, #tpu.memory_space<vmem>>
    %dma_start3A_1886 = arith.constant 72 : i32
    %dma_start3A_1887 = arith.constant 0 : i32
    %dma_start3A_1888 = tpu.memref_slice %arg5[%dma_start3A_1886, %mul3A_32, %dma_start3A_1887] : memref<77x512x768xf32, #tpu.memory_space<hbm>> -> memref<3x16x768xf32, #tpu.memory_space<hbm>>
    %dma_start3A_1889 = tpu.memref_slice %arg9[%dma_start3A_1880] : memref<3x!tpu.dma_semaphore, #tpu.memory_space<semaphore_mem>> -> memref<1x!tpu.dma_semaphore, #tpu.memory_space<semaphore_mem>>
    %dma_start3A_1890 = tpu.memref_squeeze %dma_start3A_1889 : memref<1x!tpu.dma_semaphore, #tpu.memory_space<semaphore_mem>> -> memref<!tpu.dma_semaphore, #tpu.memory_space<semaphore_mem>>
    %dma_start3A_1891 = arith.constant 72 : i32
    %dma_start3A_1892 = arith.constant 0 : i32
    %dma_start3A_1893 = tpu.memref_slice %arg5[%dma_start3A_1891, %mul3A_32, %dma_start3A_1892] : memref<77x512x768xf32, #tpu.memory_space<hbm>> -> memref<3x16x768xf32, #tpu.memory_space<hbm>>
    %dma_start3A_1894 = arith.constant 0 : i32
    %dma_start3A_1895 = arith.constant 0 : i32
    %dma_start3A_1896 = arith.constant 0 : i32
    %dma_start3A_1897 = tpu.memref_slice %arg6[%dma_start3A_1879, %dma_start3A_1894, %dma_start3A_1895, %dma_start3A_1896] : memref<3x3x16x768xf32, #tpu.memory_space<vmem>> -> memref<1x3x16x768xf32, #tpu.memory_space<vmem>>
    %dma_start3A_1898 = tpu.memref_squeeze %dma_start3A_1897 : memref<1x3x16x768xf32, #tpu.memory_space<vmem>> -> memref<3x16x768xf32, #tpu.memory_space<vmem>>
    tpu.enqueue_dma source(%dma_start3A_1898 : memref<3x16x768xf32, #tpu.memory_space<vmem>>) target(%dma_start3A_1893 : memref<3x16x768xf32, #tpu.memory_space<hbm>>) target_semaphore(%dma_start3A_1890 : memref<!tpu.dma_semaphore, #tpu.memory_space<semaphore_mem>>)
    %dma_wait3A_1899 = arith.constant 0 : i32
    %dma_wait3A_1900 = arith.constant 0 : i32
    %dma_wait3A_1901 = arith.constant 0 : i32
    %dma_wait3A_1902 = arith.constant 0 : i32
    %dma_wait3A_1903 = arith.constant 0 : i32
    %dma_wait3A_1904 = tpu.memref_slice %arg6[%dma_wait3A_1899, %dma_wait3A_1901, %dma_wait3A_1902, %dma_wait3A_1903] : memref<3x3x16x768xf32, #tpu.memory_space<vmem>> -> memref<1x2x16x768xf32, #tpu.memory_space<vmem>>
    %dma_wait3A_1905 = tpu.memref_squeeze %dma_wait3A_1904 : memref<1x2x16x768xf32, #tpu.memory_space<vmem>> -> memref<2x16x768xf32, #tpu.memory_space<vmem>>
    %dma_wait3A_1906 = arith.constant 75 : i32
    %dma_wait3A_1907 = arith.constant 0 : i32
    %dma_wait3A_1908 = tpu.memref_slice %arg4[%dma_wait3A_1906, %mul3A_32, %dma_wait3A_1907] : memref<77x512x768xf32, #tpu.memory_space<hbm>> -> memref<2x16x768xf32, #tpu.memory_space<hbm>>
    %dma_wait3A_1909 = tpu.memref_slice %arg8[%dma_wait3A_1900] : memref<3x!tpu.dma_semaphore, #tpu.memory_space<semaphore_mem>> -> memref<1x!tpu.dma_semaphore, #tpu.memory_space<semaphore_mem>>
    %dma_wait3A_1910 = tpu.memref_squeeze %dma_wait3A_1909 : memref<1x!tpu.dma_semaphore, #tpu.memory_space<semaphore_mem>> -> memref<!tpu.dma_semaphore, #tpu.memory_space<semaphore_mem>>
    %dma_wait3A_1911 = arith.constant 0 : i32
    %dma_wait3A_1912 = arith.constant 0 : i32
    %dma_wait3A_1913 = arith.constant 0 : i32
    %dma_wait3A_1914 = tpu.memref_slice %arg6[%dma_wait3A_1899, %dma_wait3A_1911, %dma_wait3A_1912, %dma_wait3A_1913] : memref<3x3x16x768xf32, #tpu.memory_space<vmem>> -> memref<1x2x16x768xf32, #tpu.memory_space<vmem>>
    %dma_wait3A_1915 = tpu.memref_squeeze %dma_wait3A_1914 : memref<1x2x16x768xf32, #tpu.memory_space<vmem>> -> memref<2x16x768xf32, #tpu.memory_space<vmem>>
    %dma_wait3A_1916 = arith.constant 75 : i32
    %dma_wait3A_1917 = arith.constant 0 : i32
    %dma_wait3A_1918 = tpu.memref_slice %arg4[%dma_wait3A_1916, %mul3A_32, %dma_wait3A_1917] : memref<77x512x768xf32, #tpu.memory_space<hbm>> -> memref<2x16x768xf32, #tpu.memory_space<hbm>>
    tpu.wait_dma2 semaphore(%dma_wait3A_1910 : memref<!tpu.dma_semaphore, #tpu.memory_space<semaphore_mem>>) src(%dma_wait3A_1918 : memref<2x16x768xf32, #tpu.memory_space<hbm>>) dst(%dma_wait3A_1915 : memref<2x16x768xf32, #tpu.memory_space<vmem>>)
    %dma_start3A_1919 = arith.constant 0 : i32
    %dma_start3A_1920 = arith.constant 0 : i32
    %dma_start3A_1921 = arith.constant 0 : i32
    %dma_start3A_1922 = arith.constant 0 : i32
    %dma_start3A_1923 = arith.constant 0 : i32
    %dma_start3A_1924 = tpu.memref_slice %arg6[%dma_start3A_1919, %dma_start3A_1921, %dma_start3A_1922, %dma_start3A_1923] : memref<3x3x16x768xf32, #tpu.memory_space<vmem>> -> memref<1x2x16x768xf32, #tpu.memory_space<vmem>>
    %dma_start3A_1925 = tpu.memref_squeeze %dma_start3A_1924 : memref<1x2x16x768xf32, #tpu.memory_space<vmem>> -> memref<2x16x768xf32, #tpu.memory_space<vmem>>
    %dma_start3A_1926 = arith.constant 75 : i32
    %dma_start3A_1927 = arith.constant 0 : i32
    %dma_start3A_1928 = tpu.memref_slice %arg5[%dma_start3A_1926, %mul3A_32, %dma_start3A_1927] : memref<77x512x768xf32, #tpu.memory_space<hbm>> -> memref<2x16x768xf32, #tpu.memory_space<hbm>>
    %dma_start3A_1929 = tpu.memref_slice %arg9[%dma_start3A_1920] : memref<3x!tpu.dma_semaphore, #tpu.memory_space<semaphore_mem>> -> memref<1x!tpu.dma_semaphore, #tpu.memory_space<semaphore_mem>>
    %dma_start3A_1930 = tpu.memref_squeeze %dma_start3A_1929 : memref<1x!tpu.dma_semaphore, #tpu.memory_space<semaphore_mem>> -> memref<!tpu.dma_semaphore, #tpu.memory_space<semaphore_mem>>
    %dma_start3A_1931 = arith.constant 75 : i32
    %dma_start3A_1932 = arith.constant 0 : i32
    %dma_start3A_1933 = tpu.memref_slice %arg5[%dma_start3A_1931, %mul3A_32, %dma_start3A_1932] : memref<77x512x768xf32, #tpu.memory_space<hbm>> -> memref<2x16x768xf32, #tpu.memory_space<hbm>>
    %dma_start3A_1934 = arith.constant 0 : i32
    %dma_start3A_1935 = arith.constant 0 : i32
    %dma_start3A_1936 = arith.constant 0 : i32
    %dma_start3A_1937 = tpu.memref_slice %arg6[%dma_start3A_1919, %dma_start3A_1934, %dma_start3A_1935, %dma_start3A_1936] : memref<3x3x16x768xf32, #tpu.memory_space<vmem>> -> memref<1x2x16x768xf32, #tpu.memory_space<vmem>>
    %dma_start3A_1938 = tpu.memref_squeeze %dma_start3A_1937 : memref<1x2x16x768xf32, #tpu.memory_space<vmem>> -> memref<2x16x768xf32, #tpu.memory_space<vmem>>
    tpu.enqueue_dma source(%dma_start3A_1938 : memref<2x16x768xf32, #tpu.memory_space<vmem>>) target(%dma_start3A_1933 : memref<2x16x768xf32, #tpu.memory_space<hbm>>) target_semaphore(%dma_start3A_1930 : memref<!tpu.dma_semaphore, #tpu.memory_space<semaphore_mem>>)
    %dma_wait3A_1939 = arith.constant 1 : i32
    %dma_wait3A_1940 = arith.constant 1 : i32
    %dma_wait3A_1941 = arith.constant 0 : i32
    %dma_wait3A_1942 = arith.constant 0 : i32
    %dma_wait3A_1943 = arith.constant 0 : i32
    %dma_wait3A_1944 = tpu.memref_slice %arg6[%dma_wait3A_1939, %dma_wait3A_1941, %dma_wait3A_1942, %dma_wait3A_1943] : memref<3x3x16x768xf32, #tpu.memory_space<vmem>> -> memref<1x3x16x768xf32, #tpu.memory_space<vmem>>
    %dma_wait3A_1945 = tpu.memref_squeeze %dma_wait3A_1944 : memref<1x3x16x768xf32, #tpu.memory_space<vmem>> -> memref<3x16x768xf32, #tpu.memory_space<vmem>>
    %dma_wait3A_1946 = arith.constant 69 : i32
    %dma_wait3A_1947 = arith.constant 0 : i32
    %dma_wait3A_1948 = tpu.memref_slice %arg5[%dma_wait3A_1946, %mul3A_32, %dma_wait3A_1947] : memref<77x512x768xf32, #tpu.memory_space<hbm>> -> memref<3x16x768xf32, #tpu.memory_space<hbm>>
    %dma_wait3A_1949 = tpu.memref_slice %arg9[%dma_wait3A_1940] : memref<3x!tpu.dma_semaphore, #tpu.memory_space<semaphore_mem>> -> memref<1x!tpu.dma_semaphore, #tpu.memory_space<semaphore_mem>>
    %dma_wait3A_1950 = tpu.memref_squeeze %dma_wait3A_1949 : memref<1x!tpu.dma_semaphore, #tpu.memory_space<semaphore_mem>> -> memref<!tpu.dma_semaphore, #tpu.memory_space<semaphore_mem>>
    %dma_wait3A_1951 = arith.constant 69 : i32
    %dma_wait3A_1952 = arith.constant 0 : i32
    %dma_wait3A_1953 = tpu.memref_slice %arg5[%dma_wait3A_1951, %mul3A_32, %dma_wait3A_1952] : memref<77x512x768xf32, #tpu.memory_space<hbm>> -> memref<3x16x768xf32, #tpu.memory_space<hbm>>
    %dma_wait3A_1954 = arith.constant 0 : i32
    %dma_wait3A_1955 = arith.constant 0 : i32
    %dma_wait3A_1956 = arith.constant 0 : i32
    %dma_wait3A_1957 = tpu.memref_slice %arg6[%dma_wait3A_1939, %dma_wait3A_1954, %dma_wait3A_1955, %dma_wait3A_1956] : memref<3x3x16x768xf32, #tpu.memory_space<vmem>> -> memref<1x3x16x768xf32, #tpu.memory_space<vmem>>
    %dma_wait3A_1958 = tpu.memref_squeeze %dma_wait3A_1957 : memref<1x3x16x768xf32, #tpu.memory_space<vmem>> -> memref<3x16x768xf32, #tpu.memory_space<vmem>>
    tpu.wait_dma2 semaphore(%dma_wait3A_1950 : memref<!tpu.dma_semaphore, #tpu.memory_space<semaphore_mem>>) src(%dma_wait3A_1958 : memref<3x16x768xf32, #tpu.memory_space<vmem>>) dst(%dma_wait3A_1953 : memref<3x16x768xf32, #tpu.memory_space<hbm>>)
    %dma_wait3A_1959 = arith.constant 2 : i32
    %dma_wait3A_1960 = arith.constant 2 : i32
    %dma_wait3A_1961 = arith.constant 0 : i32
    %dma_wait3A_1962 = arith.constant 0 : i32
    %dma_wait3A_1963 = arith.constant 0 : i32
    %dma_wait3A_1964 = tpu.memref_slice %arg6[%dma_wait3A_1959, %dma_wait3A_1961, %dma_wait3A_1962, %dma_wait3A_1963] : memref<3x3x16x768xf32, #tpu.memory_space<vmem>> -> memref<1x3x16x768xf32, #tpu.memory_space<vmem>>
    %dma_wait3A_1965 = tpu.memref_squeeze %dma_wait3A_1964 : memref<1x3x16x768xf32, #tpu.memory_space<vmem>> -> memref<3x16x768xf32, #tpu.memory_space<vmem>>
    %dma_wait3A_1966 = arith.constant 72 : i32
    %dma_wait3A_1967 = arith.constant 0 : i32
    %dma_wait3A_1968 = tpu.memref_slice %arg5[%dma_wait3A_1966, %mul3A_32, %dma_wait3A_1967] : memref<77x512x768xf32, #tpu.memory_space<hbm>> -> memref<3x16x768xf32, #tpu.memory_space<hbm>>
    %dma_wait3A_1969 = tpu.memref_slice %arg9[%dma_wait3A_1960] : memref<3x!tpu.dma_semaphore, #tpu.memory_space<semaphore_mem>> -> memref<1x!tpu.dma_semaphore, #tpu.memory_space<semaphore_mem>>
    %dma_wait3A_1970 = tpu.memref_squeeze %dma_wait3A_1969 : memref<1x!tpu.dma_semaphore, #tpu.memory_space<semaphore_mem>> -> memref<!tpu.dma_semaphore, #tpu.memory_space<semaphore_mem>>
    %dma_wait3A_1971 = arith.constant 72 : i32
    %dma_wait3A_1972 = arith.constant 0 : i32
    %dma_wait3A_1973 = tpu.memref_slice %arg5[%dma_wait3A_1971, %mul3A_32, %dma_wait3A_1972] : memref<77x512x768xf32, #tpu.memory_space<hbm>> -> memref<3x16x768xf32, #tpu.memory_space<hbm>>
    %dma_wait3A_1974 = arith.constant 0 : i32
    %dma_wait3A_1975 = arith.constant 0 : i32
    %dma_wait3A_1976 = arith.constant 0 : i32
    %dma_wait3A_1977 = tpu.memref_slice %arg6[%dma_wait3A_1959, %dma_wait3A_1974, %dma_wait3A_1975, %dma_wait3A_1976] : memref<3x3x16x768xf32, #tpu.memory_space<vmem>> -> memref<1x3x16x768xf32, #tpu.memory_space<vmem>>
    %dma_wait3A_1978 = tpu.memref_squeeze %dma_wait3A_1977 : memref<1x3x16x768xf32, #tpu.memory_space<vmem>> -> memref<3x16x768xf32, #tpu.memory_space<vmem>>
    tpu.wait_dma2 semaphore(%dma_wait3A_1970 : memref<!tpu.dma_semaphore, #tpu.memory_space<semaphore_mem>>) src(%dma_wait3A_1978 : memref<3x16x768xf32, #tpu.memory_space<vmem>>) dst(%dma_wait3A_1973 : memref<3x16x768xf32, #tpu.memory_space<hbm>>)
    %dma_wait3A_1979 = arith.constant 0 : i32
    %dma_wait3A_1980 = arith.constant 0 : i32
    %dma_wait3A_1981 = arith.constant 0 : i32
    %dma_wait3A_1982 = arith.constant 0 : i32
    %dma_wait3A_1983 = arith.constant 0 : i32
    %dma_wait3A_1984 = tpu.memref_slice %arg6[%dma_wait3A_1979, %dma_wait3A_1981, %dma_wait3A_1982, %dma_wait3A_1983] : memref<3x3x16x768xf32, #tpu.memory_space<vmem>> -> memref<1x2x16x768xf32, #tpu.memory_space<vmem>>
    %dma_wait3A_1985 = tpu.memref_squeeze %dma_wait3A_1984 : memref<1x2x16x768xf32, #tpu.memory_space<vmem>> -> memref<2x16x768xf32, #tpu.memory_space<vmem>>
    %dma_wait3A_1986 = arith.constant 75 : i32
    %dma_wait3A_1987 = arith.constant 0 : i32
    %dma_wait3A_1988 = tpu.memref_slice %arg5[%dma_wait3A_1986, %mul3A_32, %dma_wait3A_1987] : memref<77x512x768xf32, #tpu.memory_space<hbm>> -> memref<2x16x768xf32, #tpu.memory_space<hbm>>
    %dma_wait3A_1989 = tpu.memref_slice %arg9[%dma_wait3A_1980] : memref<3x!tpu.dma_semaphore, #tpu.memory_space<semaphore_mem>> -> memref<1x!tpu.dma_semaphore, #tpu.memory_space<semaphore_mem>>
    %dma_wait3A_1990 = tpu.memref_squeeze %dma_wait3A_1989 : memref<1x!tpu.dma_semaphore, #tpu.memory_space<semaphore_mem>> -> memref<!tpu.dma_semaphore, #tpu.memory_space<semaphore_mem>>
    %dma_wait3A_1991 = arith.constant 75 : i32
    %dma_wait3A_1992 = arith.constant 0 : i32
    %dma_wait3A_1993 = tpu.memref_slice %arg5[%dma_wait3A_1991, %mul3A_32, %dma_wait3A_1992] : memref<77x512x768xf32, #tpu.memory_space<hbm>> -> memref<2x16x768xf32, #tpu.memory_space<hbm>>
    %dma_wait3A_1994 = arith.constant 0 : i32
    %dma_wait3A_1995 = arith.constant 0 : i32
    %dma_wait3A_1996 = arith.constant 0 : i32
    %dma_wait3A_1997 = tpu.memref_slice %arg6[%dma_wait3A_1979, %dma_wait3A_1994, %dma_wait3A_1995, %dma_wait3A_1996] : memref<3x3x16x768xf32, #tpu.memory_space<vmem>> -> memref<1x2x16x768xf32, #tpu.memory_space<vmem>>
    %dma_wait3A_1998 = tpu.memref_squeeze %dma_wait3A_1997 : memref<1x2x16x768xf32, #tpu.memory_space<vmem>> -> memref<2x16x768xf32, #tpu.memory_space<vmem>>
    tpu.wait_dma2 semaphore(%dma_wait3A_1990 : memref<!tpu.dma_semaphore, #tpu.memory_space<semaphore_mem>>) src(%dma_wait3A_1998 : memref<2x16x768xf32, #tpu.memory_space<vmem>>) dst(%dma_wait3A_1993 : memref<2x16x768xf32, #tpu.memory_space<hbm>>)
    %dma_wait3A_1999 = arith.constant 0 : i32
    %dma_wait3A_2000 = tpu.memref_slice %arg5[%add3A_48, %add3A_52, %dma_wait3A_1999] : memref<77x512x768xf32, #tpu.memory_space<hbm>> -> memref<1x16x768xf32, #tpu.memory_space<hbm>>
    %dma_wait3A_2001 = tpu.memref_squeeze %dma_wait3A_2000 : memref<1x16x768xf32, #tpu.memory_space<hbm>> -> memref<16x768xf32, #tpu.memory_space<hbm>>
    %dma_wait3A_2002 = arith.constant 0 : i32
    %dma_wait3A_2003 = tpu.memref_slice %arg5[%add3A_48, %add3A_52, %dma_wait3A_2002] : memref<77x512x768xf32, #tpu.memory_space<hbm>> -> memref<1x16x768xf32, #tpu.memory_space<hbm>>
    %dma_wait3A_2004 = tpu.memref_squeeze %dma_wait3A_2003 : memref<1x16x768xf32, #tpu.memory_space<hbm>> -> memref<16x768xf32, #tpu.memory_space<hbm>>
    tpu.wait_dma2 semaphore(%arg11 : memref<!tpu.dma_semaphore, #tpu.memory_space<semaphore_mem>>) src(%arg7 : memref<16x768xf32, #tpu.memory_space<vmem>>) dst(%dma_wait3A_2004 : memref<16x768xf32, #tpu.memory_space<hbm>>)
    %dma_wait3A_2005 = arith.constant 0 : i32
    %dma_wait3A_2006 = tpu.memref_slice %arg5[%add3A_54, %add3A_58, %dma_wait3A_2005] : memref<77x512x768xf32, #tpu.memory_space<hbm>> -> memref<1x16x768xf32, #tpu.memory_space<hbm>>
    %dma_wait3A_2007 = tpu.memref_squeeze %dma_wait3A_2006 : memref<1x16x768xf32, #tpu.memory_space<hbm>> -> memref<16x768xf32, #tpu.memory_space<hbm>>
    %dma_wait3A_2008 = arith.constant 0 : i32
    %dma_wait3A_2009 = tpu.memref_slice %arg5[%add3A_54, %add3A_58, %dma_wait3A_2008] : memref<77x512x768xf32, #tpu.memory_space<hbm>> -> memref<1x16x768xf32, #tpu.memory_space<hbm>>
    %dma_wait3A_2010 = tpu.memref_squeeze %dma_wait3A_2009 : memref<1x16x768xf32, #tpu.memory_space<hbm>> -> memref<16x768xf32, #tpu.memory_space<hbm>>
    tpu.wait_dma2 semaphore(%arg11 : memref<!tpu.dma_semaphore, #tpu.memory_space<semaphore_mem>>) src(%arg7 : memref<16x768xf32, #tpu.memory_space<vmem>>) dst(%dma_wait3A_2010 : memref<16x768xf32, #tpu.memory_space<hbm>>)
    %dma_wait3A_2011 = arith.constant 0 : i32
    %dma_wait3A_2012 = tpu.memref_slice %arg5[%add3A_60, %add3A_64, %dma_wait3A_2011] : memref<77x512x768xf32, #tpu.memory_space<hbm>> -> memref<1x16x768xf32, #tpu.memory_space<hbm>>
    %dma_wait3A_2013 = tpu.memref_squeeze %dma_wait3A_2012 : memref<1x16x768xf32, #tpu.memory_space<hbm>> -> memref<16x768xf32, #tpu.memory_space<hbm>>
    %dma_wait3A_2014 = arith.constant 0 : i32
    %dma_wait3A_2015 = tpu.memref_slice %arg5[%add3A_60, %add3A_64, %dma_wait3A_2014] : memref<77x512x768xf32, #tpu.memory_space<hbm>> -> memref<1x16x768xf32, #tpu.memory_space<hbm>>
    %dma_wait3A_2016 = tpu.memref_squeeze %dma_wait3A_2015 : memref<1x16x768xf32, #tpu.memory_space<hbm>> -> memref<16x768xf32, #tpu.memory_space<hbm>>
    tpu.wait_dma2 semaphore(%arg11 : memref<!tpu.dma_semaphore, #tpu.memory_space<semaphore_mem>>) src(%arg7 : memref<16x768xf32, #tpu.memory_space<vmem>>) dst(%dma_wait3A_2016 : memref<16x768xf32, #tpu.memory_space<hbm>>)
    %dma_wait3A_2017 = arith.constant 0 : i32
    %dma_wait3A_2018 = tpu.memref_slice %arg5[%add3A_66, %add3A_70, %dma_wait3A_2017] : memref<77x512x768xf32, #tpu.memory_space<hbm>> -> memref<1x16x768xf32, #tpu.memory_space<hbm>>
    %dma_wait3A_2019 = tpu.memref_squeeze %dma_wait3A_2018 : memref<1x16x768xf32, #tpu.memory_space<hbm>> -> memref<16x768xf32, #tpu.memory_space<hbm>>
    %dma_wait3A_2020 = arith.constant 0 : i32
    %dma_wait3A_2021 = tpu.memref_slice %arg5[%add3A_66, %add3A_70, %dma_wait3A_2020] : memref<77x512x768xf32, #tpu.memory_space<hbm>> -> memref<1x16x768xf32, #tpu.memory_space<hbm>>
    %dma_wait3A_2022 = tpu.memref_squeeze %dma_wait3A_2021 : memref<1x16x768xf32, #tpu.memory_space<hbm>> -> memref<16x768xf32, #tpu.memory_space<hbm>>
    tpu.wait_dma2 semaphore(%arg11 : memref<!tpu.dma_semaphore, #tpu.memory_space<semaphore_mem>>) src(%arg7 : memref<16x768xf32, #tpu.memory_space<vmem>>) dst(%dma_wait3A_2022 : memref<16x768xf32, #tpu.memory_space<hbm>>)
    %dma_wait3A_2023 = arith.constant 0 : i32
    %dma_wait3A_2024 = tpu.memref_slice %arg5[%add3A_72, %add3A_76, %dma_wait3A_2023] : memref<77x512x768xf32, #tpu.memory_space<hbm>> -> memref<1x16x768xf32, #tpu.memory_space<hbm>>
    %dma_wait3A_2025 = tpu.memref_squeeze %dma_wait3A_2024 : memref<1x16x768xf32, #tpu.memory_space<hbm>> -> memref<16x768xf32, #tpu.memory_space<hbm>>
    %dma_wait3A_2026 = arith.constant 0 : i32
    %dma_wait3A_2027 = tpu.memref_slice %arg5[%add3A_72, %add3A_76, %dma_wait3A_2026] : memref<77x512x768xf32, #tpu.memory_space<hbm>> -> memref<1x16x768xf32, #tpu.memory_space<hbm>>
    %dma_wait3A_2028 = tpu.memref_squeeze %dma_wait3A_2027 : memref<1x16x768xf32, #tpu.memory_space<hbm>> -> memref<16x768xf32, #tpu.memory_space<hbm>>
    tpu.wait_dma2 semaphore(%arg11 : memref<!tpu.dma_semaphore, #tpu.memory_space<semaphore_mem>>) src(%arg7 : memref<16x768xf32, #tpu.memory_space<vmem>>) dst(%dma_wait3A_2028 : memref<16x768xf32, #tpu.memory_space<hbm>>)
    %dma_wait3A_2029 = arith.constant 0 : i32
    %dma_wait3A_2030 = tpu.memref_slice %arg5[%add3A_78, %add3A_82, %dma_wait3A_2029] : memref<77x512x768xf32, #tpu.memory_space<hbm>> -> memref<1x16x768xf32, #tpu.memory_space<hbm>>
    %dma_wait3A_2031 = tpu.memref_squeeze %dma_wait3A_2030 : memref<1x16x768xf32, #tpu.memory_space<hbm>> -> memref<16x768xf32, #tpu.memory_space<hbm>>
    %dma_wait3A_2032 = arith.constant 0 : i32
    %dma_wait3A_2033 = tpu.memref_slice %arg5[%add3A_78, %add3A_82, %dma_wait3A_2032] : memref<77x512x768xf32, #tpu.memory_space<hbm>> -> memref<1x16x768xf32, #tpu.memory_space<hbm>>
    %dma_wait3A_2034 = tpu.memref_squeeze %dma_wait3A_2033 : memref<1x16x768xf32, #tpu.memory_space<hbm>> -> memref<16x768xf32, #tpu.memory_space<hbm>>
    tpu.wait_dma2 semaphore(%arg11 : memref<!tpu.dma_semaphore, #tpu.memory_space<semaphore_mem>>) src(%arg7 : memref<16x768xf32, #tpu.memory_space<vmem>>) dst(%dma_wait3A_2034 : memref<16x768xf32, #tpu.memory_space<hbm>>)
    %dma_wait3A_2035 = arith.constant 0 : i32
    %dma_wait3A_2036 = tpu.memref_slice %arg5[%add3A_84, %add3A_88, %dma_wait3A_2035] : memref<77x512x768xf32, #tpu.memory_space<hbm>> -> memref<1x16x768xf32, #tpu.memory_space<hbm>>
    %dma_wait3A_2037 = tpu.memref_squeeze %dma_wait3A_2036 : memref<1x16x768xf32, #tpu.memory_space<hbm>> -> memref<16x768xf32, #tpu.memory_space<hbm>>
    %dma_wait3A_2038 = arith.constant 0 : i32
    %dma_wait3A_2039 = tpu.memref_slice %arg5[%add3A_84, %add3A_88, %dma_wait3A_2038] : memref<77x512x768xf32, #tpu.memory_space<hbm>> -> memref<1x16x768xf32, #tpu.memory_space<hbm>>
    %dma_wait3A_2040 = tpu.memref_squeeze %dma_wait3A_2039 : memref<1x16x768xf32, #tpu.memory_space<hbm>> -> memref<16x768xf32, #tpu.memory_space<hbm>>
    tpu.wait_dma2 semaphore(%arg11 : memref<!tpu.dma_semaphore, #tpu.memory_space<semaphore_mem>>) src(%arg7 : memref<16x768xf32, #tpu.memory_space<vmem>>) dst(%dma_wait3A_2040 : memref<16x768xf32, #tpu.memory_space<hbm>>)
    %dma_wait3A_2041 = arith.constant 0 : i32
    %dma_wait3A_2042 = tpu.memref_slice %arg5[%add3A_90, %add3A_94, %dma_wait3A_2041] : memref<77x512x768xf32, #tpu.memory_space<hbm>> -> memref<1x16x768xf32, #tpu.memory_space<hbm>>
    %dma_wait3A_2043 = tpu.memref_squeeze %dma_wait3A_2042 : memref<1x16x768xf32, #tpu.memory_space<hbm>> -> memref<16x768xf32, #tpu.memory_space<hbm>>
    %dma_wait3A_2044 = arith.constant 0 : i32
    %dma_wait3A_2045 = tpu.memref_slice %arg5[%add3A_90, %add3A_94, %dma_wait3A_2044] : memref<77x512x768xf32, #tpu.memory_space<hbm>> -> memref<1x16x768xf32, #tpu.memory_space<hbm>>
    %dma_wait3A_2046 = tpu.memref_squeeze %dma_wait3A_2045 : memref<1x16x768xf32, #tpu.memory_space<hbm>> -> memref<16x768xf32, #tpu.memory_space<hbm>>
    tpu.wait_dma2 semaphore(%arg11 : memref<!tpu.dma_semaphore, #tpu.memory_space<semaphore_mem>>) src(%arg7 : memref<16x768xf32, #tpu.memory_space<vmem>>) dst(%dma_wait3A_2046 : memref<16x768xf32, #tpu.memory_space<hbm>>)
    %dma_wait3A_2047 = arith.constant 0 : i32
    %dma_wait3A_2048 = tpu.memref_slice %arg5[%add3A_96, %add3A_100, %dma_wait3A_2047] : memref<77x512x768xf32, #tpu.memory_space<hbm>> -> memref<1x16x768xf32, #tpu.memory_space<hbm>>
    %dma_wait3A_2049 = tpu.memref_squeeze %dma_wait3A_2048 : memref<1x16x768xf32, #tpu.memory_space<hbm>> -> memref<16x768xf32, #tpu.memory_space<hbm>>
    %dma_wait3A_2050 = arith.constant 0 : i32
    %dma_wait3A_2051 = tpu.memref_slice %arg5[%add3A_96, %add3A_100, %dma_wait3A_2050] : memref<77x512x768xf32, #tpu.memory_space<hbm>> -> memref<1x16x768xf32, #tpu.memory_space<hbm>>
    %dma_wait3A_2052 = tpu.memref_squeeze %dma_wait3A_2051 : memref<1x16x768xf32, #tpu.memory_space<hbm>> -> memref<16x768xf32, #tpu.memory_space<hbm>>
    tpu.wait_dma2 semaphore(%arg11 : memref<!tpu.dma_semaphore, #tpu.memory_space<semaphore_mem>>) src(%arg7 : memref<16x768xf32, #tpu.memory_space<vmem>>) dst(%dma_wait3A_2052 : memref<16x768xf32, #tpu.memory_space<hbm>>)
    %dma_wait3A_2053 = arith.constant 0 : i32
    %dma_wait3A_2054 = tpu.memref_slice %arg5[%add3A_102, %add3A_106, %dma_wait3A_2053] : memref<77x512x768xf32, #tpu.memory_space<hbm>> -> memref<1x16x768xf32, #tpu.memory_space<hbm>>
    %dma_wait3A_2055 = tpu.memref_squeeze %dma_wait3A_2054 : memref<1x16x768xf32, #tpu.memory_space<hbm>> -> memref<16x768xf32, #tpu.memory_space<hbm>>
    %dma_wait3A_2056 = arith.constant 0 : i32
    %dma_wait3A_2057 = tpu.memref_slice %arg5[%add3A_102, %add3A_106, %dma_wait3A_2056] : memref<77x512x768xf32, #tpu.memory_space<hbm>> -> memref<1x16x768xf32, #tpu.memory_space<hbm>>
    %dma_wait3A_2058 = tpu.memref_squeeze %dma_wait3A_2057 : memref<1x16x768xf32, #tpu.memory_space<hbm>> -> memref<16x768xf32, #tpu.memory_space<hbm>>
    tpu.wait_dma2 semaphore(%arg11 : memref<!tpu.dma_semaphore, #tpu.memory_space<semaphore_mem>>) src(%arg7 : memref<16x768xf32, #tpu.memory_space<vmem>>) dst(%dma_wait3A_2058 : memref<16x768xf32, #tpu.memory_space<hbm>>)
    %dma_wait3A_2059 = arith.constant 0 : i32
    %dma_wait3A_2060 = tpu.memref_slice %arg5[%add3A_108, %add3A_112, %dma_wait3A_2059] : memref<77x512x768xf32, #tpu.memory_space<hbm>> -> memref<1x16x768xf32, #tpu.memory_space<hbm>>
    %dma_wait3A_2061 = tpu.memref_squeeze %dma_wait3A_2060 : memref<1x16x768xf32, #tpu.memory_space<hbm>> -> memref<16x768xf32, #tpu.memory_space<hbm>>
    %dma_wait3A_2062 = arith.constant 0 : i32
    %dma_wait3A_2063 = tpu.memref_slice %arg5[%add3A_108, %add3A_112, %dma_wait3A_2062] : memref<77x512x768xf32, #tpu.memory_space<hbm>> -> memref<1x16x768xf32, #tpu.memory_space<hbm>>
    %dma_wait3A_2064 = tpu.memref_squeeze %dma_wait3A_2063 : memref<1x16x768xf32, #tpu.memory_space<hbm>> -> memref<16x768xf32, #tpu.memory_space<hbm>>
    tpu.wait_dma2 semaphore(%arg11 : memref<!tpu.dma_semaphore, #tpu.memory_space<semaphore_mem>>) src(%arg7 : memref<16x768xf32, #tpu.memory_space<vmem>>) dst(%dma_wait3A_2064 : memref<16x768xf32, #tpu.memory_space<hbm>>)
    %dma_wait3A_2065 = arith.constant 0 : i32
    %dma_wait3A_2066 = tpu.memref_slice %arg5[%add3A_114, %add3A_118, %dma_wait3A_2065] : memref<77x512x768xf32, #tpu.memory_space<hbm>> -> memref<1x16x768xf32, #tpu.memory_space<hbm>>
    %dma_wait3A_2067 = tpu.memref_squeeze %dma_wait3A_2066 : memref<1x16x768xf32, #tpu.memory_space<hbm>> -> memref<16x768xf32, #tpu.memory_space<hbm>>
    %dma_wait3A_2068 = arith.constant 0 : i32
    %dma_wait3A_2069 = tpu.memref_slice %arg5[%add3A_114, %add3A_118, %dma_wait3A_2068] : memref<77x512x768xf32, #tpu.memory_space<hbm>> -> memref<1x16x768xf32, #tpu.memory_space<hbm>>
    %dma_wait3A_2070 = tpu.memref_squeeze %dma_wait3A_2069 : memref<1x16x768xf32, #tpu.memory_space<hbm>> -> memref<16x768xf32, #tpu.memory_space<hbm>>
    tpu.wait_dma2 semaphore(%arg11 : memref<!tpu.dma_semaphore, #tpu.memory_space<semaphore_mem>>) src(%arg7 : memref<16x768xf32, #tpu.memory_space<vmem>>) dst(%dma_wait3A_2070 : memref<16x768xf32, #tpu.memory_space<hbm>>)
    %dma_wait3A_2071 = arith.constant 0 : i32
    %dma_wait3A_2072 = tpu.memref_slice %arg5[%add3A_120, %add3A_124, %dma_wait3A_2071] : memref<77x512x768xf32, #tpu.memory_space<hbm>> -> memref<1x16x768xf32, #tpu.memory_space<hbm>>
    %dma_wait3A_2073 = tpu.memref_squeeze %dma_wait3A_2072 : memref<1x16x768xf32, #tpu.memory_space<hbm>> -> memref<16x768xf32, #tpu.memory_space<hbm>>
    %dma_wait3A_2074 = arith.constant 0 : i32
    %dma_wait3A_2075 = tpu.memref_slice %arg5[%add3A_120, %add3A_124, %dma_wait3A_2074] : memref<77x512x768xf32, #tpu.memory_space<hbm>> -> memref<1x16x768xf32, #tpu.memory_space<hbm>>
    %dma_wait3A_2076 = tpu.memref_squeeze %dma_wait3A_2075 : memref<1x16x768xf32, #tpu.memory_space<hbm>> -> memref<16x768xf32, #tpu.memory_space<hbm>>
    tpu.wait_dma2 semaphore(%arg11 : memref<!tpu.dma_semaphore, #tpu.memory_space<semaphore_mem>>) src(%arg7 : memref<16x768xf32, #tpu.memory_space<vmem>>) dst(%dma_wait3A_2076 : memref<16x768xf32, #tpu.memory_space<hbm>>)
    %dma_wait3A_2077 = arith.constant 0 : i32
    %dma_wait3A_2078 = tpu.memref_slice %arg5[%add3A_126, %add3A_130, %dma_wait3A_2077] : memref<77x512x768xf32, #tpu.memory_space<hbm>> -> memref<1x16x768xf32, #tpu.memory_space<hbm>>
    %dma_wait3A_2079 = tpu.memref_squeeze %dma_wait3A_2078 : memref<1x16x768xf32, #tpu.memory_space<hbm>> -> memref<16x768xf32, #tpu.memory_space<hbm>>
    %dma_wait3A_2080 = arith.constant 0 : i32
    %dma_wait3A_2081 = tpu.memref_slice %arg5[%add3A_126, %add3A_130, %dma_wait3A_2080] : memref<77x512x768xf32, #tpu.memory_space<hbm>> -> memref<1x16x768xf32, #tpu.memory_space<hbm>>
    %dma_wait3A_2082 = tpu.memref_squeeze %dma_wait3A_2081 : memref<1x16x768xf32, #tpu.memory_space<hbm>> -> memref<16x768xf32, #tpu.memory_space<hbm>>
    tpu.wait_dma2 semaphore(%arg11 : memref<!tpu.dma_semaphore, #tpu.memory_space<semaphore_mem>>) src(%arg7 : memref<16x768xf32, #tpu.memory_space<vmem>>) dst(%dma_wait3A_2082 : memref<16x768xf32, #tpu.memory_space<hbm>>)
    %dma_wait3A_2083 = arith.constant 0 : i32
    %dma_wait3A_2084 = tpu.memref_slice %arg5[%add3A_132, %add3A_136, %dma_wait3A_2083] : memref<77x512x768xf32, #tpu.memory_space<hbm>> -> memref<1x16x768xf32, #tpu.memory_space<hbm>>
    %dma_wait3A_2085 = tpu.memref_squeeze %dma_wait3A_2084 : memref<1x16x768xf32, #tpu.memory_space<hbm>> -> memref<16x768xf32, #tpu.memory_space<hbm>>
    %dma_wait3A_2086 = arith.constant 0 : i32
    %dma_wait3A_2087 = tpu.memref_slice %arg5[%add3A_132, %add3A_136, %dma_wait3A_2086] : memref<77x512x768xf32, #tpu.memory_space<hbm>> -> memref<1x16x768xf32, #tpu.memory_space<hbm>>
    %dma_wait3A_2088 = tpu.memref_squeeze %dma_wait3A_2087 : memref<1x16x768xf32, #tpu.memory_space<hbm>> -> memref<16x768xf32, #tpu.memory_space<hbm>>
    tpu.wait_dma2 semaphore(%arg11 : memref<!tpu.dma_semaphore, #tpu.memory_space<semaphore_mem>>) src(%arg7 : memref<16x768xf32, #tpu.memory_space<vmem>>) dst(%dma_wait3A_2088 : memref<16x768xf32, #tpu.memory_space<hbm>>)
    %dma_wait3A_2089 = arith.constant 0 : i32
    %dma_wait3A_2090 = tpu.memref_slice %arg5[%add3A_138, %add3A_142, %dma_wait3A_2089] : memref<77x512x768xf32, #tpu.memory_space<hbm>> -> memref<1x16x768xf32, #tpu.memory_space<hbm>>
    %dma_wait3A_2091 = tpu.memref_squeeze %dma_wait3A_2090 : memref<1x16x768xf32, #tpu.memory_space<hbm>> -> memref<16x768xf32, #tpu.memory_space<hbm>>
    %dma_wait3A_2092 = arith.constant 0 : i32
    %dma_wait3A_2093 = tpu.memref_slice %arg5[%add3A_138, %add3A_142, %dma_wait3A_2092] : memref<77x512x768xf32, #tpu.memory_space<hbm>> -> memref<1x16x768xf32, #tpu.memory_space<hbm>>
    %dma_wait3A_2094 = tpu.memref_squeeze %dma_wait3A_2093 : memref<1x16x768xf32, #tpu.memory_space<hbm>> -> memref<16x768xf32, #tpu.memory_space<hbm>>
    tpu.wait_dma2 semaphore(%arg11 : memref<!tpu.dma_semaphore, #tpu.memory_space<semaphore_mem>>) src(%arg7 : memref<16x768xf32, #tpu.memory_space<vmem>>) dst(%dma_wait3A_2094 : memref<16x768xf32, #tpu.memory_space<hbm>>)
    return
  }
}

</mosaic_0001>

<sc_bundles>
// kernel: kernel.3.cloned.1.call-start
scs
__scs_entry_jumppad:
0x0: {  	(pc) =	sbr.rel $0x88, $3  }
0x1: {  	(tag) =	ssettag $0x0;
	lr =	simm.s32 $0x1  }
0x2: {  	[smem:$0x3F9E] =	sst lr;
	_ =	strace $0xD0000000  }
0x3: {  	_ = 	snop  }
0x4: {  	_ = 	snop  }
0x5: {  	_ = 	snop  }
0x6: {  	_ = 	snop  }
0x7: {  	_ = 	snop  }
__scs_overlays_trampoline_lowered:
0x8: {  	[smem:$0x3FAD] =	sst s0  }
0x9: {  	[smem:$0x3FAE] =	sst s1  }
0xa: {  	[smem:$0x3FAF] =	sst s2  }
0xb: {  	[smem:$0x3FB0] =	sst s3  }
0xc: {  	[smem:$0x3FB1] =	sst s4  }
0xd: {  	[smem:$0x3FB2] =	sst s5  }
0xe: {  	[smem:$0x3FB3] =	sst s6  }
0xf: {  	[smem:$0x3FB4] =	sst s7  }
0x10: {  	[smem:$0x3FB5] =	sst s8  }
0x11: {  	[smem:$0x3FB6] =	sst s9;
	s0 =	simm.s32 @!p0 $0x0  }
0x12: {  	s1 =	sld [smem:$0x3F9C];
	s0 =	simm.s32 @p0 $0x1  }
0x13: {  	[smem:$0x3FB7] =	sst s0;
	s0 =	simm.s32 @!p1 $0x0  }
0x14: {  	s2 =	sld [smem:$0x3F9B];
	s0 =	simm.s32 @p1 $0x1  }
0x15: {  	[smem:$0x3FB8] =	sst s0;
	s0 =	simm.s32 @!p2 $0x0  }
0x16: {  	s3 =	sld [smem:$0x3FDB];
	s0 =	simm.s32 @p2 $0x1  }
0x17: {  	s4 =	simm.s32 $0x1BF5;
	[smem:$0x3FBA] =	sst s0  }
0x18: {  	s0 =	sld [smem:$0x3F9D];
	_ =	swait.ge [sflag:s4], $0x0  }
0x19: {  	s7 =	sld [smem:$0x3F9E]  }
0x1a: {  	s8 =	sadd.s32 $0xFFFFE003, lr  }
0x1b: {  	s9 =	sadd.s32 $0xFFFFFEF7, lr;
	s5 =	simm.s32 $0xFFFFFFFF;
	p2 =	slt.u32 s8, $0xFFFFF086  }
0x1c: {  	p1 =	slt.u32 s9, $0xF7A;
	s5 =	simm.s32 @!p2 $0x0  }
0x1d: {  	s5 =	simm.s32 @p1 $0x1;
	p0 =	seq.s32 s7, s2  }
0x1e: {  	s7 =	smul.u32 @!p0 $0xF7A, s2;
	p2 =	seq.s32 @!p0 s5, $0x0  }
0x1f: {  	s9 =	smul.u32 $0xF7A, s1;
	s8 =	simm.s32 @!p0 $0x1BF5;
	p2 =	por !p2, p0  }
0x20: {  	[sflag:s8] =	ssyncset.s32 @!p0 $0xFFFFF086;
	s6 =	sadd.s32 @!p0 s3, s7;
	s7 =	simm.s32 @!p0 $0x108  }
0x21: {  	s3 =	sadd.s32 s3, s9;
	s6 =	sadd.s32 @!p0 $0x88, s6;
	s7 =	simm.s32 @p2 $0x1082  }
0x22: {  	[simem:s7], [sflag:s8] =	dma.local @!p0 [hbm:s6], $0xF7A  }
0x23: {  	s9 =	sor.u32 $0xD0000000, s2;
	s6 =	simm.s32 $0x108;
	_ =	swait.ge @!p0 [sflag:s8], $0x0  }
0x24: {  	s3 =	sadd.s32 $0x88, s3;
	s6 =	simm.s32 @!p1 $0x1082;
	[sflag:s4] =	ssyncset.s32 $0xFFFFF086  }
0x25: {  	[simem:s6], [sflag:s4] =	dma.local [hbm:s3], $0xF7A  }
0x26: {  	[smem:$0x3F9E] =	sst s1;
	(tag) =	ssettag s2;
	_ =	strace s9  }
0x27: {  	s1 =	sld [smem:$0x3FAE]  }
0x28: {  	s2 =	sld [smem:$0x3FAF]  }
0x29: {  	s4 =	sld [smem:$0x3FB1]  }
0x2a: {  	p0 =	seq.s32 s5, $0x0;
	s5 =	sld [smem:$0x3FB2]  }
0x2b: {  	s6 =	sld [smem:$0x3FB3]  }
0x2c: {  	s7 =	sld [smem:$0x3FB4]  }
0x2d: {  	s3 =	simm.s32 $0x108;
	s8 =	sld [smem:$0x3FB5]  }
0x2e: {  	s3 =	simm.s32 @!p0 $0x1082;
	s9 =	sld [smem:$0x3FB6]  }
0x2f: {  	lr =	sadd.s32 s0, s3;
	s0 =	sld [smem:$0x3FAD]  }
0x30: {  	s3 =	sld [smem:$0x3FB0]  }
0x31: {  	[smem:$0x3FB9] =	sst s10  }
0x32: {  	s10 =	sld [smem:$0x3FB7];
	_ =	sdelay $0x3  }
0x33: {  	p0 =	seq.s32 s10, $0x1;
	s10 =	sld [smem:$0x3FB9];
	_ =	sdelay $0x3  }
0x34: {  	[smem:$0x3FB9] =	sst s10  }
0x35: {  	s10 =	sld [smem:$0x3FB8];
	_ =	sdelay $0x3  }
0x36: {  	p1 =	seq.s32 s10, $0x1;
	s10 =	sld [smem:$0x3FB9];
	_ =	sdelay $0x3  }
0x37: {  	[smem:$0x3FB9] =	sst s10  }
0x38: {  	s10 =	sld [smem:$0x3FBA]  }
0x39: {  	_ = 	snop;
	(pc) =	sbr.ind lr, $3  }
0x3a: {  	_ = 	snop  }
0x3b: {  	_ = 	snop  }
0x3c: {  	p2 =	seq.s32 s10, $0x1;
	s10 =	sld [smem:$0x3FB9]  }
0x3d: {  	_ =	shalt  }
0x3e: {  	_ =	shalt  }
0x3f: {  	_ =	shalt  }
0x40: {  	_ =	shalt  }
0x41: {  	_ =	shalt  }
0x42: {  	_ =	shalt  }
0x43: {  	_ =	shalt  }
0x44: {  	_ =	shalt  }
0x45: {  	_ =	shalt  }
0x46: {  	_ =	shalt  }
0x47: {  	_ =	shalt  }
0x48: {  	_ =	shalt  }
0x49: {  	_ =	shalt  }
0x4a: {  	_ =	shalt  }
0x4b: {  	_ =	shalt  }
0x4c: {  	_ =	shalt  }
0x4d: {  	_ =	shalt  }
0x4e: {  	_ =	shalt  }
0x4f: {  	_ =	shalt  }
0x50: {  	_ =	shalt  }
0x51: {  	_ =	shalt  }
0x52: {  	_ =	shalt  }
0x53: {  	_ =	shalt  }
0x54: {  	_ =	shalt  }
0x55: {  	_ =	shalt  }
0x56: {  	_ =	shalt  }
0x57: {  	_ =	shalt  }
0x58: {  	_ =	shalt  }
0x59: {  	_ =	shalt  }
0x5a: {  	_ =	shalt  }
0x5b: {  	_ =	shalt  }
0x5c: {  	_ =	shalt  }
0x5d: {  	_ =	shalt  }
0x5e: {  	_ =	shalt  }
0x5f: {  	_ =	shalt  }
0x60: {  	_ =	shalt  }
0x61: {  	_ =	shalt  }
0x62: {  	_ =	shalt  }
0x63: {  	_ =	shalt  }
0x64: {  	_ =	shalt  }
0x65: {  	_ =	shalt  }
0x66: {  	_ =	shalt  }
0x67: {  	_ =	shalt  }
0x68: {  	_ =	shalt  }
0x69: {  	_ =	shalt  }
0x6a: {  	_ =	shalt  }
0x6b: {  	_ =	shalt  }
0x6c: {  	_ =	shalt  }
0x6d: {  	_ =	shalt  }
0x6e: {  	_ =	shalt  }
0x6f: {  	_ =	shalt  }
0x70: {  	_ =	shalt  }
0x71: {  	_ =	shalt  }
0x72: {  	_ =	shalt  }
0x73: {  	_ =	shalt  }
0x74: {  	_ =	shalt  }
0x75: {  	_ =	shalt  }
0x76: {  	_ =	shalt  }
0x77: {  	_ =	shalt  }
0x78: {  	_ =	shalt  }
0x79: {  	_ =	shalt  }
0x7a: {  	_ =	shalt  }
0x7b: {  	_ =	shalt  }
0x7c: {  	_ =	shalt  }
0x7d: {  	_ =	shalt  }
0x7e: {  	_ =	shalt  }
0x7f: {  	_ =	shalt  }
0x80: {  	_ =	shalt  }
0x81: {  	_ =	shalt  }
0x82: {  	_ =	shalt  }
0x83: {  	_ =	shalt  }
0x84: {  	_ =	shalt  }
0x85: {  	_ =	shalt  }
0x86: {  	_ =	shalt  }
0x87: {  	_ =	shalt  }
.Lfunc_end0:
.L_simem_size_0:
called_computation_lowered:
.L_overlay_start_0:
0x88: {  	s2 =	sld [smem:$0x3FD9]  }
0x89: {  	s3 =	sld [smem:$0x3FFE];
	_ =	sdelay $0x1  }
0x8a: {  	s1 =	srdreg.scid  }
0x8b: {  	s0 =	sand.u32 $0x1, s1  }
0x8c: {  	s17 =	sshll.u32 s0, $0xA;
	s2 =	sadd.s32 s3, s2  }
0x8d: {  	s2 =	sadd.s32 s2, s17  }
0x8e: {  	[smem:$0x3FC5] =	sst s2  }
0x8f: {  	_ = 	snop  }
0x90: {  	s2 =	sld [smem:$0x3FC7]  }
0x91: {  	s18 =	sld [smem:$0x3FD0];
	(tm) =	ssettm $0x1  }
0x92: {  	s4 =	sld [smem:$0x3FFB];
	_ =	sdelay $0x3  }
0x93: {  	_ =	strace s4  }
0x94: {  	s4 =	sld [smem:$0x3FFC];
	_ =	sdelay $0x3  }
0x95: {  	_ =	strace s4  }
0x96: {  	s4 =	sld [smem:$0x3FFD];
	_ =	sdelay $0x3  }
0x97: {  	_ =	strace s4  }
0x98: {  	_ =	strace $0x8FFFFFFF  }
0x99: {  	s19 =	sld [smem:$0x3FDB];
	_ =	sdelay $0x1  }
0x9a: {  	s5 =	simm.s32 $_scs_section_size  }
0x9b: {  	s6 =	simm.s32 $_size__tile_overlayer_lowered;
	s7 =	simm.s32 $_tile_overlayer_lowered  }
0x9c: {  	s22 =	simm.s32 $0x1BFF;
	s21 =	sshll.u32 s7, $0x1;
	s4 =	sadd.s32 s5, s19  }
0x9d: {  	s8 =	simm.s32 $0x0;
	s20 =	sshll.u32 s6, $0x1;
	s6 =	sadd.s32 s21, s4  }
0x9e: {  	[timem:s8], [sflag:s22] =	dma.local [hbm:s6], s20  }
0x9f: {  	_ =	swait.ge [sflag:s22], s20  }
0xa0: {  	s5 =	ssub.s32 $0x0, s20;
	[sflag:s22] =	ssyncset.done $0x0  }
0xa1: {  	[sflag:s22] =	ssyncadd.s32 s5;
	_ =	sdelay $0x1  }
0xa2: {  	s23 =	simm.s32 $0x1B8B  }
0xa3: {  	_ =	swait.ge [sflag:s23], $0x1  }
0xa4: {  	[sflag:s23] =	ssyncset.done $0x0  }
0xa5: {  	s25 =	simm.s32 $0x1B8E;
	s24 =	sld [smem:$0x3FFE];
	[sflag:s23] =	ssyncadd.s32 $0xFFFFFFFF  }
0xa6: {  	s26 =	simm.s32 $execute0_lowered;
	[smem:$0x3FD2] =	sst s25  }
0xa7: {  	s6 =	sshll.u32 s26, $0x1;
	_ =	strace $0x80000046;
	[dreg:$0x1] =	wrdreg $0xFFFFFFFF  }
0xa8: {  	s28 =	simm.s32 $_size_execute0_lowered;
	s4 =	sadd.s32 s4, s6;
	[dreg:$0x0] =	wrdreg $0x0  }
0xa9: {  	s6 =	sshll.u32 s28, $0x1;
	[dreg:$0x2] =	wrdreg s4  }
0xaa: {  	[dreg:$0x3] =	wrdreg s6  }
0xab: {  	[dreg:$0x4] =	wrdreg $0xC0  }
0xac: {  	_ =	task [dreg:s8], $0x5FFFF  }
0xad: {  	[dreg:$0x1] =	wrdreg $0xFFFFFFFF  }
0xae: {  	[dreg:$0x0] =	wrdreg $0x60  }
0xaf: {  	[dreg:$0x2] =	wrdreg s24  }
0xb0: {  	[dreg:$0x3] =	wrdreg s2  }
0xb1: {  	[dreg:$0x4] =	wrdreg s18  }
0xb2: {  	[dreg:$0x5] =	wrdreg $0x9  }
0xb3: {  	_ =	task.clear_ibuf [dreg:s8], $0x6FFFF;
	_ =	strace $0x90000046  }
0xb4: {  	s29 =	simm.s32 $0x9;
	_ =	strace $0x80000048  }
0xb5: {  	_ =	swait.ge [sflag:s29], $0x1  }
0xb6: {  	[sflag:s29] =	ssyncadd.s32 $0xFFFFFFFF  }
0xb7: {  	_ =	strace $0x90000048  }
0xb8: {  	_ =	sfence  }
0xb9: {  	s30 =	sld [smem:$0x0];
	_ =	sdelay $0x2  }
0xba: {  	s31 =	sshll.u32 s1, $0xD;
	s1 =	sshrl.u32 s1, $0x2  }
0xbb: {  	s3 =	sand.u32 $0x4000, s31;
	s1 =	sadd.s32 s1, s30  }
0xbc: {  	s0 =	sor.u32 s3, s0;
	s1 =	sshll.u32 s1, $0x11  }
0xbd: {  	s0 =	sor.u32 s1, s0  }
0xbe: {  	s0 =	sadd.s32 $0x8F2B, s0  }
0xbf: {  	[sflag:s0] =	ssyncadd.remote.s32 $0x1  }
0xc0: {  	_ =	sfence.sel $0xFFFF  }
0xc1: {  	[dreg:$0x0] =	wrdreg $0xFFFFFFFF;
	(pc) =	sbr.abs _section_cstart, $3  }
0xc2: {  	[dreg:$0x1] =	wrdreg $0xFFFFFFFF  }
0xc3: {  	_ =	task.clear_ibuf [dreg:s8], $0x2FFFF;
	_ =	strace $0x9FFFFFFF  }
0xc4: {  	(tm) =	ssettm $0x7FFFFFFF  }
0xc5: {  	_ =	shalt  }
tec
execute0_lowered:
.L_overlay_start_1:
0x0: {  	(tag) =	ssettag $0x1  }
0x1: {  	s0 =	srdreg.scid;
	s1 =	stileid.u32  }
0x2: {  	s4 =	sand.u32 $0x1, s0;
	s8 =	sshll.u32 s1, $0x1;
	s1 =	sshll.u32 s1, $0x2  }
0x3: {  	s0 =	sor.u32 s4, s8;
	s3 =	sand.u32 $0x20, s1  }
0x4: {  	s2 =	sand.u32 $0xF, s0;
	s7 =	smul.u32 $0x1800, s3  }
0x5: {  	s6 =	rddreg [dreg:$0x0];
	s5 =	smul.u32 $0x60000, s2  }
0x6: {  	s1 =	rddreg [dreg:$0x1];
	s8 =	smul.u32 $0x600, s2  }
0x7: {  	s3 =	rddreg [dreg:$0x2];
	s5 =	sadd.s32 s7, s5  }
0x8: {  	s2 =	simm.s32 $0x0;
	s9 =	sadd.s32 s8, s6;
	s5 =	sshrl.u32 s5, $0x3  }
0x9: {  	[smem:$0x7FF] =	sst s2;
	s7 =	sadd.s32 $0x30400, s9;
	s10 =	sadd.s32 s3, s5  }
0xa: {  	_ =	strace $0x80000047;
	[dreg:$0x4] =	wrdreg s7;
	s5 =	sadd.s32 $0xC000, s10  }
0xb: {  	s11 =	sadd.s32 $0xC600, s10;
	[dreg:$0x5] =	wrdreg s5  }
0xc: {  	s12 =	sadd.s32 $0xCC00, s10;
	[dreg:$0x6] =	wrdreg s11  }
0xd: {  	s13 =	sadd.s32 $0xD200, s10;
	[dreg:$0x7] =	wrdreg s12  }
0xe: {  	s14 =	sadd.s32 $0xD800, s10;
	[dreg:$0x8] =	wrdreg s13  }
0xf: {  	s15 =	sadd.s32 $0xDE00, s10;
	[dreg:$0x9] =	wrdreg s14  }
0x10: {  	s16 =	sadd.s32 $0xE400, s10;
	[dreg:$0xa] =	wrdreg s15  }
0x11: {  	s17 =	sadd.s32 $0xEA00, s10;
	[dreg:$0xb] =	wrdreg s16  }
0x12: {  	s18 =	sadd.s32 $0xF000, s10;
	[dreg:$0xc] =	wrdreg s17  }
0x13: {  	s19 =	sadd.s32 $0xF600, s10;
	[dreg:$0xd] =	wrdreg s18  }
0x14: {  	s20 =	sadd.s32 $0xFC00, s10;
	[dreg:$0xe] =	wrdreg s19  }
0x15: {  	s21 =	sadd.s32 $0x10200, s10;
	[dreg:$0xf] =	wrdreg s20  }
0x16: {  	s22 =	sadd.s32 $0x10800, s10;
	[dreg:$0x10] =	wrdreg s21  }
0x17: {  	s23 =	sadd.s32 $0x10E00, s10;
	[dreg:$0x11] =	wrdreg s22  }
0x18: {  	s0 =	smul.u32 $0x3000, s0;
	s24 =	sadd.s32 $0x11400, s10;
	[dreg:$0x12] =	wrdreg s23  }
0x19: {  	s25 =	sadd.s32 $0x11A00, s10;
	[dreg:$0x13] =	wrdreg s24  }
0x1a: {  	s5 =	sshrl.u32 s0, $0x3;
	[dreg:$0x14] =	wrdreg s25  }
0x1b: {  	s0 =	rddreg [dreg:$0x4];
	s6 =	sadd.s32 s5, s6;
	s26 =	sadd.s32 s1, s5  }
0x1c: {  	[dreg:$0x15] =	wrdreg s26;
	s7 =	sadd.s32 $0x400, s6  }
0x1d: {  	s29 =	sadd.s32 s3, s5;
	s8 =	sadd.s32 $0x18400, s6;
	[dreg:$0x16] =	wrdreg s7  }
0x1e: {  	s10 =	sadd.s32 $0xFC000, s5;
	s9 =	sadd.s32 $0xCC000, s29;
	[dreg:$0x17] =	wrdreg s8  }
0x1f: {  	s11 =	sadd.s32 s1, s10;
	[dreg:$0x18] =	wrdreg s9  }
0x20: {  	s13 =	sor.u32 $0x120000, s5;
	s12 =	sadd.s32 $0xE4000, s29;
	[dreg:$0x19] =	wrdreg s11  }
0x21: {  	s30 =	simm.s32 $0x1B000;
	s14 =	sadd.s32 s1, s13;
	[dreg:$0x1a] =	wrdreg s12  }
0x22: {  	s16 =	sadd.s32 $0x144000, s5;
	s15 =	sadd.s32 s3, s10;
	[dreg:$0x1b] =	wrdreg s14  }
0x23: {  	s31 =	simm.s32 $0x7;
	s17 =	sadd.s32 s1, s16;
	[dreg:$0x1c] =	wrdreg s15  }
0x24: {  	s19 =	sadd.s32 $0x168000, s5;
	s18 =	sadd.s32 s3, s13;
	[dreg:$0x1d] =	wrdreg s17  }
0x25: {  	p0 =	por $0x0, $0x0;
	s20 =	sadd.s32 s1, s19;
	[dreg:$0x1e] =	wrdreg s18  }
0x26: {  	s22 =	sadd.s32 $0x18C000, s5;
	s21 =	sadd.s32 s3, s16;
	[dreg:$0x1f] =	wrdreg s20  }
0x27: {  	s4 =	ssub.s32 $0x2, s4;
	s23 =	sadd.s32 s1, s22;
	[smem:$0x7EC] =	sst s21  }
0x28: {  	s25 =	sor.u32 $0x1B0000, s5;
	s24 =	sadd.s32 s3, s19;
	[smem:$0x7ED] =	sst s23  }
0x29: {  	s26 =	sadd.s32 s1, s25;
	s6 =	simm.s32 $0x3000;
	[smem:$0x7EE] =	sst s24  }
0x2a: {  	[smem:$0x7EF] =	sst s26;
	s8 =	sadd.s32 s3, s22;
	s9 =	sadd.s32 $0x1D4000, s5  }
0x2b: {  	s11 =	sadd.s32 s3, s25;
	s12 =	sadd.s32 $0x1F8000, s5;
	[smem:$0x7F0] =	sst s8  }
0x2c: {  	s15 =	sadd.s32 $0x21C000, s5;
	s10 =	sadd.s32 s1, s9;
	[smem:$0x7F2] =	sst s11  }
0x2d: {  	s18 =	sor.u32 $0x240000, s5;
	s13 =	sadd.s32 s1, s12;
	[smem:$0x7F1] =	sst s10  }
0x2e: {  	s21 =	sadd.s32 $0x264000, s5;
	s14 =	sadd.s32 s3, s9;
	[smem:$0x7F3] =	sst s13  }
0x2f: {  	s24 =	sadd.s32 $0x288000, s5;
	s16 =	sadd.s32 s1, s15;
	[smem:$0x7F4] =	sst s14  }
0x30: {  	s25 =	sshrl.u32 s4, $0x1;
	s17 =	sadd.s32 s3, s12;
	[smem:$0x7F5] =	sst s16  }
0x31: {  	s7 =	simm.s32 $0x4;
	s19 =	sadd.s32 s1, s18;
	[smem:$0x7F6] =	sst s17  }
0x32: {  	s20 =	sadd.s32 s3, s15;
	s22 =	sadd.s32 s1, s21;
	[smem:$0x7F7] =	sst s19  }
0x33: {  	s23 =	sadd.s32 s3, s18;
	s26 =	sadd.s32 s1, s24;
	[smem:$0x7F8] =	sst s20  }
0x34: {  	s9 =	sadd.s32 s3, s21;
	s8 =	ssub.s32 s4, s25;
	[smem:$0x7F9] =	sst s22  }
0x35: {  	s28 =	sadd.s32 s3, s24;
	s12 =	sor.u32 $0x2D0000, s5;
	[smem:$0x7FA] =	sst s23  }
0x36: {  	s15 =	sadd.s32 $0x33C000, s5;
	[smem:$0x7FB] =	sst s26;
	s10 =	sadd.s32 $0x2AC000, s5  }
0x37: {  	[smem:$0x7FC] =	sst s9;
	s26 =	sadd.s32 s1, s12;
	s13 =	sadd.s32 $0x2F4000, s5  }
0x38: {  	s22 =	sadd.s32 s3, s12;
	s14 =	sadd.s32 $0x318000, s5;
	s17 =	sadd.s32 s1, s15  }
0x39: {  	s19 =	sor.u32 $0x360000, s5;
	s20 =	sadd.s32 $0x384000, s5;
	s23 =	smax.u32 s8, $0x1  }
0x3a: {  	s8 =	simm.s32 $0x60000;
	s12 =	simm.s32 $0x6;
	s11 =	sadd.s32 s1, s10  }
0x3b: {  	s25 =	sadd.s32 s3, s10;
	s24 =	sadd.s32 s1, s13;
	s21 =	sadd.s32 s1, s14  }
0x3c: {  	s18 =	sadd.s32 s3, s13;
	s16 =	sadd.s32 s3, s14;
	p1 =	sne.s32 s23, $0x1  }
.Ltmp0:
0x3d: {  	s13 =	sadd.s32 s1, s19;
	s10 =	sadd.s32 s3, s15;
	(pc) =	sbr.rel @!p1 .LBB2_3-.Ltmp0, $4  }
0x3e: {  	s9 =	sadd.s32 s1, s20;
	s5 =	sadd.s32 s3, s19;
	s4 =	sadd.s32 s3, s20  }
0x3f: {  	s19 =	simm.s32 $0x9000;
	s14 =	simm.s32 $0x12000;
	s1 =	sadd.s32 $0xFFFFFFFF, s23  }
0x40: {  	s23 =	simm.s32 $0x2;
	s20 =	simm.s32 $0x3;
	s15 =	simm.s32 $0x5  }
0x41: {  	s3 =	simm.s32 $0x8;
	[smem:$0x7FD] =	sst s11;
	s11 =	simm.s32 $0x1  }
0x42: {  	[tilespmem:s30], [sflag:$0x7] =	stream.linear.gather [hbm4b:s0+s2], $0x3000, $0x38;
	[tilespmem:$0x1E000] =	vst v63  }
0x43: {  	_ =	swait.ge [sflag:s31], $0x3000  }
0x44: {  	s0 =	rddreg [dreg:$0x5];
	[sflag:s31] =	ssyncset.done $0x0  }
0x45: {  	[smem:$0x7EB] =	sst s1;
	[sflag:s31] =	ssyncadd.s32 $0xFFFFD000  }
0x46: {  	[hbm4b:s0+s2] =	stream.linear.scatter [tilespmem:s30], [sflag:$0x8], $0x3000, $0x38;
	[tilespmem:$0x1E000] =	vst v63  }
0x47: {  	s1 =	rddreg [dreg:$0x6]  }
0x48: {  	[hbm4b:s1+s2] =	stream.linear.scatter [tilespmem:s30], [sflag:$0x8], $0x3000, $0x38;
	[tilespmem:$0x1E000] =	vst v63  }
0x49: {  	s0 =	rddreg [dreg:$0x7]  }
0x4a: {  	[hbm4b:s0+s2] =	stream.linear.scatter [tilespmem:s30], [sflag:$0x8], $0x3000, $0x38;
	[tilespmem:$0x1E000] =	vst v63  }
0x4b: {  	s1 =	rddreg [dreg:$0x8]  }
0x4c: {  	[hbm4b:s1+s2] =	stream.linear.scatter [tilespmem:s30], [sflag:$0x8], $0x3000, $0x38;
	[tilespmem:$0x1E000] =	vst v63  }
0x4d: {  	s0 =	rddreg [dreg:$0x9]  }
0x4e: {  	[hbm4b:s0+s2] =	stream.linear.scatter [tilespmem:s30], [sflag:$0x8], $0x3000, $0x38;
	[tilespmem:$0x1E000] =	vst v63  }
0x4f: {  	s1 =	rddreg [dreg:$0xa]  }
0x50: {  	[hbm4b:s1+s2] =	stream.linear.scatter [tilespmem:s30], [sflag:$0x8], $0x3000, $0x38;
	[tilespmem:$0x1E000] =	vst v63  }
0x51: {  	s0 =	rddreg [dreg:$0xb]  }
0x52: {  	[hbm4b:s0+s2] =	stream.linear.scatter [tilespmem:s30], [sflag:$0x8], $0x3000, $0x38;
	[tilespmem:$0x1E000] =	vst v63  }
0x53: {  	s1 =	rddreg [dreg:$0xc]  }
0x54: {  	[hbm4b:s1+s2] =	stream.linear.scatter [tilespmem:s30], [sflag:$0x8], $0x3000, $0x38;
	[tilespmem:$0x1E000] =	vst v63  }
0x55: {  	s0 =	rddreg [dreg:$0xd]  }
0x56: {  	[hbm4b:s0+s2] =	stream.linear.scatter [tilespmem:s30], [sflag:$0x8], $0x3000, $0x38;
	[tilespmem:$0x1E000] =	vst v63  }
0x57: {  	s1 =	rddreg [dreg:$0xe]  }
0x58: {  	[hbm4b:s1+s2] =	stream.linear.scatter [tilespmem:s30], [sflag:$0x8], $0x3000, $0x38;
	[tilespmem:$0x1E000] =	vst v63  }
0x59: {  	s0 =	rddreg [dreg:$0xf]  }
0x5a: {  	[hbm4b:s0+s2] =	stream.linear.scatter [tilespmem:s30], [sflag:$0x8], $0x3000, $0x38;
	[tilespmem:$0x1E000] =	vst v63  }
0x5b: {  	s1 =	rddreg [dreg:$0x10]  }
0x5c: {  	[hbm4b:s1+s2] =	stream.linear.scatter [tilespmem:s30], [sflag:$0x8], $0x3000, $0x38;
	[tilespmem:$0x1E000] =	vst v63  }
0x5d: {  	s0 =	rddreg [dreg:$0x11]  }
0x5e: {  	[hbm4b:s0+s2] =	stream.linear.scatter [tilespmem:s30], [sflag:$0x8], $0x3000, $0x38;
	[tilespmem:$0x1E000] =	vst v63  }
0x5f: {  	s1 =	rddreg [dreg:$0x12]  }
0x60: {  	[hbm4b:s1+s2] =	stream.linear.scatter [tilespmem:s30], [sflag:$0x8], $0x3000, $0x38;
	[tilespmem:$0x1E000] =	vst v63  }
0x61: {  	s0 =	rddreg [dreg:$0x13]  }
0x62: {  	[hbm4b:s0+s2] =	stream.linear.scatter [tilespmem:s30], [sflag:$0x8], $0x3000, $0x38;
	[tilespmem:$0x1E000] =	vst v63  }
0x63: {  	s1 =	rddreg [dreg:$0x14]  }
0x64: {  	[hbm4b:s1+s2] =	stream.linear.scatter [tilespmem:s30], [sflag:$0x8], $0x3000, $0x38;
	[tilespmem:$0x1E000] =	vst v63  }
0x65: {  	s0 =	rddreg [dreg:$0x15]  }
0x66: {  	[tilespmem:s2], [sflag:$0x1] =	stream.linear.gather [hbm4b:s0+s2], $0x3000, $0x38;
	[tilespmem:$0x1E000] =	vst v63  }
0x67: {  	s1 =	rddreg [dreg:$0x16]  }
0x68: {  	[tilespmem:s19], [sflag:$0x2] =	stream.strided.gather [hbm4b:s1+s6], $0x6000, s8, s6, $0x38;
	[tilespmem:$0x1E000] =	vst v63  }
0x69: {  	_ =	swait.ge [sflag:s11], $0x3000  }
0x6a: {  	[sflag:s11] =	ssyncset.done $0x0  }
0x6b: {  	[sflag:s11] =	ssyncadd.s32 $0xFFFFD000  }
0x6c: {  	[hbm4b:s29+s2] =	stream.linear.scatter [tilespmem:s2], [sflag:$0x4], $0x3000, $0x38;
	[tilespmem:$0x1E000] =	vst v63  }
0x6d: {  	s1 =	rddreg [dreg:$0x17]  }
0x6e: {  	[tilespmem:s14], [sflag:$0x3] =	stream.strided.gather [hbm4b:s1+s6], $0x6000, s8, s6, $0x38;
	[tilespmem:$0x1E000] =	vst v63  }
0x6f: {  	_ =	swait.ge [sflag:s23], $0x6000  }
0x70: {  	[sflag:s23] =	ssyncset.done $0x0  }
0x71: {  	s1 =	rddreg [dreg:$0x18];
	[sflag:s23] =	ssyncadd.s32 $0xFFFFA000  }
0x72: {  	[hbm4b:s1+s6] =	stream.strided.scatter [tilespmem:s19], [sflag:$0x5], $0x6000, s8, s6, $0x38;
	[tilespmem:$0x1E000] =	vst v63  }
0x73: {  	_ =	swait.ge [sflag:s7], $0x3000  }
0x74: {  	[sflag:s7] =	ssyncset.done $0x0  }
0x75: {  	s1 =	rddreg [dreg:$0x19];
	[sflag:s7] =	ssyncadd.s32 $0xFFFFD000  }
0x76: {  	[tilespmem:s2], [sflag:$0x1] =	stream.strided.gather [hbm4b:s1+s6], $0x9000, s8, s6, $0x38;
	[tilespmem:$0x1E000] =	vst v63  }
0x77: {  	_ =	swait.ge [sflag:s20], $0x6000  }
0x78: {  	[sflag:s20] =	ssyncset.done $0x0  }
0x79: {  	s1 =	rddreg [dreg:$0x1a];
	[sflag:s20] =	ssyncadd.s32 $0xFFFFA000  }
0x7a: {  	[hbm4b:s1+s6] =	stream.strided.scatter [tilespmem:s14], [sflag:$0x6], $0x6000, s8, s6, $0x38;
	[tilespmem:$0x1E000] =	vst v63  }
0x7b: {  	_ =	swait.ge [sflag:s15], $0x6000  }
0x7c: {  	[sflag:s15] =	ssyncset.done $0x0  }
0x7d: {  	s1 =	rddreg [dreg:$0x1b];
	[sflag:s15] =	ssyncadd.s32 $0xFFFFA000  }
0x7e: {  	[tilespmem:s19], [sflag:$0x2] =	stream.strided.gather [hbm4b:s1+s6], $0x9000, s8, s6, $0x38;
	[tilespmem:$0x1E000] =	vst v63  }
0x7f: {  	_ =	swait.ge [sflag:s11], $0x9000  }
0x80: {  	[sflag:s11] =	ssyncset.done $0x0  }
0x81: {  	s1 =	rddreg [dreg:$0x1c];
	[sflag:s11] =	ssyncadd.s32 $0xFFFF7000  }
0x82: {  	[hbm4b:s1+s6] =	stream.strided.scatter [tilespmem:s2], [sflag:$0x4], $0x9000, s8, s6, $0x38;
	[tilespmem:$0x1E000] =	vst v63  }
0x83: {  	_ =	swait.ge [sflag:s12], $0x6000  }
0x84: {  	[sflag:s12] =	ssyncset.done $0x0  }
0x85: {  	s1 =	rddreg [dreg:$0x1d];
	[sflag:s12] =	ssyncadd.s32 $0xFFFFA000  }
0x86: {  	[tilespmem:s14], [sflag:$0x3] =	stream.strided.gather [hbm4b:s1+s6], $0x9000, s8, s6, $0x38;
	[tilespmem:$0x1E000] =	vst v63  }
0x87: {  	_ =	swait.ge [sflag:s23], $0x9000  }
0x88: {  	[sflag:s23] =	ssyncset.done $0x0  }
0x89: {  	s1 =	rddreg [dreg:$0x1e];
	[sflag:s23] =	ssyncadd.s32 $0xFFFF7000  }
0x8a: {  	[hbm4b:s1+s6] =	stream.strided.scatter [tilespmem:s19], [sflag:$0x5], $0x9000, s8, s6, $0x38;
	[tilespmem:$0x1E000] =	vst v63  }
0x8b: {  	_ =	swait.ge [sflag:s7], $0x9000  }
0x8c: {  	[sflag:s7] =	ssyncset.done $0x0  }
0x8d: {  	s1 =	rddreg [dreg:$0x1f];
	[sflag:s7] =	ssyncadd.s32 $0xFFFF7000  }
0x8e: {  	[tilespmem:s2], [sflag:$0x1] =	stream.strided.gather [hbm4b:s1+s6], $0x9000, s8, s6, $0x38;
	[tilespmem:$0x1E000] =	vst v63  }
0x8f: {  	_ =	swait.ge [sflag:s20], $0x9000  }
0x90: {  	s1 =	sld [smem:$0x7EC]  }
0x91: {  	[sflag:s20] =	ssyncset.done $0x0  }
0x92: {  	[sflag:s20] =	ssyncadd.s32 $0xFFFF7000  }
0x93: {  	[hbm4b:s1+s6] =	stream.strided.scatter [tilespmem:s14], [sflag:$0x6], $0x9000, s8, s6, $0x38;
	[tilespmem:$0x1E000] =	vst v63  }
0x94: {  	_ =	swait.ge [sflag:s15], $0x9000  }
0x95: {  	s1 =	sld [smem:$0x7ED]  }
0x96: {  	[sflag:s15] =	ssyncset.done $0x0  }
0x97: {  	[sflag:s15] =	ssyncadd.s32 $0xFFFF7000  }
0x98: {  	[tilespmem:s19], [sflag:$0x2] =	stream.strided.gather [hbm4b:s1+s6], $0x9000, s8, s6, $0x38;
	[tilespmem:$0x1E000] =	vst v63  }
0x99: {  	_ =	swait.ge [sflag:s11], $0x9000  }
0x9a: {  	s1 =	sld [smem:$0x7EE]  }
0x9b: {  	[sflag:s11] =	ssyncset.done $0x0  }
0x9c: {  	[sflag:s11] =	ssyncadd.s32 $0xFFFF7000  }
0x9d: {  	[hbm4b:s1+s6] =	stream.strided.scatter [tilespmem:s2], [sflag:$0x4], $0x9000, s8, s6, $0x38;
	[tilespmem:$0x1E000] =	vst v63  }
0x9e: {  	_ =	swait.ge [sflag:s12], $0x9000  }
0x9f: {  	s1 =	sld [smem:$0x7EF]  }
0xa0: {  	[sflag:s12] =	ssyncset.done $0x0  }
0xa1: {  	[sflag:s12] =	ssyncadd.s32 $0xFFFF7000  }
0xa2: {  	[tilespmem:s14], [sflag:$0x3] =	stream.strided.gather [hbm4b:s1+s6], $0x9000, s8, s6, $0x38;
	[tilespmem:$0x1E000] =	vst v63  }
0xa3: {  	_ =	swait.ge [sflag:s23], $0x9000  }
0xa4: {  	s1 =	sld [smem:$0x7F0]  }
0xa5: {  	[sflag:s23] =	ssyncset.done $0x0  }
0xa6: {  	[sflag:s23] =	ssyncadd.s32 $0xFFFF7000  }
0xa7: {  	[hbm4b:s1+s6] =	stream.strided.scatter [tilespmem:s19], [sflag:$0x5], $0x9000, s8, s6, $0x38;
	[tilespmem:$0x1E000] =	vst v63  }
0xa8: {  	_ =	swait.ge [sflag:s7], $0x9000  }
0xa9: {  	s1 =	sld [smem:$0x7F1]  }
0xaa: {  	[sflag:s7] =	ssyncset.done $0x0  }
0xab: {  	[sflag:s7] =	ssyncadd.s32 $0xFFFF7000  }
0xac: {  	[tilespmem:s2], [sflag:$0x1] =	stream.strided.gather [hbm4b:s1+s6], $0x9000, s8, s6, $0x38;
	[tilespmem:$0x1E000] =	vst v63  }
0xad: {  	_ =	swait.ge [sflag:s20], $0x9000  }
0xae: {  	s1 =	sld [smem:$0x7F2]  }
0xaf: {  	[sflag:s20] =	ssyncset.done $0x0  }
0xb0: {  	[sflag:s20] =	ssyncadd.s32 $0xFFFF7000  }
0xb1: {  	[hbm4b:s1+s6] =	stream.strided.scatter [tilespmem:s14], [sflag:$0x6], $0x9000, s8, s6, $0x38;
	[tilespmem:$0x1E000] =	vst v63  }
0xb2: {  	_ =	swait.ge [sflag:s15], $0x9000  }
0xb3: {  	s1 =	sld [smem:$0x7F3]  }
0xb4: {  	[sflag:s15] =	ssyncset.done $0x0  }
0xb5: {  	[sflag:s15] =	ssyncadd.s32 $0xFFFF7000  }
0xb6: {  	[tilespmem:s19], [sflag:$0x2] =	stream.strided.gather [hbm4b:s1+s6], $0x9000, s8, s6, $0x38;
	[tilespmem:$0x1E000] =	vst v63  }
0xb7: {  	_ =	swait.ge [sflag:s11], $0x9000  }
0xb8: {  	s1 =	sld [smem:$0x7F4]  }
0xb9: {  	[sflag:s11] =	ssyncset.done $0x0  }
0xba: {  	[sflag:s11] =	ssyncadd.s32 $0xFFFF7000  }
0xbb: {  	[hbm4b:s1+s6] =	stream.strided.scatter [tilespmem:s2], [sflag:$0x4], $0x9000, s8, s6, $0x38;
	[tilespmem:$0x1E000] =	vst v63  }
0xbc: {  	_ =	swait.ge [sflag:s12], $0x9000  }
0xbd: {  	s1 =	sld [smem:$0x7F5]  }
0xbe: {  	[sflag:s12] =	ssyncset.done $0x0  }
0xbf: {  	[sflag:s12] =	ssyncadd.s32 $0xFFFF7000  }
0xc0: {  	[tilespmem:s14], [sflag:$0x3] =	stream.strided.gather [hbm4b:s1+s6], $0x9000, s8, s6, $0x38;
	[tilespmem:$0x1E000] =	vst v63  }
0xc1: {  	_ =	swait.ge [sflag:s23], $0x9000  }
0xc2: {  	s1 =	sld [smem:$0x7F6]  }
0xc3: {  	[sflag:s23] =	ssyncset.done $0x0  }
0xc4: {  	[sflag:s23] =	ssyncadd.s32 $0xFFFF7000  }
0xc5: {  	[hbm4b:s1+s6] =	stream.strided.scatter [tilespmem:s19], [sflag:$0x5], $0x9000, s8, s6, $0x38;
	[tilespmem:$0x1E000] =	vst v63  }
0xc6: {  	_ =	swait.ge [sflag:s7], $0x9000  }
0xc7: {  	s1 =	sld [smem:$0x7F7]  }
0xc8: {  	[sflag:s7] =	ssyncset.done $0x0  }
0xc9: {  	[sflag:s7] =	ssyncadd.s32 $0xFFFF7000  }
0xca: {  	[tilespmem:s2], [sflag:$0x1] =	stream.strided.gather [hbm4b:s1+s6], $0x9000, s8, s6, $0x38;
	[tilespmem:$0x1E000] =	vst v63  }
0xcb: {  	_ =	swait.ge [sflag:s20], $0x9000  }
0xcc: {  	s1 =	sld [smem:$0x7F8]  }
0xcd: {  	[sflag:s20] =	ssyncset.done $0x0  }
0xce: {  	[sflag:s20] =	ssyncadd.s32 $0xFFFF7000  }
0xcf: {  	[hbm4b:s1+s6] =	stream.strided.scatter [tilespmem:s14], [sflag:$0x6], $0x9000, s8, s6, $0x38;
	[tilespmem:$0x1E000] =	vst v63  }
0xd0: {  	_ =	swait.ge [sflag:s15], $0x9000  }
0xd1: {  	s1 =	sld [smem:$0x7F9]  }
0xd2: {  	[sflag:s15] =	ssyncset.done $0x0  }
0xd3: {  	[sflag:s15] =	ssyncadd.s32 $0xFFFF7000  }
0xd4: {  	[tilespmem:s19], [sflag:$0x2] =	stream.strided.gather [hbm4b:s1+s6], $0x9000, s8, s6, $0x38;
	[tilespmem:$0x1E000] =	vst v63  }
0xd5: {  	_ =	swait.ge [sflag:s11], $0x9000  }
0xd6: {  	s1 =	sld [smem:$0x7FA]  }
0xd7: {  	[sflag:s11] =	ssyncset.done $0x0  }
0xd8: {  	[sflag:s11] =	ssyncadd.s32 $0xFFFF7000  }
0xd9: {  	[hbm4b:s1+s6] =	stream.strided.scatter [tilespmem:s2], [sflag:$0x4], $0x9000, s8, s6, $0x38;
	[tilespmem:$0x1E000] =	vst v63  }
0xda: {  	_ =	swait.ge [sflag:s12], $0x9000  }
0xdb: {  	s1 =	sld [smem:$0x7FB]  }
0xdc: {  	[sflag:s12] =	ssyncset.done $0x0  }
0xdd: {  	[sflag:s12] =	ssyncadd.s32 $0xFFFF7000  }
0xde: {  	[tilespmem:s14], [sflag:$0x3] =	stream.strided.gather [hbm4b:s1+s6], $0x9000, s8, s6, $0x38;
	[tilespmem:$0x1E000] =	vst v63  }
0xdf: {  	_ =	swait.ge [sflag:s23], $0x9000  }
0xe0: {  	s1 =	sld [smem:$0x7FC]  }
0xe1: {  	[sflag:s23] =	ssyncset.done $0x0  }
0xe2: {  	[sflag:s23] =	ssyncadd.s32 $0xFFFF7000  }
0xe3: {  	[hbm4b:s1+s6] =	stream.strided.scatter [tilespmem:s19], [sflag:$0x5], $0x9000, s8, s6, $0x38;
	[tilespmem:$0x1E000] =	vst v63  }
0xe4: {  	_ =	swait.ge [sflag:s7], $0x9000  }
0xe5: {  	s1 =	sld [smem:$0x7FD]  }
0xe6: {  	[sflag:s7] =	ssyncset.done $0x0  }
0xe7: {  	[sflag:s7] =	ssyncadd.s32 $0xFFFF7000  }
0xe8: {  	[tilespmem:s2], [sflag:$0x1] =	stream.strided.gather [hbm4b:s1+s6], $0x9000, s8, s6, $0x38;
	[tilespmem:$0x1E000] =	vst v63  }
0xe9: {  	_ =	swait.ge [sflag:s20], $0x9000  }
0xea: {  	[sflag:s20] =	ssyncset.done $0x0  }
0xeb: {  	[sflag:s20] =	ssyncadd.s32 $0xFFFF7000  }
0xec: {  	[hbm4b:s28+s6] =	stream.strided.scatter [tilespmem:s14], [sflag:$0x6], $0x9000, s8, s6, $0x38;
	[tilespmem:$0x1E000] =	vst v63  }
0xed: {  	_ =	swait.ge [sflag:s15], $0x9000  }
0xee: {  	[sflag:s15] =	ssyncset.done $0x0  }
0xef: {  	[sflag:s15] =	ssyncadd.s32 $0xFFFF7000  }
0xf0: {  	[tilespmem:s19], [sflag:$0x2] =	stream.strided.gather [hbm4b:s26+s6], $0x9000, s8, s6, $0x38;
	[tilespmem:$0x1E000] =	vst v63  }
0xf1: {  	_ =	swait.ge [sflag:s11], $0x9000  }
0xf2: {  	[sflag:s11] =	ssyncset.done $0x0  }
0xf3: {  	[sflag:s11] =	ssyncadd.s32 $0xFFFF7000  }
0xf4: {  	[hbm4b:s25+s6] =	stream.strided.scatter [tilespmem:s2], [sflag:$0x4], $0x9000, s8, s6, $0x38;
	[tilespmem:$0x1E000] =	vst v63  }
0xf5: {  	_ =	swait.ge [sflag:s12], $0x9000  }
0xf6: {  	[sflag:s12] =	ssyncset.done $0x0  }
0xf7: {  	[sflag:s12] =	ssyncadd.s32 $0xFFFF7000  }
0xf8: {  	[tilespmem:s14], [sflag:$0x3] =	stream.strided.gather [hbm4b:s24+s6], $0x9000, s8, s6, $0x38;
	[tilespmem:$0x1E000] =	vst v63  }
0xf9: {  	_ =	swait.ge [sflag:s23], $0x9000  }
0xfa: {  	[sflag:s23] =	ssyncset.done $0x0  }
0xfb: {  	[sflag:s23] =	ssyncadd.s32 $0xFFFF7000  }
0xfc: {  	[hbm4b:s22+s6] =	stream.strided.scatter [tilespmem:s19], [sflag:$0x5], $0x9000, s8, s6, $0x38;
	[tilespmem:$0x1E000] =	vst v63  }
0xfd: {  	_ =	swait.ge [sflag:s7], $0x9000  }
0xfe: {  	[sflag:s7] =	ssyncset.done $0x0  }
0xff: {  	[sflag:s7] =	ssyncadd.s32 $0xFFFF7000  }
0x100: {  	[tilespmem:s2], [sflag:$0x1] =	stream.strided.gather [hbm4b:s21+s6], $0x9000, s8, s6, $0x38;
	[tilespmem:$0x1E000] =	vst v63  }
0x101: {  	_ =	swait.ge [sflag:s20], $0x9000  }
0x102: {  	[sflag:s20] =	ssyncset.done $0x0  }
0x103: {  	[sflag:s20] =	ssyncadd.s32 $0xFFFF7000  }
0x104: {  	[hbm4b:s18+s6] =	stream.strided.scatter [tilespmem:s14], [sflag:$0x6], $0x9000, s8, s6, $0x38;
	[tilespmem:$0x1E000] =	vst v63  }
0x105: {  	_ =	swait.ge [sflag:s15], $0x9000  }
0x106: {  	[sflag:s15] =	ssyncset.done $0x0  }
0x107: {  	[sflag:s15] =	ssyncadd.s32 $0xFFFF7000  }
0x108: {  	[tilespmem:s19], [sflag:$0x2] =	stream.strided.gather [hbm4b:s17+s6], $0x9000, s8, s6, $0x38;
	[tilespmem:$0x1E000] =	vst v63  }
0x109: {  	_ =	swait.ge [sflag:s11], $0x9000  }
0x10a: {  	[sflag:s11] =	ssyncset.done $0x0  }
0x10b: {  	[sflag:s11] =	ssyncadd.s32 $0xFFFF7000  }
0x10c: {  	[hbm4b:s16+s6] =	stream.strided.scatter [tilespmem:s2], [sflag:$0x4], $0x9000, s8, s6, $0x38;
	[tilespmem:$0x1E000] =	vst v63  }
0x10d: {  	_ =	swait.ge [sflag:s12], $0x9000  }
0x10e: {  	[sflag:s12] =	ssyncset.done $0x0  }
0x10f: {  	[sflag:s12] =	ssyncadd.s32 $0xFFFF7000  }
0x110: {  	[tilespmem:s14], [sflag:$0x3] =	stream.strided.gather [hbm4b:s13+s6], $0x9000, s8, s6, $0x38;
	[tilespmem:$0x1E000] =	vst v63  }
0x111: {  	_ =	swait.ge [sflag:s23], $0x9000  }
0x112: {  	[sflag:s23] =	ssyncset.done $0x0  }
0x113: {  	[sflag:s23] =	ssyncadd.s32 $0xFFFF7000  }
0x114: {  	[hbm4b:s10+s6] =	stream.strided.scatter [tilespmem:s19], [sflag:$0x5], $0x9000, s8, s6, $0x38;
	[tilespmem:$0x1E000] =	vst v63  }
0x115: {  	_ =	swait.ge [sflag:s7], $0x9000  }
0x116: {  	[sflag:s7] =	ssyncset.done $0x0  }
0x117: {  	[sflag:s7] =	ssyncadd.s32 $0xFFFF7000  }
0x118: {  	[tilespmem:s2], [sflag:$0x1] =	stream.strided.gather [hbm4b:s9+s6], $0x6000, s8, s6, $0x38;
	[tilespmem:$0x1E000] =	vst v63  }
0x119: {  	_ =	swait.ge [sflag:s20], $0x9000  }
0x11a: {  	[sflag:s20] =	ssyncset.done $0x0  }
0x11b: {  	[sflag:s20] =	ssyncadd.s32 $0xFFFF7000  }
0x11c: {  	[hbm4b:s5+s6] =	stream.strided.scatter [tilespmem:s14], [sflag:$0x6], $0x9000, s8, s6, $0x38;
	[tilespmem:$0x1E000] =	vst v63  }
0x11d: {  	_ =	swait.ge [sflag:s11], $0x6000  }
0x11e: {  	[sflag:s11] =	ssyncset.done $0x0  }
0x11f: {  	[sflag:s11] =	ssyncadd.s32 $0xFFFFA000  }
0x120: {  	[hbm4b:s4+s6] =	stream.strided.scatter [tilespmem:s2], [sflag:$0x4], $0x6000, s8, s6, $0x38;
	[tilespmem:$0x1E000] =	vst v63  }
0x121: {  	_ =	swait.ge [sflag:s15], $0x9000  }
0x122: {  	[sflag:s15] =	ssyncset.done $0x0  }
0x123: {  	[sflag:s15] =	ssyncadd.s32 $0xFFFF7000  }
0x124: {  	_ =	swait.ge [sflag:s12], $0x9000  }
0x125: {  	[sflag:s12] =	ssyncset.done $0x0  }
0x126: {  	[sflag:s12] =	ssyncadd.s32 $0xFFFF7000  }
0x127: {  	_ =	swait.ge [sflag:s7], $0x6000  }
0x128: {  	[sflag:s7] =	ssyncset.done $0x0  }
0x129: {  	[sflag:s7] =	ssyncadd.s32 $0xFFFFA000  }
0x12a: {  	_ =	swait.ge [sflag:s3], $0x3000  }
0x12b: {  	[sflag:s3] =	ssyncset.done $0x0  }
0x12c: {  	[sflag:s3] =	ssyncadd.s32 $0xFFFFD000  }
0x12d: {  	_ =	swait.ge [sflag:s3], $0x3000  }
0x12e: {  	[sflag:s3] =	ssyncset.done $0x0  }
0x12f: {  	[sflag:s3] =	ssyncadd.s32 $0xFFFFD000  }
0x130: {  	_ =	swait.ge [sflag:s3], $0x3000  }
0x131: {  	[sflag:s3] =	ssyncset.done $0x0  }
0x132: {  	[sflag:s3] =	ssyncadd.s32 $0xFFFFD000  }
0x133: {  	_ =	swait.ge [sflag:s3], $0x3000  }
0x134: {  	[sflag:s3] =	ssyncset.done $0x0  }
0x135: {  	[sflag:s3] =	ssyncadd.s32 $0xFFFFD000  }
0x136: {  	_ =	swait.ge [sflag:s3], $0x3000  }
0x137: {  	[sflag:s3] =	ssyncset.done $0x0  }
0x138: {  	[sflag:s3] =	ssyncadd.s32 $0xFFFFD000  }
0x139: {  	_ =	swait.ge [sflag:s3], $0x3000  }
0x13a: {  	[sflag:s3] =	ssyncset.done $0x0  }
0x13b: {  	[sflag:s3] =	ssyncadd.s32 $0xFFFFD000  }
0x13c: {  	_ =	swait.ge [sflag:s3], $0x3000  }
0x13d: {  	[sflag:s3] =	ssyncset.done $0x0  }
0x13e: {  	[sflag:s3] =	ssyncadd.s32 $0xFFFFD000  }
0x13f: {  	_ =	swait.ge [sflag:s3], $0x3000  }
0x140: {  	[sflag:s3] =	ssyncset.done $0x0  }
0x141: {  	[sflag:s3] =	ssyncadd.s32 $0xFFFFD000  }
0x142: {  	_ =	swait.ge [sflag:s3], $0x3000  }
0x143: {  	[sflag:s3] =	ssyncset.done $0x0  }
0x144: {  	[sflag:s3] =	ssyncadd.s32 $0xFFFFD000  }
0x145: {  	_ =	swait.ge [sflag:s3], $0x3000  }
0x146: {  	[sflag:s3] =	ssyncset.done $0x0  }
0x147: {  	[sflag:s3] =	ssyncadd.s32 $0xFFFFD000  }
0x148: {  	_ =	swait.ge [sflag:s3], $0x3000  }
0x149: {  	[sflag:s3] =	ssyncset.done $0x0  }
0x14a: {  	[sflag:s3] =	ssyncadd.s32 $0xFFFFD000  }
0x14b: {  	_ =	swait.ge [sflag:s3], $0x3000  }
0x14c: {  	[sflag:s3] =	ssyncset.done $0x0  }
0x14d: {  	[sflag:s3] =	ssyncadd.s32 $0xFFFFD000  }
0x14e: {  	_ =	swait.ge [sflag:s3], $0x3000  }
0x14f: {  	[sflag:s3] =	ssyncset.done $0x0  }
0x150: {  	[sflag:s3] =	ssyncadd.s32 $0xFFFFD000  }
0x151: {  	_ =	swait.ge [sflag:s3], $0x3000  }
0x152: {  	[sflag:s3] =	ssyncset.done $0x0  }
0x153: {  	[sflag:s3] =	ssyncadd.s32 $0xFFFFD000  }
0x154: {  	_ =	swait.ge [sflag:s3], $0x3000  }
0x155: {  	s1 =	sld [smem:$0x7EB];
	_ =	sdelay $0x2  }
0x156: {  	p1 =	sne.s32 s1, $0x1  }
.Ltmp1:
0x157: {  	_ = 	snop;
	(pc) =	sbr.rel @!p1 .LBB2_3-.Ltmp1, $4  }
0x158: {  	[sflag:s3] =	ssyncset.done $0x0  }
0x159: {  	[sflag:s3] =	ssyncadd.s32 $0xFFFFD000  }
0x15a: {  	p0 =	por $0x1, $0x1;
	_ =	swait.ge [sflag:s3], $0x3000  }
0x15b: {  	s1 =	sadd.s32 $0xFFFFFFFF, s1;
	s0 =	rddreg [dreg:$0x4];
	[sflag:s3] =	ssyncset.done $0x0  }
.LBB2_2:
0x15c: {  	[sflag:s3] =	ssyncadd.s32 $0xFFFFD000  }
0x15d: {  	[tilespmem:s30], [sflag:$0x7] =	stream.linear.gather [hbm4b:s0+s2], $0x3000, $0x38;
	[tilespmem:$0x1E000] =	vst v63  }
0x15e: {  	_ =	swait.ge [sflag:s31], $0x3000  }
0x15f: {  	[sflag:s31] =	ssyncset.done $0x0  }
0x160: {  	s0 =	rddreg [dreg:$0x5];
	[sflag:s31] =	ssyncadd.s32 $0xFFFFD000;
	s31 =	smov.u32 s29  }
0x161: {  	s29 =	smov.u32 s28;
	s28 =	smov.u32 s26;
	s26 =	smov.u32 s25  }
0x162: {  	s25 =	smov.u32 s24;
	s24 =	smov.u32 s22;
	s22 =	smov.u32 s21  }
0x163: {  	s21 =	smov.u32 s18;
	s18 =	smov.u32 s17;
	s17 =	smov.u32 s16  }
0x164: {  	s16 =	smov.u32 s13;
	s13 =	smov.u32 s10;
	s10 =	smov.u32 s9  }
0x165: {  	[hbm4b:s0+s2] =	stream.linear.scatter [tilespmem:s30], [sflag:$0x8], $0x3000, $0x38;
	[tilespmem:$0x1E000] =	vst v63  }
0x166: {  	s9 =	smov.u32 s5;
	s5 =	smov.u32 s4;
	s4 =	rddreg [dreg:$0x6]  }
0x167: {  	[hbm4b:s4+s2] =	stream.linear.scatter [tilespmem:s30], [sflag:$0x8], $0x3000, $0x38;
	[tilespmem:$0x1E000] =	vst v63  }
0x168: {  	s0 =	rddreg [dreg:$0x7]  }
0x169: {  	[hbm4b:s0+s2] =	stream.linear.scatter [tilespmem:s30], [sflag:$0x8], $0x3000, $0x38;
	[tilespmem:$0x1E000] =	vst v63  }
0x16a: {  	s4 =	rddreg [dreg:$0x8]  }
0x16b: {  	[hbm4b:s4+s2] =	stream.linear.scatter [tilespmem:s30], [sflag:$0x8], $0x3000, $0x38;
	[tilespmem:$0x1E000] =	vst v63  }
0x16c: {  	s0 =	rddreg [dreg:$0x9]  }
0x16d: {  	[hbm4b:s0+s2] =	stream.linear.scatter [tilespmem:s30], [sflag:$0x8], $0x3000, $0x38;
	[tilespmem:$0x1E000] =	vst v63  }
0x16e: {  	s4 =	rddreg [dreg:$0xa]  }
0x16f: {  	[hbm4b:s4+s2] =	stream.linear.scatter [tilespmem:s30], [sflag:$0x8], $0x3000, $0x38;
	[tilespmem:$0x1E000] =	vst v63  }
0x170: {  	s0 =	rddreg [dreg:$0xb]  }
0x171: {  	[hbm4b:s0+s2] =	stream.linear.scatter [tilespmem:s30], [sflag:$0x8], $0x3000, $0x38;
	[tilespmem:$0x1E000] =	vst v63  }
0x172: {  	s4 =	rddreg [dreg:$0xc]  }
0x173: {  	[hbm4b:s4+s2] =	stream.linear.scatter [tilespmem:s30], [sflag:$0x8], $0x3000, $0x38;
	[tilespmem:$0x1E000] =	vst v63  }
0x174: {  	s0 =	rddreg [dreg:$0xd]  }
0x175: {  	[hbm4b:s0+s2] =	stream.linear.scatter [tilespmem:s30], [sflag:$0x8], $0x3000, $0x38;
	[tilespmem:$0x1E000] =	vst v63  }
0x176: {  	s4 =	rddreg [dreg:$0xe]  }
0x177: {  	[hbm4b:s4+s2] =	stream.linear.scatter [tilespmem:s30], [sflag:$0x8], $0x3000, $0x38;
	[tilespmem:$0x1E000] =	vst v63  }
0x178: {  	s0 =	rddreg [dreg:$0xf]  }
0x179: {  	[hbm4b:s0+s2] =	stream.linear.scatter [tilespmem:s30], [sflag:$0x8], $0x3000, $0x38;
	[tilespmem:$0x1E000] =	vst v63  }
0x17a: {  	s4 =	rddreg [dreg:$0x10]  }
0x17b: {  	[hbm4b:s4+s2] =	stream.linear.scatter [tilespmem:s30], [sflag:$0x8], $0x3000, $0x38;
	[tilespmem:$0x1E000] =	vst v63  }
0x17c: {  	s0 =	rddreg [dreg:$0x11]  }
0x17d: {  	[hbm4b:s0+s2] =	stream.linear.scatter [tilespmem:s30], [sflag:$0x8], $0x3000, $0x38;
	[tilespmem:$0x1E000] =	vst v63  }
0x17e: {  	s4 =	rddreg [dreg:$0x12]  }
0x17f: {  	[hbm4b:s4+s2] =	stream.linear.scatter [tilespmem:s30], [sflag:$0x8], $0x3000, $0x38;
	[tilespmem:$0x1E000] =	vst v63  }
0x180: {  	s0 =	rddreg [dreg:$0x13]  }
0x181: {  	[hbm4b:s0+s2] =	stream.linear.scatter [tilespmem:s30], [sflag:$0x8], $0x3000, $0x38;
	[tilespmem:$0x1E000] =	vst v63  }
0x182: {  	s4 =	rddreg [dreg:$0x14]  }
0x183: {  	[hbm4b:s4+s2] =	stream.linear.scatter [tilespmem:s30], [sflag:$0x8], $0x3000, $0x38;
	[tilespmem:$0x1E000] =	vst v63  }
0x184: {  	s0 =	rddreg [dreg:$0x15]  }
0x185: {  	[tilespmem:s2], [sflag:$0x1] =	stream.linear.gather [hbm4b:s0+s2], $0x3000, $0x38;
	[tilespmem:$0x1E000] =	vst v63  }
0x186: {  	s4 =	rddreg [dreg:$0x16]  }
0x187: {  	[tilespmem:s19], [sflag:$0x2] =	stream.strided.gather [hbm4b:s4+s6], $0x6000, s8, s6, $0x38;
	[tilespmem:$0x1E000] =	vst v63  }
0x188: {  	s4 =	smov.u32 s5;
	s5 =	smov.u32 s9;
	s9 =	smov.u32 s10  }
0x189: {  	s10 =	smov.u32 s13;
	s13 =	smov.u32 s16;
	s16 =	smov.u32 s17  }
0x18a: {  	s17 =	smov.u32 s18;
	s18 =	smov.u32 s21;
	s21 =	smov.u32 s22  }
0x18b: {  	s22 =	smov.u32 s24;
	s24 =	smov.u32 s25;
	_ =	swait.ge [sflag:s11], $0x3000  }
0x18c: {  	s25 =	smov.u32 s26;
	s26 =	smov.u32 s28;
	[sflag:s11] =	ssyncset.done $0x0  }
0x18d: {  	s28 =	smov.u32 s29;
	s29 =	smov.u32 s31;
	[sflag:s11] =	ssyncadd.s32 $0xFFFFD000  }
0x18e: {  	[hbm4b:s29+s2] =	stream.linear.scatter [tilespmem:s2], [sflag:$0x4], $0x3000, $0x38;
	[tilespmem:$0x1E000] =	vst v63  }
0x18f: {  	s0 =	rddreg [dreg:$0x17]  }
0x190: {  	[tilespmem:s14], [sflag:$0x3] =	stream.strided.gather [hbm4b:s0+s6], $0x6000, s8, s6, $0x38;
	[tilespmem:$0x1E000] =	vst v63  }
0x191: {  	_ =	swait.ge [sflag:s23], $0x6000  }
0x192: {  	[sflag:s23] =	ssyncset.done $0x0  }
0x193: {  	s0 =	rddreg [dreg:$0x18];
	[sflag:s23] =	ssyncadd.s32 $0xFFFFA000  }
0x194: {  	[hbm4b:s0+s6] =	stream.strided.scatter [tilespmem:s19], [sflag:$0x5], $0x6000, s8, s6, $0x38;
	[tilespmem:$0x1E000] =	vst v63  }
0x195: {  	_ =	swait.ge [sflag:s7], $0x3000  }
0x196: {  	[sflag:s7] =	ssyncset.done $0x0  }
0x197: {  	s0 =	rddreg [dreg:$0x19];
	[sflag:s7] =	ssyncadd.s32 $0xFFFFD000  }
0x198: {  	[tilespmem:s2], [sflag:$0x1] =	stream.strided.gather [hbm4b:s0+s6], $0x9000, s8, s6, $0x38;
	[tilespmem:$0x1E000] =	vst v63  }
0x199: {  	_ =	swait.ge [sflag:s20], $0x6000  }
0x19a: {  	[sflag:s20] =	ssyncset.done $0x0  }
0x19b: {  	s0 =	rddreg [dreg:$0x1a];
	[sflag:s20] =	ssyncadd.s32 $0xFFFFA000  }
0x19c: {  	[hbm4b:s0+s6] =	stream.strided.scatter [tilespmem:s14], [sflag:$0x6], $0x6000, s8, s6, $0x38;
	[tilespmem:$0x1E000] =	vst v63  }
0x19d: {  	_ =	swait.ge [sflag:s15], $0x6000  }
0x19e: {  	[sflag:s15] =	ssyncset.done $0x0  }
0x19f: {  	s0 =	rddreg [dreg:$0x1b];
	[sflag:s15] =	ssyncadd.s32 $0xFFFFA000  }
0x1a0: {  	[tilespmem:s19], [sflag:$0x2] =	stream.strided.gather [hbm4b:s0+s6], $0x9000, s8, s6, $0x38;
	[tilespmem:$0x1E000] =	vst v63  }
0x1a1: {  	_ =	swait.ge [sflag:s11], $0x9000  }
0x1a2: {  	[sflag:s11] =	ssyncset.done $0x0  }
0x1a3: {  	s0 =	rddreg [dreg:$0x1c];
	[sflag:s11] =	ssyncadd.s32 $0xFFFF7000  }
0x1a4: {  	[hbm4b:s0+s6] =	stream.strided.scatter [tilespmem:s2], [sflag:$0x4], $0x9000, s8, s6, $0x38;
	[tilespmem:$0x1E000] =	vst v63  }
0x1a5: {  	_ =	swait.ge [sflag:s12], $0x6000  }
0x1a6: {  	[sflag:s12] =	ssyncset.done $0x0  }
0x1a7: {  	s0 =	rddreg [dreg:$0x1d];
	[sflag:s12] =	ssyncadd.s32 $0xFFFFA000  }
0x1a8: {  	[tilespmem:s14], [sflag:$0x3] =	stream.strided.gather [hbm4b:s0+s6], $0x9000, s8, s6, $0x38;
	[tilespmem:$0x1E000] =	vst v63  }
0x1a9: {  	_ =	swait.ge [sflag:s23], $0x9000  }
0x1aa: {  	[sflag:s23] =	ssyncset.done $0x0  }
0x1ab: {  	s0 =	rddreg [dreg:$0x1e];
	[sflag:s23] =	ssyncadd.s32 $0xFFFF7000  }
0x1ac: {  	[hbm4b:s0+s6] =	stream.strided.scatter [tilespmem:s19], [sflag:$0x5], $0x9000, s8, s6, $0x38;
	[tilespmem:$0x1E000] =	vst v63  }
0x1ad: {  	_ =	swait.ge [sflag:s7], $0x9000  }
0x1ae: {  	[sflag:s7] =	ssyncset.done $0x0  }
0x1af: {  	s0 =	rddreg [dreg:$0x1f];
	[sflag:s7] =	ssyncadd.s32 $0xFFFF7000  }
0x1b0: {  	[tilespmem:s2], [sflag:$0x1] =	stream.strided.gather [hbm4b:s0+s6], $0x9000, s8, s6, $0x38;
	[tilespmem:$0x1E000] =	vst v63  }
0x1b1: {  	_ =	swait.ge [sflag:s20], $0x9000  }
0x1b2: {  	s0 =	sld [smem:$0x7EC]  }
0x1b3: {  	[sflag:s20] =	ssyncset.done $0x0  }
0x1b4: {  	[sflag:s20] =	ssyncadd.s32 $0xFFFF7000  }
0x1b5: {  	[hbm4b:s0+s6] =	stream.strided.scatter [tilespmem:s14], [sflag:$0x6], $0x9000, s8, s6, $0x38;
	[tilespmem:$0x1E000] =	vst v63  }
0x1b6: {  	_ =	swait.ge [sflag:s15], $0x9000  }
0x1b7: {  	s0 =	sld [smem:$0x7ED]  }
0x1b8: {  	[sflag:s15] =	ssyncset.done $0x0  }
0x1b9: {  	[sflag:s15] =	ssyncadd.s32 $0xFFFF7000  }
0x1ba: {  	[tilespmem:s19], [sflag:$0x2] =	stream.strided.gather [hbm4b:s0+s6], $0x9000, s8, s6, $0x38;
	[tilespmem:$0x1E000] =	vst v63  }
0x1bb: {  	_ =	swait.ge [sflag:s11], $0x9000  }
0x1bc: {  	s0 =	sld [smem:$0x7EE]  }
0x1bd: {  	[sflag:s11] =	ssyncset.done $0x0  }
0x1be: {  	[sflag:s11] =	ssyncadd.s32 $0xFFFF7000  }
0x1bf: {  	[hbm4b:s0+s6] =	stream.strided.scatter [tilespmem:s2], [sflag:$0x4], $0x9000, s8, s6, $0x38;
	[tilespmem:$0x1E000] =	vst v63  }
0x1c0: {  	_ =	swait.ge [sflag:s12], $0x9000  }
0x1c1: {  	s0 =	sld [smem:$0x7EF]  }
0x1c2: {  	[sflag:s12] =	ssyncset.done $0x0  }
0x1c3: {  	[sflag:s12] =	ssyncadd.s32 $0xFFFF7000  }
0x1c4: {  	[tilespmem:s14], [sflag:$0x3] =	stream.strided.gather [hbm4b:s0+s6], $0x9000, s8, s6, $0x38;
	[tilespmem:$0x1E000] =	vst v63  }
0x1c5: {  	_ =	swait.ge [sflag:s23], $0x9000  }
0x1c6: {  	s0 =	sld [smem:$0x7F0]  }
0x1c7: {  	[sflag:s23] =	ssyncset.done $0x0  }
0x1c8: {  	[sflag:s23] =	ssyncadd.s32 $0xFFFF7000  }
0x1c9: {  	[hbm4b:s0+s6] =	stream.strided.scatter [tilespmem:s19], [sflag:$0x5], $0x9000, s8, s6, $0x38;
	[tilespmem:$0x1E000] =	vst v63  }
0x1ca: {  	_ =	swait.ge [sflag:s7], $0x9000  }
0x1cb: {  	s0 =	sld [smem:$0x7F1]  }
0x1cc: {  	[sflag:s7] =	ssyncset.done $0x0  }
0x1cd: {  	[sflag:s7] =	ssyncadd.s32 $0xFFFF7000  }
0x1ce: {  	[tilespmem:s2], [sflag:$0x1] =	stream.strided.gather [hbm4b:s0+s6], $0x9000, s8, s6, $0x38;
	[tilespmem:$0x1E000] =	vst v63  }
0x1cf: {  	_ =	swait.ge [sflag:s20], $0x9000  }
0x1d0: {  	s0 =	sld [smem:$0x7F2]  }
0x1d1: {  	[sflag:s20] =	ssyncset.done $0x0  }
0x1d2: {  	[sflag:s20] =	ssyncadd.s32 $0xFFFF7000  }
0x1d3: {  	[hbm4b:s0+s6] =	stream.strided.scatter [tilespmem:s14], [sflag:$0x6], $0x9000, s8, s6, $0x38;
	[tilespmem:$0x1E000] =	vst v63  }
0x1d4: {  	_ =	swait.ge [sflag:s15], $0x9000  }
0x1d5: {  	s0 =	sld [smem:$0x7F3]  }
0x1d6: {  	[sflag:s15] =	ssyncset.done $0x0  }
0x1d7: {  	[sflag:s15] =	ssyncadd.s32 $0xFFFF7000  }
0x1d8: {  	[tilespmem:s19], [sflag:$0x2] =	stream.strided.gather [hbm4b:s0+s6], $0x9000, s8, s6, $0x38;
	[tilespmem:$0x1E000] =	vst v63  }
0x1d9: {  	_ =	swait.ge [sflag:s11], $0x9000  }
0x1da: {  	s0 =	sld [smem:$0x7F4]  }
0x1db: {  	[sflag:s11] =	ssyncset.done $0x0  }
0x1dc: {  	[sflag:s11] =	ssyncadd.s32 $0xFFFF7000  }
0x1dd: {  	[hbm4b:s0+s6] =	stream.strided.scatter [tilespmem:s2], [sflag:$0x4], $0x9000, s8, s6, $0x38;
	[tilespmem:$0x1E000] =	vst v63  }
0x1de: {  	_ =	swait.ge [sflag:s12], $0x9000  }
0x1df: {  	s0 =	sld [smem:$0x7F5]  }
0x1e0: {  	[sflag:s12] =	ssyncset.done $0x0  }
0x1e1: {  	[sflag:s12] =	ssyncadd.s32 $0xFFFF7000  }
0x1e2: {  	[tilespmem:s14], [sflag:$0x3] =	stream.strided.gather [hbm4b:s0+s6], $0x9000, s8, s6, $0x38;
	[tilespmem:$0x1E000] =	vst v63  }
0x1e3: {  	_ =	swait.ge [sflag:s23], $0x9000  }
0x1e4: {  	s0 =	sld [smem:$0x7F6]  }
0x1e5: {  	[sflag:s23] =	ssyncset.done $0x0  }
0x1e6: {  	[sflag:s23] =	ssyncadd.s32 $0xFFFF7000  }
0x1e7: {  	[hbm4b:s0+s6] =	stream.strided.scatter [tilespmem:s19], [sflag:$0x5], $0x9000, s8, s6, $0x38;
	[tilespmem:$0x1E000] =	vst v63  }
0x1e8: {  	_ =	swait.ge [sflag:s7], $0x9000  }
0x1e9: {  	s0 =	sld [smem:$0x7F7]  }
0x1ea: {  	[sflag:s7] =	ssyncset.done $0x0  }
0x1eb: {  	[sflag:s7] =	ssyncadd.s32 $0xFFFF7000  }
0x1ec: {  	[tilespmem:s2], [sflag:$0x1] =	stream.strided.gather [hbm4b:s0+s6], $0x9000, s8, s6, $0x38;
	[tilespmem:$0x1E000] =	vst v63  }
0x1ed: {  	_ =	swait.ge [sflag:s20], $0x9000  }
0x1ee: {  	s0 =	sld [smem:$0x7F8]  }
0x1ef: {  	[sflag:s20] =	ssyncset.done $0x0  }
0x1f0: {  	[sflag:s20] =	ssyncadd.s32 $0xFFFF7000  }
0x1f1: {  	[hbm4b:s0+s6] =	stream.strided.scatter [tilespmem:s14], [sflag:$0x6], $0x9000, s8, s6, $0x38;
	[tilespmem:$0x1E000] =	vst v63  }
0x1f2: {  	_ =	swait.ge [sflag:s15], $0x9000  }
0x1f3: {  	s0 =	sld [smem:$0x7F9]  }
0x1f4: {  	[sflag:s15] =	ssyncset.done $0x0  }
0x1f5: {  	[sflag:s15] =	ssyncadd.s32 $0xFFFF7000  }
0x1f6: {  	[tilespmem:s19], [sflag:$0x2] =	stream.strided.gather [hbm4b:s0+s6], $0x9000, s8, s6, $0x38;
	[tilespmem:$0x1E000] =	vst v63  }
0x1f7: {  	_ =	swait.ge [sflag:s11], $0x9000  }
0x1f8: {  	s0 =	sld [smem:$0x7FA]  }
0x1f9: {  	[sflag:s11] =	ssyncset.done $0x0  }
0x1fa: {  	[sflag:s11] =	ssyncadd.s32 $0xFFFF7000  }
0x1fb: {  	[hbm4b:s0+s6] =	stream.strided.scatter [tilespmem:s2], [sflag:$0x4], $0x9000, s8, s6, $0x38;
	[tilespmem:$0x1E000] =	vst v63  }
0x1fc: {  	_ =	swait.ge [sflag:s12], $0x9000  }
0x1fd: {  	s0 =	sld [smem:$0x7FB]  }
0x1fe: {  	[sflag:s12] =	ssyncset.done $0x0  }
0x1ff: {  	[sflag:s12] =	ssyncadd.s32 $0xFFFF7000  }
0x200: {  	[tilespmem:s14], [sflag:$0x3] =	stream.strided.gather [hbm4b:s0+s6], $0x9000, s8, s6, $0x38;
	[tilespmem:$0x1E000] =	vst v63  }
0x201: {  	_ =	swait.ge [sflag:s23], $0x9000  }
0x202: {  	s0 =	sld [smem:$0x7FC]  }
0x203: {  	[sflag:s23] =	ssyncset.done $0x0  }
0x204: {  	[sflag:s23] =	ssyncadd.s32 $0xFFFF7000  }
0x205: {  	[hbm4b:s0+s6] =	stream.strided.scatter [tilespmem:s19], [sflag:$0x5], $0x9000, s8, s6, $0x38;
	[tilespmem:$0x1E000] =	vst v63  }
0x206: {  	_ =	swait.ge [sflag:s7], $0x9000  }
0x207: {  	s0 =	sld [smem:$0x7FD]  }
0x208: {  	[sflag:s7] =	ssyncset.done $0x0  }
0x209: {  	[sflag:s7] =	ssyncadd.s32 $0xFFFF7000  }
0x20a: {  	[tilespmem:s2], [sflag:$0x1] =	stream.strided.gather [hbm4b:s0+s6], $0x9000, s8, s6, $0x38;
	[tilespmem:$0x1E000] =	vst v63  }
0x20b: {  	_ =	swait.ge [sflag:s20], $0x9000  }
0x20c: {  	[sflag:s20] =	ssyncset.done $0x0  }
0x20d: {  	[sflag:s20] =	ssyncadd.s32 $0xFFFF7000  }
0x20e: {  	[hbm4b:s28+s6] =	stream.strided.scatter [tilespmem:s14], [sflag:$0x6], $0x9000, s8, s6, $0x38;
	[tilespmem:$0x1E000] =	vst v63  }
0x20f: {  	_ =	swait.ge [sflag:s15], $0x9000  }
0x210: {  	[sflag:s15] =	ssyncset.done $0x0  }
0x211: {  	[sflag:s15] =	ssyncadd.s32 $0xFFFF7000  }
0x212: {  	[tilespmem:s19], [sflag:$0x2] =	stream.strided.gather [hbm4b:s26+s6], $0x9000, s8, s6, $0x38;
	[tilespmem:$0x1E000] =	vst v63  }
0x213: {  	_ =	swait.ge [sflag:s11], $0x9000  }
0x214: {  	[sflag:s11] =	ssyncset.done $0x0  }
0x215: {  	[sflag:s11] =	ssyncadd.s32 $0xFFFF7000  }
0x216: {  	[hbm4b:s25+s6] =	stream.strided.scatter [tilespmem:s2], [sflag:$0x4], $0x9000, s8, s6, $0x38;
	[tilespmem:$0x1E000] =	vst v63  }
0x217: {  	_ =	swait.ge [sflag:s12], $0x9000  }
0x218: {  	[sflag:s12] =	ssyncset.done $0x0  }
0x219: {  	[sflag:s12] =	ssyncadd.s32 $0xFFFF7000  }
0x21a: {  	[tilespmem:s14], [sflag:$0x3] =	stream.strided.gather [hbm4b:s24+s6], $0x9000, s8, s6, $0x38;
	[tilespmem:$0x1E000] =	vst v63  }
0x21b: {  	_ =	swait.ge [sflag:s23], $0x9000  }
0x21c: {  	[sflag:s23] =	ssyncset.done $0x0  }
0x21d: {  	[sflag:s23] =	ssyncadd.s32 $0xFFFF7000  }
0x21e: {  	[hbm4b:s22+s6] =	stream.strided.scatter [tilespmem:s19], [sflag:$0x5], $0x9000, s8, s6, $0x38;
	[tilespmem:$0x1E000] =	vst v63  }
0x21f: {  	_ =	swait.ge [sflag:s7], $0x9000  }
0x220: {  	[sflag:s7] =	ssyncset.done $0x0  }
0x221: {  	[sflag:s7] =	ssyncadd.s32 $0xFFFF7000  }
0x222: {  	[tilespmem:s2], [sflag:$0x1] =	stream.strided.gather [hbm4b:s21+s6], $0x9000, s8, s6, $0x38;
	[tilespmem:$0x1E000] =	vst v63  }
0x223: {  	_ =	swait.ge [sflag:s20], $0x9000  }
0x224: {  	[sflag:s20] =	ssyncset.done $0x0  }
0x225: {  	[sflag:s20] =	ssyncadd.s32 $0xFFFF7000  }
0x226: {  	[hbm4b:s18+s6] =	stream.strided.scatter [tilespmem:s14], [sflag:$0x6], $0x9000, s8, s6, $0x38;
	[tilespmem:$0x1E000] =	vst v63  }
0x227: {  	_ =	swait.ge [sflag:s15], $0x9000  }
0x228: {  	[sflag:s15] =	ssyncset.done $0x0  }
0x229: {  	[sflag:s15] =	ssyncadd.s32 $0xFFFF7000  }
0x22a: {  	[tilespmem:s19], [sflag:$0x2] =	stream.strided.gather [hbm4b:s17+s6], $0x9000, s8, s6, $0x38;
	[tilespmem:$0x1E000] =	vst v63  }
0x22b: {  	_ =	swait.ge [sflag:s11], $0x9000  }
0x22c: {  	[sflag:s11] =	ssyncset.done $0x0  }
0x22d: {  	[sflag:s11] =	ssyncadd.s32 $0xFFFF7000  }
0x22e: {  	[hbm4b:s16+s6] =	stream.strided.scatter [tilespmem:s2], [sflag:$0x4], $0x9000, s8, s6, $0x38;
	[tilespmem:$0x1E000] =	vst v63  }
0x22f: {  	_ =	swait.ge [sflag:s12], $0x9000  }
0x230: {  	[sflag:s12] =	ssyncset.done $0x0  }
0x231: {  	[sflag:s12] =	ssyncadd.s32 $0xFFFF7000  }
0x232: {  	[tilespmem:s14], [sflag:$0x3] =	stream.strided.gather [hbm4b:s13+s6], $0x9000, s8, s6, $0x38;
	[tilespmem:$0x1E000] =	vst v63  }
0x233: {  	_ =	swait.ge [sflag:s23], $0x9000  }
0x234: {  	[sflag:s23] =	ssyncset.done $0x0  }
0x235: {  	[sflag:s23] =	ssyncadd.s32 $0xFFFF7000  }
0x236: {  	[hbm4b:s10+s6] =	stream.strided.scatter [tilespmem:s19], [sflag:$0x5], $0x9000, s8, s6, $0x38;
	[tilespmem:$0x1E000] =	vst v63  }
0x237: {  	_ =	swait.ge [sflag:s7], $0x9000  }
0x238: {  	[sflag:s7] =	ssyncset.done $0x0  }
0x239: {  	[sflag:s7] =	ssyncadd.s32 $0xFFFF7000  }
0x23a: {  	[tilespmem:s2], [sflag:$0x1] =	stream.strided.gather [hbm4b:s9+s6], $0x6000, s8, s6, $0x38;
	[tilespmem:$0x1E000] =	vst v63  }
0x23b: {  	_ =	swait.ge [sflag:s20], $0x9000  }
0x23c: {  	[sflag:s20] =	ssyncset.done $0x0  }
0x23d: {  	[sflag:s20] =	ssyncadd.s32 $0xFFFF7000  }
0x23e: {  	[hbm4b:s5+s6] =	stream.strided.scatter [tilespmem:s14], [sflag:$0x6], $0x9000, s8, s6, $0x38;
	[tilespmem:$0x1E000] =	vst v63  }
0x23f: {  	_ =	swait.ge [sflag:s11], $0x6000  }
0x240: {  	[sflag:s11] =	ssyncset.done $0x0  }
0x241: {  	[sflag:s11] =	ssyncadd.s32 $0xFFFFA000  }
0x242: {  	[hbm4b:s4+s6] =	stream.strided.scatter [tilespmem:s2], [sflag:$0x4], $0x6000, s8, s6, $0x38;
	[tilespmem:$0x1E000] =	vst v63  }
0x243: {  	_ =	swait.ge [sflag:s15], $0x9000  }
0x244: {  	[sflag:s15] =	ssyncset.done $0x0  }
0x245: {  	[sflag:s15] =	ssyncadd.s32 $0xFFFF7000  }
0x246: {  	_ =	swait.ge [sflag:s12], $0x9000  }
0x247: {  	[sflag:s12] =	ssyncset.done $0x0  }
0x248: {  	[sflag:s12] =	ssyncadd.s32 $0xFFFF7000  }
0x249: {  	_ =	swait.ge [sflag:s7], $0x6000  }
0x24a: {  	[sflag:s7] =	ssyncset.done $0x0  }
0x24b: {  	[sflag:s7] =	ssyncadd.s32 $0xFFFFA000  }
0x24c: {  	_ =	swait.ge [sflag:s3], $0x3000  }
0x24d: {  	[sflag:s3] =	ssyncset.done $0x0  }
0x24e: {  	[sflag:s3] =	ssyncadd.s32 $0xFFFFD000  }
0x24f: {  	_ =	swait.ge [sflag:s3], $0x3000  }
0x250: {  	[sflag:s3] =	ssyncset.done $0x0  }
0x251: {  	[sflag:s3] =	ssyncadd.s32 $0xFFFFD000  }
0x252: {  	_ =	swait.ge [sflag:s3], $0x3000  }
0x253: {  	[sflag:s3] =	ssyncset.done $0x0  }
0x254: {  	[sflag:s3] =	ssyncadd.s32 $0xFFFFD000  }
0x255: {  	_ =	swait.ge [sflag:s3], $0x3000  }
0x256: {  	[sflag:s3] =	ssyncset.done $0x0  }
0x257: {  	[sflag:s3] =	ssyncadd.s32 $0xFFFFD000  }
0x258: {  	_ =	swait.ge [sflag:s3], $0x3000  }
0x259: {  	[sflag:s3] =	ssyncset.done $0x0  }
0x25a: {  	[sflag:s3] =	ssyncadd.s32 $0xFFFFD000  }
0x25b: {  	_ =	swait.ge [sflag:s3], $0x3000  }
0x25c: {  	[sflag:s3] =	ssyncset.done $0x0  }
0x25d: {  	[sflag:s3] =	ssyncadd.s32 $0xFFFFD000  }
0x25e: {  	_ =	swait.ge [sflag:s3], $0x3000  }
0x25f: {  	[sflag:s3] =	ssyncset.done $0x0  }
0x260: {  	[sflag:s3] =	ssyncadd.s32 $0xFFFFD000  }
0x261: {  	_ =	swait.ge [sflag:s3], $0x3000  }
0x262: {  	[sflag:s3] =	ssyncset.done $0x0  }
0x263: {  	[sflag:s3] =	ssyncadd.s32 $0xFFFFD000  }
0x264: {  	_ =	swait.ge [sflag:s3], $0x3000  }
0x265: {  	[sflag:s3] =	ssyncset.done $0x0  }
0x266: {  	[sflag:s3] =	ssyncadd.s32 $0xFFFFD000  }
0x267: {  	_ =	swait.ge [sflag:s3], $0x3000  }
0x268: {  	[sflag:s3] =	ssyncset.done $0x0  }
0x269: {  	[sflag:s3] =	ssyncadd.s32 $0xFFFFD000  }
0x26a: {  	_ =	swait.ge [sflag:s3], $0x3000  }
0x26b: {  	[sflag:s3] =	ssyncset.done $0x0  }
0x26c: {  	[sflag:s3] =	ssyncadd.s32 $0xFFFFD000  }
0x26d: {  	_ =	swait.ge [sflag:s3], $0x3000  }
0x26e: {  	[sflag:s3] =	ssyncset.done $0x0  }
0x26f: {  	[sflag:s3] =	ssyncadd.s32 $0xFFFFD000  }
0x270: {  	_ =	swait.ge [sflag:s3], $0x3000  }
0x271: {  	[sflag:s3] =	ssyncset.done $0x0  }
0x272: {  	[sflag:s3] =	ssyncadd.s32 $0xFFFFD000  }
0x273: {  	_ =	swait.ge [sflag:s3], $0x3000  }
0x274: {  	[sflag:s3] =	ssyncset.done $0x0  }
0x275: {  	p1 =	sne.s32 s1, $0x1;
	[sflag:s3] =	ssyncadd.s32 $0xFFFFD000  }
.Ltmp2:
0x276: {  	_ =	swait.ge [sflag:s3], $0x3000;
	(pc) =	sbr.rel @p1 .LBB2_2-.Ltmp2, $4  }
0x277: {  	[sflag:s3] =	ssyncset.done $0x0  }
0x278: {  	[sflag:s3] =	ssyncadd.s32 $0xFFFFD000  }
0x279: {  	s1 =	sadd.s32 $0xFFFFFFFF, s1;
	_ =	swait.ge [sflag:s3], $0x3000  }
0x27a: {  	s31 =	simm.s32 $0x7;
	s0 =	rddreg [dreg:$0x4];
	[sflag:s3] =	ssyncset.done $0x0  }
.LBB2_3:
0x27b: {  	[sflag:s3] =	ssyncadd.s32 @p0 $0xFFFFD000  }
0x27c: {  	[tilespmem:s30], [sflag:$0x7] =	stream.linear.gather [hbm4b:s0+s2], $0x3000, $0x38;
	[tilespmem:$0x1E000] =	vst v63  }
0x27d: {  	_ =	swait.ge [sflag:s31], $0x3000  }
0x27e: {  	[sflag:s31] =	ssyncset.done $0x0  }
0x27f: {  	s0 =	rddreg [dreg:$0x5];
	[sflag:s31] =	ssyncadd.s32 $0xFFFFD000  }
0x280: {  	[hbm4b:s0+s2] =	stream.linear.scatter [tilespmem:s30], [sflag:$0x8], $0x3000, $0x38;
	[tilespmem:$0x1E000] =	vst v63  }
0x281: {  	s1 =	rddreg [dreg:$0x6]  }
0x282: {  	[hbm4b:s1+s2] =	stream.linear.scatter [tilespmem:s30], [sflag:$0x8], $0x3000, $0x38;
	[tilespmem:$0x1E000] =	vst v63  }
0x283: {  	s0 =	rddreg [dreg:$0x7]  }
0x284: {  	[hbm4b:s0+s2] =	stream.linear.scatter [tilespmem:s30], [sflag:$0x8], $0x3000, $0x38;
	[tilespmem:$0x1E000] =	vst v63  }
0x285: {  	s31 =	rddreg [dreg:$0x8]  }
0x286: {  	[hbm4b:s31+s2] =	stream.linear.scatter [tilespmem:s30], [sflag:$0x8], $0x3000, $0x38;
	[tilespmem:$0x1E000] =	vst v63  }
0x287: {  	s0 =	rddreg [dreg:$0x9]  }
0x288: {  	[hbm4b:s0+s2] =	stream.linear.scatter [tilespmem:s30], [sflag:$0x8], $0x3000, $0x38;
	[tilespmem:$0x1E000] =	vst v63  }
0x289: {  	s31 =	rddreg [dreg:$0xa]  }
0x28a: {  	[hbm4b:s31+s2] =	stream.linear.scatter [tilespmem:s30], [sflag:$0x8], $0x3000, $0x38;
	[tilespmem:$0x1E000] =	vst v63  }
0x28b: {  	s0 =	rddreg [dreg:$0xb]  }
0x28c: {  	[hbm4b:s0+s2] =	stream.linear.scatter [tilespmem:s30], [sflag:$0x8], $0x3000, $0x38;
	[tilespmem:$0x1E000] =	vst v63  }
0x28d: {  	s31 =	rddreg [dreg:$0xc]  }
0x28e: {  	[hbm4b:s31+s2] =	stream.linear.scatter [tilespmem:s30], [sflag:$0x8], $0x3000, $0x38;
	[tilespmem:$0x1E000] =	vst v63  }
0x28f: {  	s0 =	rddreg [dreg:$0xd]  }
0x290: {  	[hbm4b:s0+s2] =	stream.linear.scatter [tilespmem:s30], [sflag:$0x8], $0x3000, $0x38;
	[tilespmem:$0x1E000] =	vst v63  }
0x291: {  	s31 =	rddreg [dreg:$0xe]  }
0x292: {  	[hbm4b:s31+s2] =	stream.linear.scatter [tilespmem:s30], [sflag:$0x8], $0x3000, $0x38;
	[tilespmem:$0x1E000] =	vst v63  }
0x293: {  	s0 =	rddreg [dreg:$0xf]  }
0x294: {  	[hbm4b:s0+s2] =	stream.linear.scatter [tilespmem:s30], [sflag:$0x8], $0x3000, $0x38;
	[tilespmem:$0x1E000] =	vst v63  }
0x295: {  	s31 =	rddreg [dreg:$0x10]  }
0x296: {  	[hbm4b:s31+s2] =	stream.linear.scatter [tilespmem:s30], [sflag:$0x8], $0x3000, $0x38;
	[tilespmem:$0x1E000] =	vst v63  }
0x297: {  	s0 =	rddreg [dreg:$0x11]  }
0x298: {  	[hbm4b:s0+s2] =	stream.linear.scatter [tilespmem:s30], [sflag:$0x8], $0x3000, $0x38;
	[tilespmem:$0x1E000] =	vst v63  }
0x299: {  	s31 =	rddreg [dreg:$0x12]  }
0x29a: {  	[hbm4b:s31+s2] =	stream.linear.scatter [tilespmem:s30], [sflag:$0x8], $0x3000, $0x38;
	[tilespmem:$0x1E000] =	vst v63  }
0x29b: {  	s0 =	rddreg [dreg:$0x13]  }
0x29c: {  	[hbm4b:s0+s2] =	stream.linear.scatter [tilespmem:s30], [sflag:$0x8], $0x3000, $0x38;
	[tilespmem:$0x1E000] =	vst v63  }
0x29d: {  	s31 =	rddreg [dreg:$0x14]  }
0x29e: {  	[hbm4b:s31+s2] =	stream.linear.scatter [tilespmem:s30], [sflag:$0x8], $0x3000, $0x38;
	[tilespmem:$0x1E000] =	vst v63  }
0x29f: {  	s0 =	rddreg [dreg:$0x15]  }
0x2a0: {  	[tilespmem:s2], [sflag:$0x1] =	stream.linear.gather [hbm4b:s0+s2], $0x3000, $0x38;
	[tilespmem:$0x1E000] =	vst v63  }
0x2a1: {  	s31 =	rddreg [dreg:$0x16]  }
0x2a2: {  	[tilespmem:s19], [sflag:$0x2] =	stream.strided.gather [hbm4b:s31+s6], $0x6000, s8, s6, $0x38;
	[tilespmem:$0x1E000] =	vst v63  }
0x2a3: {  	_ =	swait.ge [sflag:s11], $0x3000  }
0x2a4: {  	[sflag:s11] =	ssyncset.done $0x0  }
0x2a5: {  	[sflag:s11] =	ssyncadd.s32 $0xFFFFD000  }
0x2a6: {  	[hbm4b:s29+s2] =	stream.linear.scatter [tilespmem:s2], [sflag:$0x4], $0x3000, $0x38;
	[tilespmem:$0x1E000] =	vst v63  }
0x2a7: {  	s1 =	rddreg [dreg:$0x17]  }
0x2a8: {  	[tilespmem:s14], [sflag:$0x3] =	stream.strided.gather [hbm4b:s1+s6], $0x6000, s8, s6, $0x38;
	[tilespmem:$0x1E000] =	vst v63  }
0x2a9: {  	_ =	swait.ge [sflag:s23], $0x6000  }
0x2aa: {  	[sflag:s23] =	ssyncset.done $0x0  }
0x2ab: {  	s29 =	rddreg [dreg:$0x18];
	[sflag:s23] =	ssyncadd.s32 $0xFFFFA000  }
0x2ac: {  	[hbm4b:s29+s6] =	stream.strided.scatter [tilespmem:s19], [sflag:$0x5], $0x6000, s8, s6, $0x38;
	[tilespmem:$0x1E000] =	vst v63  }
0x2ad: {  	_ =	swait.ge [sflag:s7], $0x3000  }
0x2ae: {  	[sflag:s7] =	ssyncset.done $0x0  }
0x2af: {  	s30 =	rddreg [dreg:$0x19];
	[sflag:s7] =	ssyncadd.s32 $0xFFFFD000  }
0x2b0: {  	[tilespmem:s2], [sflag:$0x1] =	stream.strided.gather [hbm4b:s30+s6], $0x9000, s8, s6, $0x38;
	[tilespmem:$0x1E000] =	vst v63  }
0x2b1: {  	_ =	swait.ge [sflag:s20], $0x6000  }
0x2b2: {  	[sflag:s20] =	ssyncset.done $0x0  }
0x2b3: {  	s31 =	rddreg [dreg:$0x1a];
	[sflag:s20] =	ssyncadd.s32 $0xFFFFA000  }
0x2b4: {  	[hbm4b:s31+s6] =	stream.strided.scatter [tilespmem:s14], [sflag:$0x6], $0x6000, s8, s6, $0x38;
	[tilespmem:$0x1E000] =	vst v63  }
0x2b5: {  	_ =	swait.ge [sflag:s15], $0x6000  }
0x2b6: {  	[sflag:s15] =	ssyncset.done $0x0  }
0x2b7: {  	s1 =	rddreg [dreg:$0x1b];
	[sflag:s15] =	ssyncadd.s32 $0xFFFFA000  }
0x2b8: {  	[tilespmem:s19], [sflag:$0x2] =	stream.strided.gather [hbm4b:s1+s6], $0x9000, s8, s6, $0x38;
	[tilespmem:$0x1E000] =	vst v63  }
0x2b9: {  	_ =	swait.ge [sflag:s11], $0x9000  }
0x2ba: {  	[sflag:s11] =	ssyncset.done $0x0  }
0x2bb: {  	s29 =	rddreg [dreg:$0x1c];
	[sflag:s11] =	ssyncadd.s32 $0xFFFF7000  }
0x2bc: {  	[hbm4b:s29+s6] =	stream.strided.scatter [tilespmem:s2], [sflag:$0x4], $0x9000, s8, s6, $0x38;
	[tilespmem:$0x1E000] =	vst v63  }
0x2bd: {  	_ =	swait.ge [sflag:s12], $0x6000  }
0x2be: {  	[sflag:s12] =	ssyncset.done $0x0  }
0x2bf: {  	s30 =	rddreg [dreg:$0x1d];
	[sflag:s12] =	ssyncadd.s32 $0xFFFFA000  }
0x2c0: {  	[tilespmem:s14], [sflag:$0x3] =	stream.strided.gather [hbm4b:s30+s6], $0x9000, s8, s6, $0x38;
	[tilespmem:$0x1E000] =	vst v63  }
0x2c1: {  	_ =	swait.ge [sflag:s23], $0x9000  }
0x2c2: {  	[sflag:s23] =	ssyncset.done $0x0  }
0x2c3: {  	s31 =	rddreg [dreg:$0x1e];
	[sflag:s23] =	ssyncadd.s32 $0xFFFF7000  }
0x2c4: {  	[hbm4b:s31+s6] =	stream.strided.scatter [tilespmem:s19], [sflag:$0x5], $0x9000, s8, s6, $0x38;
	[tilespmem:$0x1E000] =	vst v63  }
0x2c5: {  	_ =	swait.ge [sflag:s7], $0x9000  }
0x2c6: {  	[sflag:s7] =	ssyncset.done $0x0  }
0x2c7: {  	s1 =	rddreg [dreg:$0x1f];
	[sflag:s7] =	ssyncadd.s32 $0xFFFF7000  }
0x2c8: {  	[tilespmem:s2], [sflag:$0x1] =	stream.strided.gather [hbm4b:s1+s6], $0x9000, s8, s6, $0x38;
	[tilespmem:$0x1E000] =	vst v63  }
0x2c9: {  	_ =	swait.ge [sflag:s20], $0x9000  }
0x2ca: {  	s29 =	sld [smem:$0x7EC]  }
0x2cb: {  	[sflag:s20] =	ssyncset.done $0x0  }
0x2cc: {  	[sflag:s20] =	ssyncadd.s32 $0xFFFF7000  }
0x2cd: {  	[hbm4b:s29+s6] =	stream.strided.scatter [tilespmem:s14], [sflag:$0x6], $0x9000, s8, s6, $0x38;
	[tilespmem:$0x1E000] =	vst v63  }
0x2ce: {  	_ =	swait.ge [sflag:s15], $0x9000  }
0x2cf: {  	s30 =	sld [smem:$0x7ED]  }
0x2d0: {  	[sflag:s15] =	ssyncset.done $0x0  }
0x2d1: {  	[sflag:s15] =	ssyncadd.s32 $0xFFFF7000  }
0x2d2: {  	[tilespmem:s19], [sflag:$0x2] =	stream.strided.gather [hbm4b:s30+s6], $0x9000, s8, s6, $0x38;
	[tilespmem:$0x1E000] =	vst v63  }
0x2d3: {  	_ =	swait.ge [sflag:s11], $0x9000  }
0x2d4: {  	s31 =	sld [smem:$0x7EE]  }
0x2d5: {  	[sflag:s11] =	ssyncset.done $0x0  }
0x2d6: {  	[sflag:s11] =	ssyncadd.s32 $0xFFFF7000  }
0x2d7: {  	[hbm4b:s31+s6] =	stream.strided.scatter [tilespmem:s2], [sflag:$0x4], $0x9000, s8, s6, $0x38;
	[tilespmem:$0x1E000] =	vst v63  }
0x2d8: {  	_ =	swait.ge [sflag:s12], $0x9000  }
0x2d9: {  	s1 =	sld [smem:$0x7EF]  }
0x2da: {  	[sflag:s12] =	ssyncset.done $0x0  }
0x2db: {  	[sflag:s12] =	ssyncadd.s32 $0xFFFF7000  }
0x2dc: {  	[tilespmem:s14], [sflag:$0x3] =	stream.strided.gather [hbm4b:s1+s6], $0x9000, s8, s6, $0x38;
	[tilespmem:$0x1E000] =	vst v63  }
0x2dd: {  	_ =	swait.ge [sflag:s23], $0x9000  }
0x2de: {  	s29 =	sld [smem:$0x7F0]  }
0x2df: {  	[sflag:s23] =	ssyncset.done $0x0  }
0x2e0: {  	[sflag:s23] =	ssyncadd.s32 $0xFFFF7000  }
0x2e1: {  	[hbm4b:s29+s6] =	stream.strided.scatter [tilespmem:s19], [sflag:$0x5], $0x9000, s8, s6, $0x38;
	[tilespmem:$0x1E000] =	vst v63  }
0x2e2: {  	_ =	swait.ge [sflag:s7], $0x9000  }
0x2e3: {  	s30 =	sld [smem:$0x7F1]  }
0x2e4: {  	[sflag:s7] =	ssyncset.done $0x0  }
0x2e5: {  	[sflag:s7] =	ssyncadd.s32 $0xFFFF7000  }
0x2e6: {  	[tilespmem:s2], [sflag:$0x1] =	stream.strided.gather [hbm4b:s30+s6], $0x9000, s8, s6, $0x38;
	[tilespmem:$0x1E000] =	vst v63  }
0x2e7: {  	_ =	swait.ge [sflag:s20], $0x9000  }
0x2e8: {  	s31 =	sld [smem:$0x7F2]  }
0x2e9: {  	[sflag:s20] =	ssyncset.done $0x0  }
0x2ea: {  	[sflag:s20] =	ssyncadd.s32 $0xFFFF7000  }
0x2eb: {  	[hbm4b:s31+s6] =	stream.strided.scatter [tilespmem:s14], [sflag:$0x6], $0x9000, s8, s6, $0x38;
	[tilespmem:$0x1E000] =	vst v63  }
0x2ec: {  	_ =	swait.ge [sflag:s15], $0x9000  }
0x2ed: {  	s1 =	sld [smem:$0x7F3]  }
0x2ee: {  	[sflag:s15] =	ssyncset.done $0x0  }
0x2ef: {  	[sflag:s15] =	ssyncadd.s32 $0xFFFF7000  }
0x2f0: {  	[tilespmem:s19], [sflag:$0x2] =	stream.strided.gather [hbm4b:s1+s6], $0x9000, s8, s6, $0x38;
	[tilespmem:$0x1E000] =	vst v63  }
0x2f1: {  	_ =	swait.ge [sflag:s11], $0x9000  }
0x2f2: {  	s29 =	sld [smem:$0x7F4]  }
0x2f3: {  	[sflag:s11] =	ssyncset.done $0x0  }
0x2f4: {  	[sflag:s11] =	ssyncadd.s32 $0xFFFF7000  }
0x2f5: {  	[hbm4b:s29+s6] =	stream.strided.scatter [tilespmem:s2], [sflag:$0x4], $0x9000, s8, s6, $0x38;
	[tilespmem:$0x1E000] =	vst v63  }
0x2f6: {  	_ =	swait.ge [sflag:s12], $0x9000  }
0x2f7: {  	s30 =	sld [smem:$0x7F5]  }
0x2f8: {  	[sflag:s12] =	ssyncset.done $0x0  }
0x2f9: {  	[sflag:s12] =	ssyncadd.s32 $0xFFFF7000  }
0x2fa: {  	[tilespmem:s14], [sflag:$0x3] =	stream.strided.gather [hbm4b:s30+s6], $0x9000, s8, s6, $0x38;
	[tilespmem:$0x1E000] =	vst v63  }
0x2fb: {  	_ =	swait.ge [sflag:s23], $0x9000  }
0x2fc: {  	s31 =	sld [smem:$0x7F6]  }
0x2fd: {  	[sflag:s23] =	ssyncset.done $0x0  }
0x2fe: {  	[sflag:s23] =	ssyncadd.s32 $0xFFFF7000  }
0x2ff: {  	[hbm4b:s31+s6] =	stream.strided.scatter [tilespmem:s19], [sflag:$0x5], $0x9000, s8, s6, $0x38;
	[tilespmem:$0x1E000] =	vst v63  }
0x300: {  	_ =	swait.ge [sflag:s7], $0x9000  }
0x301: {  	s1 =	sld [smem:$0x7F7]  }
0x302: {  	[sflag:s7] =	ssyncset.done $0x0  }
0x303: {  	[sflag:s7] =	ssyncadd.s32 $0xFFFF7000  }
0x304: {  	[tilespmem:s2], [sflag:$0x1] =	stream.strided.gather [hbm4b:s1+s6], $0x9000, s8, s6, $0x38;
	[tilespmem:$0x1E000] =	vst v63  }
0x305: {  	_ =	swait.ge [sflag:s20], $0x9000  }
0x306: {  	s29 =	sld [smem:$0x7F8]  }
0x307: {  	[sflag:s20] =	ssyncset.done $0x0  }
0x308: {  	[sflag:s20] =	ssyncadd.s32 $0xFFFF7000  }
0x309: {  	[hbm4b:s29+s6] =	stream.strided.scatter [tilespmem:s14], [sflag:$0x6], $0x9000, s8, s6, $0x38;
	[tilespmem:$0x1E000] =	vst v63  }
0x30a: {  	_ =	swait.ge [sflag:s15], $0x9000  }
0x30b: {  	s30 =	sld [smem:$0x7F9]  }
0x30c: {  	[sflag:s15] =	ssyncset.done $0x0  }
0x30d: {  	[sflag:s15] =	ssyncadd.s32 $0xFFFF7000  }
0x30e: {  	[tilespmem:s19], [sflag:$0x2] =	stream.strided.gather [hbm4b:s30+s6], $0x9000, s8, s6, $0x38;
	[tilespmem:$0x1E000] =	vst v63  }
0x30f: {  	_ =	swait.ge [sflag:s11], $0x9000  }
0x310: {  	s31 =	sld [smem:$0x7FA]  }
0x311: {  	[sflag:s11] =	ssyncset.done $0x0  }
0x312: {  	[sflag:s11] =	ssyncadd.s32 $0xFFFF7000  }
0x313: {  	[hbm4b:s31+s6] =	stream.strided.scatter [tilespmem:s2], [sflag:$0x4], $0x9000, s8, s6, $0x38;
	[tilespmem:$0x1E000] =	vst v63  }
0x314: {  	_ =	swait.ge [sflag:s12], $0x9000  }
0x315: {  	s1 =	sld [smem:$0x7FB]  }
0x316: {  	[sflag:s12] =	ssyncset.done $0x0  }
0x317: {  	[sflag:s12] =	ssyncadd.s32 $0xFFFF7000  }
0x318: {  	[tilespmem:s14], [sflag:$0x3] =	stream.strided.gather [hbm4b:s1+s6], $0x9000, s8, s6, $0x38;
	[tilespmem:$0x1E000] =	vst v63  }
0x319: {  	_ =	swait.ge [sflag:s23], $0x9000  }
0x31a: {  	s29 =	sld [smem:$0x7FC]  }
0x31b: {  	[sflag:s23] =	ssyncset.done $0x0  }
0x31c: {  	[sflag:s23] =	ssyncadd.s32 $0xFFFF7000  }
0x31d: {  	[hbm4b:s29+s6] =	stream.strided.scatter [tilespmem:s19], [sflag:$0x5], $0x9000, s8, s6, $0x38;
	[tilespmem:$0x1E000] =	vst v63  }
0x31e: {  	_ =	swait.ge [sflag:s7], $0x9000  }
0x31f: {  	s30 =	sld [smem:$0x7FD]  }
0x320: {  	[sflag:s7] =	ssyncset.done $0x0  }
0x321: {  	[sflag:s7] =	ssyncadd.s32 $0xFFFF7000  }
0x322: {  	[tilespmem:s2], [sflag:$0x1] =	stream.strided.gather [hbm4b:s30+s6], $0x9000, s8, s6, $0x38;
	[tilespmem:$0x1E000] =	vst v63  }
0x323: {  	_ =	swait.ge [sflag:s20], $0x9000  }
0x324: {  	[sflag:s20] =	ssyncset.done $0x0  }
0x325: {  	[sflag:s20] =	ssyncadd.s32 $0xFFFF7000  }
0x326: {  	[hbm4b:s28+s6] =	stream.strided.scatter [tilespmem:s14], [sflag:$0x6], $0x9000, s8, s6, $0x38;
	[tilespmem:$0x1E000] =	vst v63  }
0x327: {  	_ =	swait.ge [sflag:s15], $0x9000  }
0x328: {  	[sflag:s15] =	ssyncset.done $0x0  }
0x329: {  	[sflag:s15] =	ssyncadd.s32 $0xFFFF7000  }
0x32a: {  	[tilespmem:s19], [sflag:$0x2] =	stream.strided.gather [hbm4b:s26+s6], $0x9000, s8, s6, $0x38;
	[tilespmem:$0x1E000] =	vst v63  }
0x32b: {  	_ =	swait.ge [sflag:s11], $0x9000  }
0x32c: {  	[sflag:s11] =	ssyncset.done $0x0  }
0x32d: {  	[sflag:s11] =	ssyncadd.s32 $0xFFFF7000  }
0x32e: {  	[hbm4b:s25+s6] =	stream.strided.scatter [tilespmem:s2], [sflag:$0x4], $0x9000, s8, s6, $0x38;
	[tilespmem:$0x1E000] =	vst v63  }
0x32f: {  	_ =	swait.ge [sflag:s12], $0x9000  }
0x330: {  	[sflag:s12] =	ssyncset.done $0x0  }
0x331: {  	[sflag:s12] =	ssyncadd.s32 $0xFFFF7000  }
0x332: {  	[tilespmem:s14], [sflag:$0x3] =	stream.strided.gather [hbm4b:s24+s6], $0x9000, s8, s6, $0x38;
	[tilespmem:$0x1E000] =	vst v63  }
0x333: {  	_ =	swait.ge [sflag:s23], $0x9000  }
0x334: {  	[sflag:s23] =	ssyncset.done $0x0  }
0x335: {  	[sflag:s23] =	ssyncadd.s32 $0xFFFF7000  }
0x336: {  	[hbm4b:s22+s6] =	stream.strided.scatter [tilespmem:s19], [sflag:$0x5], $0x9000, s8, s6, $0x38;
	[tilespmem:$0x1E000] =	vst v63  }
0x337: {  	_ =	swait.ge [sflag:s7], $0x9000  }
0x338: {  	[sflag:s7] =	ssyncset.done $0x0  }
0x339: {  	[sflag:s7] =	ssyncadd.s32 $0xFFFF7000  }
0x33a: {  	[tilespmem:s2], [sflag:$0x1] =	stream.strided.gather [hbm4b:s21+s6], $0x9000, s8, s6, $0x38;
	[tilespmem:$0x1E000] =	vst v63  }
0x33b: {  	_ =	swait.ge [sflag:s20], $0x9000  }
0x33c: {  	[sflag:s20] =	ssyncset.done $0x0  }
0x33d: {  	[sflag:s20] =	ssyncadd.s32 $0xFFFF7000  }
0x33e: {  	[hbm4b:s18+s6] =	stream.strided.scatter [tilespmem:s14], [sflag:$0x6], $0x9000, s8, s6, $0x38;
	[tilespmem:$0x1E000] =	vst v63  }
0x33f: {  	_ =	swait.ge [sflag:s15], $0x9000  }
0x340: {  	[sflag:s15] =	ssyncset.done $0x0  }
0x341: {  	[sflag:s15] =	ssyncadd.s32 $0xFFFF7000  }
0x342: {  	[tilespmem:s19], [sflag:$0x2] =	stream.strided.gather [hbm4b:s17+s6], $0x9000, s8, s6, $0x38;
	[tilespmem:$0x1E000] =	vst v63  }
0x343: {  	_ =	swait.ge [sflag:s11], $0x9000  }
0x344: {  	[sflag:s11] =	ssyncset.done $0x0  }
0x345: {  	[sflag:s11] =	ssyncadd.s32 $0xFFFF7000  }
0x346: {  	[hbm4b:s16+s6] =	stream.strided.scatter [tilespmem:s2], [sflag:$0x4], $0x9000, s8, s6, $0x38;
	[tilespmem:$0x1E000] =	vst v63  }
0x347: {  	_ =	swait.ge [sflag:s12], $0x9000  }
0x348: {  	[sflag:s12] =	ssyncset.done $0x0  }
0x349: {  	[sflag:s12] =	ssyncadd.s32 $0xFFFF7000  }
0x34a: {  	[tilespmem:s14], [sflag:$0x3] =	stream.strided.gather [hbm4b:s13+s6], $0x9000, s8, s6, $0x38;
	[tilespmem:$0x1E000] =	vst v63  }
0x34b: {  	_ =	swait.ge [sflag:s23], $0x9000  }
0x34c: {  	[sflag:s23] =	ssyncset.done $0x0  }
0x34d: {  	[sflag:s23] =	ssyncadd.s32 $0xFFFF7000  }
0x34e: {  	[hbm4b:s10+s6] =	stream.strided.scatter [tilespmem:s19], [sflag:$0x5], $0x9000, s8, s6, $0x38;
	[tilespmem:$0x1E000] =	vst v63  }
0x34f: {  	_ =	swait.ge [sflag:s7], $0x9000  }
0x350: {  	[sflag:s7] =	ssyncset.done $0x0  }
0x351: {  	[sflag:s7] =	ssyncadd.s32 $0xFFFF7000  }
0x352: {  	[tilespmem:s2], [sflag:$0x1] =	stream.strided.gather [hbm4b:s9+s6], $0x6000, s8, s6, $0x38;
	[tilespmem:$0x1E000] =	vst v63  }
0x353: {  	_ =	swait.ge [sflag:s20], $0x9000  }
0x354: {  	[sflag:s20] =	ssyncset.done $0x0  }
0x355: {  	[sflag:s20] =	ssyncadd.s32 $0xFFFF7000  }
0x356: {  	[hbm4b:s5+s6] =	stream.strided.scatter [tilespmem:s14], [sflag:$0x6], $0x9000, s8, s6, $0x38;
	[tilespmem:$0x1E000] =	vst v63  }
0x357: {  	_ =	swait.ge [sflag:s11], $0x6000  }
0x358: {  	[sflag:s11] =	ssyncset.done $0x0  }
0x359: {  	[sflag:s11] =	ssyncadd.s32 $0xFFFFA000  }
0x35a: {  	[hbm4b:s4+s6] =	stream.strided.scatter [tilespmem:s2], [sflag:$0x4], $0x6000, s8, s6, $0x38;
	[tilespmem:$0x1E000] =	vst v63  }
0x35b: {  	_ =	swait.ge [sflag:s15], $0x9000  }
0x35c: {  	[sflag:s15] =	ssyncset.done $0x0  }
0x35d: {  	[sflag:s15] =	ssyncadd.s32 $0xFFFF7000  }
0x35e: {  	_ =	swait.ge [sflag:s12], $0x9000  }
0x35f: {  	[sflag:s12] =	ssyncset.done $0x0  }
0x360: {  	[sflag:s12] =	ssyncadd.s32 $0xFFFF7000  }
0x361: {  	_ =	swait.ge [sflag:s7], $0x6000  }
0x362: {  	[sflag:s7] =	ssyncset.done $0x0  }
0x363: {  	[sflag:s7] =	ssyncadd.s32 $0xFFFFA000  }
0x364: {  	_ =	swait.ge [sflag:s3], $0x3000  }
0x365: {  	[sflag:s3] =	ssyncset.done $0x0  }
0x366: {  	[sflag:s3] =	ssyncadd.s32 $0xFFFFD000  }
0x367: {  	_ =	swait.ge [sflag:s3], $0x3000  }
0x368: {  	[sflag:s3] =	ssyncset.done $0x0  }
0x369: {  	[sflag:s3] =	ssyncadd.s32 $0xFFFFD000  }
0x36a: {  	_ =	swait.ge [sflag:s3], $0x3000  }
0x36b: {  	[sflag:s3] =	ssyncset.done $0x0  }
0x36c: {  	[sflag:s3] =	ssyncadd.s32 $0xFFFFD000  }
0x36d: {  	_ =	swait.ge [sflag:s3], $0x3000  }
0x36e: {  	[sflag:s3] =	ssyncset.done $0x0  }
0x36f: {  	[sflag:s3] =	ssyncadd.s32 $0xFFFFD000  }
0x370: {  	_ =	swait.ge [sflag:s3], $0x3000  }
0x371: {  	[sflag:s3] =	ssyncset.done $0x0  }
0x372: {  	[sflag:s3] =	ssyncadd.s32 $0xFFFFD000  }
0x373: {  	_ =	swait.ge [sflag:s3], $0x3000  }
0x374: {  	[sflag:s3] =	ssyncset.done $0x0  }
0x375: {  	[sflag:s3] =	ssyncadd.s32 $0xFFFFD000  }
0x376: {  	_ =	swait.ge [sflag:s3], $0x3000  }
0x377: {  	[sflag:s3] =	ssyncset.done $0x0  }
0x378: {  	[sflag:s3] =	ssyncadd.s32 $0xFFFFD000  }
0x379: {  	_ =	swait.ge [sflag:s3], $0x3000  }
0x37a: {  	[sflag:s3] =	ssyncset.done $0x0  }
0x37b: {  	[sflag:s3] =	ssyncadd.s32 $0xFFFFD000  }
0x37c: {  	_ =	swait.ge [sflag:s3], $0x3000  }
0x37d: {  	[sflag:s3] =	ssyncset.done $0x0  }
0x37e: {  	[sflag:s3] =	ssyncadd.s32 $0xFFFFD000  }
0x37f: {  	_ =	swait.ge [sflag:s3], $0x3000  }
0x380: {  	[sflag:s3] =	ssyncset.done $0x0  }
0x381: {  	[sflag:s3] =	ssyncadd.s32 $0xFFFFD000  }
0x382: {  	_ =	swait.ge [sflag:s3], $0x3000  }
0x383: {  	[sflag:s3] =	ssyncset.done $0x0  }
0x384: {  	[sflag:s3] =	ssyncadd.s32 $0xFFFFD000  }
0x385: {  	_ =	swait.ge [sflag:s3], $0x3000  }
0x386: {  	[sflag:s3] =	ssyncset.done $0x0  }
0x387: {  	[sflag:s3] =	ssyncadd.s32 $0xFFFFD000  }
0x388: {  	_ =	swait.ge [sflag:s3], $0x3000  }
0x389: {  	[sflag:s3] =	ssyncset.done $0x0  }
0x38a: {  	[sflag:s3] =	ssyncadd.s32 $0xFFFFD000  }
0x38b: {  	_ =	swait.ge [sflag:s3], $0x3000  }
0x38c: {  	[sflag:s3] =	ssyncset.done $0x0  }
0x38d: {  	[sflag:s3] =	ssyncadd.s32 $0xFFFFD000  }
0x38e: {  	_ =	swait.ge [sflag:s3], $0x3000  }
0x38f: {  	[sflag:s3] =	ssyncset.done $0x0  }
0x390: {  	[sflag:s3] =	ssyncadd.s32 $0xFFFFD000  }
0x391: {  	_ =	swait.ge [sflag:s3], $0x3000  }
0x392: {  	[sflag:s3] =	ssyncset.done $0x0  }
0x393: {  	[sflag:s3] =	ssyncadd.s32 $0xFFFFD000  }
0x394: {  	_ =	sfence.sel $0x180000  }
0x395: {  	[bflag:$0x0] =	sbarrier.arrive $0xFFFF  }
0x396: {  	_ =	strace $0x90000047  }
0x397: {  	s31 =	stileid.u32;
	[bflag:$0x2] =	sbarrier.arrive $0xFFFF  }
0x398: {  	p0 =	sne.s32 s31, $0x0;
	s0 =	rddreg [dreg:$0x3]  }
0x399: {  	s0 =	sadd.s32 @!p0 $0x100000, s0  }
0x39a: {  	[sflag:s0] =	ssyncadd.tile.s32 @!p0 $0x1;
	_ =	shalt  }
.Lfunc_end2:
_tile_overlayer_lowered:
.L_overlay_start_2:
0x39b: {  	(tag) =	ssettag $0x2  }
0x39c: {  	s0 =	rddreg [dreg:$0x0];
	s2 =	stileid.u32  }
0x39d: {  	s1 =	rddreg [dreg:$0x1];
	p0 =	sne.s32 s2, $0x0  }
0x39e: {  	s3 =	rddreg [dreg:$0x2];
	[bflag:$0x3] =	sbarrier.arrive $0xFFFF;
	s2 =	simm.s32 @!p0 $0x1C09  }
0x39f: {  	[timem:s3], [sflag:s2] =	dma.local @!p0 [hbm:s0], s1  }
0x3a0: {  	s0 =	simm.s32 @!p0 $0x9  }
0x3a1: {  	_ =	swait.ge @!p0 [sflag:s0], s1  }
0x3a2: {  	s1 =	ssub.s32 @!p0 $0x0, s1;
	[sflag:s0] =	ssyncset.done @!p0 $0x0  }
0x3a3: {  	[sflag:s0] =	ssyncadd.s32 @!p0 s1  }
0x3a4: {  	[bflag:$0x3] =	sbarrier.arrive $0xFFFF  }
0x3a5: {  	_ =	shalt  }

</sc_bundles>
